<compile_context>
chip_gen: v7x
topology: tpu7x:2x2x1
jax: 0.10.2.dev20260603
libtpu: 0.0.44.dev20260713+nightly
codegen_flags: <defaults>
</compile_context>

<pallas_src>
import functools

import jax
import jax.numpy as jnp
from jax import lax
from jax.experimental import pallas as pl
from jax.experimental.pallas import tpu as pltpu
from jax.experimental.pallas import tpu_sc as plsc

BATCH = 16384
DIM = 128
HALF = 64
LANES = 16

NUM_CORES = 2
NUM_SUBCORES = 16
NUM_WORKERS = NUM_CORES * NUM_SUBCORES
ROWS_PER_WORKER = BATCH // NUM_WORKERS
CHUNK = 128
NCHUNK = ROWS_PER_WORKER // CHUNK
GROUPS = CHUNK // LANES
NBUF = 2


def _perm(a, idx):
  dnums = lax.GatherDimensionNumbers(
      offset_dims=(), collapsed_slice_dims=(0,), start_index_map=(0,))
  return lax.gather(a, idx[:, None], dimension_numbers=dnums,
                    slice_sizes=(1,),
                    mode=lax.GatherScatterMode.PROMISE_IN_BOUNDS)


def _sc_body(h_hbm, r_hbm, t_hbm, rel_hbm, out_hbm,
             idx_v, h_v, t_v, rel_v, score_v, acc_v, rel_sh,
             sem_idx, sem_h, sem_t, sem_rel, sem_out, sem_st):
  cid = lax.axis_index("c")
  sid = lax.axis_index("s")
  wid = cid * NUM_SUBCORES + sid
  lanes = lax.iota(jnp.int32, LANES)

  idx_cp = pltpu.async_copy(
      r_hbm.at[pl.ds(wid * ROWS_PER_WORKER, ROWS_PER_WORKER)], idx_v, sem_idx)

  @pl.when(sid == 0)
  def _stage():
    pltpu.async_copy(rel_hbm, rel_sh, sem_st).wait()
  idx_cp.wait()
  plsc.subcore_barrier()

  def issue(c, s):
    base = wid * ROWS_PER_WORKER + c * CHUNK
    return (pltpu.async_copy(h_hbm.at[pl.ds(base, CHUNK)], h_v.at[s], sem_h.at[s]),
            pltpu.async_copy(t_hbm.at[pl.ds(base, CHUNK)], t_v.at[s], sem_t.at[s]),
            pltpu.async_copy(rel_sh.at[idx_v.at[pl.ds(c * CHUNK, CHUNK)]], rel_v.at[s], sem_rel.at[s]))

  def compute(c, s):
    def merge(a, b, bit):
      perm = lanes ^ bit
      a2 = a + _perm(a, perm)
      b2 = b + _perm(b, perm)
      return jnp.where((lanes & bit) == 0, a2, b2)

    @plsc.parallel_loop(0, CHUNK, unroll=1)
    def row_pass(r):
      acc = None
      for j in range(HALF // LANES):
        hr = h_v[s, r, pl.ds(j * LANES, LANES)]
        hi = h_v[s, r, pl.ds(HALF + j * LANES, LANES)]
        tr = t_v[s, r, pl.ds(j * LANES, LANES)]
        ti = t_v[s, r, pl.ds(HALF + j * LANES, LANES)]
        rr = rel_v[s, r, pl.ds(j * LANES, LANES)]
        ri = rel_v[s, r, pl.ds(HALF + j * LANES, LANES)]
        term = rr * (hr * tr + hi * ti) + ri * (hr * ti - hi * tr)
        acc = term if acc is None else acc + term
      acc_v[r] = acc

    @plsc.parallel_loop(0, GROUPS, unroll=1)
    def group(g):
      stack = []
      for k in range(LANES):
        node = (0, acc_v[g * LANES + k])
        while stack and stack[-1][0] == node[0]:
          lvl, left = stack.pop()
          node = (lvl + 1, merge(left, node[1], 1 << lvl))
        stack.append(node)
      score_v[s, pl.ds(g * LANES, LANES)] = stack[0][1]

    base = wid * ROWS_PER_WORKER + c * CHUNK
    return pltpu.async_copy(score_v.at[s], out_hbm.at[pl.ds(base, CHUNK)],
                            sem_out.at[s])

  pending = issue(0, 0)
  out_cp = [None] * NCHUNK
  for c in range(NCHUNK):
    s = c % NBUF
    nxt = issue(c + 1, (c + 1) % NBUF) if c + 1 < NCHUNK else None
    for cp in pending:
      cp.wait()
    if c >= NBUF and out_cp[c - NBUF] is not None:
      out_cp[c - NBUF].wait()
    out_cp[c] = compute(c, s)
    pending = nxt
  for c in range(NCHUNK - NBUF, NCHUNK):
    out_cp[c].wait()


_sc_kernel = functools.partial(
    pl.kernel,
    out_type=jax.ShapeDtypeStruct((BATCH,), jnp.float32),
    mesh=plsc.VectorSubcoreMesh(core_axis_name="c", subcore_axis_name="s"),
    scratch_types=[
        pltpu.VMEM((ROWS_PER_WORKER,), jnp.int32),
        pltpu.VMEM((NBUF, CHUNK, DIM), jnp.float32),
        pltpu.VMEM((NBUF, CHUNK, DIM), jnp.float32),
        pltpu.VMEM((NBUF, CHUNK, DIM), jnp.float32),
        pltpu.VMEM((NBUF, CHUNK), jnp.float32),
        pltpu.VMEM((CHUNK, LANES), jnp.float32),
        pltpu.VMEM_SHARED((1000, DIM), jnp.float32),
        pltpu.SemaphoreType.DMA,
        pltpu.SemaphoreType.DMA((NBUF,)),
        pltpu.SemaphoreType.DMA((NBUF,)),
        pltpu.SemaphoreType.DMA((NBUF,)),
        pltpu.SemaphoreType.DMA((NBUF,)),
        pltpu.SemaphoreType.DMA,
    ],
)(_sc_body)


@jax.jit
def kernel(h_emb, r_idx, t_emb, re_rel, im_rel):
  rel_cat = jnp.concatenate([re_rel, im_rel], axis=1)
  return _sc_kernel(h_emb, r_idx.astype(jnp.int32), t_emb, rel_cat)

# --- scband reference (transcript-rebuilt; emitter-appended) ---
"""Pipeline reference for scband-compl-ex-decoder-67456756351573 (READ-ONLY COPY).

The authoritative reference and input builder live on the scoring server;
editing this copy changes nothing except your own understanding.
"""

import jax, jax.numpy as jnp
import numpy as np

N_RELS = 1000
DIM = 128
HALF = DIM // 2
BATCH = 16384

def _xavier_uniform(key, shape):
    fan_in, fan_out = shape[0], shape[1]
    a = float(np.sqrt(6.0 / (fan_in + fan_out)))
    return jax.random.uniform(key, shape, dtype=jnp.float32, minval=-a, maxval=a)

def setup_inputs(seed: int = 0) -> dict:
    key = jax.random.key(seed)
    k1, k2, k3, k4, k5 = jax.random.split(key, 5)
    h_emb = jax.random.normal(k1, (BATCH, DIM), dtype=jnp.float32)
    t_emb = jax.random.normal(k2, (BATCH, DIM), dtype=jnp.float32)
    r_idx = jax.random.randint(k3, (BATCH,), 0, N_RELS, dtype=jnp.int64 if jax.config.read('jax_enable_x64') else jnp.int32)
    re_rel = _xavier_uniform(k4, (N_RELS, HALF))
    im_rel = _xavier_uniform(k5, (N_RELS, HALF))
    return {"h_emb": h_emb, "r_idx": r_idx, "t_emb": t_emb, "re_rel": re_rel, "im_rel": im_rel}

def reference(h_emb, r_idx, t_emb, re_rel, im_rel):
    half = h_emb.shape[-1] // 2
    h_re, h_im = h_emb[..., :half], h_emb[..., half:]
    t_re, t_im = t_emb[..., :half], t_emb[..., half:]
    r_re = jnp.take(re_rel, r_idx, axis=0)
    r_im = jnp.take(im_rel, r_idx, axis=0)
    score = ((h_re * r_re * t_re).sum(-1)
             + (h_im * r_re * t_im).sum(-1)
             + (h_re * r_im * t_im).sum(-1)
             - (h_im * r_im * t_re).sum(-1))
    return score

if __name__ == "__main__":
    import jax
    _d = setup_inputs()
    print(jax.jit(kernel)(*tuple(_d.values())))

</pallas_src>

<mosaic_0001>
#map = affine_map<(d0, d1) -> (0, 0)>
#map1 = affine_map<(d0, d1) -> (0)>
module attributes {stable_mosaic.version = 14 : i64} {
  func.func @_sc_body(%arg0: i32, %arg1: i32, %arg2: memref<16384x128xf32, #tpu.memory_space<hbm>>, %arg3: memref<16384xi32, #tpu.memory_space<hbm>>, %arg4: memref<16384x128xf32, #tpu.memory_space<hbm>>, %arg5: memref<1000x128xf32, #tpu.memory_space<hbm>>, %arg6: memref<16384xf32, #tpu.memory_space<hbm>>, %arg7: memref<512xi32, #tpu.memory_space<vmem>>, %arg8: memref<2x128x128xf32, #tpu.memory_space<vmem>>, %arg9: memref<2x128x128xf32, #tpu.memory_space<vmem>>, %arg10: memref<2x128x128xf32, #tpu.memory_space<vmem>>, %arg11: memref<2x128xf32, #tpu.memory_space<vmem>>, %arg12: memref<128x16xf32, #tpu.memory_space<vmem>>, %arg13: memref<1000x128xf32, #tpu.memory_space<vmem_shared>>, %arg14: memref<!tpu.dma_semaphore, #tpu.memory_space<semaphore_mem>>, %arg15: memref<2x!tpu.dma_semaphore, #tpu.memory_space<semaphore_mem>>, %arg16: memref<2x!tpu.dma_semaphore, #tpu.memory_space<semaphore_mem>>, %arg17: memref<2x!tpu.dma_semaphore, #tpu.memory_space<semaphore_mem>>, %arg18: memref<2x!tpu.dma_semaphore, #tpu.memory_space<semaphore_mem>>, %arg19: memref<!tpu.dma_semaphore, #tpu.memory_space<semaphore_mem>>) attributes {dimension_semantics = [#tpu.dimension_semantics<core_parallel>, #tpu.dimension_semantics<subcore_parallel>], iteration_bounds = array<i64: 2, 16>, scalar_prefetch = 0 : i64, scratch_operands = 13 : i64, tpu.core_type = #tpu.core_type<sc_vector_subcore>, window_params = [{transform_indices = #map}, {transform_indices = #map1}, {transform_indices = #map}, {transform_indices = #map}, {transform_indices = #map1}]} {
    %mul3A = arith.constant 16 : i32
    %mul3A_0 = arith.muli %arg0, %mul3A : i32
    %add3A = arith.addi %mul3A_0, %arg1 : i32
    %iota3A = tpu.iota {dimensions = array<i32: 0>} : vector<16xi32>
    %mul3A_1 = arith.constant 512 : i32
    %mul3A_2 = arith.muli %add3A, %mul3A_1 : i32
    %dma_start3A = tpu.memref_slice %arg3[%mul3A_2] : memref<16384xi32, #tpu.memory_space<hbm>> -> memref<512xi32, #tpu.memory_space<hbm>>
    %dma_start3A_3 = tpu.memref_slice %arg3[%mul3A_2] : memref<16384xi32, #tpu.memory_space<hbm>> -> memref<512xi32, #tpu.memory_space<hbm>>
    tpu.enqueue_dma source(%dma_start3A_3 : memref<512xi32, #tpu.memory_space<hbm>>) target(%arg7 : memref<512xi32, #tpu.memory_space<vmem>>) target_semaphore(%arg14 : memref<!tpu.dma_semaphore, #tpu.memory_space<semaphore_mem>>)
    %eq3A = arith.constant 0 : i32
    %eq3A_4 = arith.cmpi eq, %arg1, %eq3A : i32
    %convert_element_type3A = arith.extui %eq3A_4 : i1 to i32
    %cond3A = arith.constant 0 : i32
    %cond3A_5 = arith.cmpi ne, %convert_element_type3A, %cond3A : i32
    scf.if %cond3A_5 {
      tpu.enqueue_dma source(%arg5 : memref<1000x128xf32, #tpu.memory_space<hbm>>) target(%arg13 : memref<1000x128xf32, #tpu.memory_space<vmem_shared>>) target_semaphore(%arg19 : memref<!tpu.dma_semaphore, #tpu.memory_space<semaphore_mem>>)
      tpu.wait_dma2 semaphore(%arg19 : memref<!tpu.dma_semaphore, #tpu.memory_space<semaphore_mem>>) src(%arg5 : memref<1000x128xf32, #tpu.memory_space<hbm>>) dst(%arg13 : memref<1000x128xf32, #tpu.memory_space<vmem_shared>>)
    } else {
    }
    %dma_wait3A = tpu.memref_slice %arg3[%mul3A_2] : memref<16384xi32, #tpu.memory_space<hbm>> -> memref<512xi32, #tpu.memory_space<hbm>>
    %dma_wait3A_6 = tpu.memref_slice %arg3[%mul3A_2] : memref<16384xi32, #tpu.memory_space<hbm>> -> memref<512xi32, #tpu.memory_space<hbm>>
    tpu.wait_dma2 semaphore(%arg14 : memref<!tpu.dma_semaphore, #tpu.memory_space<semaphore_mem>>) src(%dma_wait3A_6 : memref<512xi32, #tpu.memory_space<hbm>>) dst(%arg7 : memref<512xi32, #tpu.memory_space<vmem>>)
    %barrier3A = arith.constant 0 : index
    tpu.barrier barrier_id(%barrier3A)
    %mul3A_7 = arith.constant 512 : i32
    %mul3A_8 = arith.muli %add3A, %mul3A_7 : i32
    %add3A_9 = arith.constant 0 : i32
    %add3A_10 = arith.addi %mul3A_8, %add3A_9 : i32
    %dma_start3A_11 = arith.constant 0 : i32
    %dma_start3A_12 = arith.constant 0 : i32
    %dma_start3A_13 = arith.constant 0 : i32
    %dma_start3A_14 = arith.constant 0 : i32
    %dma_start3A_15 = tpu.memref_slice %arg8[%dma_start3A_11, %dma_start3A_13, %dma_start3A_14] : memref<2x128x128xf32, #tpu.memory_space<vmem>> -> memref<1x128x128xf32, #tpu.memory_space<vmem>>
    %dma_start3A_16 = tpu.memref_squeeze %dma_start3A_15 : memref<1x128x128xf32, #tpu.memory_space<vmem>> -> memref<128x128xf32, #tpu.memory_space<vmem>>
    %dma_start3A_17 = arith.constant 0 : i32
    %dma_start3A_18 = tpu.memref_slice %arg2[%add3A_10, %dma_start3A_17] : memref<16384x128xf32, #tpu.memory_space<hbm>> -> memref<128x128xf32, #tpu.memory_space<hbm>>
    %dma_start3A_19 = tpu.memref_slice %arg15[%dma_start3A_12] : memref<2x!tpu.dma_semaphore, #tpu.memory_space<semaphore_mem>> -> memref<1x!tpu.dma_semaphore, #tpu.memory_space<semaphore_mem>>
    %dma_start3A_20 = tpu.memref_squeeze %dma_start3A_19 : memref<1x!tpu.dma_semaphore, #tpu.memory_space<semaphore_mem>> -> memref<!tpu.dma_semaphore, #tpu.memory_space<semaphore_mem>>
    %dma_start3A_21 = arith.constant 0 : i32
    %dma_start3A_22 = arith.constant 0 : i32
    %dma_start3A_23 = tpu.memref_slice %arg8[%dma_start3A_11, %dma_start3A_21, %dma_start3A_22] : memref<2x128x128xf32, #tpu.memory_space<vmem>> -> memref<1x128x128xf32, #tpu.memory_space<vmem>>
    %dma_start3A_24 = tpu.memref_squeeze %dma_start3A_23 : memref<1x128x128xf32, #tpu.memory_space<vmem>> -> memref<128x128xf32, #tpu.memory_space<vmem>>
    %dma_start3A_25 = arith.constant 0 : i32
    %dma_start3A_26 = tpu.memref_slice %arg2[%add3A_10, %dma_start3A_25] : memref<16384x128xf32, #tpu.memory_space<hbm>> -> memref<128x128xf32, #tpu.memory_space<hbm>>
    tpu.enqueue_dma source(%dma_start3A_26 : memref<128x128xf32, #tpu.memory_space<hbm>>) target(%dma_start3A_24 : memref<128x128xf32, #tpu.memory_space<vmem>>) target_semaphore(%dma_start3A_20 : memref<!tpu.dma_semaphore, #tpu.memory_space<semaphore_mem>>)
    %dma_start3A_27 = arith.constant 0 : i32
    %dma_start3A_28 = arith.constant 0 : i32
    %dma_start3A_29 = arith.constant 0 : i32
    %dma_start3A_30 = arith.constant 0 : i32
    %dma_start3A_31 = tpu.memref_slice %arg9[%dma_start3A_27, %dma_start3A_29, %dma_start3A_30] : memref<2x128x128xf32, #tpu.memory_space<vmem>> -> memref<1x128x128xf32, #tpu.memory_space<vmem>>
    %dma_start3A_32 = tpu.memref_squeeze %dma_start3A_31 : memref<1x128x128xf32, #tpu.memory_space<vmem>> -> memref<128x128xf32, #tpu.memory_space<vmem>>
    %dma_start3A_33 = arith.constant 0 : i32
    %dma_start3A_34 = tpu.memref_slice %arg4[%add3A_10, %dma_start3A_33] : memref<16384x128xf32, #tpu.memory_space<hbm>> -> memref<128x128xf32, #tpu.memory_space<hbm>>
    %dma_start3A_35 = tpu.memref_slice %arg16[%dma_start3A_28] : memref<2x!tpu.dma_semaphore, #tpu.memory_space<semaphore_mem>> -> memref<1x!tpu.dma_semaphore, #tpu.memory_space<semaphore_mem>>
    %dma_start3A_36 = tpu.memref_squeeze %dma_start3A_35 : memref<1x!tpu.dma_semaphore, #tpu.memory_space<semaphore_mem>> -> memref<!tpu.dma_semaphore, #tpu.memory_space<semaphore_mem>>
    %dma_start3A_37 = arith.constant 0 : i32
    %dma_start3A_38 = arith.constant 0 : i32
    %dma_start3A_39 = tpu.memref_slice %arg9[%dma_start3A_27, %dma_start3A_37, %dma_start3A_38] : memref<2x128x128xf32, #tpu.memory_space<vmem>> -> memref<1x128x128xf32, #tpu.memory_space<vmem>>
    %dma_start3A_40 = tpu.memref_squeeze %dma_start3A_39 : memref<1x128x128xf32, #tpu.memory_space<vmem>> -> memref<128x128xf32, #tpu.memory_space<vmem>>
    %dma_start3A_41 = arith.constant 0 : i32
    %dma_start3A_42 = tpu.memref_slice %arg4[%add3A_10, %dma_start3A_41] : memref<16384x128xf32, #tpu.memory_space<hbm>> -> memref<128x128xf32, #tpu.memory_space<hbm>>
    tpu.enqueue_dma source(%dma_start3A_42 : memref<128x128xf32, #tpu.memory_space<hbm>>) target(%dma_start3A_40 : memref<128x128xf32, #tpu.memory_space<vmem>>) target_semaphore(%dma_start3A_36 : memref<!tpu.dma_semaphore, #tpu.memory_space<semaphore_mem>>)
    %dma_start3A_43 = arith.constant 0 : i32
    %dma_start3A_44 = arith.constant 0 : i32
    %dma_start3A_45 = arith.constant 0 : i32
    %dma_start3A_46 = arith.constant 0 : i32
    %dma_start3A_47 = tpu.memref_slice %arg10[%dma_start3A_43, %dma_start3A_45, %dma_start3A_46] : memref<2x128x128xf32, #tpu.memory_space<vmem>> -> memref<1x128x128xf32, #tpu.memory_space<vmem>>
    %dma_start3A_48 = tpu.memref_squeeze %dma_start3A_47 : memref<1x128x128xf32, #tpu.memory_space<vmem>> -> memref<128x128xf32, #tpu.memory_space<vmem>>
    %dma_start3A_49 = arith.constant 0 : i32
    %dma_start3A_50 = tpu.memref_slice %arg7[%dma_start3A_49] : memref<512xi32, #tpu.memory_space<vmem>> -> memref<128xi32, #tpu.memory_space<vmem>>
    %dma_start3A_51 = arith.constant 0 : i32
    %dma_start3A_52 = arith.constant 0 : i32
    %dma_start3A_53 = tpu.memref_slice %arg13[%dma_start3A_51, %dma_start3A_52] : memref<1000x128xf32, #tpu.memory_space<vmem_shared>> -> memref<1000x128xf32, #tpu.memory_space<vmem_shared>>
    %dma_start3A_54 = tpu.memref_slice %arg17[%dma_start3A_44] : memref<2x!tpu.dma_semaphore, #tpu.memory_space<semaphore_mem>> -> memref<1x!tpu.dma_semaphore, #tpu.memory_space<semaphore_mem>>
    %dma_start3A_55 = tpu.memref_squeeze %dma_start3A_54 : memref<1x!tpu.dma_semaphore, #tpu.memory_space<semaphore_mem>> -> memref<!tpu.dma_semaphore, #tpu.memory_space<semaphore_mem>>
    tpu.enqueue_indirect_dma source(%dma_start3A_53 : memref<1000x128xf32, #tpu.memory_space<vmem_shared>>) target(%dma_start3A_48 : memref<128x128xf32, #tpu.memory_space<vmem>>) offsets(%dma_start3A_50 : memref<128xi32, #tpu.memory_space<vmem>>) semaphore(%dma_start3A_55 : memref<!tpu.dma_semaphore, #tpu.memory_space<semaphore_mem>>)
    %mul3A_56 = arith.constant 512 : i32
    %mul3A_57 = arith.muli %add3A, %mul3A_56 : i32
    %add3A_58 = arith.constant 128 : i32
    %add3A_59 = arith.addi %mul3A_57, %add3A_58 : i32
    %dma_start3A_60 = arith.constant 1 : i32
    %dma_start3A_61 = arith.constant 1 : i32
    %dma_start3A_62 = arith.constant 0 : i32
    %dma_start3A_63 = arith.constant 0 : i32
    %dma_start3A_64 = tpu.memref_slice %arg8[%dma_start3A_60, %dma_start3A_62, %dma_start3A_63] : memref<2x128x128xf32, #tpu.memory_space<vmem>> -> memref<1x128x128xf32, #tpu.memory_space<vmem>>
    %dma_start3A_65 = tpu.memref_squeeze %dma_start3A_64 : memref<1x128x128xf32, #tpu.memory_space<vmem>> -> memref<128x128xf32, #tpu.memory_space<vmem>>
    %dma_start3A_66 = arith.constant 0 : i32
    %dma_start3A_67 = tpu.memref_slice %arg2[%add3A_59, %dma_start3A_66] : memref<16384x128xf32, #tpu.memory_space<hbm>> -> memref<128x128xf32, #tpu.memory_space<hbm>>
    %dma_start3A_68 = tpu.memref_slice %arg15[%dma_start3A_61] : memref<2x!tpu.dma_semaphore, #tpu.memory_space<semaphore_mem>> -> memref<1x!tpu.dma_semaphore, #tpu.memory_space<semaphore_mem>>
    %dma_start3A_69 = tpu.memref_squeeze %dma_start3A_68 : memref<1x!tpu.dma_semaphore, #tpu.memory_space<semaphore_mem>> -> memref<!tpu.dma_semaphore, #tpu.memory_space<semaphore_mem>>
    %dma_start3A_70 = arith.constant 0 : i32
    %dma_start3A_71 = arith.constant 0 : i32
    %dma_start3A_72 = tpu.memref_slice %arg8[%dma_start3A_60, %dma_start3A_70, %dma_start3A_71] : memref<2x128x128xf32, #tpu.memory_space<vmem>> -> memref<1x128x128xf32, #tpu.memory_space<vmem>>
    %dma_start3A_73 = tpu.memref_squeeze %dma_start3A_72 : memref<1x128x128xf32, #tpu.memory_space<vmem>> -> memref<128x128xf32, #tpu.memory_space<vmem>>
    %dma_start3A_74 = arith.constant 0 : i32
    %dma_start3A_75 = tpu.memref_slice %arg2[%add3A_59, %dma_start3A_74] : memref<16384x128xf32, #tpu.memory_space<hbm>> -> memref<128x128xf32, #tpu.memory_space<hbm>>
    tpu.enqueue_dma source(%dma_start3A_75 : memref<128x128xf32, #tpu.memory_space<hbm>>) target(%dma_start3A_73 : memref<128x128xf32, #tpu.memory_space<vmem>>) target_semaphore(%dma_start3A_69 : memref<!tpu.dma_semaphore, #tpu.memory_space<semaphore_mem>>)
    %dma_start3A_76 = arith.constant 1 : i32
    %dma_start3A_77 = arith.constant 1 : i32
    %dma_start3A_78 = arith.constant 0 : i32
    %dma_start3A_79 = arith.constant 0 : i32
    %dma_start3A_80 = tpu.memref_slice %arg9[%dma_start3A_76, %dma_start3A_78, %dma_start3A_79] : memref<2x128x128xf32, #tpu.memory_space<vmem>> -> memref<1x128x128xf32, #tpu.memory_space<vmem>>
    %dma_start3A_81 = tpu.memref_squeeze %dma_start3A_80 : memref<1x128x128xf32, #tpu.memory_space<vmem>> -> memref<128x128xf32, #tpu.memory_space<vmem>>
    %dma_start3A_82 = arith.constant 0 : i32
    %dma_start3A_83 = tpu.memref_slice %arg4[%add3A_59, %dma_start3A_82] : memref<16384x128xf32, #tpu.memory_space<hbm>> -> memref<128x128xf32, #tpu.memory_space<hbm>>
    %dma_start3A_84 = tpu.memref_slice %arg16[%dma_start3A_77] : memref<2x!tpu.dma_semaphore, #tpu.memory_space<semaphore_mem>> -> memref<1x!tpu.dma_semaphore, #tpu.memory_space<semaphore_mem>>
    %dma_start3A_85 = tpu.memref_squeeze %dma_start3A_84 : memref<1x!tpu.dma_semaphore, #tpu.memory_space<semaphore_mem>> -> memref<!tpu.dma_semaphore, #tpu.memory_space<semaphore_mem>>
    %dma_start3A_86 = arith.constant 0 : i32
    %dma_start3A_87 = arith.constant 0 : i32
    %dma_start3A_88 = tpu.memref_slice %arg9[%dma_start3A_76, %dma_start3A_86, %dma_start3A_87] : memref<2x128x128xf32, #tpu.memory_space<vmem>> -> memref<1x128x128xf32, #tpu.memory_space<vmem>>
    %dma_start3A_89 = tpu.memref_squeeze %dma_start3A_88 : memref<1x128x128xf32, #tpu.memory_space<vmem>> -> memref<128x128xf32, #tpu.memory_space<vmem>>
    %dma_start3A_90 = arith.constant 0 : i32
    %dma_start3A_91 = tpu.memref_slice %arg4[%add3A_59, %dma_start3A_90] : memref<16384x128xf32, #tpu.memory_space<hbm>> -> memref<128x128xf32, #tpu.memory_space<hbm>>
    tpu.enqueue_dma source(%dma_start3A_91 : memref<128x128xf32, #tpu.memory_space<hbm>>) target(%dma_start3A_89 : memref<128x128xf32, #tpu.memory_space<vmem>>) target_semaphore(%dma_start3A_85 : memref<!tpu.dma_semaphore, #tpu.memory_space<semaphore_mem>>)
    %dma_start3A_92 = arith.constant 1 : i32
    %dma_start3A_93 = arith.constant 1 : i32
    %dma_start3A_94 = arith.constant 0 : i32
    %dma_start3A_95 = arith.constant 0 : i32
    %dma_start3A_96 = tpu.memref_slice %arg10[%dma_start3A_92, %dma_start3A_94, %dma_start3A_95] : memref<2x128x128xf32, #tpu.memory_space<vmem>> -> memref<1x128x128xf32, #tpu.memory_space<vmem>>
    %dma_start3A_97 = tpu.memref_squeeze %dma_start3A_96 : memref<1x128x128xf32, #tpu.memory_space<vmem>> -> memref<128x128xf32, #tpu.memory_space<vmem>>
    %dma_start3A_98 = arith.constant 128 : i32
    %dma_start3A_99 = tpu.memref_slice %arg7[%dma_start3A_98] : memref<512xi32, #tpu.memory_space<vmem>> -> memref<128xi32, #tpu.memory_space<vmem>>
    %dma_start3A_100 = arith.constant 0 : i32
    %dma_start3A_101 = arith.constant 0 : i32
    %dma_start3A_102 = tpu.memref_slice %arg13[%dma_start3A_100, %dma_start3A_101] : memref<1000x128xf32, #tpu.memory_space<vmem_shared>> -> memref<1000x128xf32, #tpu.memory_space<vmem_shared>>
    %dma_start3A_103 = tpu.memref_slice %arg17[%dma_start3A_93] : memref<2x!tpu.dma_semaphore, #tpu.memory_space<semaphore_mem>> -> memref<1x!tpu.dma_semaphore, #tpu.memory_space<semaphore_mem>>
    %dma_start3A_104 = tpu.memref_squeeze %dma_start3A_103 : memref<1x!tpu.dma_semaphore, #tpu.memory_space<semaphore_mem>> -> memref<!tpu.dma_semaphore, #tpu.memory_space<semaphore_mem>>
    tpu.enqueue_indirect_dma source(%dma_start3A_102 : memref<1000x128xf32, #tpu.memory_space<vmem_shared>>) target(%dma_start3A_97 : memref<128x128xf32, #tpu.memory_space<vmem>>) offsets(%dma_start3A_99 : memref<128xi32, #tpu.memory_space<vmem>>) semaphore(%dma_start3A_104 : memref<!tpu.dma_semaphore, #tpu.memory_space<semaphore_mem>>)
    %dma_wait3A_105 = arith.constant 0 : i32
    %dma_wait3A_106 = arith.constant 0 : i32
    %dma_wait3A_107 = arith.constant 0 : i32
    %dma_wait3A_108 = arith.constant 0 : i32
    %dma_wait3A_109 = tpu.memref_slice %arg8[%dma_wait3A_105, %dma_wait3A_107, %dma_wait3A_108] : memref<2x128x128xf32, #tpu.memory_space<vmem>> -> memref<1x128x128xf32, #tpu.memory_space<vmem>>
    %dma_wait3A_110 = tpu.memref_squeeze %dma_wait3A_109 : memref<1x128x128xf32, #tpu.memory_space<vmem>> -> memref<128x128xf32, #tpu.memory_space<vmem>>
    %dma_wait3A_111 = arith.constant 0 : i32
    %dma_wait3A_112 = tpu.memref_slice %arg2[%add3A_10, %dma_wait3A_111] : memref<16384x128xf32, #tpu.memory_space<hbm>> -> memref<128x128xf32, #tpu.memory_space<hbm>>
    %dma_wait3A_113 = tpu.memref_slice %arg15[%dma_wait3A_106] : memref<2x!tpu.dma_semaphore, #tpu.memory_space<semaphore_mem>> -> memref<1x!tpu.dma_semaphore, #tpu.memory_space<semaphore_mem>>
    %dma_wait3A_114 = tpu.memref_squeeze %dma_wait3A_113 : memref<1x!tpu.dma_semaphore, #tpu.memory_space<semaphore_mem>> -> memref<!tpu.dma_semaphore, #tpu.memory_space<semaphore_mem>>
    %dma_wait3A_115 = arith.constant 0 : i32
    %dma_wait3A_116 = arith.constant 0 : i32
    %dma_wait3A_117 = tpu.memref_slice %arg8[%dma_wait3A_105, %dma_wait3A_115, %dma_wait3A_116] : memref<2x128x128xf32, #tpu.memory_space<vmem>> -> memref<1x128x128xf32, #tpu.memory_space<vmem>>
    %dma_wait3A_118 = tpu.memref_squeeze %dma_wait3A_117 : memref<1x128x128xf32, #tpu.memory_space<vmem>> -> memref<128x128xf32, #tpu.memory_space<vmem>>
    %dma_wait3A_119 = arith.constant 0 : i32
    %dma_wait3A_120 = tpu.memref_slice %arg2[%add3A_10, %dma_wait3A_119] : memref<16384x128xf32, #tpu.memory_space<hbm>> -> memref<128x128xf32, #tpu.memory_space<hbm>>
    tpu.wait_dma2 semaphore(%dma_wait3A_114 : memref<!tpu.dma_semaphore, #tpu.memory_space<semaphore_mem>>) src(%dma_wait3A_120 : memref<128x128xf32, #tpu.memory_space<hbm>>) dst(%dma_wait3A_118 : memref<128x128xf32, #tpu.memory_space<vmem>>)
    %dma_wait3A_121 = arith.constant 0 : i32
    %dma_wait3A_122 = arith.constant 0 : i32
    %dma_wait3A_123 = arith.constant 0 : i32
    %dma_wait3A_124 = arith.constant 0 : i32
    %dma_wait3A_125 = tpu.memref_slice %arg9[%dma_wait3A_121, %dma_wait3A_123, %dma_wait3A_124] : memref<2x128x128xf32, #tpu.memory_space<vmem>> -> memref<1x128x128xf32, #tpu.memory_space<vmem>>
    %dma_wait3A_126 = tpu.memref_squeeze %dma_wait3A_125 : memref<1x128x128xf32, #tpu.memory_space<vmem>> -> memref<128x128xf32, #tpu.memory_space<vmem>>
    %dma_wait3A_127 = arith.constant 0 : i32
    %dma_wait3A_128 = tpu.memref_slice %arg4[%add3A_10, %dma_wait3A_127] : memref<16384x128xf32, #tpu.memory_space<hbm>> -> memref<128x128xf32, #tpu.memory_space<hbm>>
    %dma_wait3A_129 = tpu.memref_slice %arg16[%dma_wait3A_122] : memref<2x!tpu.dma_semaphore, #tpu.memory_space<semaphore_mem>> -> memref<1x!tpu.dma_semaphore, #tpu.memory_space<semaphore_mem>>
    %dma_wait3A_130 = tpu.memref_squeeze %dma_wait3A_129 : memref<1x!tpu.dma_semaphore, #tpu.memory_space<semaphore_mem>> -> memref<!tpu.dma_semaphore, #tpu.memory_space<semaphore_mem>>
    %dma_wait3A_131 = arith.constant 0 : i32
    %dma_wait3A_132 = arith.constant 0 : i32
    %dma_wait3A_133 = tpu.memref_slice %arg9[%dma_wait3A_121, %dma_wait3A_131, %dma_wait3A_132] : memref<2x128x128xf32, #tpu.memory_space<vmem>> -> memref<1x128x128xf32, #tpu.memory_space<vmem>>
    %dma_wait3A_134 = tpu.memref_squeeze %dma_wait3A_133 : memref<1x128x128xf32, #tpu.memory_space<vmem>> -> memref<128x128xf32, #tpu.memory_space<vmem>>
    %dma_wait3A_135 = arith.constant 0 : i32
    %dma_wait3A_136 = tpu.memref_slice %arg4[%add3A_10, %dma_wait3A_135] : memref<16384x128xf32, #tpu.memory_space<hbm>> -> memref<128x128xf32, #tpu.memory_space<hbm>>
    tpu.wait_dma2 semaphore(%dma_wait3A_130 : memref<!tpu.dma_semaphore, #tpu.memory_space<semaphore_mem>>) src(%dma_wait3A_136 : memref<128x128xf32, #tpu.memory_space<hbm>>) dst(%dma_wait3A_134 : memref<128x128xf32, #tpu.memory_space<vmem>>)
    %dma_wait3A_137 = arith.constant 0 : i32
    %dma_wait3A_138 = arith.constant 0 : i32
    %dma_wait3A_139 = arith.constant 0 : i32
    %dma_wait3A_140 = arith.constant 0 : i32
    %dma_wait3A_141 = tpu.memref_slice %arg10[%dma_wait3A_137, %dma_wait3A_139, %dma_wait3A_140] : memref<2x128x128xf32, #tpu.memory_space<vmem>> -> memref<1x128x128xf32, #tpu.memory_space<vmem>>
    %dma_wait3A_142 = tpu.memref_squeeze %dma_wait3A_141 : memref<1x128x128xf32, #tpu.memory_space<vmem>> -> memref<128x128xf32, #tpu.memory_space<vmem>>
    %dma_wait3A_143 = arith.constant 0 : i32
    %dma_wait3A_144 = tpu.memref_slice %arg7[%dma_wait3A_143] : memref<512xi32, #tpu.memory_space<vmem>> -> memref<128xi32, #tpu.memory_space<vmem>>
    %dma_wait3A_145 = arith.constant 0 : i32
    %dma_wait3A_146 = arith.constant 0 : i32
    %dma_wait3A_147 = tpu.memref_slice %arg13[%dma_wait3A_145, %dma_wait3A_146] : memref<1000x128xf32, #tpu.memory_space<vmem_shared>> -> memref<1000x128xf32, #tpu.memory_space<vmem_shared>>
    %dma_wait3A_148 = tpu.memref_slice %arg17[%dma_wait3A_138] : memref<2x!tpu.dma_semaphore, #tpu.memory_space<semaphore_mem>> -> memref<1x!tpu.dma_semaphore, #tpu.memory_space<semaphore_mem>>
    %dma_wait3A_149 = tpu.memref_squeeze %dma_wait3A_148 : memref<1x!tpu.dma_semaphore, #tpu.memory_space<semaphore_mem>> -> memref<!tpu.dma_semaphore, #tpu.memory_space<semaphore_mem>>
    tpu.wait_indirect_dma semaphore(%dma_wait3A_149 : memref<!tpu.dma_semaphore, #tpu.memory_space<semaphore_mem>>) src(%dma_wait3A_147 : memref<1000x128xf32, #tpu.memory_space<vmem_shared>>) dst(%dma_wait3A_142 : memref<128x128xf32, #tpu.memory_space<vmem>>)
    %parallel_loop3A = arith.constant 0 : i32
    %parallel_loop3A_150 = arith.constant 128 : i32
    %parallel_loop3A_151 = arith.constant 1 : i32
    scf.for %parallel_loop3A_518 = %parallel_loop3A to %parallel_loop3A_150 step %parallel_loop3A_151  : i32 {
      %parallel_loop3A_519 = arith.constant 0 : i32
      %parallel_loop3A_520 = arith.index_cast %parallel_loop3A_519 : i32 to index
      %parallel_loop3A_521 = arith.index_cast %parallel_loop3A_518 : i32 to index
      %parallel_loop3A_522 = arith.constant 0 : index
      %parallel_loop3A_523 = tpu.vector_load %arg8[%parallel_loop3A_520, %parallel_loop3A_521, %parallel_loop3A_522] {strides = array<i32>} : memref<2x128x128xf32, #tpu.memory_space<vmem>>, vector<1x1x16xf32>,
      %parallel_loop3A_524 = vector.shape_cast %parallel_loop3A_523 : vector<1x1x16xf32> to vector<16xf32>
      %parallel_loop3A_525 = arith.constant 0 : i32
      %parallel_loop3A_526 = arith.index_cast %parallel_loop3A_525 : i32 to index
      %parallel_loop3A_527 = arith.index_cast %parallel_loop3A_518 : i32 to index
      %parallel_loop3A_528 = arith.constant 64 : index
      %parallel_loop3A_529 = tpu.vector_load %arg8[%parallel_loop3A_526, %parallel_loop3A_527, %parallel_loop3A_528] {strides = array<i32>} : memref<2x128x128xf32, #tpu.memory_space<vmem>>, vector<1x1x16xf32>,
      %parallel_loop3A_530 = vector.shape_cast %parallel_loop3A_529 : vector<1x1x16xf32> to vector<16xf32>
      %parallel_loop3A_531 = arith.constant 0 : i32
      %parallel_loop3A_532 = arith.index_cast %parallel_loop3A_531 : i32 to index
      %parallel_loop3A_533 = arith.index_cast %parallel_loop3A_518 : i32 to index
      %parallel_loop3A_534 = arith.constant 0 : index
      %parallel_loop3A_535 = tpu.vector_load %arg9[%parallel_loop3A_532, %parallel_loop3A_533, %parallel_loop3A_534] {strides = array<i32>} : memref<2x128x128xf32, #tpu.memory_space<vmem>>, vector<1x1x16xf32>,
      %parallel_loop3A_536 = vector.shape_cast %parallel_loop3A_535 : vector<1x1x16xf32> to vector<16xf32>
      %parallel_loop3A_537 = arith.constant 0 : i32
      %parallel_loop3A_538 = arith.index_cast %parallel_loop3A_537 : i32 to index
      %parallel_loop3A_539 = arith.index_cast %parallel_loop3A_518 : i32 to index
      %parallel_loop3A_540 = arith.constant 64 : index
      %parallel_loop3A_541 = tpu.vector_load %arg9[%parallel_loop3A_538, %parallel_loop3A_539, %parallel_loop3A_540] {strides = array<i32>} : memref<2x128x128xf32, #tpu.memory_space<vmem>>, vector<1x1x16xf32>,
      %parallel_loop3A_542 = vector.shape_cast %parallel_loop3A_541 : vector<1x1x16xf32> to vector<16xf32>
      %parallel_loop3A_543 = arith.constant 0 : i32
      %parallel_loop3A_544 = arith.index_cast %parallel_loop3A_543 : i32 to index
      %parallel_loop3A_545 = arith.index_cast %parallel_loop3A_518 : i32 to index
      %parallel_loop3A_546 = arith.constant 0 : index
      %parallel_loop3A_547 = tpu.vector_load %arg10[%parallel_loop3A_544, %parallel_loop3A_545, %parallel_loop3A_546] {strides = array<i32>} : memref<2x128x128xf32, #tpu.memory_space<vmem>>, vector<1x1x16xf32>,
      %parallel_loop3A_548 = vector.shape_cast %parallel_loop3A_547 : vector<1x1x16xf32> to vector<16xf32>
      %parallel_loop3A_549 = arith.constant 0 : i32
      %parallel_loop3A_550 = arith.index_cast %parallel_loop3A_549 : i32 to index
      %parallel_loop3A_551 = arith.index_cast %parallel_loop3A_518 : i32 to index
      %parallel_loop3A_552 = arith.constant 64 : index
      %parallel_loop3A_553 = tpu.vector_load %arg10[%parallel_loop3A_550, %parallel_loop3A_551, %parallel_loop3A_552] {strides = array<i32>} : memref<2x128x128xf32, #tpu.memory_space<vmem>>, vector<1x1x16xf32>,
      %parallel_loop3A_554 = vector.shape_cast %parallel_loop3A_553 : vector<1x1x16xf32> to vector<16xf32>
      %parallel_loop3A_555 = arith.mulf %parallel_loop3A_524, %parallel_loop3A_536 : vector<16xf32>
      %parallel_loop3A_556 = arith.mulf %parallel_loop3A_530, %parallel_loop3A_542 : vector<16xf32>
      %parallel_loop3A_557 = arith.addf %parallel_loop3A_555, %parallel_loop3A_556 : vector<16xf32>
      %parallel_loop3A_558 = arith.mulf %parallel_loop3A_548, %parallel_loop3A_557 : vector<16xf32>
      %parallel_loop3A_559 = arith.mulf %parallel_loop3A_524, %parallel_loop3A_542 : vector<16xf32>
      %parallel_loop3A_560 = arith.mulf %parallel_loop3A_530, %parallel_loop3A_536 : vector<16xf32>
      %parallel_loop3A_561 = arith.subf %parallel_loop3A_559, %parallel_loop3A_560 : vector<16xf32>
      %parallel_loop3A_562 = arith.mulf %parallel_loop3A_554, %parallel_loop3A_561 : vector<16xf32>
      %parallel_loop3A_563 = arith.addf %parallel_loop3A_558, %parallel_loop3A_562 : vector<16xf32>
      %parallel_loop3A_564 = arith.constant 0 : i32
      %parallel_loop3A_565 = arith.index_cast %parallel_loop3A_564 : i32 to index
      %parallel_loop3A_566 = arith.index_cast %parallel_loop3A_518 : i32 to index
      %parallel_loop3A_567 = arith.constant 16 : index
      %parallel_loop3A_568 = tpu.vector_load %arg8[%parallel_loop3A_565, %parallel_loop3A_566, %parallel_loop3A_567] {strides = array<i32>} : memref<2x128x128xf32, #tpu.memory_space<vmem>>, vector<1x1x16xf32>,
      %parallel_loop3A_569 = vector.shape_cast %parallel_loop3A_568 : vector<1x1x16xf32> to vector<16xf32>
      %parallel_loop3A_570 = arith.constant 0 : i32
      %parallel_loop3A_571 = arith.index_cast %parallel_loop3A_570 : i32 to index
      %parallel_loop3A_572 = arith.index_cast %parallel_loop3A_518 : i32 to index
      %parallel_loop3A_573 = arith.constant 80 : index
      %parallel_loop3A_574 = tpu.vector_load %arg8[%parallel_loop3A_571, %parallel_loop3A_572, %parallel_loop3A_573] {strides = array<i32>} : memref<2x128x128xf32, #tpu.memory_space<vmem>>, vector<1x1x16xf32>,
      %parallel_loop3A_575 = vector.shape_cast %parallel_loop3A_574 : vector<1x1x16xf32> to vector<16xf32>
      %parallel_loop3A_576 = arith.constant 0 : i32
      %parallel_loop3A_577 = arith.index_cast %parallel_loop3A_576 : i32 to index
      %parallel_loop3A_578 = arith.index_cast %parallel_loop3A_518 : i32 to index
      %parallel_loop3A_579 = arith.constant 16 : index
      %parallel_loop3A_580 = tpu.vector_load %arg9[%parallel_loop3A_577, %parallel_loop3A_578, %parallel_loop3A_579] {strides = array<i32>} : memref<2x128x128xf32, #tpu.memory_space<vmem>>, vector<1x1x16xf32>,
      %parallel_loop3A_581 = vector.shape_cast %parallel_loop3A_580 : vector<1x1x16xf32> to vector<16xf32>
      %parallel_loop3A_582 = arith.constant 0 : i32
      %parallel_loop3A_583 = arith.index_cast %parallel_loop3A_582 : i32 to index
      %parallel_loop3A_584 = arith.index_cast %parallel_loop3A_518 : i32 to index
      %parallel_loop3A_585 = arith.constant 80 : index
      %parallel_loop3A_586 = tpu.vector_load %arg9[%parallel_loop3A_583, %parallel_loop3A_584, %parallel_loop3A_585] {strides = array<i32>} : memref<2x128x128xf32, #tpu.memory_space<vmem>>, vector<1x1x16xf32>,
      %parallel_loop3A_587 = vector.shape_cast %parallel_loop3A_586 : vector<1x1x16xf32> to vector<16xf32>
      %parallel_loop3A_588 = arith.constant 0 : i32
      %parallel_loop3A_589 = arith.index_cast %parallel_loop3A_588 : i32 to index
      %parallel_loop3A_590 = arith.index_cast %parallel_loop3A_518 : i32 to index
      %parallel_loop3A_591 = arith.constant 16 : index
      %parallel_loop3A_592 = tpu.vector_load %arg10[%parallel_loop3A_589, %parallel_loop3A_590, %parallel_loop3A_591] {strides = array<i32>} : memref<2x128x128xf32, #tpu.memory_space<vmem>>, vector<1x1x16xf32>,
      %parallel_loop3A_593 = vector.shape_cast %parallel_loop3A_592 : vector<1x1x16xf32> to vector<16xf32>
      %parallel_loop3A_594 = arith.constant 0 : i32
      %parallel_loop3A_595 = arith.index_cast %parallel_loop3A_594 : i32 to index
      %parallel_loop3A_596 = arith.index_cast %parallel_loop3A_518 : i32 to index
      %parallel_loop3A_597 = arith.constant 80 : index
      %parallel_loop3A_598 = tpu.vector_load %arg10[%parallel_loop3A_595, %parallel_loop3A_596, %parallel_loop3A_597] {strides = array<i32>} : memref<2x128x128xf32, #tpu.memory_space<vmem>>, vector<1x1x16xf32>,
      %parallel_loop3A_599 = vector.shape_cast %parallel_loop3A_598 : vector<1x1x16xf32> to vector<16xf32>
      %parallel_loop3A_600 = arith.mulf %parallel_loop3A_569, %parallel_loop3A_581 : vector<16xf32>
      %parallel_loop3A_601 = arith.mulf %parallel_loop3A_575, %parallel_loop3A_587 : vector<16xf32>
      %parallel_loop3A_602 = arith.addf %parallel_loop3A_600, %parallel_loop3A_601 : vector<16xf32>
      %parallel_loop3A_603 = arith.mulf %parallel_loop3A_593, %parallel_loop3A_602 : vector<16xf32>
      %parallel_loop3A_604 = arith.mulf %parallel_loop3A_569, %parallel_loop3A_587 : vector<16xf32>
      %parallel_loop3A_605 = arith.mulf %parallel_loop3A_575, %parallel_loop3A_581 : vector<16xf32>
      %parallel_loop3A_606 = arith.subf %parallel_loop3A_604, %parallel_loop3A_605 : vector<16xf32>
      %parallel_loop3A_607 = arith.mulf %parallel_loop3A_599, %parallel_loop3A_606 : vector<16xf32>
      %parallel_loop3A_608 = arith.addf %parallel_loop3A_603, %parallel_loop3A_607 : vector<16xf32>
      %parallel_loop3A_609 = arith.addf %parallel_loop3A_563, %parallel_loop3A_608 : vector<16xf32>
      %parallel_loop3A_610 = arith.constant 0 : i32
      %parallel_loop3A_611 = arith.index_cast %parallel_loop3A_610 : i32 to index
      %parallel_loop3A_612 = arith.index_cast %parallel_loop3A_518 : i32 to index
      %parallel_loop3A_613 = arith.constant 32 : index
      %parallel_loop3A_614 = tpu.vector_load %arg8[%parallel_loop3A_611, %parallel_loop3A_612, %parallel_loop3A_613] {strides = array<i32>} : memref<2x128x128xf32, #tpu.memory_space<vmem>>, vector<1x1x16xf32>,
      %parallel_loop3A_615 = vector.shape_cast %parallel_loop3A_614 : vector<1x1x16xf32> to vector<16xf32>
      %parallel_loop3A_616 = arith.constant 0 : i32
      %parallel_loop3A_617 = arith.index_cast %parallel_loop3A_616 : i32 to index
      %parallel_loop3A_618 = arith.index_cast %parallel_loop3A_518 : i32 to index
      %parallel_loop3A_619 = arith.constant 96 : index
      %parallel_loop3A_620 = tpu.vector_load %arg8[%parallel_loop3A_617, %parallel_loop3A_618, %parallel_loop3A_619] {strides = array<i32>} : memref<2x128x128xf32, #tpu.memory_space<vmem>>, vector<1x1x16xf32>,
      %parallel_loop3A_621 = vector.shape_cast %parallel_loop3A_620 : vector<1x1x16xf32> to vector<16xf32>
      %parallel_loop3A_622 = arith.constant 0 : i32
      %parallel_loop3A_623 = arith.index_cast %parallel_loop3A_622 : i32 to index
      %parallel_loop3A_624 = arith.index_cast %parallel_loop3A_518 : i32 to index
      %parallel_loop3A_625 = arith.constant 32 : index
      %parallel_loop3A_626 = tpu.vector_load %arg9[%parallel_loop3A_623, %parallel_loop3A_624, %parallel_loop3A_625] {strides = array<i32>} : memref<2x128x128xf32, #tpu.memory_space<vmem>>, vector<1x1x16xf32>,
      %parallel_loop3A_627 = vector.shape_cast %parallel_loop3A_626 : vector<1x1x16xf32> to vector<16xf32>
      %parallel_loop3A_628 = arith.constant 0 : i32
      %parallel_loop3A_629 = arith.index_cast %parallel_loop3A_628 : i32 to index
      %parallel_loop3A_630 = arith.index_cast %parallel_loop3A_518 : i32 to index
      %parallel_loop3A_631 = arith.constant 96 : index
      %parallel_loop3A_632 = tpu.vector_load %arg9[%parallel_loop3A_629, %parallel_loop3A_630, %parallel_loop3A_631] {strides = array<i32>} : memref<2x128x128xf32, #tpu.memory_space<vmem>>, vector<1x1x16xf32>,
      %parallel_loop3A_633 = vector.shape_cast %parallel_loop3A_632 : vector<1x1x16xf32> to vector<16xf32>
      %parallel_loop3A_634 = arith.constant 0 : i32
      %parallel_loop3A_635 = arith.index_cast %parallel_loop3A_634 : i32 to index
      %parallel_loop3A_636 = arith.index_cast %parallel_loop3A_518 : i32 to index
      %parallel_loop3A_637 = arith.constant 32 : index
      %parallel_loop3A_638 = tpu.vector_load %arg10[%parallel_loop3A_635, %parallel_loop3A_636, %parallel_loop3A_637] {strides = array<i32>} : memref<2x128x128xf32, #tpu.memory_space<vmem>>, vector<1x1x16xf32>,
      %parallel_loop3A_639 = vector.shape_cast %parallel_loop3A_638 : vector<1x1x16xf32> to vector<16xf32>
      %parallel_loop3A_640 = arith.constant 0 : i32
      %parallel_loop3A_641 = arith.index_cast %parallel_loop3A_640 : i32 to index
      %parallel_loop3A_642 = arith.index_cast %parallel_loop3A_518 : i32 to index
      %parallel_loop3A_643 = arith.constant 96 : index
      %parallel_loop3A_644 = tpu.vector_load %arg10[%parallel_loop3A_641, %parallel_loop3A_642, %parallel_loop3A_643] {strides = array<i32>} : memref<2x128x128xf32, #tpu.memory_space<vmem>>, vector<1x1x16xf32>,
      %parallel_loop3A_645 = vector.shape_cast %parallel_loop3A_644 : vector<1x1x16xf32> to vector<16xf32>
      %parallel_loop3A_646 = arith.mulf %parallel_loop3A_615, %parallel_loop3A_627 : vector<16xf32>
      %parallel_loop3A_647 = arith.mulf %parallel_loop3A_621, %parallel_loop3A_633 : vector<16xf32>
      %parallel_loop3A_648 = arith.addf %parallel_loop3A_646, %parallel_loop3A_647 : vector<16xf32>
      %parallel_loop3A_649 = arith.mulf %parallel_loop3A_639, %parallel_loop3A_648 : vector<16xf32>
      %parallel_loop3A_650 = arith.mulf %parallel_loop3A_615, %parallel_loop3A_633 : vector<16xf32>
      %parallel_loop3A_651 = arith.mulf %parallel_loop3A_621, %parallel_loop3A_627 : vector<16xf32>
      %parallel_loop3A_652 = arith.subf %parallel_loop3A_650, %parallel_loop3A_651 : vector<16xf32>
      %parallel_loop3A_653 = arith.mulf %parallel_loop3A_645, %parallel_loop3A_652 : vector<16xf32>
      %parallel_loop3A_654 = arith.addf %parallel_loop3A_649, %parallel_loop3A_653 : vector<16xf32>
      %parallel_loop3A_655 = arith.addf %parallel_loop3A_609, %parallel_loop3A_654 : vector<16xf32>
      %parallel_loop3A_656 = arith.constant 0 : i32
      %parallel_loop3A_657 = arith.index_cast %parallel_loop3A_656 : i32 to index
      %parallel_loop3A_658 = arith.index_cast %parallel_loop3A_518 : i32 to index
      %parallel_loop3A_659 = arith.constant 48 : index
      %parallel_loop3A_660 = tpu.vector_load %arg8[%parallel_loop3A_657, %parallel_loop3A_658, %parallel_loop3A_659] {strides = array<i32>} : memref<2x128x128xf32, #tpu.memory_space<vmem>>, vector<1x1x16xf32>,
      %parallel_loop3A_661 = vector.shape_cast %parallel_loop3A_660 : vector<1x1x16xf32> to vector<16xf32>
      %parallel_loop3A_662 = arith.constant 0 : i32
      %parallel_loop3A_663 = arith.index_cast %parallel_loop3A_662 : i32 to index
      %parallel_loop3A_664 = arith.index_cast %parallel_loop3A_518 : i32 to index
      %parallel_loop3A_665 = arith.constant 112 : index
      %parallel_loop3A_666 = tpu.vector_load %arg8[%parallel_loop3A_663, %parallel_loop3A_664, %parallel_loop3A_665] {strides = array<i32>} : memref<2x128x128xf32, #tpu.memory_space<vmem>>, vector<1x1x16xf32>,
      %parallel_loop3A_667 = vector.shape_cast %parallel_loop3A_666 : vector<1x1x16xf32> to vector<16xf32>
      %parallel_loop3A_668 = arith.constant 0 : i32
      %parallel_loop3A_669 = arith.index_cast %parallel_loop3A_668 : i32 to index
      %parallel_loop3A_670 = arith.index_cast %parallel_loop3A_518 : i32 to index
      %parallel_loop3A_671 = arith.constant 48 : index
      %parallel_loop3A_672 = tpu.vector_load %arg9[%parallel_loop3A_669, %parallel_loop3A_670, %parallel_loop3A_671] {strides = array<i32>} : memref<2x128x128xf32, #tpu.memory_space<vmem>>, vector<1x1x16xf32>,
      %parallel_loop3A_673 = vector.shape_cast %parallel_loop3A_672 : vector<1x1x16xf32> to vector<16xf32>
      %parallel_loop3A_674 = arith.constant 0 : i32
      %parallel_loop3A_675 = arith.index_cast %parallel_loop3A_674 : i32 to index
      %parallel_loop3A_676 = arith.index_cast %parallel_loop3A_518 : i32 to index
      %parallel_loop3A_677 = arith.constant 112 : index
      %parallel_loop3A_678 = tpu.vector_load %arg9[%parallel_loop3A_675, %parallel_loop3A_676, %parallel_loop3A_677] {strides = array<i32>} : memref<2x128x128xf32, #tpu.memory_space<vmem>>, vector<1x1x16xf32>,
      %parallel_loop3A_679 = vector.shape_cast %parallel_loop3A_678 : vector<1x1x16xf32> to vector<16xf32>
      %parallel_loop3A_680 = arith.constant 0 : i32
      %parallel_loop3A_681 = arith.index_cast %parallel_loop3A_680 : i32 to index
      %parallel_loop3A_682 = arith.index_cast %parallel_loop3A_518 : i32 to index
      %parallel_loop3A_683 = arith.constant 48 : index
      %parallel_loop3A_684 = tpu.vector_load %arg10[%parallel_loop3A_681, %parallel_loop3A_682, %parallel_loop3A_683] {strides = array<i32>} : memref<2x128x128xf32, #tpu.memory_space<vmem>>, vector<1x1x16xf32>,
      %parallel_loop3A_685 = vector.shape_cast %parallel_loop3A_684 : vector<1x1x16xf32> to vector<16xf32>
      %parallel_loop3A_686 = arith.constant 0 : i32
      %parallel_loop3A_687 = arith.index_cast %parallel_loop3A_686 : i32 to index
      %parallel_loop3A_688 = arith.index_cast %parallel_loop3A_518 : i32 to index
      %parallel_loop3A_689 = arith.constant 112 : index
      %parallel_loop3A_690 = tpu.vector_load %arg10[%parallel_loop3A_687, %parallel_loop3A_688, %parallel_loop3A_689] {strides = array<i32>} : memref<2x128x128xf32, #tpu.memory_space<vmem>>, vector<1x1x16xf32>,
      %parallel_loop3A_691 = vector.shape_cast %parallel_loop3A_690 : vector<1x1x16xf32> to vector<16xf32>
      %parallel_loop3A_692 = arith.mulf %parallel_loop3A_661, %parallel_loop3A_673 : vector<16xf32>
      %parallel_loop3A_693 = arith.mulf %parallel_loop3A_667, %parallel_loop3A_679 : vector<16xf32>
      %parallel_loop3A_694 = arith.addf %parallel_loop3A_692, %parallel_loop3A_693 : vector<16xf32>
      %parallel_loop3A_695 = arith.mulf %parallel_loop3A_685, %parallel_loop3A_694 : vector<16xf32>
      %parallel_loop3A_696 = arith.mulf %parallel_loop3A_661, %parallel_loop3A_679 : vector<16xf32>
      %parallel_loop3A_697 = arith.mulf %parallel_loop3A_667, %parallel_loop3A_673 : vector<16xf32>
      %parallel_loop3A_698 = arith.subf %parallel_loop3A_696, %parallel_loop3A_697 : vector<16xf32>
      %parallel_loop3A_699 = arith.mulf %parallel_loop3A_691, %parallel_loop3A_698 : vector<16xf32>
      %parallel_loop3A_700 = arith.addf %parallel_loop3A_695, %parallel_loop3A_699 : vector<16xf32>
      %parallel_loop3A_701 = arith.addf %parallel_loop3A_655, %parallel_loop3A_700 : vector<16xf32>
      %parallel_loop3A_702 = arith.index_cast %parallel_loop3A_518 : i32 to index
      %parallel_loop3A_703 = arith.constant 0 : index
      %parallel_loop3A_704 = tpu.vector_load %arg12[%parallel_loop3A_702, %parallel_loop3A_703] {strides = array<i32>} : memref<128x16xf32, #tpu.memory_space<vmem>>, vector<1x16xf32>,
      %parallel_loop3A_705 = vector.shape_cast %parallel_loop3A_704 : vector<1x16xf32> to vector<16xf32>
      %parallel_loop3A_706 = vector.shape_cast %parallel_loop3A_701 : vector<16xf32> to vector<1x16xf32>
      tpu.vector_store %arg12[%parallel_loop3A_702, %parallel_loop3A_703], %parallel_loop3A_706 {strides = array<i32>} : memref<128x16xf32, #tpu.memory_space<vmem>>, vector<1x16xf32>,
    } {sc.loop_unroll_factor = 1 : i64, sc.parallel_access}
    %parallel_loop3A_152 = arith.constant 0 : i32
    %parallel_loop3A_153 = arith.constant 8 : i32
    %parallel_loop3A_154 = arith.constant 1 : i32
    scf.for %parallel_loop3A_518 = %parallel_loop3A_152 to %parallel_loop3A_153 step %parallel_loop3A_154  : i32 {
      %parallel_loop3A_519 = arith.constant 16 : i32
      %parallel_loop3A_520 = arith.muli %parallel_loop3A_518, %parallel_loop3A_519 : i32
      %parallel_loop3A_521 = arith.constant 0 : i32
      %parallel_loop3A_522 = arith.addi %parallel_loop3A_520, %parallel_loop3A_521 : i32
      %parallel_loop3A_523 = arith.index_cast %parallel_loop3A_522 : i32 to index
      %parallel_loop3A_524 = arith.constant 0 : index
      %parallel_loop3A_525 = tpu.vector_load %arg12[%parallel_loop3A_523, %parallel_loop3A_524] {strides = array<i32>} : memref<128x16xf32, #tpu.memory_space<vmem>>, vector<1x16xf32>,
      %parallel_loop3A_526 = vector.shape_cast %parallel_loop3A_525 : vector<1x16xf32> to vector<16xf32>
      %parallel_loop3A_527 = arith.constant 16 : i32
      %parallel_loop3A_528 = arith.muli %parallel_loop3A_518, %parallel_loop3A_527 : i32
      %parallel_loop3A_529 = arith.constant 1 : i32
      %parallel_loop3A_530 = arith.addi %parallel_loop3A_528, %parallel_loop3A_529 : i32
      %parallel_loop3A_531 = arith.index_cast %parallel_loop3A_530 : i32 to index
      %parallel_loop3A_532 = arith.constant 0 : index
      %parallel_loop3A_533 = tpu.vector_load %arg12[%parallel_loop3A_531, %parallel_loop3A_532] {strides = array<i32>} : memref<128x16xf32, #tpu.memory_space<vmem>>, vector<1x16xf32>,
      %parallel_loop3A_534 = vector.shape_cast %parallel_loop3A_533 : vector<1x16xf32> to vector<16xf32>
      %parallel_loop3A_535 = arith.constant 1 : i32
      %parallel_loop3A_536 = vector.broadcast %parallel_loop3A_535 : i32 to vector<16xi32>
      %parallel_loop3A_537 = arith.xori %iota3A, %parallel_loop3A_536 : vector<16xi32>
      %parallel_loop3A_538 = vector.shape_cast %parallel_loop3A_537 : vector<16xi32> to vector<16x1xi32>
      %parallel_loop3A_539 = vector.shape_cast %parallel_loop3A_538 : vector<16x1xi32> to vector<16xi32>
      %parallel_loop3A_540 = tpu.dynamic_gather %parallel_loop3A_526[%parallel_loop3A_539] in [0] : vector<16xf32>, vector<16xi32> -> vector<16xf32>
      %parallel_loop3A_541 = arith.addf %parallel_loop3A_526, %parallel_loop3A_540 : vector<16xf32>
      %parallel_loop3A_542 = vector.shape_cast %parallel_loop3A_537 : vector<16xi32> to vector<16x1xi32>
      %parallel_loop3A_543 = vector.shape_cast %parallel_loop3A_542 : vector<16x1xi32> to vector<16xi32>
      %parallel_loop3A_544 = tpu.dynamic_gather %parallel_loop3A_534[%parallel_loop3A_543] in [0] : vector<16xf32>, vector<16xi32> -> vector<16xf32>
      %parallel_loop3A_545 = arith.addf %parallel_loop3A_534, %parallel_loop3A_544 : vector<16xf32>
      %parallel_loop3A_546 = arith.constant 1 : i32
      %parallel_loop3A_547 = vector.broadcast %parallel_loop3A_546 : i32 to vector<16xi32>
      %parallel_loop3A_548 = arith.andi %iota3A, %parallel_loop3A_547 : vector<16xi32>
      %parallel_loop3A_549 = arith.constant 0 : i32
      %parallel_loop3A_550 = vector.broadcast %parallel_loop3A_549 : i32 to vector<16xi32>
      %parallel_loop3A_551 = arith.cmpi eq, %parallel_loop3A_548, %parallel_loop3A_550 : vector<16xi32>
      %parallel_loop3A_552 = arith.select %parallel_loop3A_551, %parallel_loop3A_541, %parallel_loop3A_545 : vector<16xi1>, vector<16xf32>
      %parallel_loop3A_553 = arith.constant 16 : i32
      %parallel_loop3A_554 = arith.muli %parallel_loop3A_518, %parallel_loop3A_553 : i32
      %parallel_loop3A_555 = arith.constant 2 : i32
      %parallel_loop3A_556 = arith.addi %parallel_loop3A_554, %parallel_loop3A_555 : i32
      %parallel_loop3A_557 = arith.index_cast %parallel_loop3A_556 : i32 to index
      %parallel_loop3A_558 = arith.constant 0 : index
      %parallel_loop3A_559 = tpu.vector_load %arg12[%parallel_loop3A_557, %parallel_loop3A_558] {strides = array<i32>} : memref<128x16xf32, #tpu.memory_space<vmem>>, vector<1x16xf32>,
      %parallel_loop3A_560 = vector.shape_cast %parallel_loop3A_559 : vector<1x16xf32> to vector<16xf32>
      %parallel_loop3A_561 = arith.constant 16 : i32
      %parallel_loop3A_562 = arith.muli %parallel_loop3A_518, %parallel_loop3A_561 : i32
      %parallel_loop3A_563 = arith.constant 3 : i32
      %parallel_loop3A_564 = arith.addi %parallel_loop3A_562, %parallel_loop3A_563 : i32
      %parallel_loop3A_565 = arith.index_cast %parallel_loop3A_564 : i32 to index
      %parallel_loop3A_566 = arith.constant 0 : index
      %parallel_loop3A_567 = tpu.vector_load %arg12[%parallel_loop3A_565, %parallel_loop3A_566] {strides = array<i32>} : memref<128x16xf32, #tpu.memory_space<vmem>>, vector<1x16xf32>,
      %parallel_loop3A_568 = vector.shape_cast %parallel_loop3A_567 : vector<1x16xf32> to vector<16xf32>
      %parallel_loop3A_569 = arith.constant 1 : i32
      %parallel_loop3A_570 = vector.broadcast %parallel_loop3A_569 : i32 to vector<16xi32>
      %parallel_loop3A_571 = arith.xori %iota3A, %parallel_loop3A_570 : vector<16xi32>
      %parallel_loop3A_572 = vector.shape_cast %parallel_loop3A_571 : vector<16xi32> to vector<16x1xi32>
      %parallel_loop3A_573 = vector.shape_cast %parallel_loop3A_572 : vector<16x1xi32> to vector<16xi32>
      %parallel_loop3A_574 = tpu.dynamic_gather %parallel_loop3A_560[%parallel_loop3A_573] in [0] : vector<16xf32>, vector<16xi32> -> vector<16xf32>
      %parallel_loop3A_575 = arith.addf %parallel_loop3A_560, %parallel_loop3A_574 : vector<16xf32>
      %parallel_loop3A_576 = vector.shape_cast %parallel_loop3A_571 : vector<16xi32> to vector<16x1xi32>
      %parallel_loop3A_577 = vector.shape_cast %parallel_loop3A_576 : vector<16x1xi32> to vector<16xi32>
      %parallel_loop3A_578 = tpu.dynamic_gather %parallel_loop3A_568[%parallel_loop3A_577] in [0] : vector<16xf32>, vector<16xi32> -> vector<16xf32>
      %parallel_loop3A_579 = arith.addf %parallel_loop3A_568, %parallel_loop3A_578 : vector<16xf32>
      %parallel_loop3A_580 = arith.constant 1 : i32
      %parallel_loop3A_581 = vector.broadcast %parallel_loop3A_580 : i32 to vector<16xi32>
      %parallel_loop3A_582 = arith.andi %iota3A, %parallel_loop3A_581 : vector<16xi32>
      %parallel_loop3A_583 = arith.constant 0 : i32
      %parallel_loop3A_584 = vector.broadcast %parallel_loop3A_583 : i32 to vector<16xi32>
      %parallel_loop3A_585 = arith.cmpi eq, %parallel_loop3A_582, %parallel_loop3A_584 : vector<16xi32>
      %parallel_loop3A_586 = arith.select %parallel_loop3A_585, %parallel_loop3A_575, %parallel_loop3A_579 : vector<16xi1>, vector<16xf32>
      %parallel_loop3A_587 = arith.constant 2 : i32
      %parallel_loop3A_588 = vector.broadcast %parallel_loop3A_587 : i32 to vector<16xi32>
      %parallel_loop3A_589 = arith.xori %iota3A, %parallel_loop3A_588 : vector<16xi32>
      %parallel_loop3A_590 = vector.shape_cast %parallel_loop3A_589 : vector<16xi32> to vector<16x1xi32>
      %parallel_loop3A_591 = vector.shape_cast %parallel_loop3A_590 : vector<16x1xi32> to vector<16xi32>
      %parallel_loop3A_592 = tpu.dynamic_gather %parallel_loop3A_552[%parallel_loop3A_591] in [0] : vector<16xf32>, vector<16xi32> -> vector<16xf32>
      %parallel_loop3A_593 = arith.addf %parallel_loop3A_552, %parallel_loop3A_592 : vector<16xf32>
      %parallel_loop3A_594 = vector.shape_cast %parallel_loop3A_589 : vector<16xi32> to vector<16x1xi32>
      %parallel_loop3A_595 = vector.shape_cast %parallel_loop3A_594 : vector<16x1xi32> to vector<16xi32>
      %parallel_loop3A_596 = tpu.dynamic_gather %parallel_loop3A_586[%parallel_loop3A_595] in [0] : vector<16xf32>, vector<16xi32> -> vector<16xf32>
      %parallel_loop3A_597 = arith.addf %parallel_loop3A_586, %parallel_loop3A_596 : vector<16xf32>
      %parallel_loop3A_598 = arith.constant 2 : i32
      %parallel_loop3A_599 = vector.broadcast %parallel_loop3A_598 : i32 to vector<16xi32>
      %parallel_loop3A_600 = arith.andi %iota3A, %parallel_loop3A_599 : vector<16xi32>
      %parallel_loop3A_601 = arith.constant 0 : i32
      %parallel_loop3A_602 = vector.broadcast %parallel_loop3A_601 : i32 to vector<16xi32>
      %parallel_loop3A_603 = arith.cmpi eq, %parallel_loop3A_600, %parallel_loop3A_602 : vector<16xi32>
      %parallel_loop3A_604 = arith.select %parallel_loop3A_603, %parallel_loop3A_593, %parallel_loop3A_597 : vector<16xi1>, vector<16xf32>
      %parallel_loop3A_605 = arith.constant 16 : i32
      %parallel_loop3A_606 = arith.muli %parallel_loop3A_518, %parallel_loop3A_605 : i32
      %parallel_loop3A_607 = arith.constant 4 : i32
      %parallel_loop3A_608 = arith.addi %parallel_loop3A_606, %parallel_loop3A_607 : i32
      %parallel_loop3A_609 = arith.index_cast %parallel_loop3A_608 : i32 to index
      %parallel_loop3A_610 = arith.constant 0 : index
      %parallel_loop3A_611 = tpu.vector_load %arg12[%parallel_loop3A_609, %parallel_loop3A_610] {strides = array<i32>} : memref<128x16xf32, #tpu.memory_space<vmem>>, vector<1x16xf32>,
      %parallel_loop3A_612 = vector.shape_cast %parallel_loop3A_611 : vector<1x16xf32> to vector<16xf32>
      %parallel_loop3A_613 = arith.constant 16 : i32
      %parallel_loop3A_614 = arith.muli %parallel_loop3A_518, %parallel_loop3A_613 : i32
      %parallel_loop3A_615 = arith.constant 5 : i32
      %parallel_loop3A_616 = arith.addi %parallel_loop3A_614, %parallel_loop3A_615 : i32
      %parallel_loop3A_617 = arith.index_cast %parallel_loop3A_616 : i32 to index
      %parallel_loop3A_618 = arith.constant 0 : index
      %parallel_loop3A_619 = tpu.vector_load %arg12[%parallel_loop3A_617, %parallel_loop3A_618] {strides = array<i32>} : memref<128x16xf32, #tpu.memory_space<vmem>>, vector<1x16xf32>,
      %parallel_loop3A_620 = vector.shape_cast %parallel_loop3A_619 : vector<1x16xf32> to vector<16xf32>
      %parallel_loop3A_621 = arith.constant 1 : i32
      %parallel_loop3A_622 = vector.broadcast %parallel_loop3A_621 : i32 to vector<16xi32>
      %parallel_loop3A_623 = arith.xori %iota3A, %parallel_loop3A_622 : vector<16xi32>
      %parallel_loop3A_624 = vector.shape_cast %parallel_loop3A_623 : vector<16xi32> to vector<16x1xi32>
      %parallel_loop3A_625 = vector.shape_cast %parallel_loop3A_624 : vector<16x1xi32> to vector<16xi32>
      %parallel_loop3A_626 = tpu.dynamic_gather %parallel_loop3A_612[%parallel_loop3A_625] in [0] : vector<16xf32>, vector<16xi32> -> vector<16xf32>
      %parallel_loop3A_627 = arith.addf %parallel_loop3A_612, %parallel_loop3A_626 : vector<16xf32>
      %parallel_loop3A_628 = vector.shape_cast %parallel_loop3A_623 : vector<16xi32> to vector<16x1xi32>
      %parallel_loop3A_629 = vector.shape_cast %parallel_loop3A_628 : vector<16x1xi32> to vector<16xi32>
      %parallel_loop3A_630 = tpu.dynamic_gather %parallel_loop3A_620[%parallel_loop3A_629] in [0] : vector<16xf32>, vector<16xi32> -> vector<16xf32>
      %parallel_loop3A_631 = arith.addf %parallel_loop3A_620, %parallel_loop3A_630 : vector<16xf32>
      %parallel_loop3A_632 = arith.constant 1 : i32
      %parallel_loop3A_633 = vector.broadcast %parallel_loop3A_632 : i32 to vector<16xi32>
      %parallel_loop3A_634 = arith.andi %iota3A, %parallel_loop3A_633 : vector<16xi32>
      %parallel_loop3A_635 = arith.constant 0 : i32
      %parallel_loop3A_636 = vector.broadcast %parallel_loop3A_635 : i32 to vector<16xi32>
      %parallel_loop3A_637 = arith.cmpi eq, %parallel_loop3A_634, %parallel_loop3A_636 : vector<16xi32>
      %parallel_loop3A_638 = arith.select %parallel_loop3A_637, %parallel_loop3A_627, %parallel_loop3A_631 : vector<16xi1>, vector<16xf32>
      %parallel_loop3A_639 = arith.constant 16 : i32
      %parallel_loop3A_640 = arith.muli %parallel_loop3A_518, %parallel_loop3A_639 : i32
      %parallel_loop3A_641 = arith.constant 6 : i32
      %parallel_loop3A_642 = arith.addi %parallel_loop3A_640, %parallel_loop3A_641 : i32
      %parallel_loop3A_643 = arith.index_cast %parallel_loop3A_642 : i32 to index
      %parallel_loop3A_644 = arith.constant 0 : index
      %parallel_loop3A_645 = tpu.vector_load %arg12[%parallel_loop3A_643, %parallel_loop3A_644] {strides = array<i32>} : memref<128x16xf32, #tpu.memory_space<vmem>>, vector<1x16xf32>,
      %parallel_loop3A_646 = vector.shape_cast %parallel_loop3A_645 : vector<1x16xf32> to vector<16xf32>
      %parallel_loop3A_647 = arith.constant 16 : i32
      %parallel_loop3A_648 = arith.muli %parallel_loop3A_518, %parallel_loop3A_647 : i32
      %parallel_loop3A_649 = arith.constant 7 : i32
      %parallel_loop3A_650 = arith.addi %parallel_loop3A_648, %parallel_loop3A_649 : i32
      %parallel_loop3A_651 = arith.index_cast %parallel_loop3A_650 : i32 to index
      %parallel_loop3A_652 = arith.constant 0 : index
      %parallel_loop3A_653 = tpu.vector_load %arg12[%parallel_loop3A_651, %parallel_loop3A_652] {strides = array<i32>} : memref<128x16xf32, #tpu.memory_space<vmem>>, vector<1x16xf32>,
      %parallel_loop3A_654 = vector.shape_cast %parallel_loop3A_653 : vector<1x16xf32> to vector<16xf32>
      %parallel_loop3A_655 = arith.constant 1 : i32
      %parallel_loop3A_656 = vector.broadcast %parallel_loop3A_655 : i32 to vector<16xi32>
      %parallel_loop3A_657 = arith.xori %iota3A, %parallel_loop3A_656 : vector<16xi32>
      %parallel_loop3A_658 = vector.shape_cast %parallel_loop3A_657 : vector<16xi32> to vector<16x1xi32>
      %parallel_loop3A_659 = vector.shape_cast %parallel_loop3A_658 : vector<16x1xi32> to vector<16xi32>
      %parallel_loop3A_660 = tpu.dynamic_gather %parallel_loop3A_646[%parallel_loop3A_659] in [0] : vector<16xf32>, vector<16xi32> -> vector<16xf32>
      %parallel_loop3A_661 = arith.addf %parallel_loop3A_646, %parallel_loop3A_660 : vector<16xf32>
      %parallel_loop3A_662 = vector.shape_cast %parallel_loop3A_657 : vector<16xi32> to vector<16x1xi32>
      %parallel_loop3A_663 = vector.shape_cast %parallel_loop3A_662 : vector<16x1xi32> to vector<16xi32>
      %parallel_loop3A_664 = tpu.dynamic_gather %parallel_loop3A_654[%parallel_loop3A_663] in [0] : vector<16xf32>, vector<16xi32> -> vector<16xf32>
      %parallel_loop3A_665 = arith.addf %parallel_loop3A_654, %parallel_loop3A_664 : vector<16xf32>
      %parallel_loop3A_666 = arith.constant 1 : i32
      %parallel_loop3A_667 = vector.broadcast %parallel_loop3A_666 : i32 to vector<16xi32>
      %parallel_loop3A_668 = arith.andi %iota3A, %parallel_loop3A_667 : vector<16xi32>
      %parallel_loop3A_669 = arith.constant 0 : i32
      %parallel_loop3A_670 = vector.broadcast %parallel_loop3A_669 : i32 to vector<16xi32>
      %parallel_loop3A_671 = arith.cmpi eq, %parallel_loop3A_668, %parallel_loop3A_670 : vector<16xi32>
      %parallel_loop3A_672 = arith.select %parallel_loop3A_671, %parallel_loop3A_661, %parallel_loop3A_665 : vector<16xi1>, vector<16xf32>
      %parallel_loop3A_673 = arith.constant 2 : i32
      %parallel_loop3A_674 = vector.broadcast %parallel_loop3A_673 : i32 to vector<16xi32>
      %parallel_loop3A_675 = arith.xori %iota3A, %parallel_loop3A_674 : vector<16xi32>
      %parallel_loop3A_676 = vector.shape_cast %parallel_loop3A_675 : vector<16xi32> to vector<16x1xi32>
      %parallel_loop3A_677 = vector.shape_cast %parallel_loop3A_676 : vector<16x1xi32> to vector<16xi32>
      %parallel_loop3A_678 = tpu.dynamic_gather %parallel_loop3A_638[%parallel_loop3A_677] in [0] : vector<16xf32>, vector<16xi32> -> vector<16xf32>
      %parallel_loop3A_679 = arith.addf %parallel_loop3A_638, %parallel_loop3A_678 : vector<16xf32>
      %parallel_loop3A_680 = vector.shape_cast %parallel_loop3A_675 : vector<16xi32> to vector<16x1xi32>
      %parallel_loop3A_681 = vector.shape_cast %parallel_loop3A_680 : vector<16x1xi32> to vector<16xi32>
      %parallel_loop3A_682 = tpu.dynamic_gather %parallel_loop3A_672[%parallel_loop3A_681] in [0] : vector<16xf32>, vector<16xi32> -> vector<16xf32>
      %parallel_loop3A_683 = arith.addf %parallel_loop3A_672, %parallel_loop3A_682 : vector<16xf32>
      %parallel_loop3A_684 = arith.constant 2 : i32
      %parallel_loop3A_685 = vector.broadcast %parallel_loop3A_684 : i32 to vector<16xi32>
      %parallel_loop3A_686 = arith.andi %iota3A, %parallel_loop3A_685 : vector<16xi32>
      %parallel_loop3A_687 = arith.constant 0 : i32
      %parallel_loop3A_688 = vector.broadcast %parallel_loop3A_687 : i32 to vector<16xi32>
      %parallel_loop3A_689 = arith.cmpi eq, %parallel_loop3A_686, %parallel_loop3A_688 : vector<16xi32>
      %parallel_loop3A_690 = arith.select %parallel_loop3A_689, %parallel_loop3A_679, %parallel_loop3A_683 : vector<16xi1>, vector<16xf32>
      %parallel_loop3A_691 = arith.constant 4 : i32
      %parallel_loop3A_692 = vector.broadcast %parallel_loop3A_691 : i32 to vector<16xi32>
      %parallel_loop3A_693 = arith.xori %iota3A, %parallel_loop3A_692 : vector<16xi32>
      %parallel_loop3A_694 = vector.shape_cast %parallel_loop3A_693 : vector<16xi32> to vector<16x1xi32>
      %parallel_loop3A_695 = vector.shape_cast %parallel_loop3A_694 : vector<16x1xi32> to vector<16xi32>
      %parallel_loop3A_696 = tpu.dynamic_gather %parallel_loop3A_604[%parallel_loop3A_695] in [0] : vector<16xf32>, vector<16xi32> -> vector<16xf32>
      %parallel_loop3A_697 = arith.addf %parallel_loop3A_604, %parallel_loop3A_696 : vector<16xf32>
      %parallel_loop3A_698 = vector.shape_cast %parallel_loop3A_693 : vector<16xi32> to vector<16x1xi32>
      %parallel_loop3A_699 = vector.shape_cast %parallel_loop3A_698 : vector<16x1xi32> to vector<16xi32>
      %parallel_loop3A_700 = tpu.dynamic_gather %parallel_loop3A_690[%parallel_loop3A_699] in [0] : vector<16xf32>, vector<16xi32> -> vector<16xf32>
      %parallel_loop3A_701 = arith.addf %parallel_loop3A_690, %parallel_loop3A_700 : vector<16xf32>
      %parallel_loop3A_702 = arith.constant 4 : i32
      %parallel_loop3A_703 = vector.broadcast %parallel_loop3A_702 : i32 to vector<16xi32>
      %parallel_loop3A_704 = arith.andi %iota3A, %parallel_loop3A_703 : vector<16xi32>
      %parallel_loop3A_705 = arith.constant 0 : i32
      %parallel_loop3A_706 = vector.broadcast %parallel_loop3A_705 : i32 to vector<16xi32>
      %parallel_loop3A_707 = arith.cmpi eq, %parallel_loop3A_704, %parallel_loop3A_706 : vector<16xi32>
      %parallel_loop3A_708 = arith.select %parallel_loop3A_707, %parallel_loop3A_697, %parallel_loop3A_701 : vector<16xi1>, vector<16xf32>
      %parallel_loop3A_709 = arith.constant 16 : i32
      %parallel_loop3A_710 = arith.muli %parallel_loop3A_518, %parallel_loop3A_709 : i32
      %parallel_loop3A_711 = arith.constant 8 : i32
      %parallel_loop3A_712 = arith.addi %parallel_loop3A_710, %parallel_loop3A_711 : i32
      %parallel_loop3A_713 = arith.index_cast %parallel_loop3A_712 : i32 to index
      %parallel_loop3A_714 = arith.constant 0 : index
      %parallel_loop3A_715 = tpu.vector_load %arg12[%parallel_loop3A_713, %parallel_loop3A_714] {strides = array<i32>} : memref<128x16xf32, #tpu.memory_space<vmem>>, vector<1x16xf32>,
      %parallel_loop3A_716 = vector.shape_cast %parallel_loop3A_715 : vector<1x16xf32> to vector<16xf32>
      %parallel_loop3A_717 = arith.constant 16 : i32
      %parallel_loop3A_718 = arith.muli %parallel_loop3A_518, %parallel_loop3A_717 : i32
      %parallel_loop3A_719 = arith.constant 9 : i32
      %parallel_loop3A_720 = arith.addi %parallel_loop3A_718, %parallel_loop3A_719 : i32
      %parallel_loop3A_721 = arith.index_cast %parallel_loop3A_720 : i32 to index
      %parallel_loop3A_722 = arith.constant 0 : index
      %parallel_loop3A_723 = tpu.vector_load %arg12[%parallel_loop3A_721, %parallel_loop3A_722] {strides = array<i32>} : memref<128x16xf32, #tpu.memory_space<vmem>>, vector<1x16xf32>,
      %parallel_loop3A_724 = vector.shape_cast %parallel_loop3A_723 : vector<1x16xf32> to vector<16xf32>
      %parallel_loop3A_725 = arith.constant 1 : i32
      %parallel_loop3A_726 = vector.broadcast %parallel_loop3A_725 : i32 to vector<16xi32>
      %parallel_loop3A_727 = arith.xori %iota3A, %parallel_loop3A_726 : vector<16xi32>
      %parallel_loop3A_728 = vector.shape_cast %parallel_loop3A_727 : vector<16xi32> to vector<16x1xi32>
      %parallel_loop3A_729 = vector.shape_cast %parallel_loop3A_728 : vector<16x1xi32> to vector<16xi32>
      %parallel_loop3A_730 = tpu.dynamic_gather %parallel_loop3A_716[%parallel_loop3A_729] in [0] : vector<16xf32>, vector<16xi32> -> vector<16xf32>
      %parallel_loop3A_731 = arith.addf %parallel_loop3A_716, %parallel_loop3A_730 : vector<16xf32>
      %parallel_loop3A_732 = vector.shape_cast %parallel_loop3A_727 : vector<16xi32> to vector<16x1xi32>
      %parallel_loop3A_733 = vector.shape_cast %parallel_loop3A_732 : vector<16x1xi32> to vector<16xi32>
      %parallel_loop3A_734 = tpu.dynamic_gather %parallel_loop3A_724[%parallel_loop3A_733] in [0] : vector<16xf32>, vector<16xi32> -> vector<16xf32>
      %parallel_loop3A_735 = arith.addf %parallel_loop3A_724, %parallel_loop3A_734 : vector<16xf32>
      %parallel_loop3A_736 = arith.constant 1 : i32
      %parallel_loop3A_737 = vector.broadcast %parallel_loop3A_736 : i32 to vector<16xi32>
      %parallel_loop3A_738 = arith.andi %iota3A, %parallel_loop3A_737 : vector<16xi32>
      %parallel_loop3A_739 = arith.constant 0 : i32
      %parallel_loop3A_740 = vector.broadcast %parallel_loop3A_739 : i32 to vector<16xi32>
      %parallel_loop3A_741 = arith.cmpi eq, %parallel_loop3A_738, %parallel_loop3A_740 : vector<16xi32>
      %parallel_loop3A_742 = arith.select %parallel_loop3A_741, %parallel_loop3A_731, %parallel_loop3A_735 : vector<16xi1>, vector<16xf32>
      %parallel_loop3A_743 = arith.constant 16 : i32
      %parallel_loop3A_744 = arith.muli %parallel_loop3A_518, %parallel_loop3A_743 : i32
      %parallel_loop3A_745 = arith.constant 10 : i32
      %parallel_loop3A_746 = arith.addi %parallel_loop3A_744, %parallel_loop3A_745 : i32
      %parallel_loop3A_747 = arith.index_cast %parallel_loop3A_746 : i32 to index
      %parallel_loop3A_748 = arith.constant 0 : index
      %parallel_loop3A_749 = tpu.vector_load %arg12[%parallel_loop3A_747, %parallel_loop3A_748] {strides = array<i32>} : memref<128x16xf32, #tpu.memory_space<vmem>>, vector<1x16xf32>,
      %parallel_loop3A_750 = vector.shape_cast %parallel_loop3A_749 : vector<1x16xf32> to vector<16xf32>
      %parallel_loop3A_751 = arith.constant 16 : i32
      %parallel_loop3A_752 = arith.muli %parallel_loop3A_518, %parallel_loop3A_751 : i32
      %parallel_loop3A_753 = arith.constant 11 : i32
      %parallel_loop3A_754 = arith.addi %parallel_loop3A_752, %parallel_loop3A_753 : i32
      %parallel_loop3A_755 = arith.index_cast %parallel_loop3A_754 : i32 to index
      %parallel_loop3A_756 = arith.constant 0 : index
      %parallel_loop3A_757 = tpu.vector_load %arg12[%parallel_loop3A_755, %parallel_loop3A_756] {strides = array<i32>} : memref<128x16xf32, #tpu.memory_space<vmem>>, vector<1x16xf32>,
      %parallel_loop3A_758 = vector.shape_cast %parallel_loop3A_757 : vector<1x16xf32> to vector<16xf32>
      %parallel_loop3A_759 = arith.constant 1 : i32
      %parallel_loop3A_760 = vector.broadcast %parallel_loop3A_759 : i32 to vector<16xi32>
      %parallel_loop3A_761 = arith.xori %iota3A, %parallel_loop3A_760 : vector<16xi32>
      %parallel_loop3A_762 = vector.shape_cast %parallel_loop3A_761 : vector<16xi32> to vector<16x1xi32>
      %parallel_loop3A_763 = vector.shape_cast %parallel_loop3A_762 : vector<16x1xi32> to vector<16xi32>
      %parallel_loop3A_764 = tpu.dynamic_gather %parallel_loop3A_750[%parallel_loop3A_763] in [0] : vector<16xf32>, vector<16xi32> -> vector<16xf32>
      %parallel_loop3A_765 = arith.addf %parallel_loop3A_750, %parallel_loop3A_764 : vector<16xf32>
      %parallel_loop3A_766 = vector.shape_cast %parallel_loop3A_761 : vector<16xi32> to vector<16x1xi32>
      %parallel_loop3A_767 = vector.shape_cast %parallel_loop3A_766 : vector<16x1xi32> to vector<16xi32>
      %parallel_loop3A_768 = tpu.dynamic_gather %parallel_loop3A_758[%parallel_loop3A_767] in [0] : vector<16xf32>, vector<16xi32> -> vector<16xf32>
      %parallel_loop3A_769 = arith.addf %parallel_loop3A_758, %parallel_loop3A_768 : vector<16xf32>
      %parallel_loop3A_770 = arith.constant 1 : i32
      %parallel_loop3A_771 = vector.broadcast %parallel_loop3A_770 : i32 to vector<16xi32>
      %parallel_loop3A_772 = arith.andi %iota3A, %parallel_loop3A_771 : vector<16xi32>
      %parallel_loop3A_773 = arith.constant 0 : i32
      %parallel_loop3A_774 = vector.broadcast %parallel_loop3A_773 : i32 to vector<16xi32>
      %parallel_loop3A_775 = arith.cmpi eq, %parallel_loop3A_772, %parallel_loop3A_774 : vector<16xi32>
      %parallel_loop3A_776 = arith.select %parallel_loop3A_775, %parallel_loop3A_765, %parallel_loop3A_769 : vector<16xi1>, vector<16xf32>
      %parallel_loop3A_777 = arith.constant 2 : i32
      %parallel_loop3A_778 = vector.broadcast %parallel_loop3A_777 : i32 to vector<16xi32>
      %parallel_loop3A_779 = arith.xori %iota3A, %parallel_loop3A_778 : vector<16xi32>
      %parallel_loop3A_780 = vector.shape_cast %parallel_loop3A_779 : vector<16xi32> to vector<16x1xi32>
      %parallel_loop3A_781 = vector.shape_cast %parallel_loop3A_780 : vector<16x1xi32> to vector<16xi32>
      %parallel_loop3A_782 = tpu.dynamic_gather %parallel_loop3A_742[%parallel_loop3A_781] in [0] : vector<16xf32>, vector<16xi32> -> vector<16xf32>
      %parallel_loop3A_783 = arith.addf %parallel_loop3A_742, %parallel_loop3A_782 : vector<16xf32>
      %parallel_loop3A_784 = vector.shape_cast %parallel_loop3A_779 : vector<16xi32> to vector<16x1xi32>
      %parallel_loop3A_785 = vector.shape_cast %parallel_loop3A_784 : vector<16x1xi32> to vector<16xi32>
      %parallel_loop3A_786 = tpu.dynamic_gather %parallel_loop3A_776[%parallel_loop3A_785] in [0] : vector<16xf32>, vector<16xi32> -> vector<16xf32>
      %parallel_loop3A_787 = arith.addf %parallel_loop3A_776, %parallel_loop3A_786 : vector<16xf32>
      %parallel_loop3A_788 = arith.constant 2 : i32
      %parallel_loop3A_789 = vector.broadcast %parallel_loop3A_788 : i32 to vector<16xi32>
      %parallel_loop3A_790 = arith.andi %iota3A, %parallel_loop3A_789 : vector<16xi32>
      %parallel_loop3A_791 = arith.constant 0 : i32
      %parallel_loop3A_792 = vector.broadcast %parallel_loop3A_791 : i32 to vector<16xi32>
      %parallel_loop3A_793 = arith.cmpi eq, %parallel_loop3A_790, %parallel_loop3A_792 : vector<16xi32>
      %parallel_loop3A_794 = arith.select %parallel_loop3A_793, %parallel_loop3A_783, %parallel_loop3A_787 : vector<16xi1>, vector<16xf32>
      %parallel_loop3A_795 = arith.constant 16 : i32
      %parallel_loop3A_796 = arith.muli %parallel_loop3A_518, %parallel_loop3A_795 : i32
      %parallel_loop3A_797 = arith.constant 12 : i32
      %parallel_loop3A_798 = arith.addi %parallel_loop3A_796, %parallel_loop3A_797 : i32
      %parallel_loop3A_799 = arith.index_cast %parallel_loop3A_798 : i32 to index
      %parallel_loop3A_800 = arith.constant 0 : index
      %parallel_loop3A_801 = tpu.vector_load %arg12[%parallel_loop3A_799, %parallel_loop3A_800] {strides = array<i32>} : memref<128x16xf32, #tpu.memory_space<vmem>>, vector<1x16xf32>,
      %parallel_loop3A_802 = vector.shape_cast %parallel_loop3A_801 : vector<1x16xf32> to vector<16xf32>
      %parallel_loop3A_803 = arith.constant 16 : i32
      %parallel_loop3A_804 = arith.muli %parallel_loop3A_518, %parallel_loop3A_803 : i32
      %parallel_loop3A_805 = arith.constant 13 : i32
      %parallel_loop3A_806 = arith.addi %parallel_loop3A_804, %parallel_loop3A_805 : i32
      %parallel_loop3A_807 = arith.index_cast %parallel_loop3A_806 : i32 to index
      %parallel_loop3A_808 = arith.constant 0 : index
      %parallel_loop3A_809 = tpu.vector_load %arg12[%parallel_loop3A_807, %parallel_loop3A_808] {strides = array<i32>} : memref<128x16xf32, #tpu.memory_space<vmem>>, vector<1x16xf32>,
      %parallel_loop3A_810 = vector.shape_cast %parallel_loop3A_809 : vector<1x16xf32> to vector<16xf32>
      %parallel_loop3A_811 = arith.constant 1 : i32
      %parallel_loop3A_812 = vector.broadcast %parallel_loop3A_811 : i32 to vector<16xi32>
      %parallel_loop3A_813 = arith.xori %iota3A, %parallel_loop3A_812 : vector<16xi32>
      %parallel_loop3A_814 = vector.shape_cast %parallel_loop3A_813 : vector<16xi32> to vector<16x1xi32>
      %parallel_loop3A_815 = vector.shape_cast %parallel_loop3A_814 : vector<16x1xi32> to vector<16xi32>
      %parallel_loop3A_816 = tpu.dynamic_gather %parallel_loop3A_802[%parallel_loop3A_815] in [0] : vector<16xf32>, vector<16xi32> -> vector<16xf32>
      %parallel_loop3A_817 = arith.addf %parallel_loop3A_802, %parallel_loop3A_816 : vector<16xf32>
      %parallel_loop3A_818 = vector.shape_cast %parallel_loop3A_813 : vector<16xi32> to vector<16x1xi32>
      %parallel_loop3A_819 = vector.shape_cast %parallel_loop3A_818 : vector<16x1xi32> to vector<16xi32>
      %parallel_loop3A_820 = tpu.dynamic_gather %parallel_loop3A_810[%parallel_loop3A_819] in [0] : vector<16xf32>, vector<16xi32> -> vector<16xf32>
      %parallel_loop3A_821 = arith.addf %parallel_loop3A_810, %parallel_loop3A_820 : vector<16xf32>
      %parallel_loop3A_822 = arith.constant 1 : i32
      %parallel_loop3A_823 = vector.broadcast %parallel_loop3A_822 : i32 to vector<16xi32>
      %parallel_loop3A_824 = arith.andi %iota3A, %parallel_loop3A_823 : vector<16xi32>
      %parallel_loop3A_825 = arith.constant 0 : i32
      %parallel_loop3A_826 = vector.broadcast %parallel_loop3A_825 : i32 to vector<16xi32>
      %parallel_loop3A_827 = arith.cmpi eq, %parallel_loop3A_824, %parallel_loop3A_826 : vector<16xi32>
      %parallel_loop3A_828 = arith.select %parallel_loop3A_827, %parallel_loop3A_817, %parallel_loop3A_821 : vector<16xi1>, vector<16xf32>
      %parallel_loop3A_829 = arith.constant 16 : i32
      %parallel_loop3A_830 = arith.muli %parallel_loop3A_518, %parallel_loop3A_829 : i32
      %parallel_loop3A_831 = arith.constant 14 : i32
      %parallel_loop3A_832 = arith.addi %parallel_loop3A_830, %parallel_loop3A_831 : i32
      %parallel_loop3A_833 = arith.index_cast %parallel_loop3A_832 : i32 to index
      %parallel_loop3A_834 = arith.constant 0 : index
      %parallel_loop3A_835 = tpu.vector_load %arg12[%parallel_loop3A_833, %parallel_loop3A_834] {strides = array<i32>} : memref<128x16xf32, #tpu.memory_space<vmem>>, vector<1x16xf32>,
      %parallel_loop3A_836 = vector.shape_cast %parallel_loop3A_835 : vector<1x16xf32> to vector<16xf32>
      %parallel_loop3A_837 = arith.constant 16 : i32
      %parallel_loop3A_838 = arith.muli %parallel_loop3A_518, %parallel_loop3A_837 : i32
      %parallel_loop3A_839 = arith.constant 15 : i32
      %parallel_loop3A_840 = arith.addi %parallel_loop3A_838, %parallel_loop3A_839 : i32
      %parallel_loop3A_841 = arith.index_cast %parallel_loop3A_840 : i32 to index
      %parallel_loop3A_842 = arith.constant 0 : index
      %parallel_loop3A_843 = tpu.vector_load %arg12[%parallel_loop3A_841, %parallel_loop3A_842] {strides = array<i32>} : memref<128x16xf32, #tpu.memory_space<vmem>>, vector<1x16xf32>,
      %parallel_loop3A_844 = vector.shape_cast %parallel_loop3A_843 : vector<1x16xf32> to vector<16xf32>
      %parallel_loop3A_845 = arith.constant 1 : i32
      %parallel_loop3A_846 = vector.broadcast %parallel_loop3A_845 : i32 to vector<16xi32>
      %parallel_loop3A_847 = arith.xori %iota3A, %parallel_loop3A_846 : vector<16xi32>
      %parallel_loop3A_848 = vector.shape_cast %parallel_loop3A_847 : vector<16xi32> to vector<16x1xi32>
      %parallel_loop3A_849 = vector.shape_cast %parallel_loop3A_848 : vector<16x1xi32> to vector<16xi32>
      %parallel_loop3A_850 = tpu.dynamic_gather %parallel_loop3A_836[%parallel_loop3A_849] in [0] : vector<16xf32>, vector<16xi32> -> vector<16xf32>
      %parallel_loop3A_851 = arith.addf %parallel_loop3A_836, %parallel_loop3A_850 : vector<16xf32>
      %parallel_loop3A_852 = vector.shape_cast %parallel_loop3A_847 : vector<16xi32> to vector<16x1xi32>
      %parallel_loop3A_853 = vector.shape_cast %parallel_loop3A_852 : vector<16x1xi32> to vector<16xi32>
      %parallel_loop3A_854 = tpu.dynamic_gather %parallel_loop3A_844[%parallel_loop3A_853] in [0] : vector<16xf32>, vector<16xi32> -> vector<16xf32>
      %parallel_loop3A_855 = arith.addf %parallel_loop3A_844, %parallel_loop3A_854 : vector<16xf32>
      %parallel_loop3A_856 = arith.constant 1 : i32
      %parallel_loop3A_857 = vector.broadcast %parallel_loop3A_856 : i32 to vector<16xi32>
      %parallel_loop3A_858 = arith.andi %iota3A, %parallel_loop3A_857 : vector<16xi32>
      %parallel_loop3A_859 = arith.constant 0 : i32
      %parallel_loop3A_860 = vector.broadcast %parallel_loop3A_859 : i32 to vector<16xi32>
      %parallel_loop3A_861 = arith.cmpi eq, %parallel_loop3A_858, %parallel_loop3A_860 : vector<16xi32>
      %parallel_loop3A_862 = arith.select %parallel_loop3A_861, %parallel_loop3A_851, %parallel_loop3A_855 : vector<16xi1>, vector<16xf32>
      %parallel_loop3A_863 = arith.constant 2 : i32
      %parallel_loop3A_864 = vector.broadcast %parallel_loop3A_863 : i32 to vector<16xi32>
      %parallel_loop3A_865 = arith.xori %iota3A, %parallel_loop3A_864 : vector<16xi32>
      %parallel_loop3A_866 = vector.shape_cast %parallel_loop3A_865 : vector<16xi32> to vector<16x1xi32>
      %parallel_loop3A_867 = vector.shape_cast %parallel_loop3A_866 : vector<16x1xi32> to vector<16xi32>
      %parallel_loop3A_868 = tpu.dynamic_gather %parallel_loop3A_828[%parallel_loop3A_867] in [0] : vector<16xf32>, vector<16xi32> -> vector<16xf32>
      %parallel_loop3A_869 = arith.addf %parallel_loop3A_828, %parallel_loop3A_868 : vector<16xf32>
      %parallel_loop3A_870 = vector.shape_cast %parallel_loop3A_865 : vector<16xi32> to vector<16x1xi32>
      %parallel_loop3A_871 = vector.shape_cast %parallel_loop3A_870 : vector<16x1xi32> to vector<16xi32>
      %parallel_loop3A_872 = tpu.dynamic_gather %parallel_loop3A_862[%parallel_loop3A_871] in [0] : vector<16xf32>, vector<16xi32> -> vector<16xf32>
      %parallel_loop3A_873 = arith.addf %parallel_loop3A_862, %parallel_loop3A_872 : vector<16xf32>
      %parallel_loop3A_874 = arith.constant 2 : i32
      %parallel_loop3A_875 = vector.broadcast %parallel_loop3A_874 : i32 to vector<16xi32>
      %parallel_loop3A_876 = arith.andi %iota3A, %parallel_loop3A_875 : vector<16xi32>
      %parallel_loop3A_877 = arith.constant 0 : i32
      %parallel_loop3A_878 = vector.broadcast %parallel_loop3A_877 : i32 to vector<16xi32>
      %parallel_loop3A_879 = arith.cmpi eq, %parallel_loop3A_876, %parallel_loop3A_878 : vector<16xi32>
      %parallel_loop3A_880 = arith.select %parallel_loop3A_879, %parallel_loop3A_869, %parallel_loop3A_873 : vector<16xi1>, vector<16xf32>
      %parallel_loop3A_881 = arith.constant 4 : i32
      %parallel_loop3A_882 = vector.broadcast %parallel_loop3A_881 : i32 to vector<16xi32>
      %parallel_loop3A_883 = arith.xori %iota3A, %parallel_loop3A_882 : vector<16xi32>
      %parallel_loop3A_884 = vector.shape_cast %parallel_loop3A_883 : vector<16xi32> to vector<16x1xi32>
      %parallel_loop3A_885 = vector.shape_cast %parallel_loop3A_884 : vector<16x1xi32> to vector<16xi32>
      %parallel_loop3A_886 = tpu.dynamic_gather %parallel_loop3A_794[%parallel_loop3A_885] in [0] : vector<16xf32>, vector<16xi32> -> vector<16xf32>
      %parallel_loop3A_887 = arith.addf %parallel_loop3A_794, %parallel_loop3A_886 : vector<16xf32>
      %parallel_loop3A_888 = vector.shape_cast %parallel_loop3A_883 : vector<16xi32> to vector<16x1xi32>
      %parallel_loop3A_889 = vector.shape_cast %parallel_loop3A_888 : vector<16x1xi32> to vector<16xi32>
      %parallel_loop3A_890 = tpu.dynamic_gather %parallel_loop3A_880[%parallel_loop3A_889] in [0] : vector<16xf32>, vector<16xi32> -> vector<16xf32>
      %parallel_loop3A_891 = arith.addf %parallel_loop3A_880, %parallel_loop3A_890 : vector<16xf32>
      %parallel_loop3A_892 = arith.constant 4 : i32
      %parallel_loop3A_893 = vector.broadcast %parallel_loop3A_892 : i32 to vector<16xi32>
      %parallel_loop3A_894 = arith.andi %iota3A, %parallel_loop3A_893 : vector<16xi32>
      %parallel_loop3A_895 = arith.constant 0 : i32
      %parallel_loop3A_896 = vector.broadcast %parallel_loop3A_895 : i32 to vector<16xi32>
      %parallel_loop3A_897 = arith.cmpi eq, %parallel_loop3A_894, %parallel_loop3A_896 : vector<16xi32>
      %parallel_loop3A_898 = arith.select %parallel_loop3A_897, %parallel_loop3A_887, %parallel_loop3A_891 : vector<16xi1>, vector<16xf32>
      %parallel_loop3A_899 = arith.constant 8 : i32
      %parallel_loop3A_900 = vector.broadcast %parallel_loop3A_899 : i32 to vector<16xi32>
      %parallel_loop3A_901 = arith.xori %iota3A, %parallel_loop3A_900 : vector<16xi32>
      %parallel_loop3A_902 = vector.shape_cast %parallel_loop3A_901 : vector<16xi32> to vector<16x1xi32>
      %parallel_loop3A_903 = vector.shape_cast %parallel_loop3A_902 : vector<16x1xi32> to vector<16xi32>
      %parallel_loop3A_904 = tpu.dynamic_gather %parallel_loop3A_708[%parallel_loop3A_903] in [0] : vector<16xf32>, vector<16xi32> -> vector<16xf32>
      %parallel_loop3A_905 = arith.addf %parallel_loop3A_708, %parallel_loop3A_904 : vector<16xf32>
      %parallel_loop3A_906 = vector.shape_cast %parallel_loop3A_901 : vector<16xi32> to vector<16x1xi32>
      %parallel_loop3A_907 = vector.shape_cast %parallel_loop3A_906 : vector<16x1xi32> to vector<16xi32>
      %parallel_loop3A_908 = tpu.dynamic_gather %parallel_loop3A_898[%parallel_loop3A_907] in [0] : vector<16xf32>, vector<16xi32> -> vector<16xf32>
      %parallel_loop3A_909 = arith.addf %parallel_loop3A_898, %parallel_loop3A_908 : vector<16xf32>
      %parallel_loop3A_910 = arith.constant 8 : i32
      %parallel_loop3A_911 = vector.broadcast %parallel_loop3A_910 : i32 to vector<16xi32>
      %parallel_loop3A_912 = arith.andi %iota3A, %parallel_loop3A_911 : vector<16xi32>
      %parallel_loop3A_913 = arith.constant 0 : i32
      %parallel_loop3A_914 = vector.broadcast %parallel_loop3A_913 : i32 to vector<16xi32>
      %parallel_loop3A_915 = arith.cmpi eq, %parallel_loop3A_912, %parallel_loop3A_914 : vector<16xi32>
      %parallel_loop3A_916 = arith.select %parallel_loop3A_915, %parallel_loop3A_905, %parallel_loop3A_909 : vector<16xi1>, vector<16xf32>
      %parallel_loop3A_917 = arith.constant 16 : i32
      %parallel_loop3A_918 = arith.muli %parallel_loop3A_518, %parallel_loop3A_917 : i32
      %parallel_loop3A_919 = arith.constant 0 : i32
      %parallel_loop3A_920 = arith.index_cast %parallel_loop3A_919 : i32 to index
      %parallel_loop3A_921 = arith.index_cast %parallel_loop3A_918 : i32 to index
      %parallel_loop3A_922 = tpu.vector_load %arg11[%parallel_loop3A_920, %parallel_loop3A_921] {strides = array<i32>} : memref<2x128xf32, #tpu.memory_space<vmem>>, vector<1x16xf32>,
      %parallel_loop3A_923 = vector.shape_cast %parallel_loop3A_922 : vector<1x16xf32> to vector<16xf32>
      %parallel_loop3A_924 = vector.shape_cast %parallel_loop3A_916 : vector<16xf32> to vector<1x16xf32>
      tpu.vector_store %arg11[%parallel_loop3A_920, %parallel_loop3A_921], %parallel_loop3A_924 {strides = array<i32>} : memref<2x128xf32, #tpu.memory_space<vmem>>, vector<1x16xf32>,
    } {sc.loop_unroll_factor = 1 : i64, sc.parallel_access}
    %mul3A_155 = arith.constant 512 : i32
    %mul3A_156 = arith.muli %add3A, %mul3A_155 : i32
    %add3A_157 = arith.constant 0 : i32
    %add3A_158 = arith.addi %mul3A_156, %add3A_157 : i32
    %dma_start3A_159 = arith.constant 0 : i32
    %dma_start3A_160 = arith.constant 0 : i32
    %dma_start3A_161 = arith.constant 0 : i32
    %dma_start3A_162 = tpu.memref_slice %arg11[%dma_start3A_159, %dma_start3A_161] : memref<2x128xf32, #tpu.memory_space<vmem>> -> memref<1x128xf32, #tpu.memory_space<vmem>>
    %dma_start3A_163 = tpu.memref_squeeze %dma_start3A_162 : memref<1x128xf32, #tpu.memory_space<vmem>> -> memref<128xf32, #tpu.memory_space<vmem>>
    %dma_start3A_164 = tpu.memref_slice %arg6[%add3A_158] : memref<16384xf32, #tpu.memory_space<hbm>> -> memref<128xf32, #tpu.memory_space<hbm>>
    %dma_start3A_165 = tpu.memref_slice %arg18[%dma_start3A_160] : memref<2x!tpu.dma_semaphore, #tpu.memory_space<semaphore_mem>> -> memref<1x!tpu.dma_semaphore, #tpu.memory_space<semaphore_mem>>
    %dma_start3A_166 = tpu.memref_squeeze %dma_start3A_165 : memref<1x!tpu.dma_semaphore, #tpu.memory_space<semaphore_mem>> -> memref<!tpu.dma_semaphore, #tpu.memory_space<semaphore_mem>>
    %dma_start3A_167 = tpu.memref_slice %arg6[%add3A_158] : memref<16384xf32, #tpu.memory_space<hbm>> -> memref<128xf32, #tpu.memory_space<hbm>>
    %dma_start3A_168 = arith.constant 0 : i32
    %dma_start3A_169 = tpu.memref_slice %arg11[%dma_start3A_159, %dma_start3A_168] : memref<2x128xf32, #tpu.memory_space<vmem>> -> memref<1x128xf32, #tpu.memory_space<vmem>>
    %dma_start3A_170 = tpu.memref_squeeze %dma_start3A_169 : memref<1x128xf32, #tpu.memory_space<vmem>> -> memref<128xf32, #tpu.memory_space<vmem>>
    tpu.enqueue_dma source(%dma_start3A_170 : memref<128xf32, #tpu.memory_space<vmem>>) target(%dma_start3A_167 : memref<128xf32, #tpu.memory_space<hbm>>) target_semaphore(%dma_start3A_166 : memref<!tpu.dma_semaphore, #tpu.memory_space<semaphore_mem>>)
    %mul3A_171 = arith.constant 512 : i32
    %mul3A_172 = arith.muli %add3A, %mul3A_171 : i32
    %add3A_173 = arith.constant 256 : i32
    %add3A_174 = arith.addi %mul3A_172, %add3A_173 : i32
    %dma_start3A_175 = arith.constant 0 : i32
    %dma_start3A_176 = arith.constant 0 : i32
    %dma_start3A_177 = arith.constant 0 : i32
    %dma_start3A_178 = arith.constant 0 : i32
    %dma_start3A_179 = tpu.memref_slice %arg8[%dma_start3A_175, %dma_start3A_177, %dma_start3A_178] : memref<2x128x128xf32, #tpu.memory_space<vmem>> -> memref<1x128x128xf32, #tpu.memory_space<vmem>>
    %dma_start3A_180 = tpu.memref_squeeze %dma_start3A_179 : memref<1x128x128xf32, #tpu.memory_space<vmem>> -> memref<128x128xf32, #tpu.memory_space<vmem>>
    %dma_start3A_181 = arith.constant 0 : i32
    %dma_start3A_182 = tpu.memref_slice %arg2[%add3A_174, %dma_start3A_181] : memref<16384x128xf32, #tpu.memory_space<hbm>> -> memref<128x128xf32, #tpu.memory_space<hbm>>
    %dma_start3A_183 = tpu.memref_slice %arg15[%dma_start3A_176] : memref<2x!tpu.dma_semaphore, #tpu.memory_space<semaphore_mem>> -> memref<1x!tpu.dma_semaphore, #tpu.memory_space<semaphore_mem>>
    %dma_start3A_184 = tpu.memref_squeeze %dma_start3A_183 : memref<1x!tpu.dma_semaphore, #tpu.memory_space<semaphore_mem>> -> memref<!tpu.dma_semaphore, #tpu.memory_space<semaphore_mem>>
    %dma_start3A_185 = arith.constant 0 : i32
    %dma_start3A_186 = arith.constant 0 : i32
    %dma_start3A_187 = tpu.memref_slice %arg8[%dma_start3A_175, %dma_start3A_185, %dma_start3A_186] : memref<2x128x128xf32, #tpu.memory_space<vmem>> -> memref<1x128x128xf32, #tpu.memory_space<vmem>>
    %dma_start3A_188 = tpu.memref_squeeze %dma_start3A_187 : memref<1x128x128xf32, #tpu.memory_space<vmem>> -> memref<128x128xf32, #tpu.memory_space<vmem>>
    %dma_start3A_189 = arith.constant 0 : i32
    %dma_start3A_190 = tpu.memref_slice %arg2[%add3A_174, %dma_start3A_189] : memref<16384x128xf32, #tpu.memory_space<hbm>> -> memref<128x128xf32, #tpu.memory_space<hbm>>
    tpu.enqueue_dma source(%dma_start3A_190 : memref<128x128xf32, #tpu.memory_space<hbm>>) target(%dma_start3A_188 : memref<128x128xf32, #tpu.memory_space<vmem>>) target_semaphore(%dma_start3A_184 : memref<!tpu.dma_semaphore, #tpu.memory_space<semaphore_mem>>)
    %dma_start3A_191 = arith.constant 0 : i32
    %dma_start3A_192 = arith.constant 0 : i32
    %dma_start3A_193 = arith.constant 0 : i32
    %dma_start3A_194 = arith.constant 0 : i32
    %dma_start3A_195 = tpu.memref_slice %arg9[%dma_start3A_191, %dma_start3A_193, %dma_start3A_194] : memref<2x128x128xf32, #tpu.memory_space<vmem>> -> memref<1x128x128xf32, #tpu.memory_space<vmem>>
    %dma_start3A_196 = tpu.memref_squeeze %dma_start3A_195 : memref<1x128x128xf32, #tpu.memory_space<vmem>> -> memref<128x128xf32, #tpu.memory_space<vmem>>
    %dma_start3A_197 = arith.constant 0 : i32
    %dma_start3A_198 = tpu.memref_slice %arg4[%add3A_174, %dma_start3A_197] : memref<16384x128xf32, #tpu.memory_space<hbm>> -> memref<128x128xf32, #tpu.memory_space<hbm>>
    %dma_start3A_199 = tpu.memref_slice %arg16[%dma_start3A_192] : memref<2x!tpu.dma_semaphore, #tpu.memory_space<semaphore_mem>> -> memref<1x!tpu.dma_semaphore, #tpu.memory_space<semaphore_mem>>
    %dma_start3A_200 = tpu.memref_squeeze %dma_start3A_199 : memref<1x!tpu.dma_semaphore, #tpu.memory_space<semaphore_mem>> -> memref<!tpu.dma_semaphore, #tpu.memory_space<semaphore_mem>>
    %dma_start3A_201 = arith.constant 0 : i32
    %dma_start3A_202 = arith.constant 0 : i32
    %dma_start3A_203 = tpu.memref_slice %arg9[%dma_start3A_191, %dma_start3A_201, %dma_start3A_202] : memref<2x128x128xf32, #tpu.memory_space<vmem>> -> memref<1x128x128xf32, #tpu.memory_space<vmem>>
    %dma_start3A_204 = tpu.memref_squeeze %dma_start3A_203 : memref<1x128x128xf32, #tpu.memory_space<vmem>> -> memref<128x128xf32, #tpu.memory_space<vmem>>
    %dma_start3A_205 = arith.constant 0 : i32
    %dma_start3A_206 = tpu.memref_slice %arg4[%add3A_174, %dma_start3A_205] : memref<16384x128xf32, #tpu.memory_space<hbm>> -> memref<128x128xf32, #tpu.memory_space<hbm>>
    tpu.enqueue_dma source(%dma_start3A_206 : memref<128x128xf32, #tpu.memory_space<hbm>>) target(%dma_start3A_204 : memref<128x128xf32, #tpu.memory_space<vmem>>) target_semaphore(%dma_start3A_200 : memref<!tpu.dma_semaphore, #tpu.memory_space<semaphore_mem>>)
    %dma_start3A_207 = arith.constant 0 : i32
    %dma_start3A_208 = arith.constant 0 : i32
    %dma_start3A_209 = arith.constant 0 : i32
    %dma_start3A_210 = arith.constant 0 : i32
    %dma_start3A_211 = tpu.memref_slice %arg10[%dma_start3A_207, %dma_start3A_209, %dma_start3A_210] : memref<2x128x128xf32, #tpu.memory_space<vmem>> -> memref<1x128x128xf32, #tpu.memory_space<vmem>>
    %dma_start3A_212 = tpu.memref_squeeze %dma_start3A_211 : memref<1x128x128xf32, #tpu.memory_space<vmem>> -> memref<128x128xf32, #tpu.memory_space<vmem>>
    %dma_start3A_213 = arith.constant 256 : i32
    %dma_start3A_214 = tpu.memref_slice %arg7[%dma_start3A_213] : memref<512xi32, #tpu.memory_space<vmem>> -> memref<128xi32, #tpu.memory_space<vmem>>
    %dma_start3A_215 = arith.constant 0 : i32
    %dma_start3A_216 = arith.constant 0 : i32
    %dma_start3A_217 = tpu.memref_slice %arg13[%dma_start3A_215, %dma_start3A_216] : memref<1000x128xf32, #tpu.memory_space<vmem_shared>> -> memref<1000x128xf32, #tpu.memory_space<vmem_shared>>
    %dma_start3A_218 = tpu.memref_slice %arg17[%dma_start3A_208] : memref<2x!tpu.dma_semaphore, #tpu.memory_space<semaphore_mem>> -> memref<1x!tpu.dma_semaphore, #tpu.memory_space<semaphore_mem>>
    %dma_start3A_219 = tpu.memref_squeeze %dma_start3A_218 : memref<1x!tpu.dma_semaphore, #tpu.memory_space<semaphore_mem>> -> memref<!tpu.dma_semaphore, #tpu.memory_space<semaphore_mem>>
    tpu.enqueue_indirect_dma source(%dma_start3A_217 : memref<1000x128xf32, #tpu.memory_space<vmem_shared>>) target(%dma_start3A_212 : memref<128x128xf32, #tpu.memory_space<vmem>>) offsets(%dma_start3A_214 : memref<128xi32, #tpu.memory_space<vmem>>) semaphore(%dma_start3A_219 : memref<!tpu.dma_semaphore, #tpu.memory_space<semaphore_mem>>)
    %dma_wait3A_220 = arith.constant 1 : i32
    %dma_wait3A_221 = arith.constant 1 : i32
    %dma_wait3A_222 = arith.constant 0 : i32
    %dma_wait3A_223 = arith.constant 0 : i32
    %dma_wait3A_224 = tpu.memref_slice %arg8[%dma_wait3A_220, %dma_wait3A_222, %dma_wait3A_223] : memref<2x128x128xf32, #tpu.memory_space<vmem>> -> memref<1x128x128xf32, #tpu.memory_space<vmem>>
    %dma_wait3A_225 = tpu.memref_squeeze %dma_wait3A_224 : memref<1x128x128xf32, #tpu.memory_space<vmem>> -> memref<128x128xf32, #tpu.memory_space<vmem>>
    %dma_wait3A_226 = arith.constant 0 : i32
    %dma_wait3A_227 = tpu.memref_slice %arg2[%add3A_59, %dma_wait3A_226] : memref<16384x128xf32, #tpu.memory_space<hbm>> -> memref<128x128xf32, #tpu.memory_space<hbm>>
    %dma_wait3A_228 = tpu.memref_slice %arg15[%dma_wait3A_221] : memref<2x!tpu.dma_semaphore, #tpu.memory_space<semaphore_mem>> -> memref<1x!tpu.dma_semaphore, #tpu.memory_space<semaphore_mem>>
    %dma_wait3A_229 = tpu.memref_squeeze %dma_wait3A_228 : memref<1x!tpu.dma_semaphore, #tpu.memory_space<semaphore_mem>> -> memref<!tpu.dma_semaphore, #tpu.memory_space<semaphore_mem>>
    %dma_wait3A_230 = arith.constant 0 : i32
    %dma_wait3A_231 = arith.constant 0 : i32
    %dma_wait3A_232 = tpu.memref_slice %arg8[%dma_wait3A_220, %dma_wait3A_230, %dma_wait3A_231] : memref<2x128x128xf32, #tpu.memory_space<vmem>> -> memref<1x128x128xf32, #tpu.memory_space<vmem>>
    %dma_wait3A_233 = tpu.memref_squeeze %dma_wait3A_232 : memref<1x128x128xf32, #tpu.memory_space<vmem>> -> memref<128x128xf32, #tpu.memory_space<vmem>>
    %dma_wait3A_234 = arith.constant 0 : i32
    %dma_wait3A_235 = tpu.memref_slice %arg2[%add3A_59, %dma_wait3A_234] : memref<16384x128xf32, #tpu.memory_space<hbm>> -> memref<128x128xf32, #tpu.memory_space<hbm>>
    tpu.wait_dma2 semaphore(%dma_wait3A_229 : memref<!tpu.dma_semaphore, #tpu.memory_space<semaphore_mem>>) src(%dma_wait3A_235 : memref<128x128xf32, #tpu.memory_space<hbm>>) dst(%dma_wait3A_233 : memref<128x128xf32, #tpu.memory_space<vmem>>)
    %dma_wait3A_236 = arith.constant 1 : i32
    %dma_wait3A_237 = arith.constant 1 : i32
    %dma_wait3A_238 = arith.constant 0 : i32
    %dma_wait3A_239 = arith.constant 0 : i32
    %dma_wait3A_240 = tpu.memref_slice %arg9[%dma_wait3A_236, %dma_wait3A_238, %dma_wait3A_239] : memref<2x128x128xf32, #tpu.memory_space<vmem>> -> memref<1x128x128xf32, #tpu.memory_space<vmem>>
    %dma_wait3A_241 = tpu.memref_squeeze %dma_wait3A_240 : memref<1x128x128xf32, #tpu.memory_space<vmem>> -> memref<128x128xf32, #tpu.memory_space<vmem>>
    %dma_wait3A_242 = arith.constant 0 : i32
    %dma_wait3A_243 = tpu.memref_slice %arg4[%add3A_59, %dma_wait3A_242] : memref<16384x128xf32, #tpu.memory_space<hbm>> -> memref<128x128xf32, #tpu.memory_space<hbm>>
    %dma_wait3A_244 = tpu.memref_slice %arg16[%dma_wait3A_237] : memref<2x!tpu.dma_semaphore, #tpu.memory_space<semaphore_mem>> -> memref<1x!tpu.dma_semaphore, #tpu.memory_space<semaphore_mem>>
    %dma_wait3A_245 = tpu.memref_squeeze %dma_wait3A_244 : memref<1x!tpu.dma_semaphore, #tpu.memory_space<semaphore_mem>> -> memref<!tpu.dma_semaphore, #tpu.memory_space<semaphore_mem>>
    %dma_wait3A_246 = arith.constant 0 : i32
    %dma_wait3A_247 = arith.constant 0 : i32
    %dma_wait3A_248 = tpu.memref_slice %arg9[%dma_wait3A_236, %dma_wait3A_246, %dma_wait3A_247] : memref<2x128x128xf32, #tpu.memory_space<vmem>> -> memref<1x128x128xf32, #tpu.memory_space<vmem>>
    %dma_wait3A_249 = tpu.memref_squeeze %dma_wait3A_248 : memref<1x128x128xf32, #tpu.memory_space<vmem>> -> memref<128x128xf32, #tpu.memory_space<vmem>>
    %dma_wait3A_250 = arith.constant 0 : i32
    %dma_wait3A_251 = tpu.memref_slice %arg4[%add3A_59, %dma_wait3A_250] : memref<16384x128xf32, #tpu.memory_space<hbm>> -> memref<128x128xf32, #tpu.memory_space<hbm>>
    tpu.wait_dma2 semaphore(%dma_wait3A_245 : memref<!tpu.dma_semaphore, #tpu.memory_space<semaphore_mem>>) src(%dma_wait3A_251 : memref<128x128xf32, #tpu.memory_space<hbm>>) dst(%dma_wait3A_249 : memref<128x128xf32, #tpu.memory_space<vmem>>)
    %dma_wait3A_252 = arith.constant 1 : i32
    %dma_wait3A_253 = arith.constant 1 : i32
    %dma_wait3A_254 = arith.constant 0 : i32
    %dma_wait3A_255 = arith.constant 0 : i32
    %dma_wait3A_256 = tpu.memref_slice %arg10[%dma_wait3A_252, %dma_wait3A_254, %dma_wait3A_255] : memref<2x128x128xf32, #tpu.memory_space<vmem>> -> memref<1x128x128xf32, #tpu.memory_space<vmem>>
    %dma_wait3A_257 = tpu.memref_squeeze %dma_wait3A_256 : memref<1x128x128xf32, #tpu.memory_space<vmem>> -> memref<128x128xf32, #tpu.memory_space<vmem>>
    %dma_wait3A_258 = arith.constant 128 : i32
    %dma_wait3A_259 = tpu.memref_slice %arg7[%dma_wait3A_258] : memref<512xi32, #tpu.memory_space<vmem>> -> memref<128xi32, #tpu.memory_space<vmem>>
    %dma_wait3A_260 = arith.constant 0 : i32
    %dma_wait3A_261 = arith.constant 0 : i32
    %dma_wait3A_262 = tpu.memref_slice %arg13[%dma_wait3A_260, %dma_wait3A_261] : memref<1000x128xf32, #tpu.memory_space<vmem_shared>> -> memref<1000x128xf32, #tpu.memory_space<vmem_shared>>
    %dma_wait3A_263 = tpu.memref_slice %arg17[%dma_wait3A_253] : memref<2x!tpu.dma_semaphore, #tpu.memory_space<semaphore_mem>> -> memref<1x!tpu.dma_semaphore, #tpu.memory_space<semaphore_mem>>
    %dma_wait3A_264 = tpu.memref_squeeze %dma_wait3A_263 : memref<1x!tpu.dma_semaphore, #tpu.memory_space<semaphore_mem>> -> memref<!tpu.dma_semaphore, #tpu.memory_space<semaphore_mem>>
    tpu.wait_indirect_dma semaphore(%dma_wait3A_264 : memref<!tpu.dma_semaphore, #tpu.memory_space<semaphore_mem>>) src(%dma_wait3A_262 : memref<1000x128xf32, #tpu.memory_space<vmem_shared>>) dst(%dma_wait3A_257 : memref<128x128xf32, #tpu.memory_space<vmem>>)
    %parallel_loop3A_265 = arith.constant 0 : i32
    %parallel_loop3A_266 = arith.constant 128 : i32
    %parallel_loop3A_267 = arith.constant 1 : i32
    scf.for %parallel_loop3A_518 = %parallel_loop3A_265 to %parallel_loop3A_266 step %parallel_loop3A_267  : i32 {
      %parallel_loop3A_519 = arith.constant 1 : i32
      %parallel_loop3A_520 = arith.index_cast %parallel_loop3A_519 : i32 to index
      %parallel_loop3A_521 = arith.index_cast %parallel_loop3A_518 : i32 to index
      %parallel_loop3A_522 = arith.constant 0 : index
      %parallel_loop3A_523 = tpu.vector_load %arg8[%parallel_loop3A_520, %parallel_loop3A_521, %parallel_loop3A_522] {strides = array<i32>} : memref<2x128x128xf32, #tpu.memory_space<vmem>>, vector<1x1x16xf32>,
      %parallel_loop3A_524 = vector.shape_cast %parallel_loop3A_523 : vector<1x1x16xf32> to vector<16xf32>
      %parallel_loop3A_525 = arith.constant 1 : i32
      %parallel_loop3A_526 = arith.index_cast %parallel_loop3A_525 : i32 to index
      %parallel_loop3A_527 = arith.index_cast %parallel_loop3A_518 : i32 to index
      %parallel_loop3A_528 = arith.constant 64 : index
      %parallel_loop3A_529 = tpu.vector_load %arg8[%parallel_loop3A_526, %parallel_loop3A_527, %parallel_loop3A_528] {strides = array<i32>} : memref<2x128x128xf32, #tpu.memory_space<vmem>>, vector<1x1x16xf32>,
      %parallel_loop3A_530 = vector.shape_cast %parallel_loop3A_529 : vector<1x1x16xf32> to vector<16xf32>
      %parallel_loop3A_531 = arith.constant 1 : i32
      %parallel_loop3A_532 = arith.index_cast %parallel_loop3A_531 : i32 to index
      %parallel_loop3A_533 = arith.index_cast %parallel_loop3A_518 : i32 to index
      %parallel_loop3A_534 = arith.constant 0 : index
      %parallel_loop3A_535 = tpu.vector_load %arg9[%parallel_loop3A_532, %parallel_loop3A_533, %parallel_loop3A_534] {strides = array<i32>} : memref<2x128x128xf32, #tpu.memory_space<vmem>>, vector<1x1x16xf32>,
      %parallel_loop3A_536 = vector.shape_cast %parallel_loop3A_535 : vector<1x1x16xf32> to vector<16xf32>
      %parallel_loop3A_537 = arith.constant 1 : i32
      %parallel_loop3A_538 = arith.index_cast %parallel_loop3A_537 : i32 to index
      %parallel_loop3A_539 = arith.index_cast %parallel_loop3A_518 : i32 to index
      %parallel_loop3A_540 = arith.constant 64 : index
      %parallel_loop3A_541 = tpu.vector_load %arg9[%parallel_loop3A_538, %parallel_loop3A_539, %parallel_loop3A_540] {strides = array<i32>} : memref<2x128x128xf32, #tpu.memory_space<vmem>>, vector<1x1x16xf32>,
      %parallel_loop3A_542 = vector.shape_cast %parallel_loop3A_541 : vector<1x1x16xf32> to vector<16xf32>
      %parallel_loop3A_543 = arith.constant 1 : i32
      %parallel_loop3A_544 = arith.index_cast %parallel_loop3A_543 : i32 to index
      %parallel_loop3A_545 = arith.index_cast %parallel_loop3A_518 : i32 to index
      %parallel_loop3A_546 = arith.constant 0 : index
      %parallel_loop3A_547 = tpu.vector_load %arg10[%parallel_loop3A_544, %parallel_loop3A_545, %parallel_loop3A_546] {strides = array<i32>} : memref<2x128x128xf32, #tpu.memory_space<vmem>>, vector<1x1x16xf32>,
      %parallel_loop3A_548 = vector.shape_cast %parallel_loop3A_547 : vector<1x1x16xf32> to vector<16xf32>
      %parallel_loop3A_549 = arith.constant 1 : i32
      %parallel_loop3A_550 = arith.index_cast %parallel_loop3A_549 : i32 to index
      %parallel_loop3A_551 = arith.index_cast %parallel_loop3A_518 : i32 to index
      %parallel_loop3A_552 = arith.constant 64 : index
      %parallel_loop3A_553 = tpu.vector_load %arg10[%parallel_loop3A_550, %parallel_loop3A_551, %parallel_loop3A_552] {strides = array<i32>} : memref<2x128x128xf32, #tpu.memory_space<vmem>>, vector<1x1x16xf32>,
      %parallel_loop3A_554 = vector.shape_cast %parallel_loop3A_553 : vector<1x1x16xf32> to vector<16xf32>
      %parallel_loop3A_555 = arith.mulf %parallel_loop3A_524, %parallel_loop3A_536 : vector<16xf32>
      %parallel_loop3A_556 = arith.mulf %parallel_loop3A_530, %parallel_loop3A_542 : vector<16xf32>
      %parallel_loop3A_557 = arith.addf %parallel_loop3A_555, %parallel_loop3A_556 : vector<16xf32>
      %parallel_loop3A_558 = arith.mulf %parallel_loop3A_548, %parallel_loop3A_557 : vector<16xf32>
      %parallel_loop3A_559 = arith.mulf %parallel_loop3A_524, %parallel_loop3A_542 : vector<16xf32>
      %parallel_loop3A_560 = arith.mulf %parallel_loop3A_530, %parallel_loop3A_536 : vector<16xf32>
      %parallel_loop3A_561 = arith.subf %parallel_loop3A_559, %parallel_loop3A_560 : vector<16xf32>
      %parallel_loop3A_562 = arith.mulf %parallel_loop3A_554, %parallel_loop3A_561 : vector<16xf32>
      %parallel_loop3A_563 = arith.addf %parallel_loop3A_558, %parallel_loop3A_562 : vector<16xf32>
      %parallel_loop3A_564 = arith.constant 1 : i32
      %parallel_loop3A_565 = arith.index_cast %parallel_loop3A_564 : i32 to index
      %parallel_loop3A_566 = arith.index_cast %parallel_loop3A_518 : i32 to index
      %parallel_loop3A_567 = arith.constant 16 : index
      %parallel_loop3A_568 = tpu.vector_load %arg8[%parallel_loop3A_565, %parallel_loop3A_566, %parallel_loop3A_567] {strides = array<i32>} : memref<2x128x128xf32, #tpu.memory_space<vmem>>, vector<1x1x16xf32>,
      %parallel_loop3A_569 = vector.shape_cast %parallel_loop3A_568 : vector<1x1x16xf32> to vector<16xf32>
      %parallel_loop3A_570 = arith.constant 1 : i32
      %parallel_loop3A_571 = arith.index_cast %parallel_loop3A_570 : i32 to index
      %parallel_loop3A_572 = arith.index_cast %parallel_loop3A_518 : i32 to index
      %parallel_loop3A_573 = arith.constant 80 : index
      %parallel_loop3A_574 = tpu.vector_load %arg8[%parallel_loop3A_571, %parallel_loop3A_572, %parallel_loop3A_573] {strides = array<i32>} : memref<2x128x128xf32, #tpu.memory_space<vmem>>, vector<1x1x16xf32>,
      %parallel_loop3A_575 = vector.shape_cast %parallel_loop3A_574 : vector<1x1x16xf32> to vector<16xf32>
      %parallel_loop3A_576 = arith.constant 1 : i32
      %parallel_loop3A_577 = arith.index_cast %parallel_loop3A_576 : i32 to index
      %parallel_loop3A_578 = arith.index_cast %parallel_loop3A_518 : i32 to index
      %parallel_loop3A_579 = arith.constant 16 : index
      %parallel_loop3A_580 = tpu.vector_load %arg9[%parallel_loop3A_577, %parallel_loop3A_578, %parallel_loop3A_579] {strides = array<i32>} : memref<2x128x128xf32, #tpu.memory_space<vmem>>, vector<1x1x16xf32>,
      %parallel_loop3A_581 = vector.shape_cast %parallel_loop3A_580 : vector<1x1x16xf32> to vector<16xf32>
      %parallel_loop3A_582 = arith.constant 1 : i32
      %parallel_loop3A_583 = arith.index_cast %parallel_loop3A_582 : i32 to index
      %parallel_loop3A_584 = arith.index_cast %parallel_loop3A_518 : i32 to index
      %parallel_loop3A_585 = arith.constant 80 : index
      %parallel_loop3A_586 = tpu.vector_load %arg9[%parallel_loop3A_583, %parallel_loop3A_584, %parallel_loop3A_585] {strides = array<i32>} : memref<2x128x128xf32, #tpu.memory_space<vmem>>, vector<1x1x16xf32>,
      %parallel_loop3A_587 = vector.shape_cast %parallel_loop3A_586 : vector<1x1x16xf32> to vector<16xf32>
      %parallel_loop3A_588 = arith.constant 1 : i32
      %parallel_loop3A_589 = arith.index_cast %parallel_loop3A_588 : i32 to index
      %parallel_loop3A_590 = arith.index_cast %parallel_loop3A_518 : i32 to index
      %parallel_loop3A_591 = arith.constant 16 : index
      %parallel_loop3A_592 = tpu.vector_load %arg10[%parallel_loop3A_589, %parallel_loop3A_590, %parallel_loop3A_591] {strides = array<i32>} : memref<2x128x128xf32, #tpu.memory_space<vmem>>, vector<1x1x16xf32>,
      %parallel_loop3A_593 = vector.shape_cast %parallel_loop3A_592 : vector<1x1x16xf32> to vector<16xf32>
      %parallel_loop3A_594 = arith.constant 1 : i32
      %parallel_loop3A_595 = arith.index_cast %parallel_loop3A_594 : i32 to index
      %parallel_loop3A_596 = arith.index_cast %parallel_loop3A_518 : i32 to index
      %parallel_loop3A_597 = arith.constant 80 : index
      %parallel_loop3A_598 = tpu.vector_load %arg10[%parallel_loop3A_595, %parallel_loop3A_596, %parallel_loop3A_597] {strides = array<i32>} : memref<2x128x128xf32, #tpu.memory_space<vmem>>, vector<1x1x16xf32>,
      %parallel_loop3A_599 = vector.shape_cast %parallel_loop3A_598 : vector<1x1x16xf32> to vector<16xf32>
      %parallel_loop3A_600 = arith.mulf %parallel_loop3A_569, %parallel_loop3A_581 : vector<16xf32>
      %parallel_loop3A_601 = arith.mulf %parallel_loop3A_575, %parallel_loop3A_587 : vector<16xf32>
      %parallel_loop3A_602 = arith.addf %parallel_loop3A_600, %parallel_loop3A_601 : vector<16xf32>
      %parallel_loop3A_603 = arith.mulf %parallel_loop3A_593, %parallel_loop3A_602 : vector<16xf32>
      %parallel_loop3A_604 = arith.mulf %parallel_loop3A_569, %parallel_loop3A_587 : vector<16xf32>
      %parallel_loop3A_605 = arith.mulf %parallel_loop3A_575, %parallel_loop3A_581 : vector<16xf32>
      %parallel_loop3A_606 = arith.subf %parallel_loop3A_604, %parallel_loop3A_605 : vector<16xf32>
      %parallel_loop3A_607 = arith.mulf %parallel_loop3A_599, %parallel_loop3A_606 : vector<16xf32>
      %parallel_loop3A_608 = arith.addf %parallel_loop3A_603, %parallel_loop3A_607 : vector<16xf32>
      %parallel_loop3A_609 = arith.addf %parallel_loop3A_563, %parallel_loop3A_608 : vector<16xf32>
      %parallel_loop3A_610 = arith.constant 1 : i32
      %parallel_loop3A_611 = arith.index_cast %parallel_loop3A_610 : i32 to index
      %parallel_loop3A_612 = arith.index_cast %parallel_loop3A_518 : i32 to index
      %parallel_loop3A_613 = arith.constant 32 : index
      %parallel_loop3A_614 = tpu.vector_load %arg8[%parallel_loop3A_611, %parallel_loop3A_612, %parallel_loop3A_613] {strides = array<i32>} : memref<2x128x128xf32, #tpu.memory_space<vmem>>, vector<1x1x16xf32>,
      %parallel_loop3A_615 = vector.shape_cast %parallel_loop3A_614 : vector<1x1x16xf32> to vector<16xf32>
      %parallel_loop3A_616 = arith.constant 1 : i32
      %parallel_loop3A_617 = arith.index_cast %parallel_loop3A_616 : i32 to index
      %parallel_loop3A_618 = arith.index_cast %parallel_loop3A_518 : i32 to index
      %parallel_loop3A_619 = arith.constant 96 : index
      %parallel_loop3A_620 = tpu.vector_load %arg8[%parallel_loop3A_617, %parallel_loop3A_618, %parallel_loop3A_619] {strides = array<i32>} : memref<2x128x128xf32, #tpu.memory_space<vmem>>, vector<1x1x16xf32>,
      %parallel_loop3A_621 = vector.shape_cast %parallel_loop3A_620 : vector<1x1x16xf32> to vector<16xf32>
      %parallel_loop3A_622 = arith.constant 1 : i32
      %parallel_loop3A_623 = arith.index_cast %parallel_loop3A_622 : i32 to index
      %parallel_loop3A_624 = arith.index_cast %parallel_loop3A_518 : i32 to index
      %parallel_loop3A_625 = arith.constant 32 : index
      %parallel_loop3A_626 = tpu.vector_load %arg9[%parallel_loop3A_623, %parallel_loop3A_624, %parallel_loop3A_625] {strides = array<i32>} : memref<2x128x128xf32, #tpu.memory_space<vmem>>, vector<1x1x16xf32>,
      %parallel_loop3A_627 = vector.shape_cast %parallel_loop3A_626 : vector<1x1x16xf32> to vector<16xf32>
      %parallel_loop3A_628 = arith.constant 1 : i32
      %parallel_loop3A_629 = arith.index_cast %parallel_loop3A_628 : i32 to index
      %parallel_loop3A_630 = arith.index_cast %parallel_loop3A_518 : i32 to index
      %parallel_loop3A_631 = arith.constant 96 : index
      %parallel_loop3A_632 = tpu.vector_load %arg9[%parallel_loop3A_629, %parallel_loop3A_630, %parallel_loop3A_631] {strides = array<i32>} : memref<2x128x128xf32, #tpu.memory_space<vmem>>, vector<1x1x16xf32>,
      %parallel_loop3A_633 = vector.shape_cast %parallel_loop3A_632 : vector<1x1x16xf32> to vector<16xf32>
      %parallel_loop3A_634 = arith.constant 1 : i32
      %parallel_loop3A_635 = arith.index_cast %parallel_loop3A_634 : i32 to index
      %parallel_loop3A_636 = arith.index_cast %parallel_loop3A_518 : i32 to index
      %parallel_loop3A_637 = arith.constant 32 : index
      %parallel_loop3A_638 = tpu.vector_load %arg10[%parallel_loop3A_635, %parallel_loop3A_636, %parallel_loop3A_637] {strides = array<i32>} : memref<2x128x128xf32, #tpu.memory_space<vmem>>, vector<1x1x16xf32>,
      %parallel_loop3A_639 = vector.shape_cast %parallel_loop3A_638 : vector<1x1x16xf32> to vector<16xf32>
      %parallel_loop3A_640 = arith.constant 1 : i32
      %parallel_loop3A_641 = arith.index_cast %parallel_loop3A_640 : i32 to index
      %parallel_loop3A_642 = arith.index_cast %parallel_loop3A_518 : i32 to index
      %parallel_loop3A_643 = arith.constant 96 : index
      %parallel_loop3A_644 = tpu.vector_load %arg10[%parallel_loop3A_641, %parallel_loop3A_642, %parallel_loop3A_643] {strides = array<i32>} : memref<2x128x128xf32, #tpu.memory_space<vmem>>, vector<1x1x16xf32>,
      %parallel_loop3A_645 = vector.shape_cast %parallel_loop3A_644 : vector<1x1x16xf32> to vector<16xf32>
      %parallel_loop3A_646 = arith.mulf %parallel_loop3A_615, %parallel_loop3A_627 : vector<16xf32>
      %parallel_loop3A_647 = arith.mulf %parallel_loop3A_621, %parallel_loop3A_633 : vector<16xf32>
      %parallel_loop3A_648 = arith.addf %parallel_loop3A_646, %parallel_loop3A_647 : vector<16xf32>
      %parallel_loop3A_649 = arith.mulf %parallel_loop3A_639, %parallel_loop3A_648 : vector<16xf32>
      %parallel_loop3A_650 = arith.mulf %parallel_loop3A_615, %parallel_loop3A_633 : vector<16xf32>
      %parallel_loop3A_651 = arith.mulf %parallel_loop3A_621, %parallel_loop3A_627 : vector<16xf32>
      %parallel_loop3A_652 = arith.subf %parallel_loop3A_650, %parallel_loop3A_651 : vector<16xf32>
      %parallel_loop3A_653 = arith.mulf %parallel_loop3A_645, %parallel_loop3A_652 : vector<16xf32>
      %parallel_loop3A_654 = arith.addf %parallel_loop3A_649, %parallel_loop3A_653 : vector<16xf32>
      %parallel_loop3A_655 = arith.addf %parallel_loop3A_609, %parallel_loop3A_654 : vector<16xf32>
      %parallel_loop3A_656 = arith.constant 1 : i32
      %parallel_loop3A_657 = arith.index_cast %parallel_loop3A_656 : i32 to index
      %parallel_loop3A_658 = arith.index_cast %parallel_loop3A_518 : i32 to index
      %parallel_loop3A_659 = arith.constant 48 : index
      %parallel_loop3A_660 = tpu.vector_load %arg8[%parallel_loop3A_657, %parallel_loop3A_658, %parallel_loop3A_659] {strides = array<i32>} : memref<2x128x128xf32, #tpu.memory_space<vmem>>, vector<1x1x16xf32>,
      %parallel_loop3A_661 = vector.shape_cast %parallel_loop3A_660 : vector<1x1x16xf32> to vector<16xf32>
      %parallel_loop3A_662 = arith.constant 1 : i32
      %parallel_loop3A_663 = arith.index_cast %parallel_loop3A_662 : i32 to index
      %parallel_loop3A_664 = arith.index_cast %parallel_loop3A_518 : i32 to index
      %parallel_loop3A_665 = arith.constant 112 : index
      %parallel_loop3A_666 = tpu.vector_load %arg8[%parallel_loop3A_663, %parallel_loop3A_664, %parallel_loop3A_665] {strides = array<i32>} : memref<2x128x128xf32, #tpu.memory_space<vmem>>, vector<1x1x16xf32>,
      %parallel_loop3A_667 = vector.shape_cast %parallel_loop3A_666 : vector<1x1x16xf32> to vector<16xf32>
      %parallel_loop3A_668 = arith.constant 1 : i32
      %parallel_loop3A_669 = arith.index_cast %parallel_loop3A_668 : i32 to index
      %parallel_loop3A_670 = arith.index_cast %parallel_loop3A_518 : i32 to index
      %parallel_loop3A_671 = arith.constant 48 : index
      %parallel_loop3A_672 = tpu.vector_load %arg9[%parallel_loop3A_669, %parallel_loop3A_670, %parallel_loop3A_671] {strides = array<i32>} : memref<2x128x128xf32, #tpu.memory_space<vmem>>, vector<1x1x16xf32>,
      %parallel_loop3A_673 = vector.shape_cast %parallel_loop3A_672 : vector<1x1x16xf32> to vector<16xf32>
      %parallel_loop3A_674 = arith.constant 1 : i32
      %parallel_loop3A_675 = arith.index_cast %parallel_loop3A_674 : i32 to index
      %parallel_loop3A_676 = arith.index_cast %parallel_loop3A_518 : i32 to index
      %parallel_loop3A_677 = arith.constant 112 : index
      %parallel_loop3A_678 = tpu.vector_load %arg9[%parallel_loop3A_675, %parallel_loop3A_676, %parallel_loop3A_677] {strides = array<i32>} : memref<2x128x128xf32, #tpu.memory_space<vmem>>, vector<1x1x16xf32>,
      %parallel_loop3A_679 = vector.shape_cast %parallel_loop3A_678 : vector<1x1x16xf32> to vector<16xf32>
      %parallel_loop3A_680 = arith.constant 1 : i32
      %parallel_loop3A_681 = arith.index_cast %parallel_loop3A_680 : i32 to index
      %parallel_loop3A_682 = arith.index_cast %parallel_loop3A_518 : i32 to index
      %parallel_loop3A_683 = arith.constant 48 : index
      %parallel_loop3A_684 = tpu.vector_load %arg10[%parallel_loop3A_681, %parallel_loop3A_682, %parallel_loop3A_683] {strides = array<i32>} : memref<2x128x128xf32, #tpu.memory_space<vmem>>, vector<1x1x16xf32>,
      %parallel_loop3A_685 = vector.shape_cast %parallel_loop3A_684 : vector<1x1x16xf32> to vector<16xf32>
      %parallel_loop3A_686 = arith.constant 1 : i32
      %parallel_loop3A_687 = arith.index_cast %parallel_loop3A_686 : i32 to index
      %parallel_loop3A_688 = arith.index_cast %parallel_loop3A_518 : i32 to index
      %parallel_loop3A_689 = arith.constant 112 : index
      %parallel_loop3A_690 = tpu.vector_load %arg10[%parallel_loop3A_687, %parallel_loop3A_688, %parallel_loop3A_689] {strides = array<i32>} : memref<2x128x128xf32, #tpu.memory_space<vmem>>, vector<1x1x16xf32>,
      %parallel_loop3A_691 = vector.shape_cast %parallel_loop3A_690 : vector<1x1x16xf32> to vector<16xf32>
      %parallel_loop3A_692 = arith.mulf %parallel_loop3A_661, %parallel_loop3A_673 : vector<16xf32>
      %parallel_loop3A_693 = arith.mulf %parallel_loop3A_667, %parallel_loop3A_679 : vector<16xf32>
      %parallel_loop3A_694 = arith.addf %parallel_loop3A_692, %parallel_loop3A_693 : vector<16xf32>
      %parallel_loop3A_695 = arith.mulf %parallel_loop3A_685, %parallel_loop3A_694 : vector<16xf32>
      %parallel_loop3A_696 = arith.mulf %parallel_loop3A_661, %parallel_loop3A_679 : vector<16xf32>
      %parallel_loop3A_697 = arith.mulf %parallel_loop3A_667, %parallel_loop3A_673 : vector<16xf32>
      %parallel_loop3A_698 = arith.subf %parallel_loop3A_696, %parallel_loop3A_697 : vector<16xf32>
      %parallel_loop3A_699 = arith.mulf %parallel_loop3A_691, %parallel_loop3A_698 : vector<16xf32>
      %parallel_loop3A_700 = arith.addf %parallel_loop3A_695, %parallel_loop3A_699 : vector<16xf32>
      %parallel_loop3A_701 = arith.addf %parallel_loop3A_655, %parallel_loop3A_700 : vector<16xf32>
      %parallel_loop3A_702 = arith.index_cast %parallel_loop3A_518 : i32 to index
      %parallel_loop3A_703 = arith.constant 0 : index
      %parallel_loop3A_704 = tpu.vector_load %arg12[%parallel_loop3A_702, %parallel_loop3A_703] {strides = array<i32>} : memref<128x16xf32, #tpu.memory_space<vmem>>, vector<1x16xf32>,
      %parallel_loop3A_705 = vector.shape_cast %parallel_loop3A_704 : vector<1x16xf32> to vector<16xf32>
      %parallel_loop3A_706 = vector.shape_cast %parallel_loop3A_701 : vector<16xf32> to vector<1x16xf32>
      tpu.vector_store %arg12[%parallel_loop3A_702, %parallel_loop3A_703], %parallel_loop3A_706 {strides = array<i32>} : memref<128x16xf32, #tpu.memory_space<vmem>>, vector<1x16xf32>,
    } {sc.loop_unroll_factor = 1 : i64, sc.parallel_access}
    %parallel_loop3A_268 = arith.constant 0 : i32
    %parallel_loop3A_269 = arith.constant 8 : i32
    %parallel_loop3A_270 = arith.constant 1 : i32
    scf.for %parallel_loop3A_518 = %parallel_loop3A_268 to %parallel_loop3A_269 step %parallel_loop3A_270  : i32 {
      %parallel_loop3A_519 = arith.constant 16 : i32
      %parallel_loop3A_520 = arith.muli %parallel_loop3A_518, %parallel_loop3A_519 : i32
      %parallel_loop3A_521 = arith.constant 0 : i32
      %parallel_loop3A_522 = arith.addi %parallel_loop3A_520, %parallel_loop3A_521 : i32
      %parallel_loop3A_523 = arith.index_cast %parallel_loop3A_522 : i32 to index
      %parallel_loop3A_524 = arith.constant 0 : index
      %parallel_loop3A_525 = tpu.vector_load %arg12[%parallel_loop3A_523, %parallel_loop3A_524] {strides = array<i32>} : memref<128x16xf32, #tpu.memory_space<vmem>>, vector<1x16xf32>,
      %parallel_loop3A_526 = vector.shape_cast %parallel_loop3A_525 : vector<1x16xf32> to vector<16xf32>
      %parallel_loop3A_527 = arith.constant 16 : i32
      %parallel_loop3A_528 = arith.muli %parallel_loop3A_518, %parallel_loop3A_527 : i32
      %parallel_loop3A_529 = arith.constant 1 : i32
      %parallel_loop3A_530 = arith.addi %parallel_loop3A_528, %parallel_loop3A_529 : i32
      %parallel_loop3A_531 = arith.index_cast %parallel_loop3A_530 : i32 to index
      %parallel_loop3A_532 = arith.constant 0 : index
      %parallel_loop3A_533 = tpu.vector_load %arg12[%parallel_loop3A_531, %parallel_loop3A_532] {strides = array<i32>} : memref<128x16xf32, #tpu.memory_space<vmem>>, vector<1x16xf32>,
      %parallel_loop3A_534 = vector.shape_cast %parallel_loop3A_533 : vector<1x16xf32> to vector<16xf32>
      %parallel_loop3A_535 = arith.constant 1 : i32
      %parallel_loop3A_536 = vector.broadcast %parallel_loop3A_535 : i32 to vector<16xi32>
      %parallel_loop3A_537 = arith.xori %iota3A, %parallel_loop3A_536 : vector<16xi32>
      %parallel_loop3A_538 = vector.shape_cast %parallel_loop3A_537 : vector<16xi32> to vector<16x1xi32>
      %parallel_loop3A_539 = vector.shape_cast %parallel_loop3A_538 : vector<16x1xi32> to vector<16xi32>
      %parallel_loop3A_540 = tpu.dynamic_gather %parallel_loop3A_526[%parallel_loop3A_539] in [0] : vector<16xf32>, vector<16xi32> -> vector<16xf32>
      %parallel_loop3A_541 = arith.addf %parallel_loop3A_526, %parallel_loop3A_540 : vector<16xf32>
      %parallel_loop3A_542 = vector.shape_cast %parallel_loop3A_537 : vector<16xi32> to vector<16x1xi32>
      %parallel_loop3A_543 = vector.shape_cast %parallel_loop3A_542 : vector<16x1xi32> to vector<16xi32>
      %parallel_loop3A_544 = tpu.dynamic_gather %parallel_loop3A_534[%parallel_loop3A_543] in [0] : vector<16xf32>, vector<16xi32> -> vector<16xf32>
      %parallel_loop3A_545 = arith.addf %parallel_loop3A_534, %parallel_loop3A_544 : vector<16xf32>
      %parallel_loop3A_546 = arith.constant 1 : i32
      %parallel_loop3A_547 = vector.broadcast %parallel_loop3A_546 : i32 to vector<16xi32>
      %parallel_loop3A_548 = arith.andi %iota3A, %parallel_loop3A_547 : vector<16xi32>
      %parallel_loop3A_549 = arith.constant 0 : i32
      %parallel_loop3A_550 = vector.broadcast %parallel_loop3A_549 : i32 to vector<16xi32>
      %parallel_loop3A_551 = arith.cmpi eq, %parallel_loop3A_548, %parallel_loop3A_550 : vector<16xi32>
      %parallel_loop3A_552 = arith.select %parallel_loop3A_551, %parallel_loop3A_541, %parallel_loop3A_545 : vector<16xi1>, vector<16xf32>
      %parallel_loop3A_553 = arith.constant 16 : i32
      %parallel_loop3A_554 = arith.muli %parallel_loop3A_518, %parallel_loop3A_553 : i32
      %parallel_loop3A_555 = arith.constant 2 : i32
      %parallel_loop3A_556 = arith.addi %parallel_loop3A_554, %parallel_loop3A_555 : i32
      %parallel_loop3A_557 = arith.index_cast %parallel_loop3A_556 : i32 to index
      %parallel_loop3A_558 = arith.constant 0 : index
      %parallel_loop3A_559 = tpu.vector_load %arg12[%parallel_loop3A_557, %parallel_loop3A_558] {strides = array<i32>} : memref<128x16xf32, #tpu.memory_space<vmem>>, vector<1x16xf32>,
      %parallel_loop3A_560 = vector.shape_cast %parallel_loop3A_559 : vector<1x16xf32> to vector<16xf32>
      %parallel_loop3A_561 = arith.constant 16 : i32
      %parallel_loop3A_562 = arith.muli %parallel_loop3A_518, %parallel_loop3A_561 : i32
      %parallel_loop3A_563 = arith.constant 3 : i32
      %parallel_loop3A_564 = arith.addi %parallel_loop3A_562, %parallel_loop3A_563 : i32
      %parallel_loop3A_565 = arith.index_cast %parallel_loop3A_564 : i32 to index
      %parallel_loop3A_566 = arith.constant 0 : index
      %parallel_loop3A_567 = tpu.vector_load %arg12[%parallel_loop3A_565, %parallel_loop3A_566] {strides = array<i32>} : memref<128x16xf32, #tpu.memory_space<vmem>>, vector<1x16xf32>,
      %parallel_loop3A_568 = vector.shape_cast %parallel_loop3A_567 : vector<1x16xf32> to vector<16xf32>
      %parallel_loop3A_569 = arith.constant 1 : i32
      %parallel_loop3A_570 = vector.broadcast %parallel_loop3A_569 : i32 to vector<16xi32>
      %parallel_loop3A_571 = arith.xori %iota3A, %parallel_loop3A_570 : vector<16xi32>
      %parallel_loop3A_572 = vector.shape_cast %parallel_loop3A_571 : vector<16xi32> to vector<16x1xi32>
      %parallel_loop3A_573 = vector.shape_cast %parallel_loop3A_572 : vector<16x1xi32> to vector<16xi32>
      %parallel_loop3A_574 = tpu.dynamic_gather %parallel_loop3A_560[%parallel_loop3A_573] in [0] : vector<16xf32>, vector<16xi32> -> vector<16xf32>
      %parallel_loop3A_575 = arith.addf %parallel_loop3A_560, %parallel_loop3A_574 : vector<16xf32>
      %parallel_loop3A_576 = vector.shape_cast %parallel_loop3A_571 : vector<16xi32> to vector<16x1xi32>
      %parallel_loop3A_577 = vector.shape_cast %parallel_loop3A_576 : vector<16x1xi32> to vector<16xi32>
      %parallel_loop3A_578 = tpu.dynamic_gather %parallel_loop3A_568[%parallel_loop3A_577] in [0] : vector<16xf32>, vector<16xi32> -> vector<16xf32>
      %parallel_loop3A_579 = arith.addf %parallel_loop3A_568, %parallel_loop3A_578 : vector<16xf32>
      %parallel_loop3A_580 = arith.constant 1 : i32
      %parallel_loop3A_581 = vector.broadcast %parallel_loop3A_580 : i32 to vector<16xi32>
      %parallel_loop3A_582 = arith.andi %iota3A, %parallel_loop3A_581 : vector<16xi32>
      %parallel_loop3A_583 = arith.constant 0 : i32
      %parallel_loop3A_584 = vector.broadcast %parallel_loop3A_583 : i32 to vector<16xi32>
      %parallel_loop3A_585 = arith.cmpi eq, %parallel_loop3A_582, %parallel_loop3A_584 : vector<16xi32>
      %parallel_loop3A_586 = arith.select %parallel_loop3A_585, %parallel_loop3A_575, %parallel_loop3A_579 : vector<16xi1>, vector<16xf32>
      %parallel_loop3A_587 = arith.constant 2 : i32
      %parallel_loop3A_588 = vector.broadcast %parallel_loop3A_587 : i32 to vector<16xi32>
      %parallel_loop3A_589 = arith.xori %iota3A, %parallel_loop3A_588 : vector<16xi32>
      %parallel_loop3A_590 = vector.shape_cast %parallel_loop3A_589 : vector<16xi32> to vector<16x1xi32>
      %parallel_loop3A_591 = vector.shape_cast %parallel_loop3A_590 : vector<16x1xi32> to vector<16xi32>
      %parallel_loop3A_592 = tpu.dynamic_gather %parallel_loop3A_552[%parallel_loop3A_591] in [0] : vector<16xf32>, vector<16xi32> -> vector<16xf32>
      %parallel_loop3A_593 = arith.addf %parallel_loop3A_552, %parallel_loop3A_592 : vector<16xf32>
      %parallel_loop3A_594 = vector.shape_cast %parallel_loop3A_589 : vector<16xi32> to vector<16x1xi32>
      %parallel_loop3A_595 = vector.shape_cast %parallel_loop3A_594 : vector<16x1xi32> to vector<16xi32>
      %parallel_loop3A_596 = tpu.dynamic_gather %parallel_loop3A_586[%parallel_loop3A_595] in [0] : vector<16xf32>, vector<16xi32> -> vector<16xf32>
      %parallel_loop3A_597 = arith.addf %parallel_loop3A_586, %parallel_loop3A_596 : vector<16xf32>
      %parallel_loop3A_598 = arith.constant 2 : i32
      %parallel_loop3A_599 = vector.broadcast %parallel_loop3A_598 : i32 to vector<16xi32>
      %parallel_loop3A_600 = arith.andi %iota3A, %parallel_loop3A_599 : vector<16xi32>
      %parallel_loop3A_601 = arith.constant 0 : i32
      %parallel_loop3A_602 = vector.broadcast %parallel_loop3A_601 : i32 to vector<16xi32>
      %parallel_loop3A_603 = arith.cmpi eq, %parallel_loop3A_600, %parallel_loop3A_602 : vector<16xi32>
      %parallel_loop3A_604 = arith.select %parallel_loop3A_603, %parallel_loop3A_593, %parallel_loop3A_597 : vector<16xi1>, vector<16xf32>
      %parallel_loop3A_605 = arith.constant 16 : i32
      %parallel_loop3A_606 = arith.muli %parallel_loop3A_518, %parallel_loop3A_605 : i32
      %parallel_loop3A_607 = arith.constant 4 : i32
      %parallel_loop3A_608 = arith.addi %parallel_loop3A_606, %parallel_loop3A_607 : i32
      %parallel_loop3A_609 = arith.index_cast %parallel_loop3A_608 : i32 to index
      %parallel_loop3A_610 = arith.constant 0 : index
      %parallel_loop3A_611 = tpu.vector_load %arg12[%parallel_loop3A_609, %parallel_loop3A_610] {strides = array<i32>} : memref<128x16xf32, #tpu.memory_space<vmem>>, vector<1x16xf32>,
      %parallel_loop3A_612 = vector.shape_cast %parallel_loop3A_611 : vector<1x16xf32> to vector<16xf32>
      %parallel_loop3A_613 = arith.constant 16 : i32
      %parallel_loop3A_614 = arith.muli %parallel_loop3A_518, %parallel_loop3A_613 : i32
      %parallel_loop3A_615 = arith.constant 5 : i32
      %parallel_loop3A_616 = arith.addi %parallel_loop3A_614, %parallel_loop3A_615 : i32
      %parallel_loop3A_617 = arith.index_cast %parallel_loop3A_616 : i32 to index
      %parallel_loop3A_618 = arith.constant 0 : index
      %parallel_loop3A_619 = tpu.vector_load %arg12[%parallel_loop3A_617, %parallel_loop3A_618] {strides = array<i32>} : memref<128x16xf32, #tpu.memory_space<vmem>>, vector<1x16xf32>,
      %parallel_loop3A_620 = vector.shape_cast %parallel_loop3A_619 : vector<1x16xf32> to vector<16xf32>
      %parallel_loop3A_621 = arith.constant 1 : i32
      %parallel_loop3A_622 = vector.broadcast %parallel_loop3A_621 : i32 to vector<16xi32>
      %parallel_loop3A_623 = arith.xori %iota3A, %parallel_loop3A_622 : vector<16xi32>
      %parallel_loop3A_624 = vector.shape_cast %parallel_loop3A_623 : vector<16xi32> to vector<16x1xi32>
      %parallel_loop3A_625 = vector.shape_cast %parallel_loop3A_624 : vector<16x1xi32> to vector<16xi32>
      %parallel_loop3A_626 = tpu.dynamic_gather %parallel_loop3A_612[%parallel_loop3A_625] in [0] : vector<16xf32>, vector<16xi32> -> vector<16xf32>
      %parallel_loop3A_627 = arith.addf %parallel_loop3A_612, %parallel_loop3A_626 : vector<16xf32>
      %parallel_loop3A_628 = vector.shape_cast %parallel_loop3A_623 : vector<16xi32> to vector<16x1xi32>
      %parallel_loop3A_629 = vector.shape_cast %parallel_loop3A_628 : vector<16x1xi32> to vector<16xi32>
      %parallel_loop3A_630 = tpu.dynamic_gather %parallel_loop3A_620[%parallel_loop3A_629] in [0] : vector<16xf32>, vector<16xi32> -> vector<16xf32>
      %parallel_loop3A_631 = arith.addf %parallel_loop3A_620, %parallel_loop3A_630 : vector<16xf32>
      %parallel_loop3A_632 = arith.constant 1 : i32
      %parallel_loop3A_633 = vector.broadcast %parallel_loop3A_632 : i32 to vector<16xi32>
      %parallel_loop3A_634 = arith.andi %iota3A, %parallel_loop3A_633 : vector<16xi32>
      %parallel_loop3A_635 = arith.constant 0 : i32
      %parallel_loop3A_636 = vector.broadcast %parallel_loop3A_635 : i32 to vector<16xi32>
      %parallel_loop3A_637 = arith.cmpi eq, %parallel_loop3A_634, %parallel_loop3A_636 : vector<16xi32>
      %parallel_loop3A_638 = arith.select %parallel_loop3A_637, %parallel_loop3A_627, %parallel_loop3A_631 : vector<16xi1>, vector<16xf32>
      %parallel_loop3A_639 = arith.constant 16 : i32
      %parallel_loop3A_640 = arith.muli %parallel_loop3A_518, %parallel_loop3A_639 : i32
      %parallel_loop3A_641 = arith.constant 6 : i32
      %parallel_loop3A_642 = arith.addi %parallel_loop3A_640, %parallel_loop3A_641 : i32
      %parallel_loop3A_643 = arith.index_cast %parallel_loop3A_642 : i32 to index
      %parallel_loop3A_644 = arith.constant 0 : index
      %parallel_loop3A_645 = tpu.vector_load %arg12[%parallel_loop3A_643, %parallel_loop3A_644] {strides = array<i32>} : memref<128x16xf32, #tpu.memory_space<vmem>>, vector<1x16xf32>,
      %parallel_loop3A_646 = vector.shape_cast %parallel_loop3A_645 : vector<1x16xf32> to vector<16xf32>
      %parallel_loop3A_647 = arith.constant 16 : i32
      %parallel_loop3A_648 = arith.muli %parallel_loop3A_518, %parallel_loop3A_647 : i32
      %parallel_loop3A_649 = arith.constant 7 : i32
      %parallel_loop3A_650 = arith.addi %parallel_loop3A_648, %parallel_loop3A_649 : i32
      %parallel_loop3A_651 = arith.index_cast %parallel_loop3A_650 : i32 to index
      %parallel_loop3A_652 = arith.constant 0 : index
      %parallel_loop3A_653 = tpu.vector_load %arg12[%parallel_loop3A_651, %parallel_loop3A_652] {strides = array<i32>} : memref<128x16xf32, #tpu.memory_space<vmem>>, vector<1x16xf32>,
      %parallel_loop3A_654 = vector.shape_cast %parallel_loop3A_653 : vector<1x16xf32> to vector<16xf32>
      %parallel_loop3A_655 = arith.constant 1 : i32
      %parallel_loop3A_656 = vector.broadcast %parallel_loop3A_655 : i32 to vector<16xi32>
      %parallel_loop3A_657 = arith.xori %iota3A, %parallel_loop3A_656 : vector<16xi32>
      %parallel_loop3A_658 = vector.shape_cast %parallel_loop3A_657 : vector<16xi32> to vector<16x1xi32>
      %parallel_loop3A_659 = vector.shape_cast %parallel_loop3A_658 : vector<16x1xi32> to vector<16xi32>
      %parallel_loop3A_660 = tpu.dynamic_gather %parallel_loop3A_646[%parallel_loop3A_659] in [0] : vector<16xf32>, vector<16xi32> -> vector<16xf32>
      %parallel_loop3A_661 = arith.addf %parallel_loop3A_646, %parallel_loop3A_660 : vector<16xf32>
      %parallel_loop3A_662 = vector.shape_cast %parallel_loop3A_657 : vector<16xi32> to vector<16x1xi32>
      %parallel_loop3A_663 = vector.shape_cast %parallel_loop3A_662 : vector<16x1xi32> to vector<16xi32>
      %parallel_loop3A_664 = tpu.dynamic_gather %parallel_loop3A_654[%parallel_loop3A_663] in [0] : vector<16xf32>, vector<16xi32> -> vector<16xf32>
      %parallel_loop3A_665 = arith.addf %parallel_loop3A_654, %parallel_loop3A_664 : vector<16xf32>
      %parallel_loop3A_666 = arith.constant 1 : i32
      %parallel_loop3A_667 = vector.broadcast %parallel_loop3A_666 : i32 to vector<16xi32>
      %parallel_loop3A_668 = arith.andi %iota3A, %parallel_loop3A_667 : vector<16xi32>
      %parallel_loop3A_669 = arith.constant 0 : i32
      %parallel_loop3A_670 = vector.broadcast %parallel_loop3A_669 : i32 to vector<16xi32>
      %parallel_loop3A_671 = arith.cmpi eq, %parallel_loop3A_668, %parallel_loop3A_670 : vector<16xi32>
      %parallel_loop3A_672 = arith.select %parallel_loop3A_671, %parallel_loop3A_661, %parallel_loop3A_665 : vector<16xi1>, vector<16xf32>
      %parallel_loop3A_673 = arith.constant 2 : i32
      %parallel_loop3A_674 = vector.broadcast %parallel_loop3A_673 : i32 to vector<16xi32>
      %parallel_loop3A_675 = arith.xori %iota3A, %parallel_loop3A_674 : vector<16xi32>
      %parallel_loop3A_676 = vector.shape_cast %parallel_loop3A_675 : vector<16xi32> to vector<16x1xi32>
      %parallel_loop3A_677 = vector.shape_cast %parallel_loop3A_676 : vector<16x1xi32> to vector<16xi32>
      %parallel_loop3A_678 = tpu.dynamic_gather %parallel_loop3A_638[%parallel_loop3A_677] in [0] : vector<16xf32>, vector<16xi32> -> vector<16xf32>
      %parallel_loop3A_679 = arith.addf %parallel_loop3A_638, %parallel_loop3A_678 : vector<16xf32>
      %parallel_loop3A_680 = vector.shape_cast %parallel_loop3A_675 : vector<16xi32> to vector<16x1xi32>
      %parallel_loop3A_681 = vector.shape_cast %parallel_loop3A_680 : vector<16x1xi32> to vector<16xi32>
      %parallel_loop3A_682 = tpu.dynamic_gather %parallel_loop3A_672[%parallel_loop3A_681] in [0] : vector<16xf32>, vector<16xi32> -> vector<16xf32>
      %parallel_loop3A_683 = arith.addf %parallel_loop3A_672, %parallel_loop3A_682 : vector<16xf32>
      %parallel_loop3A_684 = arith.constant 2 : i32
      %parallel_loop3A_685 = vector.broadcast %parallel_loop3A_684 : i32 to vector<16xi32>
      %parallel_loop3A_686 = arith.andi %iota3A, %parallel_loop3A_685 : vector<16xi32>
      %parallel_loop3A_687 = arith.constant 0 : i32
      %parallel_loop3A_688 = vector.broadcast %parallel_loop3A_687 : i32 to vector<16xi32>
      %parallel_loop3A_689 = arith.cmpi eq, %parallel_loop3A_686, %parallel_loop3A_688 : vector<16xi32>
      %parallel_loop3A_690 = arith.select %parallel_loop3A_689, %parallel_loop3A_679, %parallel_loop3A_683 : vector<16xi1>, vector<16xf32>
      %parallel_loop3A_691 = arith.constant 4 : i32
      %parallel_loop3A_692 = vector.broadcast %parallel_loop3A_691 : i32 to vector<16xi32>
      %parallel_loop3A_693 = arith.xori %iota3A, %parallel_loop3A_692 : vector<16xi32>
      %parallel_loop3A_694 = vector.shape_cast %parallel_loop3A_693 : vector<16xi32> to vector<16x1xi32>
      %parallel_loop3A_695 = vector.shape_cast %parallel_loop3A_694 : vector<16x1xi32> to vector<16xi32>
      %parallel_loop3A_696 = tpu.dynamic_gather %parallel_loop3A_604[%parallel_loop3A_695] in [0] : vector<16xf32>, vector<16xi32> -> vector<16xf32>
      %parallel_loop3A_697 = arith.addf %parallel_loop3A_604, %parallel_loop3A_696 : vector<16xf32>
      %parallel_loop3A_698 = vector.shape_cast %parallel_loop3A_693 : vector<16xi32> to vector<16x1xi32>
      %parallel_loop3A_699 = vector.shape_cast %parallel_loop3A_698 : vector<16x1xi32> to vector<16xi32>
      %parallel_loop3A_700 = tpu.dynamic_gather %parallel_loop3A_690[%parallel_loop3A_699] in [0] : vector<16xf32>, vector<16xi32> -> vector<16xf32>
      %parallel_loop3A_701 = arith.addf %parallel_loop3A_690, %parallel_loop3A_700 : vector<16xf32>
      %parallel_loop3A_702 = arith.constant 4 : i32
      %parallel_loop3A_703 = vector.broadcast %parallel_loop3A_702 : i32 to vector<16xi32>
      %parallel_loop3A_704 = arith.andi %iota3A, %parallel_loop3A_703 : vector<16xi32>
      %parallel_loop3A_705 = arith.constant 0 : i32
      %parallel_loop3A_706 = vector.broadcast %parallel_loop3A_705 : i32 to vector<16xi32>
      %parallel_loop3A_707 = arith.cmpi eq, %parallel_loop3A_704, %parallel_loop3A_706 : vector<16xi32>
      %parallel_loop3A_708 = arith.select %parallel_loop3A_707, %parallel_loop3A_697, %parallel_loop3A_701 : vector<16xi1>, vector<16xf32>
      %parallel_loop3A_709 = arith.constant 16 : i32
      %parallel_loop3A_710 = arith.muli %parallel_loop3A_518, %parallel_loop3A_709 : i32
      %parallel_loop3A_711 = arith.constant 8 : i32
      %parallel_loop3A_712 = arith.addi %parallel_loop3A_710, %parallel_loop3A_711 : i32
      %parallel_loop3A_713 = arith.index_cast %parallel_loop3A_712 : i32 to index
      %parallel_loop3A_714 = arith.constant 0 : index
      %parallel_loop3A_715 = tpu.vector_load %arg12[%parallel_loop3A_713, %parallel_loop3A_714] {strides = array<i32>} : memref<128x16xf32, #tpu.memory_space<vmem>>, vector<1x16xf32>,
      %parallel_loop3A_716 = vector.shape_cast %parallel_loop3A_715 : vector<1x16xf32> to vector<16xf32>
      %parallel_loop3A_717 = arith.constant 16 : i32
      %parallel_loop3A_718 = arith.muli %parallel_loop3A_518, %parallel_loop3A_717 : i32
      %parallel_loop3A_719 = arith.constant 9 : i32
      %parallel_loop3A_720 = arith.addi %parallel_loop3A_718, %parallel_loop3A_719 : i32
      %parallel_loop3A_721 = arith.index_cast %parallel_loop3A_720 : i32 to index
      %parallel_loop3A_722 = arith.constant 0 : index
      %parallel_loop3A_723 = tpu.vector_load %arg12[%parallel_loop3A_721, %parallel_loop3A_722] {strides = array<i32>} : memref<128x16xf32, #tpu.memory_space<vmem>>, vector<1x16xf32>,
      %parallel_loop3A_724 = vector.shape_cast %parallel_loop3A_723 : vector<1x16xf32> to vector<16xf32>
      %parallel_loop3A_725 = arith.constant 1 : i32
      %parallel_loop3A_726 = vector.broadcast %parallel_loop3A_725 : i32 to vector<16xi32>
      %parallel_loop3A_727 = arith.xori %iota3A, %parallel_loop3A_726 : vector<16xi32>
      %parallel_loop3A_728 = vector.shape_cast %parallel_loop3A_727 : vector<16xi32> to vector<16x1xi32>
      %parallel_loop3A_729 = vector.shape_cast %parallel_loop3A_728 : vector<16x1xi32> to vector<16xi32>
      %parallel_loop3A_730 = tpu.dynamic_gather %parallel_loop3A_716[%parallel_loop3A_729] in [0] : vector<16xf32>, vector<16xi32> -> vector<16xf32>
      %parallel_loop3A_731 = arith.addf %parallel_loop3A_716, %parallel_loop3A_730 : vector<16xf32>
      %parallel_loop3A_732 = vector.shape_cast %parallel_loop3A_727 : vector<16xi32> to vector<16x1xi32>
      %parallel_loop3A_733 = vector.shape_cast %parallel_loop3A_732 : vector<16x1xi32> to vector<16xi32>
      %parallel_loop3A_734 = tpu.dynamic_gather %parallel_loop3A_724[%parallel_loop3A_733] in [0] : vector<16xf32>, vector<16xi32> -> vector<16xf32>
      %parallel_loop3A_735 = arith.addf %parallel_loop3A_724, %parallel_loop3A_734 : vector<16xf32>
      %parallel_loop3A_736 = arith.constant 1 : i32
      %parallel_loop3A_737 = vector.broadcast %parallel_loop3A_736 : i32 to vector<16xi32>
      %parallel_loop3A_738 = arith.andi %iota3A, %parallel_loop3A_737 : vector<16xi32>
      %parallel_loop3A_739 = arith.constant 0 : i32
      %parallel_loop3A_740 = vector.broadcast %parallel_loop3A_739 : i32 to vector<16xi32>
      %parallel_loop3A_741 = arith.cmpi eq, %parallel_loop3A_738, %parallel_loop3A_740 : vector<16xi32>
      %parallel_loop3A_742 = arith.select %parallel_loop3A_741, %parallel_loop3A_731, %parallel_loop3A_735 : vector<16xi1>, vector<16xf32>
      %parallel_loop3A_743 = arith.constant 16 : i32
      %parallel_loop3A_744 = arith.muli %parallel_loop3A_518, %parallel_loop3A_743 : i32
      %parallel_loop3A_745 = arith.constant 10 : i32
      %parallel_loop3A_746 = arith.addi %parallel_loop3A_744, %parallel_loop3A_745 : i32
      %parallel_loop3A_747 = arith.index_cast %parallel_loop3A_746 : i32 to index
      %parallel_loop3A_748 = arith.constant 0 : index
      %parallel_loop3A_749 = tpu.vector_load %arg12[%parallel_loop3A_747, %parallel_loop3A_748] {strides = array<i32>} : memref<128x16xf32, #tpu.memory_space<vmem>>, vector<1x16xf32>,
      %parallel_loop3A_750 = vector.shape_cast %parallel_loop3A_749 : vector<1x16xf32> to vector<16xf32>
      %parallel_loop3A_751 = arith.constant 16 : i32
      %parallel_loop3A_752 = arith.muli %parallel_loop3A_518, %parallel_loop3A_751 : i32
      %parallel_loop3A_753 = arith.constant 11 : i32
      %parallel_loop3A_754 = arith.addi %parallel_loop3A_752, %parallel_loop3A_753 : i32
      %parallel_loop3A_755 = arith.index_cast %parallel_loop3A_754 : i32 to index
      %parallel_loop3A_756 = arith.constant 0 : index
      %parallel_loop3A_757 = tpu.vector_load %arg12[%parallel_loop3A_755, %parallel_loop3A_756] {strides = array<i32>} : memref<128x16xf32, #tpu.memory_space<vmem>>, vector<1x16xf32>,
      %parallel_loop3A_758 = vector.shape_cast %parallel_loop3A_757 : vector<1x16xf32> to vector<16xf32>
      %parallel_loop3A_759 = arith.constant 1 : i32
      %parallel_loop3A_760 = vector.broadcast %parallel_loop3A_759 : i32 to vector<16xi32>
      %parallel_loop3A_761 = arith.xori %iota3A, %parallel_loop3A_760 : vector<16xi32>
      %parallel_loop3A_762 = vector.shape_cast %parallel_loop3A_761 : vector<16xi32> to vector<16x1xi32>
      %parallel_loop3A_763 = vector.shape_cast %parallel_loop3A_762 : vector<16x1xi32> to vector<16xi32>
      %parallel_loop3A_764 = tpu.dynamic_gather %parallel_loop3A_750[%parallel_loop3A_763] in [0] : vector<16xf32>, vector<16xi32> -> vector<16xf32>
      %parallel_loop3A_765 = arith.addf %parallel_loop3A_750, %parallel_loop3A_764 : vector<16xf32>
      %parallel_loop3A_766 = vector.shape_cast %parallel_loop3A_761 : vector<16xi32> to vector<16x1xi32>
      %parallel_loop3A_767 = vector.shape_cast %parallel_loop3A_766 : vector<16x1xi32> to vector<16xi32>
      %parallel_loop3A_768 = tpu.dynamic_gather %parallel_loop3A_758[%parallel_loop3A_767] in [0] : vector<16xf32>, vector<16xi32> -> vector<16xf32>
      %parallel_loop3A_769 = arith.addf %parallel_loop3A_758, %parallel_loop3A_768 : vector<16xf32>
      %parallel_loop3A_770 = arith.constant 1 : i32
      %parallel_loop3A_771 = vector.broadcast %parallel_loop3A_770 : i32 to vector<16xi32>
      %parallel_loop3A_772 = arith.andi %iota3A, %parallel_loop3A_771 : vector<16xi32>
      %parallel_loop3A_773 = arith.constant 0 : i32
      %parallel_loop3A_774 = vector.broadcast %parallel_loop3A_773 : i32 to vector<16xi32>
      %parallel_loop3A_775 = arith.cmpi eq, %parallel_loop3A_772, %parallel_loop3A_774 : vector<16xi32>
      %parallel_loop3A_776 = arith.select %parallel_loop3A_775, %parallel_loop3A_765, %parallel_loop3A_769 : vector<16xi1>, vector<16xf32>
      %parallel_loop3A_777 = arith.constant 2 : i32
      %parallel_loop3A_778 = vector.broadcast %parallel_loop3A_777 : i32 to vector<16xi32>
      %parallel_loop3A_779 = arith.xori %iota3A, %parallel_loop3A_778 : vector<16xi32>
      %parallel_loop3A_780 = vector.shape_cast %parallel_loop3A_779 : vector<16xi32> to vector<16x1xi32>
      %parallel_loop3A_781 = vector.shape_cast %parallel_loop3A_780 : vector<16x1xi32> to vector<16xi32>
      %parallel_loop3A_782 = tpu.dynamic_gather %parallel_loop3A_742[%parallel_loop3A_781] in [0] : vector<16xf32>, vector<16xi32> -> vector<16xf32>
      %parallel_loop3A_783 = arith.addf %parallel_loop3A_742, %parallel_loop3A_782 : vector<16xf32>
      %parallel_loop3A_784 = vector.shape_cast %parallel_loop3A_779 : vector<16xi32> to vector<16x1xi32>
      %parallel_loop3A_785 = vector.shape_cast %parallel_loop3A_784 : vector<16x1xi32> to vector<16xi32>
      %parallel_loop3A_786 = tpu.dynamic_gather %parallel_loop3A_776[%parallel_loop3A_785] in [0] : vector<16xf32>, vector<16xi32> -> vector<16xf32>
      %parallel_loop3A_787 = arith.addf %parallel_loop3A_776, %parallel_loop3A_786 : vector<16xf32>
      %parallel_loop3A_788 = arith.constant 2 : i32
      %parallel_loop3A_789 = vector.broadcast %parallel_loop3A_788 : i32 to vector<16xi32>
      %parallel_loop3A_790 = arith.andi %iota3A, %parallel_loop3A_789 : vector<16xi32>
      %parallel_loop3A_791 = arith.constant 0 : i32
      %parallel_loop3A_792 = vector.broadcast %parallel_loop3A_791 : i32 to vector<16xi32>
      %parallel_loop3A_793 = arith.cmpi eq, %parallel_loop3A_790, %parallel_loop3A_792 : vector<16xi32>
      %parallel_loop3A_794 = arith.select %parallel_loop3A_793, %parallel_loop3A_783, %parallel_loop3A_787 : vector<16xi1>, vector<16xf32>
      %parallel_loop3A_795 = arith.constant 16 : i32
      %parallel_loop3A_796 = arith.muli %parallel_loop3A_518, %parallel_loop3A_795 : i32
      %parallel_loop3A_797 = arith.constant 12 : i32
      %parallel_loop3A_798 = arith.addi %parallel_loop3A_796, %parallel_loop3A_797 : i32
      %parallel_loop3A_799 = arith.index_cast %parallel_loop3A_798 : i32 to index
      %parallel_loop3A_800 = arith.constant 0 : index
      %parallel_loop3A_801 = tpu.vector_load %arg12[%parallel_loop3A_799, %parallel_loop3A_800] {strides = array<i32>} : memref<128x16xf32, #tpu.memory_space<vmem>>, vector<1x16xf32>,
      %parallel_loop3A_802 = vector.shape_cast %parallel_loop3A_801 : vector<1x16xf32> to vector<16xf32>
      %parallel_loop3A_803 = arith.constant 16 : i32
      %parallel_loop3A_804 = arith.muli %parallel_loop3A_518, %parallel_loop3A_803 : i32
      %parallel_loop3A_805 = arith.constant 13 : i32
      %parallel_loop3A_806 = arith.addi %parallel_loop3A_804, %parallel_loop3A_805 : i32
      %parallel_loop3A_807 = arith.index_cast %parallel_loop3A_806 : i32 to index
      %parallel_loop3A_808 = arith.constant 0 : index
      %parallel_loop3A_809 = tpu.vector_load %arg12[%parallel_loop3A_807, %parallel_loop3A_808] {strides = array<i32>} : memref<128x16xf32, #tpu.memory_space<vmem>>, vector<1x16xf32>,
      %parallel_loop3A_810 = vector.shape_cast %parallel_loop3A_809 : vector<1x16xf32> to vector<16xf32>
      %parallel_loop3A_811 = arith.constant 1 : i32
      %parallel_loop3A_812 = vector.broadcast %parallel_loop3A_811 : i32 to vector<16xi32>
      %parallel_loop3A_813 = arith.xori %iota3A, %parallel_loop3A_812 : vector<16xi32>
      %parallel_loop3A_814 = vector.shape_cast %parallel_loop3A_813 : vector<16xi32> to vector<16x1xi32>
      %parallel_loop3A_815 = vector.shape_cast %parallel_loop3A_814 : vector<16x1xi32> to vector<16xi32>
      %parallel_loop3A_816 = tpu.dynamic_gather %parallel_loop3A_802[%parallel_loop3A_815] in [0] : vector<16xf32>, vector<16xi32> -> vector<16xf32>
      %parallel_loop3A_817 = arith.addf %parallel_loop3A_802, %parallel_loop3A_816 : vector<16xf32>
      %parallel_loop3A_818 = vector.shape_cast %parallel_loop3A_813 : vector<16xi32> to vector<16x1xi32>
      %parallel_loop3A_819 = vector.shape_cast %parallel_loop3A_818 : vector<16x1xi32> to vector<16xi32>
      %parallel_loop3A_820 = tpu.dynamic_gather %parallel_loop3A_810[%parallel_loop3A_819] in [0] : vector<16xf32>, vector<16xi32> -> vector<16xf32>
      %parallel_loop3A_821 = arith.addf %parallel_loop3A_810, %parallel_loop3A_820 : vector<16xf32>
      %parallel_loop3A_822 = arith.constant 1 : i32
      %parallel_loop3A_823 = vector.broadcast %parallel_loop3A_822 : i32 to vector<16xi32>
      %parallel_loop3A_824 = arith.andi %iota3A, %parallel_loop3A_823 : vector<16xi32>
      %parallel_loop3A_825 = arith.constant 0 : i32
      %parallel_loop3A_826 = vector.broadcast %parallel_loop3A_825 : i32 to vector<16xi32>
      %parallel_loop3A_827 = arith.cmpi eq, %parallel_loop3A_824, %parallel_loop3A_826 : vector<16xi32>
      %parallel_loop3A_828 = arith.select %parallel_loop3A_827, %parallel_loop3A_817, %parallel_loop3A_821 : vector<16xi1>, vector<16xf32>
      %parallel_loop3A_829 = arith.constant 16 : i32
      %parallel_loop3A_830 = arith.muli %parallel_loop3A_518, %parallel_loop3A_829 : i32
      %parallel_loop3A_831 = arith.constant 14 : i32
      %parallel_loop3A_832 = arith.addi %parallel_loop3A_830, %parallel_loop3A_831 : i32
      %parallel_loop3A_833 = arith.index_cast %parallel_loop3A_832 : i32 to index
      %parallel_loop3A_834 = arith.constant 0 : index
      %parallel_loop3A_835 = tpu.vector_load %arg12[%parallel_loop3A_833, %parallel_loop3A_834] {strides = array<i32>} : memref<128x16xf32, #tpu.memory_space<vmem>>, vector<1x16xf32>,
      %parallel_loop3A_836 = vector.shape_cast %parallel_loop3A_835 : vector<1x16xf32> to vector<16xf32>
      %parallel_loop3A_837 = arith.constant 16 : i32
      %parallel_loop3A_838 = arith.muli %parallel_loop3A_518, %parallel_loop3A_837 : i32
      %parallel_loop3A_839 = arith.constant 15 : i32
      %parallel_loop3A_840 = arith.addi %parallel_loop3A_838, %parallel_loop3A_839 : i32
      %parallel_loop3A_841 = arith.index_cast %parallel_loop3A_840 : i32 to index
      %parallel_loop3A_842 = arith.constant 0 : index
      %parallel_loop3A_843 = tpu.vector_load %arg12[%parallel_loop3A_841, %parallel_loop3A_842] {strides = array<i32>} : memref<128x16xf32, #tpu.memory_space<vmem>>, vector<1x16xf32>,
      %parallel_loop3A_844 = vector.shape_cast %parallel_loop3A_843 : vector<1x16xf32> to vector<16xf32>
      %parallel_loop3A_845 = arith.constant 1 : i32
      %parallel_loop3A_846 = vector.broadcast %parallel_loop3A_845 : i32 to vector<16xi32>
      %parallel_loop3A_847 = arith.xori %iota3A, %parallel_loop3A_846 : vector<16xi32>
      %parallel_loop3A_848 = vector.shape_cast %parallel_loop3A_847 : vector<16xi32> to vector<16x1xi32>
      %parallel_loop3A_849 = vector.shape_cast %parallel_loop3A_848 : vector<16x1xi32> to vector<16xi32>
      %parallel_loop3A_850 = tpu.dynamic_gather %parallel_loop3A_836[%parallel_loop3A_849] in [0] : vector<16xf32>, vector<16xi32> -> vector<16xf32>
      %parallel_loop3A_851 = arith.addf %parallel_loop3A_836, %parallel_loop3A_850 : vector<16xf32>
      %parallel_loop3A_852 = vector.shape_cast %parallel_loop3A_847 : vector<16xi32> to vector<16x1xi32>
      %parallel_loop3A_853 = vector.shape_cast %parallel_loop3A_852 : vector<16x1xi32> to vector<16xi32>
      %parallel_loop3A_854 = tpu.dynamic_gather %parallel_loop3A_844[%parallel_loop3A_853] in [0] : vector<16xf32>, vector<16xi32> -> vector<16xf32>
      %parallel_loop3A_855 = arith.addf %parallel_loop3A_844, %parallel_loop3A_854 : vector<16xf32>
      %parallel_loop3A_856 = arith.constant 1 : i32
      %parallel_loop3A_857 = vector.broadcast %parallel_loop3A_856 : i32 to vector<16xi32>
      %parallel_loop3A_858 = arith.andi %iota3A, %parallel_loop3A_857 : vector<16xi32>
      %parallel_loop3A_859 = arith.constant 0 : i32
      %parallel_loop3A_860 = vector.broadcast %parallel_loop3A_859 : i32 to vector<16xi32>
      %parallel_loop3A_861 = arith.cmpi eq, %parallel_loop3A_858, %parallel_loop3A_860 : vector<16xi32>
      %parallel_loop3A_862 = arith.select %parallel_loop3A_861, %parallel_loop3A_851, %parallel_loop3A_855 : vector<16xi1>, vector<16xf32>
      %parallel_loop3A_863 = arith.constant 2 : i32
      %parallel_loop3A_864 = vector.broadcast %parallel_loop3A_863 : i32 to vector<16xi32>
      %parallel_loop3A_865 = arith.xori %iota3A, %parallel_loop3A_864 : vector<16xi32>
      %parallel_loop3A_866 = vector.shape_cast %parallel_loop3A_865 : vector<16xi32> to vector<16x1xi32>
      %parallel_loop3A_867 = vector.shape_cast %parallel_loop3A_866 : vector<16x1xi32> to vector<16xi32>
      %parallel_loop3A_868 = tpu.dynamic_gather %parallel_loop3A_828[%parallel_loop3A_867] in [0] : vector<16xf32>, vector<16xi32> -> vector<16xf32>
      %parallel_loop3A_869 = arith.addf %parallel_loop3A_828, %parallel_loop3A_868 : vector<16xf32>
      %parallel_loop3A_870 = vector.shape_cast %parallel_loop3A_865 : vector<16xi32> to vector<16x1xi32>
      %parallel_loop3A_871 = vector.shape_cast %parallel_loop3A_870 : vector<16x1xi32> to vector<16xi32>
      %parallel_loop3A_872 = tpu.dynamic_gather %parallel_loop3A_862[%parallel_loop3A_871] in [0] : vector<16xf32>, vector<16xi32> -> vector<16xf32>
      %parallel_loop3A_873 = arith.addf %parallel_loop3A_862, %parallel_loop3A_872 : vector<16xf32>
      %parallel_loop3A_874 = arith.constant 2 : i32
      %parallel_loop3A_875 = vector.broadcast %parallel_loop3A_874 : i32 to vector<16xi32>
      %parallel_loop3A_876 = arith.andi %iota3A, %parallel_loop3A_875 : vector<16xi32>
      %parallel_loop3A_877 = arith.constant 0 : i32
      %parallel_loop3A_878 = vector.broadcast %parallel_loop3A_877 : i32 to vector<16xi32>
      %parallel_loop3A_879 = arith.cmpi eq, %parallel_loop3A_876, %parallel_loop3A_878 : vector<16xi32>
      %parallel_loop3A_880 = arith.select %parallel_loop3A_879, %parallel_loop3A_869, %parallel_loop3A_873 : vector<16xi1>, vector<16xf32>
      %parallel_loop3A_881 = arith.constant 4 : i32
      %parallel_loop3A_882 = vector.broadcast %parallel_loop3A_881 : i32 to vector<16xi32>
      %parallel_loop3A_883 = arith.xori %iota3A, %parallel_loop3A_882 : vector<16xi32>
      %parallel_loop3A_884 = vector.shape_cast %parallel_loop3A_883 : vector<16xi32> to vector<16x1xi32>
      %parallel_loop3A_885 = vector.shape_cast %parallel_loop3A_884 : vector<16x1xi32> to vector<16xi32>
      %parallel_loop3A_886 = tpu.dynamic_gather %parallel_loop3A_794[%parallel_loop3A_885] in [0] : vector<16xf32>, vector<16xi32> -> vector<16xf32>
      %parallel_loop3A_887 = arith.addf %parallel_loop3A_794, %parallel_loop3A_886 : vector<16xf32>
      %parallel_loop3A_888 = vector.shape_cast %parallel_loop3A_883 : vector<16xi32> to vector<16x1xi32>
      %parallel_loop3A_889 = vector.shape_cast %parallel_loop3A_888 : vector<16x1xi32> to vector<16xi32>
      %parallel_loop3A_890 = tpu.dynamic_gather %parallel_loop3A_880[%parallel_loop3A_889] in [0] : vector<16xf32>, vector<16xi32> -> vector<16xf32>
      %parallel_loop3A_891 = arith.addf %parallel_loop3A_880, %parallel_loop3A_890 : vector<16xf32>
      %parallel_loop3A_892 = arith.constant 4 : i32
      %parallel_loop3A_893 = vector.broadcast %parallel_loop3A_892 : i32 to vector<16xi32>
      %parallel_loop3A_894 = arith.andi %iota3A, %parallel_loop3A_893 : vector<16xi32>
      %parallel_loop3A_895 = arith.constant 0 : i32
      %parallel_loop3A_896 = vector.broadcast %parallel_loop3A_895 : i32 to vector<16xi32>
      %parallel_loop3A_897 = arith.cmpi eq, %parallel_loop3A_894, %parallel_loop3A_896 : vector<16xi32>
      %parallel_loop3A_898 = arith.select %parallel_loop3A_897, %parallel_loop3A_887, %parallel_loop3A_891 : vector<16xi1>, vector<16xf32>
      %parallel_loop3A_899 = arith.constant 8 : i32
      %parallel_loop3A_900 = vector.broadcast %parallel_loop3A_899 : i32 to vector<16xi32>
      %parallel_loop3A_901 = arith.xori %iota3A, %parallel_loop3A_900 : vector<16xi32>
      %parallel_loop3A_902 = vector.shape_cast %parallel_loop3A_901 : vector<16xi32> to vector<16x1xi32>
      %parallel_loop3A_903 = vector.shape_cast %parallel_loop3A_902 : vector<16x1xi32> to vector<16xi32>
      %parallel_loop3A_904 = tpu.dynamic_gather %parallel_loop3A_708[%parallel_loop3A_903] in [0] : vector<16xf32>, vector<16xi32> -> vector<16xf32>
      %parallel_loop3A_905 = arith.addf %parallel_loop3A_708, %parallel_loop3A_904 : vector<16xf32>
      %parallel_loop3A_906 = vector.shape_cast %parallel_loop3A_901 : vector<16xi32> to vector<16x1xi32>
      %parallel_loop3A_907 = vector.shape_cast %parallel_loop3A_906 : vector<16x1xi32> to vector<16xi32>
      %parallel_loop3A_908 = tpu.dynamic_gather %parallel_loop3A_898[%parallel_loop3A_907] in [0] : vector<16xf32>, vector<16xi32> -> vector<16xf32>
      %parallel_loop3A_909 = arith.addf %parallel_loop3A_898, %parallel_loop3A_908 : vector<16xf32>
      %parallel_loop3A_910 = arith.constant 8 : i32
      %parallel_loop3A_911 = vector.broadcast %parallel_loop3A_910 : i32 to vector<16xi32>
      %parallel_loop3A_912 = arith.andi %iota3A, %parallel_loop3A_911 : vector<16xi32>
      %parallel_loop3A_913 = arith.constant 0 : i32
      %parallel_loop3A_914 = vector.broadcast %parallel_loop3A_913 : i32 to vector<16xi32>
      %parallel_loop3A_915 = arith.cmpi eq, %parallel_loop3A_912, %parallel_loop3A_914 : vector<16xi32>
      %parallel_loop3A_916 = arith.select %parallel_loop3A_915, %parallel_loop3A_905, %parallel_loop3A_909 : vector<16xi1>, vector<16xf32>
      %parallel_loop3A_917 = arith.constant 16 : i32
      %parallel_loop3A_918 = arith.muli %parallel_loop3A_518, %parallel_loop3A_917 : i32
      %parallel_loop3A_919 = arith.constant 1 : i32
      %parallel_loop3A_920 = arith.index_cast %parallel_loop3A_919 : i32 to index
      %parallel_loop3A_921 = arith.index_cast %parallel_loop3A_918 : i32 to index
      %parallel_loop3A_922 = tpu.vector_load %arg11[%parallel_loop3A_920, %parallel_loop3A_921] {strides = array<i32>} : memref<2x128xf32, #tpu.memory_space<vmem>>, vector<1x16xf32>,
      %parallel_loop3A_923 = vector.shape_cast %parallel_loop3A_922 : vector<1x16xf32> to vector<16xf32>
      %parallel_loop3A_924 = vector.shape_cast %parallel_loop3A_916 : vector<16xf32> to vector<1x16xf32>
      tpu.vector_store %arg11[%parallel_loop3A_920, %parallel_loop3A_921], %parallel_loop3A_924 {strides = array<i32>} : memref<2x128xf32, #tpu.memory_space<vmem>>, vector<1x16xf32>,
    } {sc.loop_unroll_factor = 1 : i64, sc.parallel_access}
    %mul3A_271 = arith.constant 512 : i32
    %mul3A_272 = arith.muli %add3A, %mul3A_271 : i32
    %add3A_273 = arith.constant 128 : i32
    %add3A_274 = arith.addi %mul3A_272, %add3A_273 : i32
    %dma_start3A_275 = arith.constant 1 : i32
    %dma_start3A_276 = arith.constant 1 : i32
    %dma_start3A_277 = arith.constant 0 : i32
    %dma_start3A_278 = tpu.memref_slice %arg11[%dma_start3A_275, %dma_start3A_277] : memref<2x128xf32, #tpu.memory_space<vmem>> -> memref<1x128xf32, #tpu.memory_space<vmem>>
    %dma_start3A_279 = tpu.memref_squeeze %dma_start3A_278 : memref<1x128xf32, #tpu.memory_space<vmem>> -> memref<128xf32, #tpu.memory_space<vmem>>
    %dma_start3A_280 = tpu.memref_slice %arg6[%add3A_274] : memref<16384xf32, #tpu.memory_space<hbm>> -> memref<128xf32, #tpu.memory_space<hbm>>
    %dma_start3A_281 = tpu.memref_slice %arg18[%dma_start3A_276] : memref<2x!tpu.dma_semaphore, #tpu.memory_space<semaphore_mem>> -> memref<1x!tpu.dma_semaphore, #tpu.memory_space<semaphore_mem>>
    %dma_start3A_282 = tpu.memref_squeeze %dma_start3A_281 : memref<1x!tpu.dma_semaphore, #tpu.memory_space<semaphore_mem>> -> memref<!tpu.dma_semaphore, #tpu.memory_space<semaphore_mem>>
    %dma_start3A_283 = tpu.memref_slice %arg6[%add3A_274] : memref<16384xf32, #tpu.memory_space<hbm>> -> memref<128xf32, #tpu.memory_space<hbm>>
    %dma_start3A_284 = arith.constant 0 : i32
    %dma_start3A_285 = tpu.memref_slice %arg11[%dma_start3A_275, %dma_start3A_284] : memref<2x128xf32, #tpu.memory_space<vmem>> -> memref<1x128xf32, #tpu.memory_space<vmem>>
    %dma_start3A_286 = tpu.memref_squeeze %dma_start3A_285 : memref<1x128xf32, #tpu.memory_space<vmem>> -> memref<128xf32, #tpu.memory_space<vmem>>
    tpu.enqueue_dma source(%dma_start3A_286 : memref<128xf32, #tpu.memory_space<vmem>>) target(%dma_start3A_283 : memref<128xf32, #tpu.memory_space<hbm>>) target_semaphore(%dma_start3A_282 : memref<!tpu.dma_semaphore, #tpu.memory_space<semaphore_mem>>)
    %mul3A_287 = arith.constant 512 : i32
    %mul3A_288 = arith.muli %add3A, %mul3A_287 : i32
    %add3A_289 = arith.constant 384 : i32
    %add3A_290 = arith.addi %mul3A_288, %add3A_289 : i32
    %dma_start3A_291 = arith.constant 1 : i32
    %dma_start3A_292 = arith.constant 1 : i32
    %dma_start3A_293 = arith.constant 0 : i32
    %dma_start3A_294 = arith.constant 0 : i32
    %dma_start3A_295 = tpu.memref_slice %arg8[%dma_start3A_291, %dma_start3A_293, %dma_start3A_294] : memref<2x128x128xf32, #tpu.memory_space<vmem>> -> memref<1x128x128xf32, #tpu.memory_space<vmem>>
    %dma_start3A_296 = tpu.memref_squeeze %dma_start3A_295 : memref<1x128x128xf32, #tpu.memory_space<vmem>> -> memref<128x128xf32, #tpu.memory_space<vmem>>
    %dma_start3A_297 = arith.constant 0 : i32
    %dma_start3A_298 = tpu.memref_slice %arg2[%add3A_290, %dma_start3A_297] : memref<16384x128xf32, #tpu.memory_space<hbm>> -> memref<128x128xf32, #tpu.memory_space<hbm>>
    %dma_start3A_299 = tpu.memref_slice %arg15[%dma_start3A_292] : memref<2x!tpu.dma_semaphore, #tpu.memory_space<semaphore_mem>> -> memref<1x!tpu.dma_semaphore, #tpu.memory_space<semaphore_mem>>
    %dma_start3A_300 = tpu.memref_squeeze %dma_start3A_299 : memref<1x!tpu.dma_semaphore, #tpu.memory_space<semaphore_mem>> -> memref<!tpu.dma_semaphore, #tpu.memory_space<semaphore_mem>>
    %dma_start3A_301 = arith.constant 0 : i32
    %dma_start3A_302 = arith.constant 0 : i32
    %dma_start3A_303 = tpu.memref_slice %arg8[%dma_start3A_291, %dma_start3A_301, %dma_start3A_302] : memref<2x128x128xf32, #tpu.memory_space<vmem>> -> memref<1x128x128xf32, #tpu.memory_space<vmem>>
    %dma_start3A_304 = tpu.memref_squeeze %dma_start3A_303 : memref<1x128x128xf32, #tpu.memory_space<vmem>> -> memref<128x128xf32, #tpu.memory_space<vmem>>
    %dma_start3A_305 = arith.constant 0 : i32
    %dma_start3A_306 = tpu.memref_slice %arg2[%add3A_290, %dma_start3A_305] : memref<16384x128xf32, #tpu.memory_space<hbm>> -> memref<128x128xf32, #tpu.memory_space<hbm>>
    tpu.enqueue_dma source(%dma_start3A_306 : memref<128x128xf32, #tpu.memory_space<hbm>>) target(%dma_start3A_304 : memref<128x128xf32, #tpu.memory_space<vmem>>) target_semaphore(%dma_start3A_300 : memref<!tpu.dma_semaphore, #tpu.memory_space<semaphore_mem>>)
    %dma_start3A_307 = arith.constant 1 : i32
    %dma_start3A_308 = arith.constant 1 : i32
    %dma_start3A_309 = arith.constant 0 : i32
    %dma_start3A_310 = arith.constant 0 : i32
    %dma_start3A_311 = tpu.memref_slice %arg9[%dma_start3A_307, %dma_start3A_309, %dma_start3A_310] : memref<2x128x128xf32, #tpu.memory_space<vmem>> -> memref<1x128x128xf32, #tpu.memory_space<vmem>>
    %dma_start3A_312 = tpu.memref_squeeze %dma_start3A_311 : memref<1x128x128xf32, #tpu.memory_space<vmem>> -> memref<128x128xf32, #tpu.memory_space<vmem>>
    %dma_start3A_313 = arith.constant 0 : i32
    %dma_start3A_314 = tpu.memref_slice %arg4[%add3A_290, %dma_start3A_313] : memref<16384x128xf32, #tpu.memory_space<hbm>> -> memref<128x128xf32, #tpu.memory_space<hbm>>
    %dma_start3A_315 = tpu.memref_slice %arg16[%dma_start3A_308] : memref<2x!tpu.dma_semaphore, #tpu.memory_space<semaphore_mem>> -> memref<1x!tpu.dma_semaphore, #tpu.memory_space<semaphore_mem>>
    %dma_start3A_316 = tpu.memref_squeeze %dma_start3A_315 : memref<1x!tpu.dma_semaphore, #tpu.memory_space<semaphore_mem>> -> memref<!tpu.dma_semaphore, #tpu.memory_space<semaphore_mem>>
    %dma_start3A_317 = arith.constant 0 : i32
    %dma_start3A_318 = arith.constant 0 : i32
    %dma_start3A_319 = tpu.memref_slice %arg9[%dma_start3A_307, %dma_start3A_317, %dma_start3A_318] : memref<2x128x128xf32, #tpu.memory_space<vmem>> -> memref<1x128x128xf32, #tpu.memory_space<vmem>>
    %dma_start3A_320 = tpu.memref_squeeze %dma_start3A_319 : memref<1x128x128xf32, #tpu.memory_space<vmem>> -> memref<128x128xf32, #tpu.memory_space<vmem>>
    %dma_start3A_321 = arith.constant 0 : i32
    %dma_start3A_322 = tpu.memref_slice %arg4[%add3A_290, %dma_start3A_321] : memref<16384x128xf32, #tpu.memory_space<hbm>> -> memref<128x128xf32, #tpu.memory_space<hbm>>
    tpu.enqueue_dma source(%dma_start3A_322 : memref<128x128xf32, #tpu.memory_space<hbm>>) target(%dma_start3A_320 : memref<128x128xf32, #tpu.memory_space<vmem>>) target_semaphore(%dma_start3A_316 : memref<!tpu.dma_semaphore, #tpu.memory_space<semaphore_mem>>)
    %dma_start3A_323 = arith.constant 1 : i32
    %dma_start3A_324 = arith.constant 1 : i32
    %dma_start3A_325 = arith.constant 0 : i32
    %dma_start3A_326 = arith.constant 0 : i32
    %dma_start3A_327 = tpu.memref_slice %arg10[%dma_start3A_323, %dma_start3A_325, %dma_start3A_326] : memref<2x128x128xf32, #tpu.memory_space<vmem>> -> memref<1x128x128xf32, #tpu.memory_space<vmem>>
    %dma_start3A_328 = tpu.memref_squeeze %dma_start3A_327 : memref<1x128x128xf32, #tpu.memory_space<vmem>> -> memref<128x128xf32, #tpu.memory_space<vmem>>
    %dma_start3A_329 = arith.constant 384 : i32
    %dma_start3A_330 = tpu.memref_slice %arg7[%dma_start3A_329] : memref<512xi32, #tpu.memory_space<vmem>> -> memref<128xi32, #tpu.memory_space<vmem>>
    %dma_start3A_331 = arith.constant 0 : i32
    %dma_start3A_332 = arith.constant 0 : i32
    %dma_start3A_333 = tpu.memref_slice %arg13[%dma_start3A_331, %dma_start3A_332] : memref<1000x128xf32, #tpu.memory_space<vmem_shared>> -> memref<1000x128xf32, #tpu.memory_space<vmem_shared>>
    %dma_start3A_334 = tpu.memref_slice %arg17[%dma_start3A_324] : memref<2x!tpu.dma_semaphore, #tpu.memory_space<semaphore_mem>> -> memref<1x!tpu.dma_semaphore, #tpu.memory_space<semaphore_mem>>
    %dma_start3A_335 = tpu.memref_squeeze %dma_start3A_334 : memref<1x!tpu.dma_semaphore, #tpu.memory_space<semaphore_mem>> -> memref<!tpu.dma_semaphore, #tpu.memory_space<semaphore_mem>>
    tpu.enqueue_indirect_dma source(%dma_start3A_333 : memref<1000x128xf32, #tpu.memory_space<vmem_shared>>) target(%dma_start3A_328 : memref<128x128xf32, #tpu.memory_space<vmem>>) offsets(%dma_start3A_330 : memref<128xi32, #tpu.memory_space<vmem>>) semaphore(%dma_start3A_335 : memref<!tpu.dma_semaphore, #tpu.memory_space<semaphore_mem>>)
    %dma_wait3A_336 = arith.constant 0 : i32
    %dma_wait3A_337 = arith.constant 0 : i32
    %dma_wait3A_338 = arith.constant 0 : i32
    %dma_wait3A_339 = arith.constant 0 : i32
    %dma_wait3A_340 = tpu.memref_slice %arg8[%dma_wait3A_336, %dma_wait3A_338, %dma_wait3A_339] : memref<2x128x128xf32, #tpu.memory_space<vmem>> -> memref<1x128x128xf32, #tpu.memory_space<vmem>>
    %dma_wait3A_341 = tpu.memref_squeeze %dma_wait3A_340 : memref<1x128x128xf32, #tpu.memory_space<vmem>> -> memref<128x128xf32, #tpu.memory_space<vmem>>
    %dma_wait3A_342 = arith.constant 0 : i32
    %dma_wait3A_343 = tpu.memref_slice %arg2[%add3A_174, %dma_wait3A_342] : memref<16384x128xf32, #tpu.memory_space<hbm>> -> memref<128x128xf32, #tpu.memory_space<hbm>>
    %dma_wait3A_344 = tpu.memref_slice %arg15[%dma_wait3A_337] : memref<2x!tpu.dma_semaphore, #tpu.memory_space<semaphore_mem>> -> memref<1x!tpu.dma_semaphore, #tpu.memory_space<semaphore_mem>>
    %dma_wait3A_345 = tpu.memref_squeeze %dma_wait3A_344 : memref<1x!tpu.dma_semaphore, #tpu.memory_space<semaphore_mem>> -> memref<!tpu.dma_semaphore, #tpu.memory_space<semaphore_mem>>
    %dma_wait3A_346 = arith.constant 0 : i32
    %dma_wait3A_347 = arith.constant 0 : i32
    %dma_wait3A_348 = tpu.memref_slice %arg8[%dma_wait3A_336, %dma_wait3A_346, %dma_wait3A_347] : memref<2x128x128xf32, #tpu.memory_space<vmem>> -> memref<1x128x128xf32, #tpu.memory_space<vmem>>
    %dma_wait3A_349 = tpu.memref_squeeze %dma_wait3A_348 : memref<1x128x128xf32, #tpu.memory_space<vmem>> -> memref<128x128xf32, #tpu.memory_space<vmem>>
    %dma_wait3A_350 = arith.constant 0 : i32
    %dma_wait3A_351 = tpu.memref_slice %arg2[%add3A_174, %dma_wait3A_350] : memref<16384x128xf32, #tpu.memory_space<hbm>> -> memref<128x128xf32, #tpu.memory_space<hbm>>
    tpu.wait_dma2 semaphore(%dma_wait3A_345 : memref<!tpu.dma_semaphore, #tpu.memory_space<semaphore_mem>>) src(%dma_wait3A_351 : memref<128x128xf32, #tpu.memory_space<hbm>>) dst(%dma_wait3A_349 : memref<128x128xf32, #tpu.memory_space<vmem>>)
    %dma_wait3A_352 = arith.constant 0 : i32
    %dma_wait3A_353 = arith.constant 0 : i32
    %dma_wait3A_354 = arith.constant 0 : i32
    %dma_wait3A_355 = arith.constant 0 : i32
    %dma_wait3A_356 = tpu.memref_slice %arg9[%dma_wait3A_352, %dma_wait3A_354, %dma_wait3A_355] : memref<2x128x128xf32, #tpu.memory_space<vmem>> -> memref<1x128x128xf32, #tpu.memory_space<vmem>>
    %dma_wait3A_357 = tpu.memref_squeeze %dma_wait3A_356 : memref<1x128x128xf32, #tpu.memory_space<vmem>> -> memref<128x128xf32, #tpu.memory_space<vmem>>
    %dma_wait3A_358 = arith.constant 0 : i32
    %dma_wait3A_359 = tpu.memref_slice %arg4[%add3A_174, %dma_wait3A_358] : memref<16384x128xf32, #tpu.memory_space<hbm>> -> memref<128x128xf32, #tpu.memory_space<hbm>>
    %dma_wait3A_360 = tpu.memref_slice %arg16[%dma_wait3A_353] : memref<2x!tpu.dma_semaphore, #tpu.memory_space<semaphore_mem>> -> memref<1x!tpu.dma_semaphore, #tpu.memory_space<semaphore_mem>>
    %dma_wait3A_361 = tpu.memref_squeeze %dma_wait3A_360 : memref<1x!tpu.dma_semaphore, #tpu.memory_space<semaphore_mem>> -> memref<!tpu.dma_semaphore, #tpu.memory_space<semaphore_mem>>
    %dma_wait3A_362 = arith.constant 0 : i32
    %dma_wait3A_363 = arith.constant 0 : i32
    %dma_wait3A_364 = tpu.memref_slice %arg9[%dma_wait3A_352, %dma_wait3A_362, %dma_wait3A_363] : memref<2x128x128xf32, #tpu.memory_space<vmem>> -> memref<1x128x128xf32, #tpu.memory_space<vmem>>
    %dma_wait3A_365 = tpu.memref_squeeze %dma_wait3A_364 : memref<1x128x128xf32, #tpu.memory_space<vmem>> -> memref<128x128xf32, #tpu.memory_space<vmem>>
    %dma_wait3A_366 = arith.constant 0 : i32
    %dma_wait3A_367 = tpu.memref_slice %arg4[%add3A_174, %dma_wait3A_366] : memref<16384x128xf32, #tpu.memory_space<hbm>> -> memref<128x128xf32, #tpu.memory_space<hbm>>
    tpu.wait_dma2 semaphore(%dma_wait3A_361 : memref<!tpu.dma_semaphore, #tpu.memory_space<semaphore_mem>>) src(%dma_wait3A_367 : memref<128x128xf32, #tpu.memory_space<hbm>>) dst(%dma_wait3A_365 : memref<128x128xf32, #tpu.memory_space<vmem>>)
    %dma_wait3A_368 = arith.constant 0 : i32
    %dma_wait3A_369 = arith.constant 0 : i32
    %dma_wait3A_370 = arith.constant 0 : i32
    %dma_wait3A_371 = arith.constant 0 : i32
    %dma_wait3A_372 = tpu.memref_slice %arg10[%dma_wait3A_368, %dma_wait3A_370, %dma_wait3A_371] : memref<2x128x128xf32, #tpu.memory_space<vmem>> -> memref<1x128x128xf32, #tpu.memory_space<vmem>>
    %dma_wait3A_373 = tpu.memref_squeeze %dma_wait3A_372 : memref<1x128x128xf32, #tpu.memory_space<vmem>> -> memref<128x128xf32, #tpu.memory_space<vmem>>
    %dma_wait3A_374 = arith.constant 256 : i32
    %dma_wait3A_375 = tpu.memref_slice %arg7[%dma_wait3A_374] : memref<512xi32, #tpu.memory_space<vmem>> -> memref<128xi32, #tpu.memory_space<vmem>>
    %dma_wait3A_376 = arith.constant 0 : i32
    %dma_wait3A_377 = arith.constant 0 : i32
    %dma_wait3A_378 = tpu.memref_slice %arg13[%dma_wait3A_376, %dma_wait3A_377] : memref<1000x128xf32, #tpu.memory_space<vmem_shared>> -> memref<1000x128xf32, #tpu.memory_space<vmem_shared>>
    %dma_wait3A_379 = tpu.memref_slice %arg17[%dma_wait3A_369] : memref<2x!tpu.dma_semaphore, #tpu.memory_space<semaphore_mem>> -> memref<1x!tpu.dma_semaphore, #tpu.memory_space<semaphore_mem>>
    %dma_wait3A_380 = tpu.memref_squeeze %dma_wait3A_379 : memref<1x!tpu.dma_semaphore, #tpu.memory_space<semaphore_mem>> -> memref<!tpu.dma_semaphore, #tpu.memory_space<semaphore_mem>>
    tpu.wait_indirect_dma semaphore(%dma_wait3A_380 : memref<!tpu.dma_semaphore, #tpu.memory_space<semaphore_mem>>) src(%dma_wait3A_378 : memref<1000x128xf32, #tpu.memory_space<vmem_shared>>) dst(%dma_wait3A_373 : memref<128x128xf32, #tpu.memory_space<vmem>>)
    %dma_wait3A_381 = arith.constant 0 : i32
    %dma_wait3A_382 = arith.constant 0 : i32
    %dma_wait3A_383 = arith.constant 0 : i32
    %dma_wait3A_384 = tpu.memref_slice %arg11[%dma_wait3A_381, %dma_wait3A_383] : memref<2x128xf32, #tpu.memory_space<vmem>> -> memref<1x128xf32, #tpu.memory_space<vmem>>
    %dma_wait3A_385 = tpu.memref_squeeze %dma_wait3A_384 : memref<1x128xf32, #tpu.memory_space<vmem>> -> memref<128xf32, #tpu.memory_space<vmem>>
    %dma_wait3A_386 = tpu.memref_slice %arg6[%add3A_158] : memref<16384xf32, #tpu.memory_space<hbm>> -> memref<128xf32, #tpu.memory_space<hbm>>
    %dma_wait3A_387 = tpu.memref_slice %arg18[%dma_wait3A_382] : memref<2x!tpu.dma_semaphore, #tpu.memory_space<semaphore_mem>> -> memref<1x!tpu.dma_semaphore, #tpu.memory_space<semaphore_mem>>
    %dma_wait3A_388 = tpu.memref_squeeze %dma_wait3A_387 : memref<1x!tpu.dma_semaphore, #tpu.memory_space<semaphore_mem>> -> memref<!tpu.dma_semaphore, #tpu.memory_space<semaphore_mem>>
    %dma_wait3A_389 = tpu.memref_slice %arg6[%add3A_158] : memref<16384xf32, #tpu.memory_space<hbm>> -> memref<128xf32, #tpu.memory_space<hbm>>
    %dma_wait3A_390 = arith.constant 0 : i32
    %dma_wait3A_391 = tpu.memref_slice %arg11[%dma_wait3A_381, %dma_wait3A_390] : memref<2x128xf32, #tpu.memory_space<vmem>> -> memref<1x128xf32, #tpu.memory_space<vmem>>
    %dma_wait3A_392 = tpu.memref_squeeze %dma_wait3A_391 : memref<1x128xf32, #tpu.memory_space<vmem>> -> memref<128xf32, #tpu.memory_space<vmem>>
    tpu.wait_dma2 semaphore(%dma_wait3A_388 : memref<!tpu.dma_semaphore, #tpu.memory_space<semaphore_mem>>) src(%dma_wait3A_392 : memref<128xf32, #tpu.memory_space<vmem>>) dst(%dma_wait3A_389 : memref<128xf32, #tpu.memory_space<hbm>>)
    %parallel_loop3A_393 = arith.constant 0 : i32
    %parallel_loop3A_394 = arith.constant 128 : i32
    %parallel_loop3A_395 = arith.constant 1 : i32
    scf.for %parallel_loop3A_518 = %parallel_loop3A_393 to %parallel_loop3A_394 step %parallel_loop3A_395  : i32 {
      %parallel_loop3A_519 = arith.constant 0 : i32
      %parallel_loop3A_520 = arith.index_cast %parallel_loop3A_519 : i32 to index
      %parallel_loop3A_521 = arith.index_cast %parallel_loop3A_518 : i32 to index
      %parallel_loop3A_522 = arith.constant 0 : index
      %parallel_loop3A_523 = tpu.vector_load %arg8[%parallel_loop3A_520, %parallel_loop3A_521, %parallel_loop3A_522] {strides = array<i32>} : memref<2x128x128xf32, #tpu.memory_space<vmem>>, vector<1x1x16xf32>,
      %parallel_loop3A_524 = vector.shape_cast %parallel_loop3A_523 : vector<1x1x16xf32> to vector<16xf32>
      %parallel_loop3A_525 = arith.constant 0 : i32
      %parallel_loop3A_526 = arith.index_cast %parallel_loop3A_525 : i32 to index
      %parallel_loop3A_527 = arith.index_cast %parallel_loop3A_518 : i32 to index
      %parallel_loop3A_528 = arith.constant 64 : index
      %parallel_loop3A_529 = tpu.vector_load %arg8[%parallel_loop3A_526, %parallel_loop3A_527, %parallel_loop3A_528] {strides = array<i32>} : memref<2x128x128xf32, #tpu.memory_space<vmem>>, vector<1x1x16xf32>,
      %parallel_loop3A_530 = vector.shape_cast %parallel_loop3A_529 : vector<1x1x16xf32> to vector<16xf32>
      %parallel_loop3A_531 = arith.constant 0 : i32
      %parallel_loop3A_532 = arith.index_cast %parallel_loop3A_531 : i32 to index
      %parallel_loop3A_533 = arith.index_cast %parallel_loop3A_518 : i32 to index
      %parallel_loop3A_534 = arith.constant 0 : index
      %parallel_loop3A_535 = tpu.vector_load %arg9[%parallel_loop3A_532, %parallel_loop3A_533, %parallel_loop3A_534] {strides = array<i32>} : memref<2x128x128xf32, #tpu.memory_space<vmem>>, vector<1x1x16xf32>,
      %parallel_loop3A_536 = vector.shape_cast %parallel_loop3A_535 : vector<1x1x16xf32> to vector<16xf32>
      %parallel_loop3A_537 = arith.constant 0 : i32
      %parallel_loop3A_538 = arith.index_cast %parallel_loop3A_537 : i32 to index
      %parallel_loop3A_539 = arith.index_cast %parallel_loop3A_518 : i32 to index
      %parallel_loop3A_540 = arith.constant 64 : index
      %parallel_loop3A_541 = tpu.vector_load %arg9[%parallel_loop3A_538, %parallel_loop3A_539, %parallel_loop3A_540] {strides = array<i32>} : memref<2x128x128xf32, #tpu.memory_space<vmem>>, vector<1x1x16xf32>,
      %parallel_loop3A_542 = vector.shape_cast %parallel_loop3A_541 : vector<1x1x16xf32> to vector<16xf32>
      %parallel_loop3A_543 = arith.constant 0 : i32
      %parallel_loop3A_544 = arith.index_cast %parallel_loop3A_543 : i32 to index
      %parallel_loop3A_545 = arith.index_cast %parallel_loop3A_518 : i32 to index
      %parallel_loop3A_546 = arith.constant 0 : index
      %parallel_loop3A_547 = tpu.vector_load %arg10[%parallel_loop3A_544, %parallel_loop3A_545, %parallel_loop3A_546] {strides = array<i32>} : memref<2x128x128xf32, #tpu.memory_space<vmem>>, vector<1x1x16xf32>,
      %parallel_loop3A_548 = vector.shape_cast %parallel_loop3A_547 : vector<1x1x16xf32> to vector<16xf32>
      %parallel_loop3A_549 = arith.constant 0 : i32
      %parallel_loop3A_550 = arith.index_cast %parallel_loop3A_549 : i32 to index
      %parallel_loop3A_551 = arith.index_cast %parallel_loop3A_518 : i32 to index
      %parallel_loop3A_552 = arith.constant 64 : index
      %parallel_loop3A_553 = tpu.vector_load %arg10[%parallel_loop3A_550, %parallel_loop3A_551, %parallel_loop3A_552] {strides = array<i32>} : memref<2x128x128xf32, #tpu.memory_space<vmem>>, vector<1x1x16xf32>,
      %parallel_loop3A_554 = vector.shape_cast %parallel_loop3A_553 : vector<1x1x16xf32> to vector<16xf32>
      %parallel_loop3A_555 = arith.mulf %parallel_loop3A_524, %parallel_loop3A_536 : vector<16xf32>
      %parallel_loop3A_556 = arith.mulf %parallel_loop3A_530, %parallel_loop3A_542 : vector<16xf32>
      %parallel_loop3A_557 = arith.addf %parallel_loop3A_555, %parallel_loop3A_556 : vector<16xf32>
      %parallel_loop3A_558 = arith.mulf %parallel_loop3A_548, %parallel_loop3A_557 : vector<16xf32>
      %parallel_loop3A_559 = arith.mulf %parallel_loop3A_524, %parallel_loop3A_542 : vector<16xf32>
      %parallel_loop3A_560 = arith.mulf %parallel_loop3A_530, %parallel_loop3A_536 : vector<16xf32>
      %parallel_loop3A_561 = arith.subf %parallel_loop3A_559, %parallel_loop3A_560 : vector<16xf32>
      %parallel_loop3A_562 = arith.mulf %parallel_loop3A_554, %parallel_loop3A_561 : vector<16xf32>
      %parallel_loop3A_563 = arith.addf %parallel_loop3A_558, %parallel_loop3A_562 : vector<16xf32>
      %parallel_loop3A_564 = arith.constant 0 : i32
      %parallel_loop3A_565 = arith.index_cast %parallel_loop3A_564 : i32 to index
      %parallel_loop3A_566 = arith.index_cast %parallel_loop3A_518 : i32 to index
      %parallel_loop3A_567 = arith.constant 16 : index
      %parallel_loop3A_568 = tpu.vector_load %arg8[%parallel_loop3A_565, %parallel_loop3A_566, %parallel_loop3A_567] {strides = array<i32>} : memref<2x128x128xf32, #tpu.memory_space<vmem>>, vector<1x1x16xf32>,
      %parallel_loop3A_569 = vector.shape_cast %parallel_loop3A_568 : vector<1x1x16xf32> to vector<16xf32>
      %parallel_loop3A_570 = arith.constant 0 : i32
      %parallel_loop3A_571 = arith.index_cast %parallel_loop3A_570 : i32 to index
      %parallel_loop3A_572 = arith.index_cast %parallel_loop3A_518 : i32 to index
      %parallel_loop3A_573 = arith.constant 80 : index
      %parallel_loop3A_574 = tpu.vector_load %arg8[%parallel_loop3A_571, %parallel_loop3A_572, %parallel_loop3A_573] {strides = array<i32>} : memref<2x128x128xf32, #tpu.memory_space<vmem>>, vector<1x1x16xf32>,
      %parallel_loop3A_575 = vector.shape_cast %parallel_loop3A_574 : vector<1x1x16xf32> to vector<16xf32>
      %parallel_loop3A_576 = arith.constant 0 : i32
      %parallel_loop3A_577 = arith.index_cast %parallel_loop3A_576 : i32 to index
      %parallel_loop3A_578 = arith.index_cast %parallel_loop3A_518 : i32 to index
      %parallel_loop3A_579 = arith.constant 16 : index
      %parallel_loop3A_580 = tpu.vector_load %arg9[%parallel_loop3A_577, %parallel_loop3A_578, %parallel_loop3A_579] {strides = array<i32>} : memref<2x128x128xf32, #tpu.memory_space<vmem>>, vector<1x1x16xf32>,
      %parallel_loop3A_581 = vector.shape_cast %parallel_loop3A_580 : vector<1x1x16xf32> to vector<16xf32>
      %parallel_loop3A_582 = arith.constant 0 : i32
      %parallel_loop3A_583 = arith.index_cast %parallel_loop3A_582 : i32 to index
      %parallel_loop3A_584 = arith.index_cast %parallel_loop3A_518 : i32 to index
      %parallel_loop3A_585 = arith.constant 80 : index
      %parallel_loop3A_586 = tpu.vector_load %arg9[%parallel_loop3A_583, %parallel_loop3A_584, %parallel_loop3A_585] {strides = array<i32>} : memref<2x128x128xf32, #tpu.memory_space<vmem>>, vector<1x1x16xf32>,
      %parallel_loop3A_587 = vector.shape_cast %parallel_loop3A_586 : vector<1x1x16xf32> to vector<16xf32>
      %parallel_loop3A_588 = arith.constant 0 : i32
      %parallel_loop3A_589 = arith.index_cast %parallel_loop3A_588 : i32 to index
      %parallel_loop3A_590 = arith.index_cast %parallel_loop3A_518 : i32 to index
      %parallel_loop3A_591 = arith.constant 16 : index
      %parallel_loop3A_592 = tpu.vector_load %arg10[%parallel_loop3A_589, %parallel_loop3A_590, %parallel_loop3A_591] {strides = array<i32>} : memref<2x128x128xf32, #tpu.memory_space<vmem>>, vector<1x1x16xf32>,
      %parallel_loop3A_593 = vector.shape_cast %parallel_loop3A_592 : vector<1x1x16xf32> to vector<16xf32>
      %parallel_loop3A_594 = arith.constant 0 : i32
      %parallel_loop3A_595 = arith.index_cast %parallel_loop3A_594 : i32 to index
      %parallel_loop3A_596 = arith.index_cast %parallel_loop3A_518 : i32 to index
      %parallel_loop3A_597 = arith.constant 80 : index
      %parallel_loop3A_598 = tpu.vector_load %arg10[%parallel_loop3A_595, %parallel_loop3A_596, %parallel_loop3A_597] {strides = array<i32>} : memref<2x128x128xf32, #tpu.memory_space<vmem>>, vector<1x1x16xf32>,
      %parallel_loop3A_599 = vector.shape_cast %parallel_loop3A_598 : vector<1x1x16xf32> to vector<16xf32>
      %parallel_loop3A_600 = arith.mulf %parallel_loop3A_569, %parallel_loop3A_581 : vector<16xf32>
      %parallel_loop3A_601 = arith.mulf %parallel_loop3A_575, %parallel_loop3A_587 : vector<16xf32>
      %parallel_loop3A_602 = arith.addf %parallel_loop3A_600, %parallel_loop3A_601 : vector<16xf32>
      %parallel_loop3A_603 = arith.mulf %parallel_loop3A_593, %parallel_loop3A_602 : vector<16xf32>
      %parallel_loop3A_604 = arith.mulf %parallel_loop3A_569, %parallel_loop3A_587 : vector<16xf32>
      %parallel_loop3A_605 = arith.mulf %parallel_loop3A_575, %parallel_loop3A_581 : vector<16xf32>
      %parallel_loop3A_606 = arith.subf %parallel_loop3A_604, %parallel_loop3A_605 : vector<16xf32>
      %parallel_loop3A_607 = arith.mulf %parallel_loop3A_599, %parallel_loop3A_606 : vector<16xf32>
      %parallel_loop3A_608 = arith.addf %parallel_loop3A_603, %parallel_loop3A_607 : vector<16xf32>
      %parallel_loop3A_609 = arith.addf %parallel_loop3A_563, %parallel_loop3A_608 : vector<16xf32>
      %parallel_loop3A_610 = arith.constant 0 : i32
      %parallel_loop3A_611 = arith.index_cast %parallel_loop3A_610 : i32 to index
      %parallel_loop3A_612 = arith.index_cast %parallel_loop3A_518 : i32 to index
      %parallel_loop3A_613 = arith.constant 32 : index
      %parallel_loop3A_614 = tpu.vector_load %arg8[%parallel_loop3A_611, %parallel_loop3A_612, %parallel_loop3A_613] {strides = array<i32>} : memref<2x128x128xf32, #tpu.memory_space<vmem>>, vector<1x1x16xf32>,
      %parallel_loop3A_615 = vector.shape_cast %parallel_loop3A_614 : vector<1x1x16xf32> to vector<16xf32>
      %parallel_loop3A_616 = arith.constant 0 : i32
      %parallel_loop3A_617 = arith.index_cast %parallel_loop3A_616 : i32 to index
      %parallel_loop3A_618 = arith.index_cast %parallel_loop3A_518 : i32 to index
      %parallel_loop3A_619 = arith.constant 96 : index
      %parallel_loop3A_620 = tpu.vector_load %arg8[%parallel_loop3A_617, %parallel_loop3A_618, %parallel_loop3A_619] {strides = array<i32>} : memref<2x128x128xf32, #tpu.memory_space<vmem>>, vector<1x1x16xf32>,
      %parallel_loop3A_621 = vector.shape_cast %parallel_loop3A_620 : vector<1x1x16xf32> to vector<16xf32>
      %parallel_loop3A_622 = arith.constant 0 : i32
      %parallel_loop3A_623 = arith.index_cast %parallel_loop3A_622 : i32 to index
      %parallel_loop3A_624 = arith.index_cast %parallel_loop3A_518 : i32 to index
      %parallel_loop3A_625 = arith.constant 32 : index
      %parallel_loop3A_626 = tpu.vector_load %arg9[%parallel_loop3A_623, %parallel_loop3A_624, %parallel_loop3A_625] {strides = array<i32>} : memref<2x128x128xf32, #tpu.memory_space<vmem>>, vector<1x1x16xf32>,
      %parallel_loop3A_627 = vector.shape_cast %parallel_loop3A_626 : vector<1x1x16xf32> to vector<16xf32>
      %parallel_loop3A_628 = arith.constant 0 : i32
      %parallel_loop3A_629 = arith.index_cast %parallel_loop3A_628 : i32 to index
      %parallel_loop3A_630 = arith.index_cast %parallel_loop3A_518 : i32 to index
      %parallel_loop3A_631 = arith.constant 96 : index
      %parallel_loop3A_632 = tpu.vector_load %arg9[%parallel_loop3A_629, %parallel_loop3A_630, %parallel_loop3A_631] {strides = array<i32>} : memref<2x128x128xf32, #tpu.memory_space<vmem>>, vector<1x1x16xf32>,
      %parallel_loop3A_633 = vector.shape_cast %parallel_loop3A_632 : vector<1x1x16xf32> to vector<16xf32>
      %parallel_loop3A_634 = arith.constant 0 : i32
      %parallel_loop3A_635 = arith.index_cast %parallel_loop3A_634 : i32 to index
      %parallel_loop3A_636 = arith.index_cast %parallel_loop3A_518 : i32 to index
      %parallel_loop3A_637 = arith.constant 32 : index
      %parallel_loop3A_638 = tpu.vector_load %arg10[%parallel_loop3A_635, %parallel_loop3A_636, %parallel_loop3A_637] {strides = array<i32>} : memref<2x128x128xf32, #tpu.memory_space<vmem>>, vector<1x1x16xf32>,
      %parallel_loop3A_639 = vector.shape_cast %parallel_loop3A_638 : vector<1x1x16xf32> to vector<16xf32>
      %parallel_loop3A_640 = arith.constant 0 : i32
      %parallel_loop3A_641 = arith.index_cast %parallel_loop3A_640 : i32 to index
      %parallel_loop3A_642 = arith.index_cast %parallel_loop3A_518 : i32 to index
      %parallel_loop3A_643 = arith.constant 96 : index
      %parallel_loop3A_644 = tpu.vector_load %arg10[%parallel_loop3A_641, %parallel_loop3A_642, %parallel_loop3A_643] {strides = array<i32>} : memref<2x128x128xf32, #tpu.memory_space<vmem>>, vector<1x1x16xf32>,
      %parallel_loop3A_645 = vector.shape_cast %parallel_loop3A_644 : vector<1x1x16xf32> to vector<16xf32>
      %parallel_loop3A_646 = arith.mulf %parallel_loop3A_615, %parallel_loop3A_627 : vector<16xf32>
      %parallel_loop3A_647 = arith.mulf %parallel_loop3A_621, %parallel_loop3A_633 : vector<16xf32>
      %parallel_loop3A_648 = arith.addf %parallel_loop3A_646, %parallel_loop3A_647 : vector<16xf32>
      %parallel_loop3A_649 = arith.mulf %parallel_loop3A_639, %parallel_loop3A_648 : vector<16xf32>
      %parallel_loop3A_650 = arith.mulf %parallel_loop3A_615, %parallel_loop3A_633 : vector<16xf32>
      %parallel_loop3A_651 = arith.mulf %parallel_loop3A_621, %parallel_loop3A_627 : vector<16xf32>
      %parallel_loop3A_652 = arith.subf %parallel_loop3A_650, %parallel_loop3A_651 : vector<16xf32>
      %parallel_loop3A_653 = arith.mulf %parallel_loop3A_645, %parallel_loop3A_652 : vector<16xf32>
      %parallel_loop3A_654 = arith.addf %parallel_loop3A_649, %parallel_loop3A_653 : vector<16xf32>
      %parallel_loop3A_655 = arith.addf %parallel_loop3A_609, %parallel_loop3A_654 : vector<16xf32>
      %parallel_loop3A_656 = arith.constant 0 : i32
      %parallel_loop3A_657 = arith.index_cast %parallel_loop3A_656 : i32 to index
      %parallel_loop3A_658 = arith.index_cast %parallel_loop3A_518 : i32 to index
      %parallel_loop3A_659 = arith.constant 48 : index
      %parallel_loop3A_660 = tpu.vector_load %arg8[%parallel_loop3A_657, %parallel_loop3A_658, %parallel_loop3A_659] {strides = array<i32>} : memref<2x128x128xf32, #tpu.memory_space<vmem>>, vector<1x1x16xf32>,
      %parallel_loop3A_661 = vector.shape_cast %parallel_loop3A_660 : vector<1x1x16xf32> to vector<16xf32>
      %parallel_loop3A_662 = arith.constant 0 : i32
      %parallel_loop3A_663 = arith.index_cast %parallel_loop3A_662 : i32 to index
      %parallel_loop3A_664 = arith.index_cast %parallel_loop3A_518 : i32 to index
      %parallel_loop3A_665 = arith.constant 112 : index
      %parallel_loop3A_666 = tpu.vector_load %arg8[%parallel_loop3A_663, %parallel_loop3A_664, %parallel_loop3A_665] {strides = array<i32>} : memref<2x128x128xf32, #tpu.memory_space<vmem>>, vector<1x1x16xf32>,
      %parallel_loop3A_667 = vector.shape_cast %parallel_loop3A_666 : vector<1x1x16xf32> to vector<16xf32>
      %parallel_loop3A_668 = arith.constant 0 : i32
      %parallel_loop3A_669 = arith.index_cast %parallel_loop3A_668 : i32 to index
      %parallel_loop3A_670 = arith.index_cast %parallel_loop3A_518 : i32 to index
      %parallel_loop3A_671 = arith.constant 48 : index
      %parallel_loop3A_672 = tpu.vector_load %arg9[%parallel_loop3A_669, %parallel_loop3A_670, %parallel_loop3A_671] {strides = array<i32>} : memref<2x128x128xf32, #tpu.memory_space<vmem>>, vector<1x1x16xf32>,
      %parallel_loop3A_673 = vector.shape_cast %parallel_loop3A_672 : vector<1x1x16xf32> to vector<16xf32>
      %parallel_loop3A_674 = arith.constant 0 : i32
      %parallel_loop3A_675 = arith.index_cast %parallel_loop3A_674 : i32 to index
      %parallel_loop3A_676 = arith.index_cast %parallel_loop3A_518 : i32 to index
      %parallel_loop3A_677 = arith.constant 112 : index
      %parallel_loop3A_678 = tpu.vector_load %arg9[%parallel_loop3A_675, %parallel_loop3A_676, %parallel_loop3A_677] {strides = array<i32>} : memref<2x128x128xf32, #tpu.memory_space<vmem>>, vector<1x1x16xf32>,
      %parallel_loop3A_679 = vector.shape_cast %parallel_loop3A_678 : vector<1x1x16xf32> to vector<16xf32>
      %parallel_loop3A_680 = arith.constant 0 : i32
      %parallel_loop3A_681 = arith.index_cast %parallel_loop3A_680 : i32 to index
      %parallel_loop3A_682 = arith.index_cast %parallel_loop3A_518 : i32 to index
      %parallel_loop3A_683 = arith.constant 48 : index
      %parallel_loop3A_684 = tpu.vector_load %arg10[%parallel_loop3A_681, %parallel_loop3A_682, %parallel_loop3A_683] {strides = array<i32>} : memref<2x128x128xf32, #tpu.memory_space<vmem>>, vector<1x1x16xf32>,
      %parallel_loop3A_685 = vector.shape_cast %parallel_loop3A_684 : vector<1x1x16xf32> to vector<16xf32>
      %parallel_loop3A_686 = arith.constant 0 : i32
      %parallel_loop3A_687 = arith.index_cast %parallel_loop3A_686 : i32 to index
      %parallel_loop3A_688 = arith.index_cast %parallel_loop3A_518 : i32 to index
      %parallel_loop3A_689 = arith.constant 112 : index
      %parallel_loop3A_690 = tpu.vector_load %arg10[%parallel_loop3A_687, %parallel_loop3A_688, %parallel_loop3A_689] {strides = array<i32>} : memref<2x128x128xf32, #tpu.memory_space<vmem>>, vector<1x1x16xf32>,
      %parallel_loop3A_691 = vector.shape_cast %parallel_loop3A_690 : vector<1x1x16xf32> to vector<16xf32>
      %parallel_loop3A_692 = arith.mulf %parallel_loop3A_661, %parallel_loop3A_673 : vector<16xf32>
      %parallel_loop3A_693 = arith.mulf %parallel_loop3A_667, %parallel_loop3A_679 : vector<16xf32>
      %parallel_loop3A_694 = arith.addf %parallel_loop3A_692, %parallel_loop3A_693 : vector<16xf32>
      %parallel_loop3A_695 = arith.mulf %parallel_loop3A_685, %parallel_loop3A_694 : vector<16xf32>
      %parallel_loop3A_696 = arith.mulf %parallel_loop3A_661, %parallel_loop3A_679 : vector<16xf32>
      %parallel_loop3A_697 = arith.mulf %parallel_loop3A_667, %parallel_loop3A_673 : vector<16xf32>
      %parallel_loop3A_698 = arith.subf %parallel_loop3A_696, %parallel_loop3A_697 : vector<16xf32>
      %parallel_loop3A_699 = arith.mulf %parallel_loop3A_691, %parallel_loop3A_698 : vector<16xf32>
      %parallel_loop3A_700 = arith.addf %parallel_loop3A_695, %parallel_loop3A_699 : vector<16xf32>
      %parallel_loop3A_701 = arith.addf %parallel_loop3A_655, %parallel_loop3A_700 : vector<16xf32>
      %parallel_loop3A_702 = arith.index_cast %parallel_loop3A_518 : i32 to index
      %parallel_loop3A_703 = arith.constant 0 : index
      %parallel_loop3A_704 = tpu.vector_load %arg12[%parallel_loop3A_702, %parallel_loop3A_703] {strides = array<i32>} : memref<128x16xf32, #tpu.memory_space<vmem>>, vector<1x16xf32>,
      %parallel_loop3A_705 = vector.shape_cast %parallel_loop3A_704 : vector<1x16xf32> to vector<16xf32>
      %parallel_loop3A_706 = vector.shape_cast %parallel_loop3A_701 : vector<16xf32> to vector<1x16xf32>
      tpu.vector_store %arg12[%parallel_loop3A_702, %parallel_loop3A_703], %parallel_loop3A_706 {strides = array<i32>} : memref<128x16xf32, #tpu.memory_space<vmem>>, vector<1x16xf32>,
    } {sc.loop_unroll_factor = 1 : i64, sc.parallel_access}
    %parallel_loop3A_396 = arith.constant 0 : i32
    %parallel_loop3A_397 = arith.constant 8 : i32
    %parallel_loop3A_398 = arith.constant 1 : i32
    scf.for %parallel_loop3A_518 = %parallel_loop3A_396 to %parallel_loop3A_397 step %parallel_loop3A_398  : i32 {
      %parallel_loop3A_519 = arith.constant 16 : i32
      %parallel_loop3A_520 = arith.muli %parallel_loop3A_518, %parallel_loop3A_519 : i32
      %parallel_loop3A_521 = arith.constant 0 : i32
      %parallel_loop3A_522 = arith.addi %parallel_loop3A_520, %parallel_loop3A_521 : i32
      %parallel_loop3A_523 = arith.index_cast %parallel_loop3A_522 : i32 to index
      %parallel_loop3A_524 = arith.constant 0 : index
      %parallel_loop3A_525 = tpu.vector_load %arg12[%parallel_loop3A_523, %parallel_loop3A_524] {strides = array<i32>} : memref<128x16xf32, #tpu.memory_space<vmem>>, vector<1x16xf32>,
      %parallel_loop3A_526 = vector.shape_cast %parallel_loop3A_525 : vector<1x16xf32> to vector<16xf32>
      %parallel_loop3A_527 = arith.constant 16 : i32
      %parallel_loop3A_528 = arith.muli %parallel_loop3A_518, %parallel_loop3A_527 : i32
      %parallel_loop3A_529 = arith.constant 1 : i32
      %parallel_loop3A_530 = arith.addi %parallel_loop3A_528, %parallel_loop3A_529 : i32
      %parallel_loop3A_531 = arith.index_cast %parallel_loop3A_530 : i32 to index
      %parallel_loop3A_532 = arith.constant 0 : index
      %parallel_loop3A_533 = tpu.vector_load %arg12[%parallel_loop3A_531, %parallel_loop3A_532] {strides = array<i32>} : memref<128x16xf32, #tpu.memory_space<vmem>>, vector<1x16xf32>,
      %parallel_loop3A_534 = vector.shape_cast %parallel_loop3A_533 : vector<1x16xf32> to vector<16xf32>
      %parallel_loop3A_535 = arith.constant 1 : i32
      %parallel_loop3A_536 = vector.broadcast %parallel_loop3A_535 : i32 to vector<16xi32>
      %parallel_loop3A_537 = arith.xori %iota3A, %parallel_loop3A_536 : vector<16xi32>
      %parallel_loop3A_538 = vector.shape_cast %parallel_loop3A_537 : vector<16xi32> to vector<16x1xi32>
      %parallel_loop3A_539 = vector.shape_cast %parallel_loop3A_538 : vector<16x1xi32> to vector<16xi32>
      %parallel_loop3A_540 = tpu.dynamic_gather %parallel_loop3A_526[%parallel_loop3A_539] in [0] : vector<16xf32>, vector<16xi32> -> vector<16xf32>
      %parallel_loop3A_541 = arith.addf %parallel_loop3A_526, %parallel_loop3A_540 : vector<16xf32>
      %parallel_loop3A_542 = vector.shape_cast %parallel_loop3A_537 : vector<16xi32> to vector<16x1xi32>
      %parallel_loop3A_543 = vector.shape_cast %parallel_loop3A_542 : vector<16x1xi32> to vector<16xi32>
      %parallel_loop3A_544 = tpu.dynamic_gather %parallel_loop3A_534[%parallel_loop3A_543] in [0] : vector<16xf32>, vector<16xi32> -> vector<16xf32>
      %parallel_loop3A_545 = arith.addf %parallel_loop3A_534, %parallel_loop3A_544 : vector<16xf32>
      %parallel_loop3A_546 = arith.constant 1 : i32
      %parallel_loop3A_547 = vector.broadcast %parallel_loop3A_546 : i32 to vector<16xi32>
      %parallel_loop3A_548 = arith.andi %iota3A, %parallel_loop3A_547 : vector<16xi32>
      %parallel_loop3A_549 = arith.constant 0 : i32
      %parallel_loop3A_550 = vector.broadcast %parallel_loop3A_549 : i32 to vector<16xi32>
      %parallel_loop3A_551 = arith.cmpi eq, %parallel_loop3A_548, %parallel_loop3A_550 : vector<16xi32>
      %parallel_loop3A_552 = arith.select %parallel_loop3A_551, %parallel_loop3A_541, %parallel_loop3A_545 : vector<16xi1>, vector<16xf32>
      %parallel_loop3A_553 = arith.constant 16 : i32
      %parallel_loop3A_554 = arith.muli %parallel_loop3A_518, %parallel_loop3A_553 : i32
      %parallel_loop3A_555 = arith.constant 2 : i32
      %parallel_loop3A_556 = arith.addi %parallel_loop3A_554, %parallel_loop3A_555 : i32
      %parallel_loop3A_557 = arith.index_cast %parallel_loop3A_556 : i32 to index
      %parallel_loop3A_558 = arith.constant 0 : index
      %parallel_loop3A_559 = tpu.vector_load %arg12[%parallel_loop3A_557, %parallel_loop3A_558] {strides = array<i32>} : memref<128x16xf32, #tpu.memory_space<vmem>>, vector<1x16xf32>,
      %parallel_loop3A_560 = vector.shape_cast %parallel_loop3A_559 : vector<1x16xf32> to vector<16xf32>
      %parallel_loop3A_561 = arith.constant 16 : i32
      %parallel_loop3A_562 = arith.muli %parallel_loop3A_518, %parallel_loop3A_561 : i32
      %parallel_loop3A_563 = arith.constant 3 : i32
      %parallel_loop3A_564 = arith.addi %parallel_loop3A_562, %parallel_loop3A_563 : i32
      %parallel_loop3A_565 = arith.index_cast %parallel_loop3A_564 : i32 to index
      %parallel_loop3A_566 = arith.constant 0 : index
      %parallel_loop3A_567 = tpu.vector_load %arg12[%parallel_loop3A_565, %parallel_loop3A_566] {strides = array<i32>} : memref<128x16xf32, #tpu.memory_space<vmem>>, vector<1x16xf32>,
      %parallel_loop3A_568 = vector.shape_cast %parallel_loop3A_567 : vector<1x16xf32> to vector<16xf32>
      %parallel_loop3A_569 = arith.constant 1 : i32
      %parallel_loop3A_570 = vector.broadcast %parallel_loop3A_569 : i32 to vector<16xi32>
      %parallel_loop3A_571 = arith.xori %iota3A, %parallel_loop3A_570 : vector<16xi32>
      %parallel_loop3A_572 = vector.shape_cast %parallel_loop3A_571 : vector<16xi32> to vector<16x1xi32>
      %parallel_loop3A_573 = vector.shape_cast %parallel_loop3A_572 : vector<16x1xi32> to vector<16xi32>
      %parallel_loop3A_574 = tpu.dynamic_gather %parallel_loop3A_560[%parallel_loop3A_573] in [0] : vector<16xf32>, vector<16xi32> -> vector<16xf32>
      %parallel_loop3A_575 = arith.addf %parallel_loop3A_560, %parallel_loop3A_574 : vector<16xf32>
      %parallel_loop3A_576 = vector.shape_cast %parallel_loop3A_571 : vector<16xi32> to vector<16x1xi32>
      %parallel_loop3A_577 = vector.shape_cast %parallel_loop3A_576 : vector<16x1xi32> to vector<16xi32>
      %parallel_loop3A_578 = tpu.dynamic_gather %parallel_loop3A_568[%parallel_loop3A_577] in [0] : vector<16xf32>, vector<16xi32> -> vector<16xf32>
      %parallel_loop3A_579 = arith.addf %parallel_loop3A_568, %parallel_loop3A_578 : vector<16xf32>
      %parallel_loop3A_580 = arith.constant 1 : i32
      %parallel_loop3A_581 = vector.broadcast %parallel_loop3A_580 : i32 to vector<16xi32>
      %parallel_loop3A_582 = arith.andi %iota3A, %parallel_loop3A_581 : vector<16xi32>
      %parallel_loop3A_583 = arith.constant 0 : i32
      %parallel_loop3A_584 = vector.broadcast %parallel_loop3A_583 : i32 to vector<16xi32>
      %parallel_loop3A_585 = arith.cmpi eq, %parallel_loop3A_582, %parallel_loop3A_584 : vector<16xi32>
      %parallel_loop3A_586 = arith.select %parallel_loop3A_585, %parallel_loop3A_575, %parallel_loop3A_579 : vector<16xi1>, vector<16xf32>
      %parallel_loop3A_587 = arith.constant 2 : i32
      %parallel_loop3A_588 = vector.broadcast %parallel_loop3A_587 : i32 to vector<16xi32>
      %parallel_loop3A_589 = arith.xori %iota3A, %parallel_loop3A_588 : vector<16xi32>
      %parallel_loop3A_590 = vector.shape_cast %parallel_loop3A_589 : vector<16xi32> to vector<16x1xi32>
      %parallel_loop3A_591 = vector.shape_cast %parallel_loop3A_590 : vector<16x1xi32> to vector<16xi32>
      %parallel_loop3A_592 = tpu.dynamic_gather %parallel_loop3A_552[%parallel_loop3A_591] in [0] : vector<16xf32>, vector<16xi32> -> vector<16xf32>
      %parallel_loop3A_593 = arith.addf %parallel_loop3A_552, %parallel_loop3A_592 : vector<16xf32>
      %parallel_loop3A_594 = vector.shape_cast %parallel_loop3A_589 : vector<16xi32> to vector<16x1xi32>
      %parallel_loop3A_595 = vector.shape_cast %parallel_loop3A_594 : vector<16x1xi32> to vector<16xi32>
      %parallel_loop3A_596 = tpu.dynamic_gather %parallel_loop3A_586[%parallel_loop3A_595] in [0] : vector<16xf32>, vector<16xi32> -> vector<16xf32>
      %parallel_loop3A_597 = arith.addf %parallel_loop3A_586, %parallel_loop3A_596 : vector<16xf32>
      %parallel_loop3A_598 = arith.constant 2 : i32
      %parallel_loop3A_599 = vector.broadcast %parallel_loop3A_598 : i32 to vector<16xi32>
      %parallel_loop3A_600 = arith.andi %iota3A, %parallel_loop3A_599 : vector<16xi32>
      %parallel_loop3A_601 = arith.constant 0 : i32
      %parallel_loop3A_602 = vector.broadcast %parallel_loop3A_601 : i32 to vector<16xi32>
      %parallel_loop3A_603 = arith.cmpi eq, %parallel_loop3A_600, %parallel_loop3A_602 : vector<16xi32>
      %parallel_loop3A_604 = arith.select %parallel_loop3A_603, %parallel_loop3A_593, %parallel_loop3A_597 : vector<16xi1>, vector<16xf32>
      %parallel_loop3A_605 = arith.constant 16 : i32
      %parallel_loop3A_606 = arith.muli %parallel_loop3A_518, %parallel_loop3A_605 : i32
      %parallel_loop3A_607 = arith.constant 4 : i32
      %parallel_loop3A_608 = arith.addi %parallel_loop3A_606, %parallel_loop3A_607 : i32
      %parallel_loop3A_609 = arith.index_cast %parallel_loop3A_608 : i32 to index
      %parallel_loop3A_610 = arith.constant 0 : index
      %parallel_loop3A_611 = tpu.vector_load %arg12[%parallel_loop3A_609, %parallel_loop3A_610] {strides = array<i32>} : memref<128x16xf32, #tpu.memory_space<vmem>>, vector<1x16xf32>,
      %parallel_loop3A_612 = vector.shape_cast %parallel_loop3A_611 : vector<1x16xf32> to vector<16xf32>
      %parallel_loop3A_613 = arith.constant 16 : i32
      %parallel_loop3A_614 = arith.muli %parallel_loop3A_518, %parallel_loop3A_613 : i32
      %parallel_loop3A_615 = arith.constant 5 : i32
      %parallel_loop3A_616 = arith.addi %parallel_loop3A_614, %parallel_loop3A_615 : i32
      %parallel_loop3A_617 = arith.index_cast %parallel_loop3A_616 : i32 to index
      %parallel_loop3A_618 = arith.constant 0 : index
      %parallel_loop3A_619 = tpu.vector_load %arg12[%parallel_loop3A_617, %parallel_loop3A_618] {strides = array<i32>} : memref<128x16xf32, #tpu.memory_space<vmem>>, vector<1x16xf32>,
      %parallel_loop3A_620 = vector.shape_cast %parallel_loop3A_619 : vector<1x16xf32> to vector<16xf32>
      %parallel_loop3A_621 = arith.constant 1 : i32
      %parallel_loop3A_622 = vector.broadcast %parallel_loop3A_621 : i32 to vector<16xi32>
      %parallel_loop3A_623 = arith.xori %iota3A, %parallel_loop3A_622 : vector<16xi32>
      %parallel_loop3A_624 = vector.shape_cast %parallel_loop3A_623 : vector<16xi32> to vector<16x1xi32>
      %parallel_loop3A_625 = vector.shape_cast %parallel_loop3A_624 : vector<16x1xi32> to vector<16xi32>
      %parallel_loop3A_626 = tpu.dynamic_gather %parallel_loop3A_612[%parallel_loop3A_625] in [0] : vector<16xf32>, vector<16xi32> -> vector<16xf32>
      %parallel_loop3A_627 = arith.addf %parallel_loop3A_612, %parallel_loop3A_626 : vector<16xf32>
      %parallel_loop3A_628 = vector.shape_cast %parallel_loop3A_623 : vector<16xi32> to vector<16x1xi32>
      %parallel_loop3A_629 = vector.shape_cast %parallel_loop3A_628 : vector<16x1xi32> to vector<16xi32>
      %parallel_loop3A_630 = tpu.dynamic_gather %parallel_loop3A_620[%parallel_loop3A_629] in [0] : vector<16xf32>, vector<16xi32> -> vector<16xf32>
      %parallel_loop3A_631 = arith.addf %parallel_loop3A_620, %parallel_loop3A_630 : vector<16xf32>
      %parallel_loop3A_632 = arith.constant 1 : i32
      %parallel_loop3A_633 = vector.broadcast %parallel_loop3A_632 : i32 to vector<16xi32>
      %parallel_loop3A_634 = arith.andi %iota3A, %parallel_loop3A_633 : vector<16xi32>
      %parallel_loop3A_635 = arith.constant 0 : i32
      %parallel_loop3A_636 = vector.broadcast %parallel_loop3A_635 : i32 to vector<16xi32>
      %parallel_loop3A_637 = arith.cmpi eq, %parallel_loop3A_634, %parallel_loop3A_636 : vector<16xi32>
      %parallel_loop3A_638 = arith.select %parallel_loop3A_637, %parallel_loop3A_627, %parallel_loop3A_631 : vector<16xi1>, vector<16xf32>
      %parallel_loop3A_639 = arith.constant 16 : i32
      %parallel_loop3A_640 = arith.muli %parallel_loop3A_518, %parallel_loop3A_639 : i32
      %parallel_loop3A_641 = arith.constant 6 : i32
      %parallel_loop3A_642 = arith.addi %parallel_loop3A_640, %parallel_loop3A_641 : i32
      %parallel_loop3A_643 = arith.index_cast %parallel_loop3A_642 : i32 to index
      %parallel_loop3A_644 = arith.constant 0 : index
      %parallel_loop3A_645 = tpu.vector_load %arg12[%parallel_loop3A_643, %parallel_loop3A_644] {strides = array<i32>} : memref<128x16xf32, #tpu.memory_space<vmem>>, vector<1x16xf32>,
      %parallel_loop3A_646 = vector.shape_cast %parallel_loop3A_645 : vector<1x16xf32> to vector<16xf32>
      %parallel_loop3A_647 = arith.constant 16 : i32
      %parallel_loop3A_648 = arith.muli %parallel_loop3A_518, %parallel_loop3A_647 : i32
      %parallel_loop3A_649 = arith.constant 7 : i32
      %parallel_loop3A_650 = arith.addi %parallel_loop3A_648, %parallel_loop3A_649 : i32
      %parallel_loop3A_651 = arith.index_cast %parallel_loop3A_650 : i32 to index
      %parallel_loop3A_652 = arith.constant 0 : index
      %parallel_loop3A_653 = tpu.vector_load %arg12[%parallel_loop3A_651, %parallel_loop3A_652] {strides = array<i32>} : memref<128x16xf32, #tpu.memory_space<vmem>>, vector<1x16xf32>,
      %parallel_loop3A_654 = vector.shape_cast %parallel_loop3A_653 : vector<1x16xf32> to vector<16xf32>
      %parallel_loop3A_655 = arith.constant 1 : i32
      %parallel_loop3A_656 = vector.broadcast %parallel_loop3A_655 : i32 to vector<16xi32>
      %parallel_loop3A_657 = arith.xori %iota3A, %parallel_loop3A_656 : vector<16xi32>
      %parallel_loop3A_658 = vector.shape_cast %parallel_loop3A_657 : vector<16xi32> to vector<16x1xi32>
      %parallel_loop3A_659 = vector.shape_cast %parallel_loop3A_658 : vector<16x1xi32> to vector<16xi32>
      %parallel_loop3A_660 = tpu.dynamic_gather %parallel_loop3A_646[%parallel_loop3A_659] in [0] : vector<16xf32>, vector<16xi32> -> vector<16xf32>
      %parallel_loop3A_661 = arith.addf %parallel_loop3A_646, %parallel_loop3A_660 : vector<16xf32>
      %parallel_loop3A_662 = vector.shape_cast %parallel_loop3A_657 : vector<16xi32> to vector<16x1xi32>
      %parallel_loop3A_663 = vector.shape_cast %parallel_loop3A_662 : vector<16x1xi32> to vector<16xi32>
      %parallel_loop3A_664 = tpu.dynamic_gather %parallel_loop3A_654[%parallel_loop3A_663] in [0] : vector<16xf32>, vector<16xi32> -> vector<16xf32>
      %parallel_loop3A_665 = arith.addf %parallel_loop3A_654, %parallel_loop3A_664 : vector<16xf32>
      %parallel_loop3A_666 = arith.constant 1 : i32
      %parallel_loop3A_667 = vector.broadcast %parallel_loop3A_666 : i32 to vector<16xi32>
      %parallel_loop3A_668 = arith.andi %iota3A, %parallel_loop3A_667 : vector<16xi32>
      %parallel_loop3A_669 = arith.constant 0 : i32
      %parallel_loop3A_670 = vector.broadcast %parallel_loop3A_669 : i32 to vector<16xi32>
      %parallel_loop3A_671 = arith.cmpi eq, %parallel_loop3A_668, %parallel_loop3A_670 : vector<16xi32>
      %parallel_loop3A_672 = arith.select %parallel_loop3A_671, %parallel_loop3A_661, %parallel_loop3A_665 : vector<16xi1>, vector<16xf32>
      %parallel_loop3A_673 = arith.constant 2 : i32
      %parallel_loop3A_674 = vector.broadcast %parallel_loop3A_673 : i32 to vector<16xi32>
      %parallel_loop3A_675 = arith.xori %iota3A, %parallel_loop3A_674 : vector<16xi32>
      %parallel_loop3A_676 = vector.shape_cast %parallel_loop3A_675 : vector<16xi32> to vector<16x1xi32>
      %parallel_loop3A_677 = vector.shape_cast %parallel_loop3A_676 : vector<16x1xi32> to vector<16xi32>
      %parallel_loop3A_678 = tpu.dynamic_gather %parallel_loop3A_638[%parallel_loop3A_677] in [0] : vector<16xf32>, vector<16xi32> -> vector<16xf32>
      %parallel_loop3A_679 = arith.addf %parallel_loop3A_638, %parallel_loop3A_678 : vector<16xf32>
      %parallel_loop3A_680 = vector.shape_cast %parallel_loop3A_675 : vector<16xi32> to vector<16x1xi32>
      %parallel_loop3A_681 = vector.shape_cast %parallel_loop3A_680 : vector<16x1xi32> to vector<16xi32>
      %parallel_loop3A_682 = tpu.dynamic_gather %parallel_loop3A_672[%parallel_loop3A_681] in [0] : vector<16xf32>, vector<16xi32> -> vector<16xf32>
      %parallel_loop3A_683 = arith.addf %parallel_loop3A_672, %parallel_loop3A_682 : vector<16xf32>
      %parallel_loop3A_684 = arith.constant 2 : i32
      %parallel_loop3A_685 = vector.broadcast %parallel_loop3A_684 : i32 to vector<16xi32>
      %parallel_loop3A_686 = arith.andi %iota3A, %parallel_loop3A_685 : vector<16xi32>
      %parallel_loop3A_687 = arith.constant 0 : i32
      %parallel_loop3A_688 = vector.broadcast %parallel_loop3A_687 : i32 to vector<16xi32>
      %parallel_loop3A_689 = arith.cmpi eq, %parallel_loop3A_686, %parallel_loop3A_688 : vector<16xi32>
      %parallel_loop3A_690 = arith.select %parallel_loop3A_689, %parallel_loop3A_679, %parallel_loop3A_683 : vector<16xi1>, vector<16xf32>
      %parallel_loop3A_691 = arith.constant 4 : i32
      %parallel_loop3A_692 = vector.broadcast %parallel_loop3A_691 : i32 to vector<16xi32>
      %parallel_loop3A_693 = arith.xori %iota3A, %parallel_loop3A_692 : vector<16xi32>
      %parallel_loop3A_694 = vector.shape_cast %parallel_loop3A_693 : vector<16xi32> to vector<16x1xi32>
      %parallel_loop3A_695 = vector.shape_cast %parallel_loop3A_694 : vector<16x1xi32> to vector<16xi32>
      %parallel_loop3A_696 = tpu.dynamic_gather %parallel_loop3A_604[%parallel_loop3A_695] in [0] : vector<16xf32>, vector<16xi32> -> vector<16xf32>
      %parallel_loop3A_697 = arith.addf %parallel_loop3A_604, %parallel_loop3A_696 : vector<16xf32>
      %parallel_loop3A_698 = vector.shape_cast %parallel_loop3A_693 : vector<16xi32> to vector<16x1xi32>
      %parallel_loop3A_699 = vector.shape_cast %parallel_loop3A_698 : vector<16x1xi32> to vector<16xi32>
      %parallel_loop3A_700 = tpu.dynamic_gather %parallel_loop3A_690[%parallel_loop3A_699] in [0] : vector<16xf32>, vector<16xi32> -> vector<16xf32>
      %parallel_loop3A_701 = arith.addf %parallel_loop3A_690, %parallel_loop3A_700 : vector<16xf32>
      %parallel_loop3A_702 = arith.constant 4 : i32
      %parallel_loop3A_703 = vector.broadcast %parallel_loop3A_702 : i32 to vector<16xi32>
      %parallel_loop3A_704 = arith.andi %iota3A, %parallel_loop3A_703 : vector<16xi32>
      %parallel_loop3A_705 = arith.constant 0 : i32
      %parallel_loop3A_706 = vector.broadcast %parallel_loop3A_705 : i32 to vector<16xi32>
      %parallel_loop3A_707 = arith.cmpi eq, %parallel_loop3A_704, %parallel_loop3A_706 : vector<16xi32>
      %parallel_loop3A_708 = arith.select %parallel_loop3A_707, %parallel_loop3A_697, %parallel_loop3A_701 : vector<16xi1>, vector<16xf32>
      %parallel_loop3A_709 = arith.constant 16 : i32
      %parallel_loop3A_710 = arith.muli %parallel_loop3A_518, %parallel_loop3A_709 : i32
      %parallel_loop3A_711 = arith.constant 8 : i32
      %parallel_loop3A_712 = arith.addi %parallel_loop3A_710, %parallel_loop3A_711 : i32
      %parallel_loop3A_713 = arith.index_cast %parallel_loop3A_712 : i32 to index
      %parallel_loop3A_714 = arith.constant 0 : index
      %parallel_loop3A_715 = tpu.vector_load %arg12[%parallel_loop3A_713, %parallel_loop3A_714] {strides = array<i32>} : memref<128x16xf32, #tpu.memory_space<vmem>>, vector<1x16xf32>,
      %parallel_loop3A_716 = vector.shape_cast %parallel_loop3A_715 : vector<1x16xf32> to vector<16xf32>
      %parallel_loop3A_717 = arith.constant 16 : i32
      %parallel_loop3A_718 = arith.muli %parallel_loop3A_518, %parallel_loop3A_717 : i32
      %parallel_loop3A_719 = arith.constant 9 : i32
      %parallel_loop3A_720 = arith.addi %parallel_loop3A_718, %parallel_loop3A_719 : i32
      %parallel_loop3A_721 = arith.index_cast %parallel_loop3A_720 : i32 to index
      %parallel_loop3A_722 = arith.constant 0 : index
      %parallel_loop3A_723 = tpu.vector_load %arg12[%parallel_loop3A_721, %parallel_loop3A_722] {strides = array<i32>} : memref<128x16xf32, #tpu.memory_space<vmem>>, vector<1x16xf32>,
      %parallel_loop3A_724 = vector.shape_cast %parallel_loop3A_723 : vector<1x16xf32> to vector<16xf32>
      %parallel_loop3A_725 = arith.constant 1 : i32
      %parallel_loop3A_726 = vector.broadcast %parallel_loop3A_725 : i32 to vector<16xi32>
      %parallel_loop3A_727 = arith.xori %iota3A, %parallel_loop3A_726 : vector<16xi32>
      %parallel_loop3A_728 = vector.shape_cast %parallel_loop3A_727 : vector<16xi32> to vector<16x1xi32>
      %parallel_loop3A_729 = vector.shape_cast %parallel_loop3A_728 : vector<16x1xi32> to vector<16xi32>
      %parallel_loop3A_730 = tpu.dynamic_gather %parallel_loop3A_716[%parallel_loop3A_729] in [0] : vector<16xf32>, vector<16xi32> -> vector<16xf32>
      %parallel_loop3A_731 = arith.addf %parallel_loop3A_716, %parallel_loop3A_730 : vector<16xf32>
      %parallel_loop3A_732 = vector.shape_cast %parallel_loop3A_727 : vector<16xi32> to vector<16x1xi32>
      %parallel_loop3A_733 = vector.shape_cast %parallel_loop3A_732 : vector<16x1xi32> to vector<16xi32>
      %parallel_loop3A_734 = tpu.dynamic_gather %parallel_loop3A_724[%parallel_loop3A_733] in [0] : vector<16xf32>, vector<16xi32> -> vector<16xf32>
      %parallel_loop3A_735 = arith.addf %parallel_loop3A_724, %parallel_loop3A_734 : vector<16xf32>
      %parallel_loop3A_736 = arith.constant 1 : i32
      %parallel_loop3A_737 = vector.broadcast %parallel_loop3A_736 : i32 to vector<16xi32>
      %parallel_loop3A_738 = arith.andi %iota3A, %parallel_loop3A_737 : vector<16xi32>
      %parallel_loop3A_739 = arith.constant 0 : i32
      %parallel_loop3A_740 = vector.broadcast %parallel_loop3A_739 : i32 to vector<16xi32>
      %parallel_loop3A_741 = arith.cmpi eq, %parallel_loop3A_738, %parallel_loop3A_740 : vector<16xi32>
      %parallel_loop3A_742 = arith.select %parallel_loop3A_741, %parallel_loop3A_731, %parallel_loop3A_735 : vector<16xi1>, vector<16xf32>
      %parallel_loop3A_743 = arith.constant 16 : i32
      %parallel_loop3A_744 = arith.muli %parallel_loop3A_518, %parallel_loop3A_743 : i32
      %parallel_loop3A_745 = arith.constant 10 : i32
      %parallel_loop3A_746 = arith.addi %parallel_loop3A_744, %parallel_loop3A_745 : i32
      %parallel_loop3A_747 = arith.index_cast %parallel_loop3A_746 : i32 to index
      %parallel_loop3A_748 = arith.constant 0 : index
      %parallel_loop3A_749 = tpu.vector_load %arg12[%parallel_loop3A_747, %parallel_loop3A_748] {strides = array<i32>} : memref<128x16xf32, #tpu.memory_space<vmem>>, vector<1x16xf32>,
      %parallel_loop3A_750 = vector.shape_cast %parallel_loop3A_749 : vector<1x16xf32> to vector<16xf32>
      %parallel_loop3A_751 = arith.constant 16 : i32
      %parallel_loop3A_752 = arith.muli %parallel_loop3A_518, %parallel_loop3A_751 : i32
      %parallel_loop3A_753 = arith.constant 11 : i32
      %parallel_loop3A_754 = arith.addi %parallel_loop3A_752, %parallel_loop3A_753 : i32
      %parallel_loop3A_755 = arith.index_cast %parallel_loop3A_754 : i32 to index
      %parallel_loop3A_756 = arith.constant 0 : index
      %parallel_loop3A_757 = tpu.vector_load %arg12[%parallel_loop3A_755, %parallel_loop3A_756] {strides = array<i32>} : memref<128x16xf32, #tpu.memory_space<vmem>>, vector<1x16xf32>,
      %parallel_loop3A_758 = vector.shape_cast %parallel_loop3A_757 : vector<1x16xf32> to vector<16xf32>
      %parallel_loop3A_759 = arith.constant 1 : i32
      %parallel_loop3A_760 = vector.broadcast %parallel_loop3A_759 : i32 to vector<16xi32>
      %parallel_loop3A_761 = arith.xori %iota3A, %parallel_loop3A_760 : vector<16xi32>
      %parallel_loop3A_762 = vector.shape_cast %parallel_loop3A_761 : vector<16xi32> to vector<16x1xi32>
      %parallel_loop3A_763 = vector.shape_cast %parallel_loop3A_762 : vector<16x1xi32> to vector<16xi32>
      %parallel_loop3A_764 = tpu.dynamic_gather %parallel_loop3A_750[%parallel_loop3A_763] in [0] : vector<16xf32>, vector<16xi32> -> vector<16xf32>
      %parallel_loop3A_765 = arith.addf %parallel_loop3A_750, %parallel_loop3A_764 : vector<16xf32>
      %parallel_loop3A_766 = vector.shape_cast %parallel_loop3A_761 : vector<16xi32> to vector<16x1xi32>
      %parallel_loop3A_767 = vector.shape_cast %parallel_loop3A_766 : vector<16x1xi32> to vector<16xi32>
      %parallel_loop3A_768 = tpu.dynamic_gather %parallel_loop3A_758[%parallel_loop3A_767] in [0] : vector<16xf32>, vector<16xi32> -> vector<16xf32>
      %parallel_loop3A_769 = arith.addf %parallel_loop3A_758, %parallel_loop3A_768 : vector<16xf32>
      %parallel_loop3A_770 = arith.constant 1 : i32
      %parallel_loop3A_771 = vector.broadcast %parallel_loop3A_770 : i32 to vector<16xi32>
      %parallel_loop3A_772 = arith.andi %iota3A, %parallel_loop3A_771 : vector<16xi32>
      %parallel_loop3A_773 = arith.constant 0 : i32
      %parallel_loop3A_774 = vector.broadcast %parallel_loop3A_773 : i32 to vector<16xi32>
      %parallel_loop3A_775 = arith.cmpi eq, %parallel_loop3A_772, %parallel_loop3A_774 : vector<16xi32>
      %parallel_loop3A_776 = arith.select %parallel_loop3A_775, %parallel_loop3A_765, %parallel_loop3A_769 : vector<16xi1>, vector<16xf32>
      %parallel_loop3A_777 = arith.constant 2 : i32
      %parallel_loop3A_778 = vector.broadcast %parallel_loop3A_777 : i32 to vector<16xi32>
      %parallel_loop3A_779 = arith.xori %iota3A, %parallel_loop3A_778 : vector<16xi32>
      %parallel_loop3A_780 = vector.shape_cast %parallel_loop3A_779 : vector<16xi32> to vector<16x1xi32>
      %parallel_loop3A_781 = vector.shape_cast %parallel_loop3A_780 : vector<16x1xi32> to vector<16xi32>
      %parallel_loop3A_782 = tpu.dynamic_gather %parallel_loop3A_742[%parallel_loop3A_781] in [0] : vector<16xf32>, vector<16xi32> -> vector<16xf32>
      %parallel_loop3A_783 = arith.addf %parallel_loop3A_742, %parallel_loop3A_782 : vector<16xf32>
      %parallel_loop3A_784 = vector.shape_cast %parallel_loop3A_779 : vector<16xi32> to vector<16x1xi32>
      %parallel_loop3A_785 = vector.shape_cast %parallel_loop3A_784 : vector<16x1xi32> to vector<16xi32>
      %parallel_loop3A_786 = tpu.dynamic_gather %parallel_loop3A_776[%parallel_loop3A_785] in [0] : vector<16xf32>, vector<16xi32> -> vector<16xf32>
      %parallel_loop3A_787 = arith.addf %parallel_loop3A_776, %parallel_loop3A_786 : vector<16xf32>
      %parallel_loop3A_788 = arith.constant 2 : i32
      %parallel_loop3A_789 = vector.broadcast %parallel_loop3A_788 : i32 to vector<16xi32>
      %parallel_loop3A_790 = arith.andi %iota3A, %parallel_loop3A_789 : vector<16xi32>
      %parallel_loop3A_791 = arith.constant 0 : i32
      %parallel_loop3A_792 = vector.broadcast %parallel_loop3A_791 : i32 to vector<16xi32>
      %parallel_loop3A_793 = arith.cmpi eq, %parallel_loop3A_790, %parallel_loop3A_792 : vector<16xi32>
      %parallel_loop3A_794 = arith.select %parallel_loop3A_793, %parallel_loop3A_783, %parallel_loop3A_787 : vector<16xi1>, vector<16xf32>
      %parallel_loop3A_795 = arith.constant 16 : i32
      %parallel_loop3A_796 = arith.muli %parallel_loop3A_518, %parallel_loop3A_795 : i32
      %parallel_loop3A_797 = arith.constant 12 : i32
      %parallel_loop3A_798 = arith.addi %parallel_loop3A_796, %parallel_loop3A_797 : i32
      %parallel_loop3A_799 = arith.index_cast %parallel_loop3A_798 : i32 to index
      %parallel_loop3A_800 = arith.constant 0 : index
      %parallel_loop3A_801 = tpu.vector_load %arg12[%parallel_loop3A_799, %parallel_loop3A_800] {strides = array<i32>} : memref<128x16xf32, #tpu.memory_space<vmem>>, vector<1x16xf32>,
      %parallel_loop3A_802 = vector.shape_cast %parallel_loop3A_801 : vector<1x16xf32> to vector<16xf32>
      %parallel_loop3A_803 = arith.constant 16 : i32
      %parallel_loop3A_804 = arith.muli %parallel_loop3A_518, %parallel_loop3A_803 : i32
      %parallel_loop3A_805 = arith.constant 13 : i32
      %parallel_loop3A_806 = arith.addi %parallel_loop3A_804, %parallel_loop3A_805 : i32
      %parallel_loop3A_807 = arith.index_cast %parallel_loop3A_806 : i32 to index
      %parallel_loop3A_808 = arith.constant 0 : index
      %parallel_loop3A_809 = tpu.vector_load %arg12[%parallel_loop3A_807, %parallel_loop3A_808] {strides = array<i32>} : memref<128x16xf32, #tpu.memory_space<vmem>>, vector<1x16xf32>,
      %parallel_loop3A_810 = vector.shape_cast %parallel_loop3A_809 : vector<1x16xf32> to vector<16xf32>
      %parallel_loop3A_811 = arith.constant 1 : i32
      %parallel_loop3A_812 = vector.broadcast %parallel_loop3A_811 : i32 to vector<16xi32>
      %parallel_loop3A_813 = arith.xori %iota3A, %parallel_loop3A_812 : vector<16xi32>
      %parallel_loop3A_814 = vector.shape_cast %parallel_loop3A_813 : vector<16xi32> to vector<16x1xi32>
      %parallel_loop3A_815 = vector.shape_cast %parallel_loop3A_814 : vector<16x1xi32> to vector<16xi32>
      %parallel_loop3A_816 = tpu.dynamic_gather %parallel_loop3A_802[%parallel_loop3A_815] in [0] : vector<16xf32>, vector<16xi32> -> vector<16xf32>
      %parallel_loop3A_817 = arith.addf %parallel_loop3A_802, %parallel_loop3A_816 : vector<16xf32>
      %parallel_loop3A_818 = vector.shape_cast %parallel_loop3A_813 : vector<16xi32> to vector<16x1xi32>
      %parallel_loop3A_819 = vector.shape_cast %parallel_loop3A_818 : vector<16x1xi32> to vector<16xi32>
      %parallel_loop3A_820 = tpu.dynamic_gather %parallel_loop3A_810[%parallel_loop3A_819] in [0] : vector<16xf32>, vector<16xi32> -> vector<16xf32>
      %parallel_loop3A_821 = arith.addf %parallel_loop3A_810, %parallel_loop3A_820 : vector<16xf32>
      %parallel_loop3A_822 = arith.constant 1 : i32
      %parallel_loop3A_823 = vector.broadcast %parallel_loop3A_822 : i32 to vector<16xi32>
      %parallel_loop3A_824 = arith.andi %iota3A, %parallel_loop3A_823 : vector<16xi32>
      %parallel_loop3A_825 = arith.constant 0 : i32
      %parallel_loop3A_826 = vector.broadcast %parallel_loop3A_825 : i32 to vector<16xi32>
      %parallel_loop3A_827 = arith.cmpi eq, %parallel_loop3A_824, %parallel_loop3A_826 : vector<16xi32>
      %parallel_loop3A_828 = arith.select %parallel_loop3A_827, %parallel_loop3A_817, %parallel_loop3A_821 : vector<16xi1>, vector<16xf32>
      %parallel_loop3A_829 = arith.constant 16 : i32
      %parallel_loop3A_830 = arith.muli %parallel_loop3A_518, %parallel_loop3A_829 : i32
      %parallel_loop3A_831 = arith.constant 14 : i32
      %parallel_loop3A_832 = arith.addi %parallel_loop3A_830, %parallel_loop3A_831 : i32
      %parallel_loop3A_833 = arith.index_cast %parallel_loop3A_832 : i32 to index
      %parallel_loop3A_834 = arith.constant 0 : index
      %parallel_loop3A_835 = tpu.vector_load %arg12[%parallel_loop3A_833, %parallel_loop3A_834] {strides = array<i32>} : memref<128x16xf32, #tpu.memory_space<vmem>>, vector<1x16xf32>,
      %parallel_loop3A_836 = vector.shape_cast %parallel_loop3A_835 : vector<1x16xf32> to vector<16xf32>
      %parallel_loop3A_837 = arith.constant 16 : i32
      %parallel_loop3A_838 = arith.muli %parallel_loop3A_518, %parallel_loop3A_837 : i32
      %parallel_loop3A_839 = arith.constant 15 : i32
      %parallel_loop3A_840 = arith.addi %parallel_loop3A_838, %parallel_loop3A_839 : i32
      %parallel_loop3A_841 = arith.index_cast %parallel_loop3A_840 : i32 to index
      %parallel_loop3A_842 = arith.constant 0 : index
      %parallel_loop3A_843 = tpu.vector_load %arg12[%parallel_loop3A_841, %parallel_loop3A_842] {strides = array<i32>} : memref<128x16xf32, #tpu.memory_space<vmem>>, vector<1x16xf32>,
      %parallel_loop3A_844 = vector.shape_cast %parallel_loop3A_843 : vector<1x16xf32> to vector<16xf32>
      %parallel_loop3A_845 = arith.constant 1 : i32
      %parallel_loop3A_846 = vector.broadcast %parallel_loop3A_845 : i32 to vector<16xi32>
      %parallel_loop3A_847 = arith.xori %iota3A, %parallel_loop3A_846 : vector<16xi32>
      %parallel_loop3A_848 = vector.shape_cast %parallel_loop3A_847 : vector<16xi32> to vector<16x1xi32>
      %parallel_loop3A_849 = vector.shape_cast %parallel_loop3A_848 : vector<16x1xi32> to vector<16xi32>
      %parallel_loop3A_850 = tpu.dynamic_gather %parallel_loop3A_836[%parallel_loop3A_849] in [0] : vector<16xf32>, vector<16xi32> -> vector<16xf32>
      %parallel_loop3A_851 = arith.addf %parallel_loop3A_836, %parallel_loop3A_850 : vector<16xf32>
      %parallel_loop3A_852 = vector.shape_cast %parallel_loop3A_847 : vector<16xi32> to vector<16x1xi32>
      %parallel_loop3A_853 = vector.shape_cast %parallel_loop3A_852 : vector<16x1xi32> to vector<16xi32>
      %parallel_loop3A_854 = tpu.dynamic_gather %parallel_loop3A_844[%parallel_loop3A_853] in [0] : vector<16xf32>, vector<16xi32> -> vector<16xf32>
      %parallel_loop3A_855 = arith.addf %parallel_loop3A_844, %parallel_loop3A_854 : vector<16xf32>
      %parallel_loop3A_856 = arith.constant 1 : i32
      %parallel_loop3A_857 = vector.broadcast %parallel_loop3A_856 : i32 to vector<16xi32>
      %parallel_loop3A_858 = arith.andi %iota3A, %parallel_loop3A_857 : vector<16xi32>
      %parallel_loop3A_859 = arith.constant 0 : i32
      %parallel_loop3A_860 = vector.broadcast %parallel_loop3A_859 : i32 to vector<16xi32>
      %parallel_loop3A_861 = arith.cmpi eq, %parallel_loop3A_858, %parallel_loop3A_860 : vector<16xi32>
      %parallel_loop3A_862 = arith.select %parallel_loop3A_861, %parallel_loop3A_851, %parallel_loop3A_855 : vector<16xi1>, vector<16xf32>
      %parallel_loop3A_863 = arith.constant 2 : i32
      %parallel_loop3A_864 = vector.broadcast %parallel_loop3A_863 : i32 to vector<16xi32>
      %parallel_loop3A_865 = arith.xori %iota3A, %parallel_loop3A_864 : vector<16xi32>
      %parallel_loop3A_866 = vector.shape_cast %parallel_loop3A_865 : vector<16xi32> to vector<16x1xi32>
      %parallel_loop3A_867 = vector.shape_cast %parallel_loop3A_866 : vector<16x1xi32> to vector<16xi32>
      %parallel_loop3A_868 = tpu.dynamic_gather %parallel_loop3A_828[%parallel_loop3A_867] in [0] : vector<16xf32>, vector<16xi32> -> vector<16xf32>
      %parallel_loop3A_869 = arith.addf %parallel_loop3A_828, %parallel_loop3A_868 : vector<16xf32>
      %parallel_loop3A_870 = vector.shape_cast %parallel_loop3A_865 : vector<16xi32> to vector<16x1xi32>
      %parallel_loop3A_871 = vector.shape_cast %parallel_loop3A_870 : vector<16x1xi32> to vector<16xi32>
      %parallel_loop3A_872 = tpu.dynamic_gather %parallel_loop3A_862[%parallel_loop3A_871] in [0] : vector<16xf32>, vector<16xi32> -> vector<16xf32>
      %parallel_loop3A_873 = arith.addf %parallel_loop3A_862, %parallel_loop3A_872 : vector<16xf32>
      %parallel_loop3A_874 = arith.constant 2 : i32
      %parallel_loop3A_875 = vector.broadcast %parallel_loop3A_874 : i32 to vector<16xi32>
      %parallel_loop3A_876 = arith.andi %iota3A, %parallel_loop3A_875 : vector<16xi32>
      %parallel_loop3A_877 = arith.constant 0 : i32
      %parallel_loop3A_878 = vector.broadcast %parallel_loop3A_877 : i32 to vector<16xi32>
      %parallel_loop3A_879 = arith.cmpi eq, %parallel_loop3A_876, %parallel_loop3A_878 : vector<16xi32>
      %parallel_loop3A_880 = arith.select %parallel_loop3A_879, %parallel_loop3A_869, %parallel_loop3A_873 : vector<16xi1>, vector<16xf32>
      %parallel_loop3A_881 = arith.constant 4 : i32
      %parallel_loop3A_882 = vector.broadcast %parallel_loop3A_881 : i32 to vector<16xi32>
      %parallel_loop3A_883 = arith.xori %iota3A, %parallel_loop3A_882 : vector<16xi32>
      %parallel_loop3A_884 = vector.shape_cast %parallel_loop3A_883 : vector<16xi32> to vector<16x1xi32>
      %parallel_loop3A_885 = vector.shape_cast %parallel_loop3A_884 : vector<16x1xi32> to vector<16xi32>
      %parallel_loop3A_886 = tpu.dynamic_gather %parallel_loop3A_794[%parallel_loop3A_885] in [0] : vector<16xf32>, vector<16xi32> -> vector<16xf32>
      %parallel_loop3A_887 = arith.addf %parallel_loop3A_794, %parallel_loop3A_886 : vector<16xf32>
      %parallel_loop3A_888 = vector.shape_cast %parallel_loop3A_883 : vector<16xi32> to vector<16x1xi32>
      %parallel_loop3A_889 = vector.shape_cast %parallel_loop3A_888 : vector<16x1xi32> to vector<16xi32>
      %parallel_loop3A_890 = tpu.dynamic_gather %parallel_loop3A_880[%parallel_loop3A_889] in [0] : vector<16xf32>, vector<16xi32> -> vector<16xf32>
      %parallel_loop3A_891 = arith.addf %parallel_loop3A_880, %parallel_loop3A_890 : vector<16xf32>
      %parallel_loop3A_892 = arith.constant 4 : i32
      %parallel_loop3A_893 = vector.broadcast %parallel_loop3A_892 : i32 to vector<16xi32>
      %parallel_loop3A_894 = arith.andi %iota3A, %parallel_loop3A_893 : vector<16xi32>
      %parallel_loop3A_895 = arith.constant 0 : i32
      %parallel_loop3A_896 = vector.broadcast %parallel_loop3A_895 : i32 to vector<16xi32>
      %parallel_loop3A_897 = arith.cmpi eq, %parallel_loop3A_894, %parallel_loop3A_896 : vector<16xi32>
      %parallel_loop3A_898 = arith.select %parallel_loop3A_897, %parallel_loop3A_887, %parallel_loop3A_891 : vector<16xi1>, vector<16xf32>
      %parallel_loop3A_899 = arith.constant 8 : i32
      %parallel_loop3A_900 = vector.broadcast %parallel_loop3A_899 : i32 to vector<16xi32>
      %parallel_loop3A_901 = arith.xori %iota3A, %parallel_loop3A_900 : vector<16xi32>
      %parallel_loop3A_902 = vector.shape_cast %parallel_loop3A_901 : vector<16xi32> to vector<16x1xi32>
      %parallel_loop3A_903 = vector.shape_cast %parallel_loop3A_902 : vector<16x1xi32> to vector<16xi32>
      %parallel_loop3A_904 = tpu.dynamic_gather %parallel_loop3A_708[%parallel_loop3A_903] in [0] : vector<16xf32>, vector<16xi32> -> vector<16xf32>
      %parallel_loop3A_905 = arith.addf %parallel_loop3A_708, %parallel_loop3A_904 : vector<16xf32>
      %parallel_loop3A_906 = vector.shape_cast %parallel_loop3A_901 : vector<16xi32> to vector<16x1xi32>
      %parallel_loop3A_907 = vector.shape_cast %parallel_loop3A_906 : vector<16x1xi32> to vector<16xi32>
      %parallel_loop3A_908 = tpu.dynamic_gather %parallel_loop3A_898[%parallel_loop3A_907] in [0] : vector<16xf32>, vector<16xi32> -> vector<16xf32>
      %parallel_loop3A_909 = arith.addf %parallel_loop3A_898, %parallel_loop3A_908 : vector<16xf32>
      %parallel_loop3A_910 = arith.constant 8 : i32
      %parallel_loop3A_911 = vector.broadcast %parallel_loop3A_910 : i32 to vector<16xi32>
      %parallel_loop3A_912 = arith.andi %iota3A, %parallel_loop3A_911 : vector<16xi32>
      %parallel_loop3A_913 = arith.constant 0 : i32
      %parallel_loop3A_914 = vector.broadcast %parallel_loop3A_913 : i32 to vector<16xi32>
      %parallel_loop3A_915 = arith.cmpi eq, %parallel_loop3A_912, %parallel_loop3A_914 : vector<16xi32>
      %parallel_loop3A_916 = arith.select %parallel_loop3A_915, %parallel_loop3A_905, %parallel_loop3A_909 : vector<16xi1>, vector<16xf32>
      %parallel_loop3A_917 = arith.constant 16 : i32
      %parallel_loop3A_918 = arith.muli %parallel_loop3A_518, %parallel_loop3A_917 : i32
      %parallel_loop3A_919 = arith.constant 0 : i32
      %parallel_loop3A_920 = arith.index_cast %parallel_loop3A_919 : i32 to index
      %parallel_loop3A_921 = arith.index_cast %parallel_loop3A_918 : i32 to index
      %parallel_loop3A_922 = tpu.vector_load %arg11[%parallel_loop3A_920, %parallel_loop3A_921] {strides = array<i32>} : memref<2x128xf32, #tpu.memory_space<vmem>>, vector<1x16xf32>,
      %parallel_loop3A_923 = vector.shape_cast %parallel_loop3A_922 : vector<1x16xf32> to vector<16xf32>
      %parallel_loop3A_924 = vector.shape_cast %parallel_loop3A_916 : vector<16xf32> to vector<1x16xf32>
      tpu.vector_store %arg11[%parallel_loop3A_920, %parallel_loop3A_921], %parallel_loop3A_924 {strides = array<i32>} : memref<2x128xf32, #tpu.memory_space<vmem>>, vector<1x16xf32>,
    } {sc.loop_unroll_factor = 1 : i64, sc.parallel_access}
    %mul3A_399 = arith.constant 512 : i32
    %mul3A_400 = arith.muli %add3A, %mul3A_399 : i32
    %add3A_401 = arith.constant 256 : i32
    %add3A_402 = arith.addi %mul3A_400, %add3A_401 : i32
    %dma_start3A_403 = arith.constant 0 : i32
    %dma_start3A_404 = arith.constant 0 : i32
    %dma_start3A_405 = arith.constant 0 : i32
    %dma_start3A_406 = tpu.memref_slice %arg11[%dma_start3A_403, %dma_start3A_405] : memref<2x128xf32, #tpu.memory_space<vmem>> -> memref<1x128xf32, #tpu.memory_space<vmem>>
    %dma_start3A_407 = tpu.memref_squeeze %dma_start3A_406 : memref<1x128xf32, #tpu.memory_space<vmem>> -> memref<128xf32, #tpu.memory_space<vmem>>
    %dma_start3A_408 = tpu.memref_slice %arg6[%add3A_402] : memref<16384xf32, #tpu.memory_space<hbm>> -> memref<128xf32, #tpu.memory_space<hbm>>
    %dma_start3A_409 = tpu.memref_slice %arg18[%dma_start3A_404] : memref<2x!tpu.dma_semaphore, #tpu.memory_space<semaphore_mem>> -> memref<1x!tpu.dma_semaphore, #tpu.memory_space<semaphore_mem>>
    %dma_start3A_410 = tpu.memref_squeeze %dma_start3A_409 : memref<1x!tpu.dma_semaphore, #tpu.memory_space<semaphore_mem>> -> memref<!tpu.dma_semaphore, #tpu.memory_space<semaphore_mem>>
    %dma_start3A_411 = tpu.memref_slice %arg6[%add3A_402] : memref<16384xf32, #tpu.memory_space<hbm>> -> memref<128xf32, #tpu.memory_space<hbm>>
    %dma_start3A_412 = arith.constant 0 : i32
    %dma_start3A_413 = tpu.memref_slice %arg11[%dma_start3A_403, %dma_start3A_412] : memref<2x128xf32, #tpu.memory_space<vmem>> -> memref<1x128xf32, #tpu.memory_space<vmem>>
    %dma_start3A_414 = tpu.memref_squeeze %dma_start3A_413 : memref<1x128xf32, #tpu.memory_space<vmem>> -> memref<128xf32, #tpu.memory_space<vmem>>
    tpu.enqueue_dma source(%dma_start3A_414 : memref<128xf32, #tpu.memory_space<vmem>>) target(%dma_start3A_411 : memref<128xf32, #tpu.memory_space<hbm>>) target_semaphore(%dma_start3A_410 : memref<!tpu.dma_semaphore, #tpu.memory_space<semaphore_mem>>)
    %dma_wait3A_415 = arith.constant 1 : i32
    %dma_wait3A_416 = arith.constant 1 : i32
    %dma_wait3A_417 = arith.constant 0 : i32
    %dma_wait3A_418 = arith.constant 0 : i32
    %dma_wait3A_419 = tpu.memref_slice %arg8[%dma_wait3A_415, %dma_wait3A_417, %dma_wait3A_418] : memref<2x128x128xf32, #tpu.memory_space<vmem>> -> memref<1x128x128xf32, #tpu.memory_space<vmem>>
    %dma_wait3A_420 = tpu.memref_squeeze %dma_wait3A_419 : memref<1x128x128xf32, #tpu.memory_space<vmem>> -> memref<128x128xf32, #tpu.memory_space<vmem>>
    %dma_wait3A_421 = arith.constant 0 : i32
    %dma_wait3A_422 = tpu.memref_slice %arg2[%add3A_290, %dma_wait3A_421] : memref<16384x128xf32, #tpu.memory_space<hbm>> -> memref<128x128xf32, #tpu.memory_space<hbm>>
    %dma_wait3A_423 = tpu.memref_slice %arg15[%dma_wait3A_416] : memref<2x!tpu.dma_semaphore, #tpu.memory_space<semaphore_mem>> -> memref<1x!tpu.dma_semaphore, #tpu.memory_space<semaphore_mem>>
    %dma_wait3A_424 = tpu.memref_squeeze %dma_wait3A_423 : memref<1x!tpu.dma_semaphore, #tpu.memory_space<semaphore_mem>> -> memref<!tpu.dma_semaphore, #tpu.memory_space<semaphore_mem>>
    %dma_wait3A_425 = arith.constant 0 : i32
    %dma_wait3A_426 = arith.constant 0 : i32
    %dma_wait3A_427 = tpu.memref_slice %arg8[%dma_wait3A_415, %dma_wait3A_425, %dma_wait3A_426] : memref<2x128x128xf32, #tpu.memory_space<vmem>> -> memref<1x128x128xf32, #tpu.memory_space<vmem>>
    %dma_wait3A_428 = tpu.memref_squeeze %dma_wait3A_427 : memref<1x128x128xf32, #tpu.memory_space<vmem>> -> memref<128x128xf32, #tpu.memory_space<vmem>>
    %dma_wait3A_429 = arith.constant 0 : i32
    %dma_wait3A_430 = tpu.memref_slice %arg2[%add3A_290, %dma_wait3A_429] : memref<16384x128xf32, #tpu.memory_space<hbm>> -> memref<128x128xf32, #tpu.memory_space<hbm>>
    tpu.wait_dma2 semaphore(%dma_wait3A_424 : memref<!tpu.dma_semaphore, #tpu.memory_space<semaphore_mem>>) src(%dma_wait3A_430 : memref<128x128xf32, #tpu.memory_space<hbm>>) dst(%dma_wait3A_428 : memref<128x128xf32, #tpu.memory_space<vmem>>)
    %dma_wait3A_431 = arith.constant 1 : i32
    %dma_wait3A_432 = arith.constant 1 : i32
    %dma_wait3A_433 = arith.constant 0 : i32
    %dma_wait3A_434 = arith.constant 0 : i32
    %dma_wait3A_435 = tpu.memref_slice %arg9[%dma_wait3A_431, %dma_wait3A_433, %dma_wait3A_434] : memref<2x128x128xf32, #tpu.memory_space<vmem>> -> memref<1x128x128xf32, #tpu.memory_space<vmem>>
    %dma_wait3A_436 = tpu.memref_squeeze %dma_wait3A_435 : memref<1x128x128xf32, #tpu.memory_space<vmem>> -> memref<128x128xf32, #tpu.memory_space<vmem>>
    %dma_wait3A_437 = arith.constant 0 : i32
    %dma_wait3A_438 = tpu.memref_slice %arg4[%add3A_290, %dma_wait3A_437] : memref<16384x128xf32, #tpu.memory_space<hbm>> -> memref<128x128xf32, #tpu.memory_space<hbm>>
    %dma_wait3A_439 = tpu.memref_slice %arg16[%dma_wait3A_432] : memref<2x!tpu.dma_semaphore, #tpu.memory_space<semaphore_mem>> -> memref<1x!tpu.dma_semaphore, #tpu.memory_space<semaphore_mem>>
    %dma_wait3A_440 = tpu.memref_squeeze %dma_wait3A_439 : memref<1x!tpu.dma_semaphore, #tpu.memory_space<semaphore_mem>> -> memref<!tpu.dma_semaphore, #tpu.memory_space<semaphore_mem>>
    %dma_wait3A_441 = arith.constant 0 : i32
    %dma_wait3A_442 = arith.constant 0 : i32
    %dma_wait3A_443 = tpu.memref_slice %arg9[%dma_wait3A_431, %dma_wait3A_441, %dma_wait3A_442] : memref<2x128x128xf32, #tpu.memory_space<vmem>> -> memref<1x128x128xf32, #tpu.memory_space<vmem>>
    %dma_wait3A_444 = tpu.memref_squeeze %dma_wait3A_443 : memref<1x128x128xf32, #tpu.memory_space<vmem>> -> memref<128x128xf32, #tpu.memory_space<vmem>>
    %dma_wait3A_445 = arith.constant 0 : i32
    %dma_wait3A_446 = tpu.memref_slice %arg4[%add3A_290, %dma_wait3A_445] : memref<16384x128xf32, #tpu.memory_space<hbm>> -> memref<128x128xf32, #tpu.memory_space<hbm>>
    tpu.wait_dma2 semaphore(%dma_wait3A_440 : memref<!tpu.dma_semaphore, #tpu.memory_space<semaphore_mem>>) src(%dma_wait3A_446 : memref<128x128xf32, #tpu.memory_space<hbm>>) dst(%dma_wait3A_444 : memref<128x128xf32, #tpu.memory_space<vmem>>)
    %dma_wait3A_447 = arith.constant 1 : i32
    %dma_wait3A_448 = arith.constant 1 : i32
    %dma_wait3A_449 = arith.constant 0 : i32
    %dma_wait3A_450 = arith.constant 0 : i32
    %dma_wait3A_451 = tpu.memref_slice %arg10[%dma_wait3A_447, %dma_wait3A_449, %dma_wait3A_450] : memref<2x128x128xf32, #tpu.memory_space<vmem>> -> memref<1x128x128xf32, #tpu.memory_space<vmem>>
    %dma_wait3A_452 = tpu.memref_squeeze %dma_wait3A_451 : memref<1x128x128xf32, #tpu.memory_space<vmem>> -> memref<128x128xf32, #tpu.memory_space<vmem>>
    %dma_wait3A_453 = arith.constant 384 : i32
    %dma_wait3A_454 = tpu.memref_slice %arg7[%dma_wait3A_453] : memref<512xi32, #tpu.memory_space<vmem>> -> memref<128xi32, #tpu.memory_space<vmem>>
    %dma_wait3A_455 = arith.constant 0 : i32
    %dma_wait3A_456 = arith.constant 0 : i32
    %dma_wait3A_457 = tpu.memref_slice %arg13[%dma_wait3A_455, %dma_wait3A_456] : memref<1000x128xf32, #tpu.memory_space<vmem_shared>> -> memref<1000x128xf32, #tpu.memory_space<vmem_shared>>
    %dma_wait3A_458 = tpu.memref_slice %arg17[%dma_wait3A_448] : memref<2x!tpu.dma_semaphore, #tpu.memory_space<semaphore_mem>> -> memref<1x!tpu.dma_semaphore, #tpu.memory_space<semaphore_mem>>
    %dma_wait3A_459 = tpu.memref_squeeze %dma_wait3A_458 : memref<1x!tpu.dma_semaphore, #tpu.memory_space<semaphore_mem>> -> memref<!tpu.dma_semaphore, #tpu.memory_space<semaphore_mem>>
    tpu.wait_indirect_dma semaphore(%dma_wait3A_459 : memref<!tpu.dma_semaphore, #tpu.memory_space<semaphore_mem>>) src(%dma_wait3A_457 : memref<1000x128xf32, #tpu.memory_space<vmem_shared>>) dst(%dma_wait3A_452 : memref<128x128xf32, #tpu.memory_space<vmem>>)
    %dma_wait3A_460 = arith.constant 1 : i32
    %dma_wait3A_461 = arith.constant 1 : i32
    %dma_wait3A_462 = arith.constant 0 : i32
    %dma_wait3A_463 = tpu.memref_slice %arg11[%dma_wait3A_460, %dma_wait3A_462] : memref<2x128xf32, #tpu.memory_space<vmem>> -> memref<1x128xf32, #tpu.memory_space<vmem>>
    %dma_wait3A_464 = tpu.memref_squeeze %dma_wait3A_463 : memref<1x128xf32, #tpu.memory_space<vmem>> -> memref<128xf32, #tpu.memory_space<vmem>>
    %dma_wait3A_465 = tpu.memref_slice %arg6[%add3A_274] : memref<16384xf32, #tpu.memory_space<hbm>> -> memref<128xf32, #tpu.memory_space<hbm>>
    %dma_wait3A_466 = tpu.memref_slice %arg18[%dma_wait3A_461] : memref<2x!tpu.dma_semaphore, #tpu.memory_space<semaphore_mem>> -> memref<1x!tpu.dma_semaphore, #tpu.memory_space<semaphore_mem>>
    %dma_wait3A_467 = tpu.memref_squeeze %dma_wait3A_466 : memref<1x!tpu.dma_semaphore, #tpu.memory_space<semaphore_mem>> -> memref<!tpu.dma_semaphore, #tpu.memory_space<semaphore_mem>>
    %dma_wait3A_468 = tpu.memref_slice %arg6[%add3A_274] : memref<16384xf32, #tpu.memory_space<hbm>> -> memref<128xf32, #tpu.memory_space<hbm>>
    %dma_wait3A_469 = arith.constant 0 : i32
    %dma_wait3A_470 = tpu.memref_slice %arg11[%dma_wait3A_460, %dma_wait3A_469] : memref<2x128xf32, #tpu.memory_space<vmem>> -> memref<1x128xf32, #tpu.memory_space<vmem>>
    %dma_wait3A_471 = tpu.memref_squeeze %dma_wait3A_470 : memref<1x128xf32, #tpu.memory_space<vmem>> -> memref<128xf32, #tpu.memory_space<vmem>>
    tpu.wait_dma2 semaphore(%dma_wait3A_467 : memref<!tpu.dma_semaphore, #tpu.memory_space<semaphore_mem>>) src(%dma_wait3A_471 : memref<128xf32, #tpu.memory_space<vmem>>) dst(%dma_wait3A_468 : memref<128xf32, #tpu.memory_space<hbm>>)
    %parallel_loop3A_472 = arith.constant 0 : i32
    %parallel_loop3A_473 = arith.constant 128 : i32
    %parallel_loop3A_474 = arith.constant 1 : i32
    scf.for %parallel_loop3A_518 = %parallel_loop3A_472 to %parallel_loop3A_473 step %parallel_loop3A_474  : i32 {
      %parallel_loop3A_519 = arith.constant 1 : i32
      %parallel_loop3A_520 = arith.index_cast %parallel_loop3A_519 : i32 to index
      %parallel_loop3A_521 = arith.index_cast %parallel_loop3A_518 : i32 to index
      %parallel_loop3A_522 = arith.constant 0 : index
      %parallel_loop3A_523 = tpu.vector_load %arg8[%parallel_loop3A_520, %parallel_loop3A_521, %parallel_loop3A_522] {strides = array<i32>} : memref<2x128x128xf32, #tpu.memory_space<vmem>>, vector<1x1x16xf32>,
      %parallel_loop3A_524 = vector.shape_cast %parallel_loop3A_523 : vector<1x1x16xf32> to vector<16xf32>
      %parallel_loop3A_525 = arith.constant 1 : i32
      %parallel_loop3A_526 = arith.index_cast %parallel_loop3A_525 : i32 to index
      %parallel_loop3A_527 = arith.index_cast %parallel_loop3A_518 : i32 to index
      %parallel_loop3A_528 = arith.constant 64 : index
      %parallel_loop3A_529 = tpu.vector_load %arg8[%parallel_loop3A_526, %parallel_loop3A_527, %parallel_loop3A_528] {strides = array<i32>} : memref<2x128x128xf32, #tpu.memory_space<vmem>>, vector<1x1x16xf32>,
      %parallel_loop3A_530 = vector.shape_cast %parallel_loop3A_529 : vector<1x1x16xf32> to vector<16xf32>
      %parallel_loop3A_531 = arith.constant 1 : i32
      %parallel_loop3A_532 = arith.index_cast %parallel_loop3A_531 : i32 to index
      %parallel_loop3A_533 = arith.index_cast %parallel_loop3A_518 : i32 to index
      %parallel_loop3A_534 = arith.constant 0 : index
      %parallel_loop3A_535 = tpu.vector_load %arg9[%parallel_loop3A_532, %parallel_loop3A_533, %parallel_loop3A_534] {strides = array<i32>} : memref<2x128x128xf32, #tpu.memory_space<vmem>>, vector<1x1x16xf32>,
      %parallel_loop3A_536 = vector.shape_cast %parallel_loop3A_535 : vector<1x1x16xf32> to vector<16xf32>
      %parallel_loop3A_537 = arith.constant 1 : i32
      %parallel_loop3A_538 = arith.index_cast %parallel_loop3A_537 : i32 to index
      %parallel_loop3A_539 = arith.index_cast %parallel_loop3A_518 : i32 to index
      %parallel_loop3A_540 = arith.constant 64 : index
      %parallel_loop3A_541 = tpu.vector_load %arg9[%parallel_loop3A_538, %parallel_loop3A_539, %parallel_loop3A_540] {strides = array<i32>} : memref<2x128x128xf32, #tpu.memory_space<vmem>>, vector<1x1x16xf32>,
      %parallel_loop3A_542 = vector.shape_cast %parallel_loop3A_541 : vector<1x1x16xf32> to vector<16xf32>
      %parallel_loop3A_543 = arith.constant 1 : i32
      %parallel_loop3A_544 = arith.index_cast %parallel_loop3A_543 : i32 to index
      %parallel_loop3A_545 = arith.index_cast %parallel_loop3A_518 : i32 to index
      %parallel_loop3A_546 = arith.constant 0 : index
      %parallel_loop3A_547 = tpu.vector_load %arg10[%parallel_loop3A_544, %parallel_loop3A_545, %parallel_loop3A_546] {strides = array<i32>} : memref<2x128x128xf32, #tpu.memory_space<vmem>>, vector<1x1x16xf32>,
      %parallel_loop3A_548 = vector.shape_cast %parallel_loop3A_547 : vector<1x1x16xf32> to vector<16xf32>
      %parallel_loop3A_549 = arith.constant 1 : i32
      %parallel_loop3A_550 = arith.index_cast %parallel_loop3A_549 : i32 to index
      %parallel_loop3A_551 = arith.index_cast %parallel_loop3A_518 : i32 to index
      %parallel_loop3A_552 = arith.constant 64 : index
      %parallel_loop3A_553 = tpu.vector_load %arg10[%parallel_loop3A_550, %parallel_loop3A_551, %parallel_loop3A_552] {strides = array<i32>} : memref<2x128x128xf32, #tpu.memory_space<vmem>>, vector<1x1x16xf32>,
      %parallel_loop3A_554 = vector.shape_cast %parallel_loop3A_553 : vector<1x1x16xf32> to vector<16xf32>
      %parallel_loop3A_555 = arith.mulf %parallel_loop3A_524, %parallel_loop3A_536 : vector<16xf32>
      %parallel_loop3A_556 = arith.mulf %parallel_loop3A_530, %parallel_loop3A_542 : vector<16xf32>
      %parallel_loop3A_557 = arith.addf %parallel_loop3A_555, %parallel_loop3A_556 : vector<16xf32>
      %parallel_loop3A_558 = arith.mulf %parallel_loop3A_548, %parallel_loop3A_557 : vector<16xf32>
      %parallel_loop3A_559 = arith.mulf %parallel_loop3A_524, %parallel_loop3A_542 : vector<16xf32>
      %parallel_loop3A_560 = arith.mulf %parallel_loop3A_530, %parallel_loop3A_536 : vector<16xf32>
      %parallel_loop3A_561 = arith.subf %parallel_loop3A_559, %parallel_loop3A_560 : vector<16xf32>
      %parallel_loop3A_562 = arith.mulf %parallel_loop3A_554, %parallel_loop3A_561 : vector<16xf32>
      %parallel_loop3A_563 = arith.addf %parallel_loop3A_558, %parallel_loop3A_562 : vector<16xf32>
      %parallel_loop3A_564 = arith.constant 1 : i32
      %parallel_loop3A_565 = arith.index_cast %parallel_loop3A_564 : i32 to index
      %parallel_loop3A_566 = arith.index_cast %parallel_loop3A_518 : i32 to index
      %parallel_loop3A_567 = arith.constant 16 : index
      %parallel_loop3A_568 = tpu.vector_load %arg8[%parallel_loop3A_565, %parallel_loop3A_566, %parallel_loop3A_567] {strides = array<i32>} : memref<2x128x128xf32, #tpu.memory_space<vmem>>, vector<1x1x16xf32>,
      %parallel_loop3A_569 = vector.shape_cast %parallel_loop3A_568 : vector<1x1x16xf32> to vector<16xf32>
      %parallel_loop3A_570 = arith.constant 1 : i32
      %parallel_loop3A_571 = arith.index_cast %parallel_loop3A_570 : i32 to index
      %parallel_loop3A_572 = arith.index_cast %parallel_loop3A_518 : i32 to index
      %parallel_loop3A_573 = arith.constant 80 : index
      %parallel_loop3A_574 = tpu.vector_load %arg8[%parallel_loop3A_571, %parallel_loop3A_572, %parallel_loop3A_573] {strides = array<i32>} : memref<2x128x128xf32, #tpu.memory_space<vmem>>, vector<1x1x16xf32>,
      %parallel_loop3A_575 = vector.shape_cast %parallel_loop3A_574 : vector<1x1x16xf32> to vector<16xf32>
      %parallel_loop3A_576 = arith.constant 1 : i32
      %parallel_loop3A_577 = arith.index_cast %parallel_loop3A_576 : i32 to index
      %parallel_loop3A_578 = arith.index_cast %parallel_loop3A_518 : i32 to index
      %parallel_loop3A_579 = arith.constant 16 : index
      %parallel_loop3A_580 = tpu.vector_load %arg9[%parallel_loop3A_577, %parallel_loop3A_578, %parallel_loop3A_579] {strides = array<i32>} : memref<2x128x128xf32, #tpu.memory_space<vmem>>, vector<1x1x16xf32>,
      %parallel_loop3A_581 = vector.shape_cast %parallel_loop3A_580 : vector<1x1x16xf32> to vector<16xf32>
      %parallel_loop3A_582 = arith.constant 1 : i32
      %parallel_loop3A_583 = arith.index_cast %parallel_loop3A_582 : i32 to index
      %parallel_loop3A_584 = arith.index_cast %parallel_loop3A_518 : i32 to index
      %parallel_loop3A_585 = arith.constant 80 : index
      %parallel_loop3A_586 = tpu.vector_load %arg9[%parallel_loop3A_583, %parallel_loop3A_584, %parallel_loop3A_585] {strides = array<i32>} : memref<2x128x128xf32, #tpu.memory_space<vmem>>, vector<1x1x16xf32>,
      %parallel_loop3A_587 = vector.shape_cast %parallel_loop3A_586 : vector<1x1x16xf32> to vector<16xf32>
      %parallel_loop3A_588 = arith.constant 1 : i32
      %parallel_loop3A_589 = arith.index_cast %parallel_loop3A_588 : i32 to index
      %parallel_loop3A_590 = arith.index_cast %parallel_loop3A_518 : i32 to index
      %parallel_loop3A_591 = arith.constant 16 : index
      %parallel_loop3A_592 = tpu.vector_load %arg10[%parallel_loop3A_589, %parallel_loop3A_590, %parallel_loop3A_591] {strides = array<i32>} : memref<2x128x128xf32, #tpu.memory_space<vmem>>, vector<1x1x16xf32>,
      %parallel_loop3A_593 = vector.shape_cast %parallel_loop3A_592 : vector<1x1x16xf32> to vector<16xf32>
      %parallel_loop3A_594 = arith.constant 1 : i32
      %parallel_loop3A_595 = arith.index_cast %parallel_loop3A_594 : i32 to index
      %parallel_loop3A_596 = arith.index_cast %parallel_loop3A_518 : i32 to index
      %parallel_loop3A_597 = arith.constant 80 : index
      %parallel_loop3A_598 = tpu.vector_load %arg10[%parallel_loop3A_595, %parallel_loop3A_596, %parallel_loop3A_597] {strides = array<i32>} : memref<2x128x128xf32, #tpu.memory_space<vmem>>, vector<1x1x16xf32>,
      %parallel_loop3A_599 = vector.shape_cast %parallel_loop3A_598 : vector<1x1x16xf32> to vector<16xf32>
      %parallel_loop3A_600 = arith.mulf %parallel_loop3A_569, %parallel_loop3A_581 : vector<16xf32>
      %parallel_loop3A_601 = arith.mulf %parallel_loop3A_575, %parallel_loop3A_587 : vector<16xf32>
      %parallel_loop3A_602 = arith.addf %parallel_loop3A_600, %parallel_loop3A_601 : vector<16xf32>
      %parallel_loop3A_603 = arith.mulf %parallel_loop3A_593, %parallel_loop3A_602 : vector<16xf32>
      %parallel_loop3A_604 = arith.mulf %parallel_loop3A_569, %parallel_loop3A_587 : vector<16xf32>
      %parallel_loop3A_605 = arith.mulf %parallel_loop3A_575, %parallel_loop3A_581 : vector<16xf32>
      %parallel_loop3A_606 = arith.subf %parallel_loop3A_604, %parallel_loop3A_605 : vector<16xf32>
      %parallel_loop3A_607 = arith.mulf %parallel_loop3A_599, %parallel_loop3A_606 : vector<16xf32>
      %parallel_loop3A_608 = arith.addf %parallel_loop3A_603, %parallel_loop3A_607 : vector<16xf32>
      %parallel_loop3A_609 = arith.addf %parallel_loop3A_563, %parallel_loop3A_608 : vector<16xf32>
      %parallel_loop3A_610 = arith.constant 1 : i32
      %parallel_loop3A_611 = arith.index_cast %parallel_loop3A_610 : i32 to index
      %parallel_loop3A_612 = arith.index_cast %parallel_loop3A_518 : i32 to index
      %parallel_loop3A_613 = arith.constant 32 : index
      %parallel_loop3A_614 = tpu.vector_load %arg8[%parallel_loop3A_611, %parallel_loop3A_612, %parallel_loop3A_613] {strides = array<i32>} : memref<2x128x128xf32, #tpu.memory_space<vmem>>, vector<1x1x16xf32>,
      %parallel_loop3A_615 = vector.shape_cast %parallel_loop3A_614 : vector<1x1x16xf32> to vector<16xf32>
      %parallel_loop3A_616 = arith.constant 1 : i32
      %parallel_loop3A_617 = arith.index_cast %parallel_loop3A_616 : i32 to index
      %parallel_loop3A_618 = arith.index_cast %parallel_loop3A_518 : i32 to index
      %parallel_loop3A_619 = arith.constant 96 : index
      %parallel_loop3A_620 = tpu.vector_load %arg8[%parallel_loop3A_617, %parallel_loop3A_618, %parallel_loop3A_619] {strides = array<i32>} : memref<2x128x128xf32, #tpu.memory_space<vmem>>, vector<1x1x16xf32>,
      %parallel_loop3A_621 = vector.shape_cast %parallel_loop3A_620 : vector<1x1x16xf32> to vector<16xf32>
      %parallel_loop3A_622 = arith.constant 1 : i32
      %parallel_loop3A_623 = arith.index_cast %parallel_loop3A_622 : i32 to index
      %parallel_loop3A_624 = arith.index_cast %parallel_loop3A_518 : i32 to index
      %parallel_loop3A_625 = arith.constant 32 : index
      %parallel_loop3A_626 = tpu.vector_load %arg9[%parallel_loop3A_623, %parallel_loop3A_624, %parallel_loop3A_625] {strides = array<i32>} : memref<2x128x128xf32, #tpu.memory_space<vmem>>, vector<1x1x16xf32>,
      %parallel_loop3A_627 = vector.shape_cast %parallel_loop3A_626 : vector<1x1x16xf32> to vector<16xf32>
      %parallel_loop3A_628 = arith.constant 1 : i32
      %parallel_loop3A_629 = arith.index_cast %parallel_loop3A_628 : i32 to index
      %parallel_loop3A_630 = arith.index_cast %parallel_loop3A_518 : i32 to index
      %parallel_loop3A_631 = arith.constant 96 : index
      %parallel_loop3A_632 = tpu.vector_load %arg9[%parallel_loop3A_629, %parallel_loop3A_630, %parallel_loop3A_631] {strides = array<i32>} : memref<2x128x128xf32, #tpu.memory_space<vmem>>, vector<1x1x16xf32>,
      %parallel_loop3A_633 = vector.shape_cast %parallel_loop3A_632 : vector<1x1x16xf32> to vector<16xf32>
      %parallel_loop3A_634 = arith.constant 1 : i32
      %parallel_loop3A_635 = arith.index_cast %parallel_loop3A_634 : i32 to index
      %parallel_loop3A_636 = arith.index_cast %parallel_loop3A_518 : i32 to index
      %parallel_loop3A_637 = arith.constant 32 : index
      %parallel_loop3A_638 = tpu.vector_load %arg10[%parallel_loop3A_635, %parallel_loop3A_636, %parallel_loop3A_637] {strides = array<i32>} : memref<2x128x128xf32, #tpu.memory_space<vmem>>, vector<1x1x16xf32>,
      %parallel_loop3A_639 = vector.shape_cast %parallel_loop3A_638 : vector<1x1x16xf32> to vector<16xf32>
      %parallel_loop3A_640 = arith.constant 1 : i32
      %parallel_loop3A_641 = arith.index_cast %parallel_loop3A_640 : i32 to index
      %parallel_loop3A_642 = arith.index_cast %parallel_loop3A_518 : i32 to index
      %parallel_loop3A_643 = arith.constant 96 : index
      %parallel_loop3A_644 = tpu.vector_load %arg10[%parallel_loop3A_641, %parallel_loop3A_642, %parallel_loop3A_643] {strides = array<i32>} : memref<2x128x128xf32, #tpu.memory_space<vmem>>, vector<1x1x16xf32>,
      %parallel_loop3A_645 = vector.shape_cast %parallel_loop3A_644 : vector<1x1x16xf32> to vector<16xf32>
      %parallel_loop3A_646 = arith.mulf %parallel_loop3A_615, %parallel_loop3A_627 : vector<16xf32>
      %parallel_loop3A_647 = arith.mulf %parallel_loop3A_621, %parallel_loop3A_633 : vector<16xf32>
      %parallel_loop3A_648 = arith.addf %parallel_loop3A_646, %parallel_loop3A_647 : vector<16xf32>
      %parallel_loop3A_649 = arith.mulf %parallel_loop3A_639, %parallel_loop3A_648 : vector<16xf32>
      %parallel_loop3A_650 = arith.mulf %parallel_loop3A_615, %parallel_loop3A_633 : vector<16xf32>
      %parallel_loop3A_651 = arith.mulf %parallel_loop3A_621, %parallel_loop3A_627 : vector<16xf32>
      %parallel_loop3A_652 = arith.subf %parallel_loop3A_650, %parallel_loop3A_651 : vector<16xf32>
      %parallel_loop3A_653 = arith.mulf %parallel_loop3A_645, %parallel_loop3A_652 : vector<16xf32>
      %parallel_loop3A_654 = arith.addf %parallel_loop3A_649, %parallel_loop3A_653 : vector<16xf32>
      %parallel_loop3A_655 = arith.addf %parallel_loop3A_609, %parallel_loop3A_654 : vector<16xf32>
      %parallel_loop3A_656 = arith.constant 1 : i32
      %parallel_loop3A_657 = arith.index_cast %parallel_loop3A_656 : i32 to index
      %parallel_loop3A_658 = arith.index_cast %parallel_loop3A_518 : i32 to index
      %parallel_loop3A_659 = arith.constant 48 : index
      %parallel_loop3A_660 = tpu.vector_load %arg8[%parallel_loop3A_657, %parallel_loop3A_658, %parallel_loop3A_659] {strides = array<i32>} : memref<2x128x128xf32, #tpu.memory_space<vmem>>, vector<1x1x16xf32>,
      %parallel_loop3A_661 = vector.shape_cast %parallel_loop3A_660 : vector<1x1x16xf32> to vector<16xf32>
      %parallel_loop3A_662 = arith.constant 1 : i32
      %parallel_loop3A_663 = arith.index_cast %parallel_loop3A_662 : i32 to index
      %parallel_loop3A_664 = arith.index_cast %parallel_loop3A_518 : i32 to index
      %parallel_loop3A_665 = arith.constant 112 : index
      %parallel_loop3A_666 = tpu.vector_load %arg8[%parallel_loop3A_663, %parallel_loop3A_664, %parallel_loop3A_665] {strides = array<i32>} : memref<2x128x128xf32, #tpu.memory_space<vmem>>, vector<1x1x16xf32>,
      %parallel_loop3A_667 = vector.shape_cast %parallel_loop3A_666 : vector<1x1x16xf32> to vector<16xf32>
      %parallel_loop3A_668 = arith.constant 1 : i32
      %parallel_loop3A_669 = arith.index_cast %parallel_loop3A_668 : i32 to index
      %parallel_loop3A_670 = arith.index_cast %parallel_loop3A_518 : i32 to index
      %parallel_loop3A_671 = arith.constant 48 : index
      %parallel_loop3A_672 = tpu.vector_load %arg9[%parallel_loop3A_669, %parallel_loop3A_670, %parallel_loop3A_671] {strides = array<i32>} : memref<2x128x128xf32, #tpu.memory_space<vmem>>, vector<1x1x16xf32>,
      %parallel_loop3A_673 = vector.shape_cast %parallel_loop3A_672 : vector<1x1x16xf32> to vector<16xf32>
      %parallel_loop3A_674 = arith.constant 1 : i32
      %parallel_loop3A_675 = arith.index_cast %parallel_loop3A_674 : i32 to index
      %parallel_loop3A_676 = arith.index_cast %parallel_loop3A_518 : i32 to index
      %parallel_loop3A_677 = arith.constant 112 : index
      %parallel_loop3A_678 = tpu.vector_load %arg9[%parallel_loop3A_675, %parallel_loop3A_676, %parallel_loop3A_677] {strides = array<i32>} : memref<2x128x128xf32, #tpu.memory_space<vmem>>, vector<1x1x16xf32>,
      %parallel_loop3A_679 = vector.shape_cast %parallel_loop3A_678 : vector<1x1x16xf32> to vector<16xf32>
      %parallel_loop3A_680 = arith.constant 1 : i32
      %parallel_loop3A_681 = arith.index_cast %parallel_loop3A_680 : i32 to index
      %parallel_loop3A_682 = arith.index_cast %parallel_loop3A_518 : i32 to index
      %parallel_loop3A_683 = arith.constant 48 : index
      %parallel_loop3A_684 = tpu.vector_load %arg10[%parallel_loop3A_681, %parallel_loop3A_682, %parallel_loop3A_683] {strides = array<i32>} : memref<2x128x128xf32, #tpu.memory_space<vmem>>, vector<1x1x16xf32>,
      %parallel_loop3A_685 = vector.shape_cast %parallel_loop3A_684 : vector<1x1x16xf32> to vector<16xf32>
      %parallel_loop3A_686 = arith.constant 1 : i32
      %parallel_loop3A_687 = arith.index_cast %parallel_loop3A_686 : i32 to index
      %parallel_loop3A_688 = arith.index_cast %parallel_loop3A_518 : i32 to index
      %parallel_loop3A_689 = arith.constant 112 : index
      %parallel_loop3A_690 = tpu.vector_load %arg10[%parallel_loop3A_687, %parallel_loop3A_688, %parallel_loop3A_689] {strides = array<i32>} : memref<2x128x128xf32, #tpu.memory_space<vmem>>, vector<1x1x16xf32>,
      %parallel_loop3A_691 = vector.shape_cast %parallel_loop3A_690 : vector<1x1x16xf32> to vector<16xf32>
      %parallel_loop3A_692 = arith.mulf %parallel_loop3A_661, %parallel_loop3A_673 : vector<16xf32>
      %parallel_loop3A_693 = arith.mulf %parallel_loop3A_667, %parallel_loop3A_679 : vector<16xf32>
      %parallel_loop3A_694 = arith.addf %parallel_loop3A_692, %parallel_loop3A_693 : vector<16xf32>
      %parallel_loop3A_695 = arith.mulf %parallel_loop3A_685, %parallel_loop3A_694 : vector<16xf32>
      %parallel_loop3A_696 = arith.mulf %parallel_loop3A_661, %parallel_loop3A_679 : vector<16xf32>
      %parallel_loop3A_697 = arith.mulf %parallel_loop3A_667, %parallel_loop3A_673 : vector<16xf32>
      %parallel_loop3A_698 = arith.subf %parallel_loop3A_696, %parallel_loop3A_697 : vector<16xf32>
      %parallel_loop3A_699 = arith.mulf %parallel_loop3A_691, %parallel_loop3A_698 : vector<16xf32>
      %parallel_loop3A_700 = arith.addf %parallel_loop3A_695, %parallel_loop3A_699 : vector<16xf32>
      %parallel_loop3A_701 = arith.addf %parallel_loop3A_655, %parallel_loop3A_700 : vector<16xf32>
      %parallel_loop3A_702 = arith.index_cast %parallel_loop3A_518 : i32 to index
      %parallel_loop3A_703 = arith.constant 0 : index
      %parallel_loop3A_704 = tpu.vector_load %arg12[%parallel_loop3A_702, %parallel_loop3A_703] {strides = array<i32>} : memref<128x16xf32, #tpu.memory_space<vmem>>, vector<1x16xf32>,
      %parallel_loop3A_705 = vector.shape_cast %parallel_loop3A_704 : vector<1x16xf32> to vector<16xf32>
      %parallel_loop3A_706 = vector.shape_cast %parallel_loop3A_701 : vector<16xf32> to vector<1x16xf32>
      tpu.vector_store %arg12[%parallel_loop3A_702, %parallel_loop3A_703], %parallel_loop3A_706 {strides = array<i32>} : memref<128x16xf32, #tpu.memory_space<vmem>>, vector<1x16xf32>,
    } {sc.loop_unroll_factor = 1 : i64, sc.parallel_access}
    %parallel_loop3A_475 = arith.constant 0 : i32
    %parallel_loop3A_476 = arith.constant 8 : i32
    %parallel_loop3A_477 = arith.constant 1 : i32
    scf.for %parallel_loop3A_518 = %parallel_loop3A_475 to %parallel_loop3A_476 step %parallel_loop3A_477  : i32 {
      %parallel_loop3A_519 = arith.constant 16 : i32
      %parallel_loop3A_520 = arith.muli %parallel_loop3A_518, %parallel_loop3A_519 : i32
      %parallel_loop3A_521 = arith.constant 0 : i32
      %parallel_loop3A_522 = arith.addi %parallel_loop3A_520, %parallel_loop3A_521 : i32
      %parallel_loop3A_523 = arith.index_cast %parallel_loop3A_522 : i32 to index
      %parallel_loop3A_524 = arith.constant 0 : index
      %parallel_loop3A_525 = tpu.vector_load %arg12[%parallel_loop3A_523, %parallel_loop3A_524] {strides = array<i32>} : memref<128x16xf32, #tpu.memory_space<vmem>>, vector<1x16xf32>,
      %parallel_loop3A_526 = vector.shape_cast %parallel_loop3A_525 : vector<1x16xf32> to vector<16xf32>
      %parallel_loop3A_527 = arith.constant 16 : i32
      %parallel_loop3A_528 = arith.muli %parallel_loop3A_518, %parallel_loop3A_527 : i32
      %parallel_loop3A_529 = arith.constant 1 : i32
      %parallel_loop3A_530 = arith.addi %parallel_loop3A_528, %parallel_loop3A_529 : i32
      %parallel_loop3A_531 = arith.index_cast %parallel_loop3A_530 : i32 to index
      %parallel_loop3A_532 = arith.constant 0 : index
      %parallel_loop3A_533 = tpu.vector_load %arg12[%parallel_loop3A_531, %parallel_loop3A_532] {strides = array<i32>} : memref<128x16xf32, #tpu.memory_space<vmem>>, vector<1x16xf32>,
      %parallel_loop3A_534 = vector.shape_cast %parallel_loop3A_533 : vector<1x16xf32> to vector<16xf32>
      %parallel_loop3A_535 = arith.constant 1 : i32
      %parallel_loop3A_536 = vector.broadcast %parallel_loop3A_535 : i32 to vector<16xi32>
      %parallel_loop3A_537 = arith.xori %iota3A, %parallel_loop3A_536 : vector<16xi32>
      %parallel_loop3A_538 = vector.shape_cast %parallel_loop3A_537 : vector<16xi32> to vector<16x1xi32>
      %parallel_loop3A_539 = vector.shape_cast %parallel_loop3A_538 : vector<16x1xi32> to vector<16xi32>
      %parallel_loop3A_540 = tpu.dynamic_gather %parallel_loop3A_526[%parallel_loop3A_539] in [0] : vector<16xf32>, vector<16xi32> -> vector<16xf32>
      %parallel_loop3A_541 = arith.addf %parallel_loop3A_526, %parallel_loop3A_540 : vector<16xf32>
      %parallel_loop3A_542 = vector.shape_cast %parallel_loop3A_537 : vector<16xi32> to vector<16x1xi32>
      %parallel_loop3A_543 = vector.shape_cast %parallel_loop3A_542 : vector<16x1xi32> to vector<16xi32>
      %parallel_loop3A_544 = tpu.dynamic_gather %parallel_loop3A_534[%parallel_loop3A_543] in [0] : vector<16xf32>, vector<16xi32> -> vector<16xf32>
      %parallel_loop3A_545 = arith.addf %parallel_loop3A_534, %parallel_loop3A_544 : vector<16xf32>
      %parallel_loop3A_546 = arith.constant 1 : i32
      %parallel_loop3A_547 = vector.broadcast %parallel_loop3A_546 : i32 to vector<16xi32>
      %parallel_loop3A_548 = arith.andi %iota3A, %parallel_loop3A_547 : vector<16xi32>
      %parallel_loop3A_549 = arith.constant 0 : i32
      %parallel_loop3A_550 = vector.broadcast %parallel_loop3A_549 : i32 to vector<16xi32>
      %parallel_loop3A_551 = arith.cmpi eq, %parallel_loop3A_548, %parallel_loop3A_550 : vector<16xi32>
      %parallel_loop3A_552 = arith.select %parallel_loop3A_551, %parallel_loop3A_541, %parallel_loop3A_545 : vector<16xi1>, vector<16xf32>
      %parallel_loop3A_553 = arith.constant 16 : i32
      %parallel_loop3A_554 = arith.muli %parallel_loop3A_518, %parallel_loop3A_553 : i32
      %parallel_loop3A_555 = arith.constant 2 : i32
      %parallel_loop3A_556 = arith.addi %parallel_loop3A_554, %parallel_loop3A_555 : i32
      %parallel_loop3A_557 = arith.index_cast %parallel_loop3A_556 : i32 to index
      %parallel_loop3A_558 = arith.constant 0 : index
      %parallel_loop3A_559 = tpu.vector_load %arg12[%parallel_loop3A_557, %parallel_loop3A_558] {strides = array<i32>} : memref<128x16xf32, #tpu.memory_space<vmem>>, vector<1x16xf32>,
      %parallel_loop3A_560 = vector.shape_cast %parallel_loop3A_559 : vector<1x16xf32> to vector<16xf32>
      %parallel_loop3A_561 = arith.constant 16 : i32
      %parallel_loop3A_562 = arith.muli %parallel_loop3A_518, %parallel_loop3A_561 : i32
      %parallel_loop3A_563 = arith.constant 3 : i32
      %parallel_loop3A_564 = arith.addi %parallel_loop3A_562, %parallel_loop3A_563 : i32
      %parallel_loop3A_565 = arith.index_cast %parallel_loop3A_564 : i32 to index
      %parallel_loop3A_566 = arith.constant 0 : index
      %parallel_loop3A_567 = tpu.vector_load %arg12[%parallel_loop3A_565, %parallel_loop3A_566] {strides = array<i32>} : memref<128x16xf32, #tpu.memory_space<vmem>>, vector<1x16xf32>,
      %parallel_loop3A_568 = vector.shape_cast %parallel_loop3A_567 : vector<1x16xf32> to vector<16xf32>
      %parallel_loop3A_569 = arith.constant 1 : i32
      %parallel_loop3A_570 = vector.broadcast %parallel_loop3A_569 : i32 to vector<16xi32>
      %parallel_loop3A_571 = arith.xori %iota3A, %parallel_loop3A_570 : vector<16xi32>
      %parallel_loop3A_572 = vector.shape_cast %parallel_loop3A_571 : vector<16xi32> to vector<16x1xi32>
      %parallel_loop3A_573 = vector.shape_cast %parallel_loop3A_572 : vector<16x1xi32> to vector<16xi32>
      %parallel_loop3A_574 = tpu.dynamic_gather %parallel_loop3A_560[%parallel_loop3A_573] in [0] : vector<16xf32>, vector<16xi32> -> vector<16xf32>
      %parallel_loop3A_575 = arith.addf %parallel_loop3A_560, %parallel_loop3A_574 : vector<16xf32>
      %parallel_loop3A_576 = vector.shape_cast %parallel_loop3A_571 : vector<16xi32> to vector<16x1xi32>
      %parallel_loop3A_577 = vector.shape_cast %parallel_loop3A_576 : vector<16x1xi32> to vector<16xi32>
      %parallel_loop3A_578 = tpu.dynamic_gather %parallel_loop3A_568[%parallel_loop3A_577] in [0] : vector<16xf32>, vector<16xi32> -> vector<16xf32>
      %parallel_loop3A_579 = arith.addf %parallel_loop3A_568, %parallel_loop3A_578 : vector<16xf32>
      %parallel_loop3A_580 = arith.constant 1 : i32
      %parallel_loop3A_581 = vector.broadcast %parallel_loop3A_580 : i32 to vector<16xi32>
      %parallel_loop3A_582 = arith.andi %iota3A, %parallel_loop3A_581 : vector<16xi32>
      %parallel_loop3A_583 = arith.constant 0 : i32
      %parallel_loop3A_584 = vector.broadcast %parallel_loop3A_583 : i32 to vector<16xi32>
      %parallel_loop3A_585 = arith.cmpi eq, %parallel_loop3A_582, %parallel_loop3A_584 : vector<16xi32>
      %parallel_loop3A_586 = arith.select %parallel_loop3A_585, %parallel_loop3A_575, %parallel_loop3A_579 : vector<16xi1>, vector<16xf32>
      %parallel_loop3A_587 = arith.constant 2 : i32
      %parallel_loop3A_588 = vector.broadcast %parallel_loop3A_587 : i32 to vector<16xi32>
      %parallel_loop3A_589 = arith.xori %iota3A, %parallel_loop3A_588 : vector<16xi32>
      %parallel_loop3A_590 = vector.shape_cast %parallel_loop3A_589 : vector<16xi32> to vector<16x1xi32>
      %parallel_loop3A_591 = vector.shape_cast %parallel_loop3A_590 : vector<16x1xi32> to vector<16xi32>
      %parallel_loop3A_592 = tpu.dynamic_gather %parallel_loop3A_552[%parallel_loop3A_591] in [0] : vector<16xf32>, vector<16xi32> -> vector<16xf32>
      %parallel_loop3A_593 = arith.addf %parallel_loop3A_552, %parallel_loop3A_592 : vector<16xf32>
      %parallel_loop3A_594 = vector.shape_cast %parallel_loop3A_589 : vector<16xi32> to vector<16x1xi32>
      %parallel_loop3A_595 = vector.shape_cast %parallel_loop3A_594 : vector<16x1xi32> to vector<16xi32>
      %parallel_loop3A_596 = tpu.dynamic_gather %parallel_loop3A_586[%parallel_loop3A_595] in [0] : vector<16xf32>, vector<16xi32> -> vector<16xf32>
      %parallel_loop3A_597 = arith.addf %parallel_loop3A_586, %parallel_loop3A_596 : vector<16xf32>
      %parallel_loop3A_598 = arith.constant 2 : i32
      %parallel_loop3A_599 = vector.broadcast %parallel_loop3A_598 : i32 to vector<16xi32>
      %parallel_loop3A_600 = arith.andi %iota3A, %parallel_loop3A_599 : vector<16xi32>
      %parallel_loop3A_601 = arith.constant 0 : i32
      %parallel_loop3A_602 = vector.broadcast %parallel_loop3A_601 : i32 to vector<16xi32>
      %parallel_loop3A_603 = arith.cmpi eq, %parallel_loop3A_600, %parallel_loop3A_602 : vector<16xi32>
      %parallel_loop3A_604 = arith.select %parallel_loop3A_603, %parallel_loop3A_593, %parallel_loop3A_597 : vector<16xi1>, vector<16xf32>
      %parallel_loop3A_605 = arith.constant 16 : i32
      %parallel_loop3A_606 = arith.muli %parallel_loop3A_518, %parallel_loop3A_605 : i32
      %parallel_loop3A_607 = arith.constant 4 : i32
      %parallel_loop3A_608 = arith.addi %parallel_loop3A_606, %parallel_loop3A_607 : i32
      %parallel_loop3A_609 = arith.index_cast %parallel_loop3A_608 : i32 to index
      %parallel_loop3A_610 = arith.constant 0 : index
      %parallel_loop3A_611 = tpu.vector_load %arg12[%parallel_loop3A_609, %parallel_loop3A_610] {strides = array<i32>} : memref<128x16xf32, #tpu.memory_space<vmem>>, vector<1x16xf32>,
      %parallel_loop3A_612 = vector.shape_cast %parallel_loop3A_611 : vector<1x16xf32> to vector<16xf32>
      %parallel_loop3A_613 = arith.constant 16 : i32
      %parallel_loop3A_614 = arith.muli %parallel_loop3A_518, %parallel_loop3A_613 : i32
      %parallel_loop3A_615 = arith.constant 5 : i32
      %parallel_loop3A_616 = arith.addi %parallel_loop3A_614, %parallel_loop3A_615 : i32
      %parallel_loop3A_617 = arith.index_cast %parallel_loop3A_616 : i32 to index
      %parallel_loop3A_618 = arith.constant 0 : index
      %parallel_loop3A_619 = tpu.vector_load %arg12[%parallel_loop3A_617, %parallel_loop3A_618] {strides = array<i32>} : memref<128x16xf32, #tpu.memory_space<vmem>>, vector<1x16xf32>,
      %parallel_loop3A_620 = vector.shape_cast %parallel_loop3A_619 : vector<1x16xf32> to vector<16xf32>
      %parallel_loop3A_621 = arith.constant 1 : i32
      %parallel_loop3A_622 = vector.broadcast %parallel_loop3A_621 : i32 to vector<16xi32>
      %parallel_loop3A_623 = arith.xori %iota3A, %parallel_loop3A_622 : vector<16xi32>
      %parallel_loop3A_624 = vector.shape_cast %parallel_loop3A_623 : vector<16xi32> to vector<16x1xi32>
      %parallel_loop3A_625 = vector.shape_cast %parallel_loop3A_624 : vector<16x1xi32> to vector<16xi32>
      %parallel_loop3A_626 = tpu.dynamic_gather %parallel_loop3A_612[%parallel_loop3A_625] in [0] : vector<16xf32>, vector<16xi32> -> vector<16xf32>
      %parallel_loop3A_627 = arith.addf %parallel_loop3A_612, %parallel_loop3A_626 : vector<16xf32>
      %parallel_loop3A_628 = vector.shape_cast %parallel_loop3A_623 : vector<16xi32> to vector<16x1xi32>
      %parallel_loop3A_629 = vector.shape_cast %parallel_loop3A_628 : vector<16x1xi32> to vector<16xi32>
      %parallel_loop3A_630 = tpu.dynamic_gather %parallel_loop3A_620[%parallel_loop3A_629] in [0] : vector<16xf32>, vector<16xi32> -> vector<16xf32>
      %parallel_loop3A_631 = arith.addf %parallel_loop3A_620, %parallel_loop3A_630 : vector<16xf32>
      %parallel_loop3A_632 = arith.constant 1 : i32
      %parallel_loop3A_633 = vector.broadcast %parallel_loop3A_632 : i32 to vector<16xi32>
      %parallel_loop3A_634 = arith.andi %iota3A, %parallel_loop3A_633 : vector<16xi32>
      %parallel_loop3A_635 = arith.constant 0 : i32
      %parallel_loop3A_636 = vector.broadcast %parallel_loop3A_635 : i32 to vector<16xi32>
      %parallel_loop3A_637 = arith.cmpi eq, %parallel_loop3A_634, %parallel_loop3A_636 : vector<16xi32>
      %parallel_loop3A_638 = arith.select %parallel_loop3A_637, %parallel_loop3A_627, %parallel_loop3A_631 : vector<16xi1>, vector<16xf32>
      %parallel_loop3A_639 = arith.constant 16 : i32
      %parallel_loop3A_640 = arith.muli %parallel_loop3A_518, %parallel_loop3A_639 : i32
      %parallel_loop3A_641 = arith.constant 6 : i32
      %parallel_loop3A_642 = arith.addi %parallel_loop3A_640, %parallel_loop3A_641 : i32
      %parallel_loop3A_643 = arith.index_cast %parallel_loop3A_642 : i32 to index
      %parallel_loop3A_644 = arith.constant 0 : index
      %parallel_loop3A_645 = tpu.vector_load %arg12[%parallel_loop3A_643, %parallel_loop3A_644] {strides = array<i32>} : memref<128x16xf32, #tpu.memory_space<vmem>>, vector<1x16xf32>,
      %parallel_loop3A_646 = vector.shape_cast %parallel_loop3A_645 : vector<1x16xf32> to vector<16xf32>
      %parallel_loop3A_647 = arith.constant 16 : i32
      %parallel_loop3A_648 = arith.muli %parallel_loop3A_518, %parallel_loop3A_647 : i32
      %parallel_loop3A_649 = arith.constant 7 : i32
      %parallel_loop3A_650 = arith.addi %parallel_loop3A_648, %parallel_loop3A_649 : i32
      %parallel_loop3A_651 = arith.index_cast %parallel_loop3A_650 : i32 to index
      %parallel_loop3A_652 = arith.constant 0 : index
      %parallel_loop3A_653 = tpu.vector_load %arg12[%parallel_loop3A_651, %parallel_loop3A_652] {strides = array<i32>} : memref<128x16xf32, #tpu.memory_space<vmem>>, vector<1x16xf32>,
      %parallel_loop3A_654 = vector.shape_cast %parallel_loop3A_653 : vector<1x16xf32> to vector<16xf32>
      %parallel_loop3A_655 = arith.constant 1 : i32
      %parallel_loop3A_656 = vector.broadcast %parallel_loop3A_655 : i32 to vector<16xi32>
      %parallel_loop3A_657 = arith.xori %iota3A, %parallel_loop3A_656 : vector<16xi32>
      %parallel_loop3A_658 = vector.shape_cast %parallel_loop3A_657 : vector<16xi32> to vector<16x1xi32>
      %parallel_loop3A_659 = vector.shape_cast %parallel_loop3A_658 : vector<16x1xi32> to vector<16xi32>
      %parallel_loop3A_660 = tpu.dynamic_gather %parallel_loop3A_646[%parallel_loop3A_659] in [0] : vector<16xf32>, vector<16xi32> -> vector<16xf32>
      %parallel_loop3A_661 = arith.addf %parallel_loop3A_646, %parallel_loop3A_660 : vector<16xf32>
      %parallel_loop3A_662 = vector.shape_cast %parallel_loop3A_657 : vector<16xi32> to vector<16x1xi32>
      %parallel_loop3A_663 = vector.shape_cast %parallel_loop3A_662 : vector<16x1xi32> to vector<16xi32>
      %parallel_loop3A_664 = tpu.dynamic_gather %parallel_loop3A_654[%parallel_loop3A_663] in [0] : vector<16xf32>, vector<16xi32> -> vector<16xf32>
      %parallel_loop3A_665 = arith.addf %parallel_loop3A_654, %parallel_loop3A_664 : vector<16xf32>
      %parallel_loop3A_666 = arith.constant 1 : i32
      %parallel_loop3A_667 = vector.broadcast %parallel_loop3A_666 : i32 to vector<16xi32>
      %parallel_loop3A_668 = arith.andi %iota3A, %parallel_loop3A_667 : vector<16xi32>
      %parallel_loop3A_669 = arith.constant 0 : i32
      %parallel_loop3A_670 = vector.broadcast %parallel_loop3A_669 : i32 to vector<16xi32>
      %parallel_loop3A_671 = arith.cmpi eq, %parallel_loop3A_668, %parallel_loop3A_670 : vector<16xi32>
      %parallel_loop3A_672 = arith.select %parallel_loop3A_671, %parallel_loop3A_661, %parallel_loop3A_665 : vector<16xi1>, vector<16xf32>
      %parallel_loop3A_673 = arith.constant 2 : i32
      %parallel_loop3A_674 = vector.broadcast %parallel_loop3A_673 : i32 to vector<16xi32>
      %parallel_loop3A_675 = arith.xori %iota3A, %parallel_loop3A_674 : vector<16xi32>
      %parallel_loop3A_676 = vector.shape_cast %parallel_loop3A_675 : vector<16xi32> to vector<16x1xi32>
      %parallel_loop3A_677 = vector.shape_cast %parallel_loop3A_676 : vector<16x1xi32> to vector<16xi32>
      %parallel_loop3A_678 = tpu.dynamic_gather %parallel_loop3A_638[%parallel_loop3A_677] in [0] : vector<16xf32>, vector<16xi32> -> vector<16xf32>
      %parallel_loop3A_679 = arith.addf %parallel_loop3A_638, %parallel_loop3A_678 : vector<16xf32>
      %parallel_loop3A_680 = vector.shape_cast %parallel_loop3A_675 : vector<16xi32> to vector<16x1xi32>
      %parallel_loop3A_681 = vector.shape_cast %parallel_loop3A_680 : vector<16x1xi32> to vector<16xi32>
      %parallel_loop3A_682 = tpu.dynamic_gather %parallel_loop3A_672[%parallel_loop3A_681] in [0] : vector<16xf32>, vector<16xi32> -> vector<16xf32>
      %parallel_loop3A_683 = arith.addf %parallel_loop3A_672, %parallel_loop3A_682 : vector<16xf32>
      %parallel_loop3A_684 = arith.constant 2 : i32
      %parallel_loop3A_685 = vector.broadcast %parallel_loop3A_684 : i32 to vector<16xi32>
      %parallel_loop3A_686 = arith.andi %iota3A, %parallel_loop3A_685 : vector<16xi32>
      %parallel_loop3A_687 = arith.constant 0 : i32
      %parallel_loop3A_688 = vector.broadcast %parallel_loop3A_687 : i32 to vector<16xi32>
      %parallel_loop3A_689 = arith.cmpi eq, %parallel_loop3A_686, %parallel_loop3A_688 : vector<16xi32>
      %parallel_loop3A_690 = arith.select %parallel_loop3A_689, %parallel_loop3A_679, %parallel_loop3A_683 : vector<16xi1>, vector<16xf32>
      %parallel_loop3A_691 = arith.constant 4 : i32
      %parallel_loop3A_692 = vector.broadcast %parallel_loop3A_691 : i32 to vector<16xi32>
      %parallel_loop3A_693 = arith.xori %iota3A, %parallel_loop3A_692 : vector<16xi32>
      %parallel_loop3A_694 = vector.shape_cast %parallel_loop3A_693 : vector<16xi32> to vector<16x1xi32>
      %parallel_loop3A_695 = vector.shape_cast %parallel_loop3A_694 : vector<16x1xi32> to vector<16xi32>
      %parallel_loop3A_696 = tpu.dynamic_gather %parallel_loop3A_604[%parallel_loop3A_695] in [0] : vector<16xf32>, vector<16xi32> -> vector<16xf32>
      %parallel_loop3A_697 = arith.addf %parallel_loop3A_604, %parallel_loop3A_696 : vector<16xf32>
      %parallel_loop3A_698 = vector.shape_cast %parallel_loop3A_693 : vector<16xi32> to vector<16x1xi32>
      %parallel_loop3A_699 = vector.shape_cast %parallel_loop3A_698 : vector<16x1xi32> to vector<16xi32>
      %parallel_loop3A_700 = tpu.dynamic_gather %parallel_loop3A_690[%parallel_loop3A_699] in [0] : vector<16xf32>, vector<16xi32> -> vector<16xf32>
      %parallel_loop3A_701 = arith.addf %parallel_loop3A_690, %parallel_loop3A_700 : vector<16xf32>
      %parallel_loop3A_702 = arith.constant 4 : i32
      %parallel_loop3A_703 = vector.broadcast %parallel_loop3A_702 : i32 to vector<16xi32>
      %parallel_loop3A_704 = arith.andi %iota3A, %parallel_loop3A_703 : vector<16xi32>
      %parallel_loop3A_705 = arith.constant 0 : i32
      %parallel_loop3A_706 = vector.broadcast %parallel_loop3A_705 : i32 to vector<16xi32>
      %parallel_loop3A_707 = arith.cmpi eq, %parallel_loop3A_704, %parallel_loop3A_706 : vector<16xi32>
      %parallel_loop3A_708 = arith.select %parallel_loop3A_707, %parallel_loop3A_697, %parallel_loop3A_701 : vector<16xi1>, vector<16xf32>
      %parallel_loop3A_709 = arith.constant 16 : i32
      %parallel_loop3A_710 = arith.muli %parallel_loop3A_518, %parallel_loop3A_709 : i32
      %parallel_loop3A_711 = arith.constant 8 : i32
      %parallel_loop3A_712 = arith.addi %parallel_loop3A_710, %parallel_loop3A_711 : i32
      %parallel_loop3A_713 = arith.index_cast %parallel_loop3A_712 : i32 to index
      %parallel_loop3A_714 = arith.constant 0 : index
      %parallel_loop3A_715 = tpu.vector_load %arg12[%parallel_loop3A_713, %parallel_loop3A_714] {strides = array<i32>} : memref<128x16xf32, #tpu.memory_space<vmem>>, vector<1x16xf32>,
      %parallel_loop3A_716 = vector.shape_cast %parallel_loop3A_715 : vector<1x16xf32> to vector<16xf32>
      %parallel_loop3A_717 = arith.constant 16 : i32
      %parallel_loop3A_718 = arith.muli %parallel_loop3A_518, %parallel_loop3A_717 : i32
      %parallel_loop3A_719 = arith.constant 9 : i32
      %parallel_loop3A_720 = arith.addi %parallel_loop3A_718, %parallel_loop3A_719 : i32
      %parallel_loop3A_721 = arith.index_cast %parallel_loop3A_720 : i32 to index
      %parallel_loop3A_722 = arith.constant 0 : index
      %parallel_loop3A_723 = tpu.vector_load %arg12[%parallel_loop3A_721, %parallel_loop3A_722] {strides = array<i32>} : memref<128x16xf32, #tpu.memory_space<vmem>>, vector<1x16xf32>,
      %parallel_loop3A_724 = vector.shape_cast %parallel_loop3A_723 : vector<1x16xf32> to vector<16xf32>
      %parallel_loop3A_725 = arith.constant 1 : i32
      %parallel_loop3A_726 = vector.broadcast %parallel_loop3A_725 : i32 to vector<16xi32>
      %parallel_loop3A_727 = arith.xori %iota3A, %parallel_loop3A_726 : vector<16xi32>
      %parallel_loop3A_728 = vector.shape_cast %parallel_loop3A_727 : vector<16xi32> to vector<16x1xi32>
      %parallel_loop3A_729 = vector.shape_cast %parallel_loop3A_728 : vector<16x1xi32> to vector<16xi32>
      %parallel_loop3A_730 = tpu.dynamic_gather %parallel_loop3A_716[%parallel_loop3A_729] in [0] : vector<16xf32>, vector<16xi32> -> vector<16xf32>
      %parallel_loop3A_731 = arith.addf %parallel_loop3A_716, %parallel_loop3A_730 : vector<16xf32>
      %parallel_loop3A_732 = vector.shape_cast %parallel_loop3A_727 : vector<16xi32> to vector<16x1xi32>
      %parallel_loop3A_733 = vector.shape_cast %parallel_loop3A_732 : vector<16x1xi32> to vector<16xi32>
      %parallel_loop3A_734 = tpu.dynamic_gather %parallel_loop3A_724[%parallel_loop3A_733] in [0] : vector<16xf32>, vector<16xi32> -> vector<16xf32>
      %parallel_loop3A_735 = arith.addf %parallel_loop3A_724, %parallel_loop3A_734 : vector<16xf32>
      %parallel_loop3A_736 = arith.constant 1 : i32
      %parallel_loop3A_737 = vector.broadcast %parallel_loop3A_736 : i32 to vector<16xi32>
      %parallel_loop3A_738 = arith.andi %iota3A, %parallel_loop3A_737 : vector<16xi32>
      %parallel_loop3A_739 = arith.constant 0 : i32
      %parallel_loop3A_740 = vector.broadcast %parallel_loop3A_739 : i32 to vector<16xi32>
      %parallel_loop3A_741 = arith.cmpi eq, %parallel_loop3A_738, %parallel_loop3A_740 : vector<16xi32>
      %parallel_loop3A_742 = arith.select %parallel_loop3A_741, %parallel_loop3A_731, %parallel_loop3A_735 : vector<16xi1>, vector<16xf32>
      %parallel_loop3A_743 = arith.constant 16 : i32
      %parallel_loop3A_744 = arith.muli %parallel_loop3A_518, %parallel_loop3A_743 : i32
      %parallel_loop3A_745 = arith.constant 10 : i32
      %parallel_loop3A_746 = arith.addi %parallel_loop3A_744, %parallel_loop3A_745 : i32
      %parallel_loop3A_747 = arith.index_cast %parallel_loop3A_746 : i32 to index
      %parallel_loop3A_748 = arith.constant 0 : index
      %parallel_loop3A_749 = tpu.vector_load %arg12[%parallel_loop3A_747, %parallel_loop3A_748] {strides = array<i32>} : memref<128x16xf32, #tpu.memory_space<vmem>>, vector<1x16xf32>,
      %parallel_loop3A_750 = vector.shape_cast %parallel_loop3A_749 : vector<1x16xf32> to vector<16xf32>
      %parallel_loop3A_751 = arith.constant 16 : i32
      %parallel_loop3A_752 = arith.muli %parallel_loop3A_518, %parallel_loop3A_751 : i32
      %parallel_loop3A_753 = arith.constant 11 : i32
      %parallel_loop3A_754 = arith.addi %parallel_loop3A_752, %parallel_loop3A_753 : i32
      %parallel_loop3A_755 = arith.index_cast %parallel_loop3A_754 : i32 to index
      %parallel_loop3A_756 = arith.constant 0 : index
      %parallel_loop3A_757 = tpu.vector_load %arg12[%parallel_loop3A_755, %parallel_loop3A_756] {strides = array<i32>} : memref<128x16xf32, #tpu.memory_space<vmem>>, vector<1x16xf32>,
      %parallel_loop3A_758 = vector.shape_cast %parallel_loop3A_757 : vector<1x16xf32> to vector<16xf32>
      %parallel_loop3A_759 = arith.constant 1 : i32
      %parallel_loop3A_760 = vector.broadcast %parallel_loop3A_759 : i32 to vector<16xi32>
      %parallel_loop3A_761 = arith.xori %iota3A, %parallel_loop3A_760 : vector<16xi32>
      %parallel_loop3A_762 = vector.shape_cast %parallel_loop3A_761 : vector<16xi32> to vector<16x1xi32>
      %parallel_loop3A_763 = vector.shape_cast %parallel_loop3A_762 : vector<16x1xi32> to vector<16xi32>
      %parallel_loop3A_764 = tpu.dynamic_gather %parallel_loop3A_750[%parallel_loop3A_763] in [0] : vector<16xf32>, vector<16xi32> -> vector<16xf32>
      %parallel_loop3A_765 = arith.addf %parallel_loop3A_750, %parallel_loop3A_764 : vector<16xf32>
      %parallel_loop3A_766 = vector.shape_cast %parallel_loop3A_761 : vector<16xi32> to vector<16x1xi32>
      %parallel_loop3A_767 = vector.shape_cast %parallel_loop3A_766 : vector<16x1xi32> to vector<16xi32>
      %parallel_loop3A_768 = tpu.dynamic_gather %parallel_loop3A_758[%parallel_loop3A_767] in [0] : vector<16xf32>, vector<16xi32> -> vector<16xf32>
      %parallel_loop3A_769 = arith.addf %parallel_loop3A_758, %parallel_loop3A_768 : vector<16xf32>
      %parallel_loop3A_770 = arith.constant 1 : i32
      %parallel_loop3A_771 = vector.broadcast %parallel_loop3A_770 : i32 to vector<16xi32>
      %parallel_loop3A_772 = arith.andi %iota3A, %parallel_loop3A_771 : vector<16xi32>
      %parallel_loop3A_773 = arith.constant 0 : i32
      %parallel_loop3A_774 = vector.broadcast %parallel_loop3A_773 : i32 to vector<16xi32>
      %parallel_loop3A_775 = arith.cmpi eq, %parallel_loop3A_772, %parallel_loop3A_774 : vector<16xi32>
      %parallel_loop3A_776 = arith.select %parallel_loop3A_775, %parallel_loop3A_765, %parallel_loop3A_769 : vector<16xi1>, vector<16xf32>
      %parallel_loop3A_777 = arith.constant 2 : i32
      %parallel_loop3A_778 = vector.broadcast %parallel_loop3A_777 : i32 to vector<16xi32>
      %parallel_loop3A_779 = arith.xori %iota3A, %parallel_loop3A_778 : vector<16xi32>
      %parallel_loop3A_780 = vector.shape_cast %parallel_loop3A_779 : vector<16xi32> to vector<16x1xi32>
      %parallel_loop3A_781 = vector.shape_cast %parallel_loop3A_780 : vector<16x1xi32> to vector<16xi32>
      %parallel_loop3A_782 = tpu.dynamic_gather %parallel_loop3A_742[%parallel_loop3A_781] in [0] : vector<16xf32>, vector<16xi32> -> vector<16xf32>
      %parallel_loop3A_783 = arith.addf %parallel_loop3A_742, %parallel_loop3A_782 : vector<16xf32>
      %parallel_loop3A_784 = vector.shape_cast %parallel_loop3A_779 : vector<16xi32> to vector<16x1xi32>
      %parallel_loop3A_785 = vector.shape_cast %parallel_loop3A_784 : vector<16x1xi32> to vector<16xi32>
      %parallel_loop3A_786 = tpu.dynamic_gather %parallel_loop3A_776[%parallel_loop3A_785] in [0] : vector<16xf32>, vector<16xi32> -> vector<16xf32>
      %parallel_loop3A_787 = arith.addf %parallel_loop3A_776, %parallel_loop3A_786 : vector<16xf32>
      %parallel_loop3A_788 = arith.constant 2 : i32
      %parallel_loop3A_789 = vector.broadcast %parallel_loop3A_788 : i32 to vector<16xi32>
      %parallel_loop3A_790 = arith.andi %iota3A, %parallel_loop3A_789 : vector<16xi32>
      %parallel_loop3A_791 = arith.constant 0 : i32
      %parallel_loop3A_792 = vector.broadcast %parallel_loop3A_791 : i32 to vector<16xi32>
      %parallel_loop3A_793 = arith.cmpi eq, %parallel_loop3A_790, %parallel_loop3A_792 : vector<16xi32>
      %parallel_loop3A_794 = arith.select %parallel_loop3A_793, %parallel_loop3A_783, %parallel_loop3A_787 : vector<16xi1>, vector<16xf32>
      %parallel_loop3A_795 = arith.constant 16 : i32
      %parallel_loop3A_796 = arith.muli %parallel_loop3A_518, %parallel_loop3A_795 : i32
      %parallel_loop3A_797 = arith.constant 12 : i32
      %parallel_loop3A_798 = arith.addi %parallel_loop3A_796, %parallel_loop3A_797 : i32
      %parallel_loop3A_799 = arith.index_cast %parallel_loop3A_798 : i32 to index
      %parallel_loop3A_800 = arith.constant 0 : index
      %parallel_loop3A_801 = tpu.vector_load %arg12[%parallel_loop3A_799, %parallel_loop3A_800] {strides = array<i32>} : memref<128x16xf32, #tpu.memory_space<vmem>>, vector<1x16xf32>,
      %parallel_loop3A_802 = vector.shape_cast %parallel_loop3A_801 : vector<1x16xf32> to vector<16xf32>
      %parallel_loop3A_803 = arith.constant 16 : i32
      %parallel_loop3A_804 = arith.muli %parallel_loop3A_518, %parallel_loop3A_803 : i32
      %parallel_loop3A_805 = arith.constant 13 : i32
      %parallel_loop3A_806 = arith.addi %parallel_loop3A_804, %parallel_loop3A_805 : i32
      %parallel_loop3A_807 = arith.index_cast %parallel_loop3A_806 : i32 to index
      %parallel_loop3A_808 = arith.constant 0 : index
      %parallel_loop3A_809 = tpu.vector_load %arg12[%parallel_loop3A_807, %parallel_loop3A_808] {strides = array<i32>} : memref<128x16xf32, #tpu.memory_space<vmem>>, vector<1x16xf32>,
      %parallel_loop3A_810 = vector.shape_cast %parallel_loop3A_809 : vector<1x16xf32> to vector<16xf32>
      %parallel_loop3A_811 = arith.constant 1 : i32
      %parallel_loop3A_812 = vector.broadcast %parallel_loop3A_811 : i32 to vector<16xi32>
      %parallel_loop3A_813 = arith.xori %iota3A, %parallel_loop3A_812 : vector<16xi32>
      %parallel_loop3A_814 = vector.shape_cast %parallel_loop3A_813 : vector<16xi32> to vector<16x1xi32>
      %parallel_loop3A_815 = vector.shape_cast %parallel_loop3A_814 : vector<16x1xi32> to vector<16xi32>
      %parallel_loop3A_816 = tpu.dynamic_gather %parallel_loop3A_802[%parallel_loop3A_815] in [0] : vector<16xf32>, vector<16xi32> -> vector<16xf32>
      %parallel_loop3A_817 = arith.addf %parallel_loop3A_802, %parallel_loop3A_816 : vector<16xf32>
      %parallel_loop3A_818 = vector.shape_cast %parallel_loop3A_813 : vector<16xi32> to vector<16x1xi32>
      %parallel_loop3A_819 = vector.shape_cast %parallel_loop3A_818 : vector<16x1xi32> to vector<16xi32>
      %parallel_loop3A_820 = tpu.dynamic_gather %parallel_loop3A_810[%parallel_loop3A_819] in [0] : vector<16xf32>, vector<16xi32> -> vector<16xf32>
      %parallel_loop3A_821 = arith.addf %parallel_loop3A_810, %parallel_loop3A_820 : vector<16xf32>
      %parallel_loop3A_822 = arith.constant 1 : i32
      %parallel_loop3A_823 = vector.broadcast %parallel_loop3A_822 : i32 to vector<16xi32>
      %parallel_loop3A_824 = arith.andi %iota3A, %parallel_loop3A_823 : vector<16xi32>
      %parallel_loop3A_825 = arith.constant 0 : i32
      %parallel_loop3A_826 = vector.broadcast %parallel_loop3A_825 : i32 to vector<16xi32>
      %parallel_loop3A_827 = arith.cmpi eq, %parallel_loop3A_824, %parallel_loop3A_826 : vector<16xi32>
      %parallel_loop3A_828 = arith.select %parallel_loop3A_827, %parallel_loop3A_817, %parallel_loop3A_821 : vector<16xi1>, vector<16xf32>
      %parallel_loop3A_829 = arith.constant 16 : i32
      %parallel_loop3A_830 = arith.muli %parallel_loop3A_518, %parallel_loop3A_829 : i32
      %parallel_loop3A_831 = arith.constant 14 : i32
      %parallel_loop3A_832 = arith.addi %parallel_loop3A_830, %parallel_loop3A_831 : i32
      %parallel_loop3A_833 = arith.index_cast %parallel_loop3A_832 : i32 to index
      %parallel_loop3A_834 = arith.constant 0 : index
      %parallel_loop3A_835 = tpu.vector_load %arg12[%parallel_loop3A_833, %parallel_loop3A_834] {strides = array<i32>} : memref<128x16xf32, #tpu.memory_space<vmem>>, vector<1x16xf32>,
      %parallel_loop3A_836 = vector.shape_cast %parallel_loop3A_835 : vector<1x16xf32> to vector<16xf32>
      %parallel_loop3A_837 = arith.constant 16 : i32
      %parallel_loop3A_838 = arith.muli %parallel_loop3A_518, %parallel_loop3A_837 : i32
      %parallel_loop3A_839 = arith.constant 15 : i32
      %parallel_loop3A_840 = arith.addi %parallel_loop3A_838, %parallel_loop3A_839 : i32
      %parallel_loop3A_841 = arith.index_cast %parallel_loop3A_840 : i32 to index
      %parallel_loop3A_842 = arith.constant 0 : index
      %parallel_loop3A_843 = tpu.vector_load %arg12[%parallel_loop3A_841, %parallel_loop3A_842] {strides = array<i32>} : memref<128x16xf32, #tpu.memory_space<vmem>>, vector<1x16xf32>,
      %parallel_loop3A_844 = vector.shape_cast %parallel_loop3A_843 : vector<1x16xf32> to vector<16xf32>
      %parallel_loop3A_845 = arith.constant 1 : i32
      %parallel_loop3A_846 = vector.broadcast %parallel_loop3A_845 : i32 to vector<16xi32>
      %parallel_loop3A_847 = arith.xori %iota3A, %parallel_loop3A_846 : vector<16xi32>
      %parallel_loop3A_848 = vector.shape_cast %parallel_loop3A_847 : vector<16xi32> to vector<16x1xi32>
      %parallel_loop3A_849 = vector.shape_cast %parallel_loop3A_848 : vector<16x1xi32> to vector<16xi32>
      %parallel_loop3A_850 = tpu.dynamic_gather %parallel_loop3A_836[%parallel_loop3A_849] in [0] : vector<16xf32>, vector<16xi32> -> vector<16xf32>
      %parallel_loop3A_851 = arith.addf %parallel_loop3A_836, %parallel_loop3A_850 : vector<16xf32>
      %parallel_loop3A_852 = vector.shape_cast %parallel_loop3A_847 : vector<16xi32> to vector<16x1xi32>
      %parallel_loop3A_853 = vector.shape_cast %parallel_loop3A_852 : vector<16x1xi32> to vector<16xi32>
      %parallel_loop3A_854 = tpu.dynamic_gather %parallel_loop3A_844[%parallel_loop3A_853] in [0] : vector<16xf32>, vector<16xi32> -> vector<16xf32>
      %parallel_loop3A_855 = arith.addf %parallel_loop3A_844, %parallel_loop3A_854 : vector<16xf32>
      %parallel_loop3A_856 = arith.constant 1 : i32
      %parallel_loop3A_857 = vector.broadcast %parallel_loop3A_856 : i32 to vector<16xi32>
      %parallel_loop3A_858 = arith.andi %iota3A, %parallel_loop3A_857 : vector<16xi32>
      %parallel_loop3A_859 = arith.constant 0 : i32
      %parallel_loop3A_860 = vector.broadcast %parallel_loop3A_859 : i32 to vector<16xi32>
      %parallel_loop3A_861 = arith.cmpi eq, %parallel_loop3A_858, %parallel_loop3A_860 : vector<16xi32>
      %parallel_loop3A_862 = arith.select %parallel_loop3A_861, %parallel_loop3A_851, %parallel_loop3A_855 : vector<16xi1>, vector<16xf32>
      %parallel_loop3A_863 = arith.constant 2 : i32
      %parallel_loop3A_864 = vector.broadcast %parallel_loop3A_863 : i32 to vector<16xi32>
      %parallel_loop3A_865 = arith.xori %iota3A, %parallel_loop3A_864 : vector<16xi32>
      %parallel_loop3A_866 = vector.shape_cast %parallel_loop3A_865 : vector<16xi32> to vector<16x1xi32>
      %parallel_loop3A_867 = vector.shape_cast %parallel_loop3A_866 : vector<16x1xi32> to vector<16xi32>
      %parallel_loop3A_868 = tpu.dynamic_gather %parallel_loop3A_828[%parallel_loop3A_867] in [0] : vector<16xf32>, vector<16xi32> -> vector<16xf32>
      %parallel_loop3A_869 = arith.addf %parallel_loop3A_828, %parallel_loop3A_868 : vector<16xf32>
      %parallel_loop3A_870 = vector.shape_cast %parallel_loop3A_865 : vector<16xi32> to vector<16x1xi32>
      %parallel_loop3A_871 = vector.shape_cast %parallel_loop3A_870 : vector<16x1xi32> to vector<16xi32>
      %parallel_loop3A_872 = tpu.dynamic_gather %parallel_loop3A_862[%parallel_loop3A_871] in [0] : vector<16xf32>, vector<16xi32> -> vector<16xf32>
      %parallel_loop3A_873 = arith.addf %parallel_loop3A_862, %parallel_loop3A_872 : vector<16xf32>
      %parallel_loop3A_874 = arith.constant 2 : i32
      %parallel_loop3A_875 = vector.broadcast %parallel_loop3A_874 : i32 to vector<16xi32>
      %parallel_loop3A_876 = arith.andi %iota3A, %parallel_loop3A_875 : vector<16xi32>
      %parallel_loop3A_877 = arith.constant 0 : i32
      %parallel_loop3A_878 = vector.broadcast %parallel_loop3A_877 : i32 to vector<16xi32>
      %parallel_loop3A_879 = arith.cmpi eq, %parallel_loop3A_876, %parallel_loop3A_878 : vector<16xi32>
      %parallel_loop3A_880 = arith.select %parallel_loop3A_879, %parallel_loop3A_869, %parallel_loop3A_873 : vector<16xi1>, vector<16xf32>
      %parallel_loop3A_881 = arith.constant 4 : i32
      %parallel_loop3A_882 = vector.broadcast %parallel_loop3A_881 : i32 to vector<16xi32>
      %parallel_loop3A_883 = arith.xori %iota3A, %parallel_loop3A_882 : vector<16xi32>
      %parallel_loop3A_884 = vector.shape_cast %parallel_loop3A_883 : vector<16xi32> to vector<16x1xi32>
      %parallel_loop3A_885 = vector.shape_cast %parallel_loop3A_884 : vector<16x1xi32> to vector<16xi32>
      %parallel_loop3A_886 = tpu.dynamic_gather %parallel_loop3A_794[%parallel_loop3A_885] in [0] : vector<16xf32>, vector<16xi32> -> vector<16xf32>
      %parallel_loop3A_887 = arith.addf %parallel_loop3A_794, %parallel_loop3A_886 : vector<16xf32>
      %parallel_loop3A_888 = vector.shape_cast %parallel_loop3A_883 : vector<16xi32> to vector<16x1xi32>
      %parallel_loop3A_889 = vector.shape_cast %parallel_loop3A_888 : vector<16x1xi32> to vector<16xi32>
      %parallel_loop3A_890 = tpu.dynamic_gather %parallel_loop3A_880[%parallel_loop3A_889] in [0] : vector<16xf32>, vector<16xi32> -> vector<16xf32>
      %parallel_loop3A_891 = arith.addf %parallel_loop3A_880, %parallel_loop3A_890 : vector<16xf32>
      %parallel_loop3A_892 = arith.constant 4 : i32
      %parallel_loop3A_893 = vector.broadcast %parallel_loop3A_892 : i32 to vector<16xi32>
      %parallel_loop3A_894 = arith.andi %iota3A, %parallel_loop3A_893 : vector<16xi32>
      %parallel_loop3A_895 = arith.constant 0 : i32
      %parallel_loop3A_896 = vector.broadcast %parallel_loop3A_895 : i32 to vector<16xi32>
      %parallel_loop3A_897 = arith.cmpi eq, %parallel_loop3A_894, %parallel_loop3A_896 : vector<16xi32>
      %parallel_loop3A_898 = arith.select %parallel_loop3A_897, %parallel_loop3A_887, %parallel_loop3A_891 : vector<16xi1>, vector<16xf32>
      %parallel_loop3A_899 = arith.constant 8 : i32
      %parallel_loop3A_900 = vector.broadcast %parallel_loop3A_899 : i32 to vector<16xi32>
      %parallel_loop3A_901 = arith.xori %iota3A, %parallel_loop3A_900 : vector<16xi32>
      %parallel_loop3A_902 = vector.shape_cast %parallel_loop3A_901 : vector<16xi32> to vector<16x1xi32>
      %parallel_loop3A_903 = vector.shape_cast %parallel_loop3A_902 : vector<16x1xi32> to vector<16xi32>
      %parallel_loop3A_904 = tpu.dynamic_gather %parallel_loop3A_708[%parallel_loop3A_903] in [0] : vector<16xf32>, vector<16xi32> -> vector<16xf32>
      %parallel_loop3A_905 = arith.addf %parallel_loop3A_708, %parallel_loop3A_904 : vector<16xf32>
      %parallel_loop3A_906 = vector.shape_cast %parallel_loop3A_901 : vector<16xi32> to vector<16x1xi32>
      %parallel_loop3A_907 = vector.shape_cast %parallel_loop3A_906 : vector<16x1xi32> to vector<16xi32>
      %parallel_loop3A_908 = tpu.dynamic_gather %parallel_loop3A_898[%parallel_loop3A_907] in [0] : vector<16xf32>, vector<16xi32> -> vector<16xf32>
      %parallel_loop3A_909 = arith.addf %parallel_loop3A_898, %parallel_loop3A_908 : vector<16xf32>
      %parallel_loop3A_910 = arith.constant 8 : i32
      %parallel_loop3A_911 = vector.broadcast %parallel_loop3A_910 : i32 to vector<16xi32>
      %parallel_loop3A_912 = arith.andi %iota3A, %parallel_loop3A_911 : vector<16xi32>
      %parallel_loop3A_913 = arith.constant 0 : i32
      %parallel_loop3A_914 = vector.broadcast %parallel_loop3A_913 : i32 to vector<16xi32>
      %parallel_loop3A_915 = arith.cmpi eq, %parallel_loop3A_912, %parallel_loop3A_914 : vector<16xi32>
      %parallel_loop3A_916 = arith.select %parallel_loop3A_915, %parallel_loop3A_905, %parallel_loop3A_909 : vector<16xi1>, vector<16xf32>
      %parallel_loop3A_917 = arith.constant 16 : i32
      %parallel_loop3A_918 = arith.muli %parallel_loop3A_518, %parallel_loop3A_917 : i32
      %parallel_loop3A_919 = arith.constant 1 : i32
      %parallel_loop3A_920 = arith.index_cast %parallel_loop3A_919 : i32 to index
      %parallel_loop3A_921 = arith.index_cast %parallel_loop3A_918 : i32 to index
      %parallel_loop3A_922 = tpu.vector_load %arg11[%parallel_loop3A_920, %parallel_loop3A_921] {strides = array<i32>} : memref<2x128xf32, #tpu.memory_space<vmem>>, vector<1x16xf32>,
      %parallel_loop3A_923 = vector.shape_cast %parallel_loop3A_922 : vector<1x16xf32> to vector<16xf32>
      %parallel_loop3A_924 = vector.shape_cast %parallel_loop3A_916 : vector<16xf32> to vector<1x16xf32>
      tpu.vector_store %arg11[%parallel_loop3A_920, %parallel_loop3A_921], %parallel_loop3A_924 {strides = array<i32>} : memref<2x128xf32, #tpu.memory_space<vmem>>, vector<1x16xf32>,
    } {sc.loop_unroll_factor = 1 : i64, sc.parallel_access}
    %mul3A_478 = arith.constant 512 : i32
    %mul3A_479 = arith.muli %add3A, %mul3A_478 : i32
    %add3A_480 = arith.constant 384 : i32
    %add3A_481 = arith.addi %mul3A_479, %add3A_480 : i32
    %dma_start3A_482 = arith.constant 1 : i32
    %dma_start3A_483 = arith.constant 1 : i32
    %dma_start3A_484 = arith.constant 0 : i32
    %dma_start3A_485 = tpu.memref_slice %arg11[%dma_start3A_482, %dma_start3A_484] : memref<2x128xf32, #tpu.memory_space<vmem>> -> memref<1x128xf32, #tpu.memory_space<vmem>>
    %dma_start3A_486 = tpu.memref_squeeze %dma_start3A_485 : memref<1x128xf32, #tpu.memory_space<vmem>> -> memref<128xf32, #tpu.memory_space<vmem>>
    %dma_start3A_487 = tpu.memref_slice %arg6[%add3A_481] : memref<16384xf32, #tpu.memory_space<hbm>> -> memref<128xf32, #tpu.memory_space<hbm>>
    %dma_start3A_488 = tpu.memref_slice %arg18[%dma_start3A_483] : memref<2x!tpu.dma_semaphore, #tpu.memory_space<semaphore_mem>> -> memref<1x!tpu.dma_semaphore, #tpu.memory_space<semaphore_mem>>
    %dma_start3A_489 = tpu.memref_squeeze %dma_start3A_488 : memref<1x!tpu.dma_semaphore, #tpu.memory_space<semaphore_mem>> -> memref<!tpu.dma_semaphore, #tpu.memory_space<semaphore_mem>>
    %dma_start3A_490 = tpu.memref_slice %arg6[%add3A_481] : memref<16384xf32, #tpu.memory_space<hbm>> -> memref<128xf32, #tpu.memory_space<hbm>>
    %dma_start3A_491 = arith.constant 0 : i32
    %dma_start3A_492 = tpu.memref_slice %arg11[%dma_start3A_482, %dma_start3A_491] : memref<2x128xf32, #tpu.memory_space<vmem>> -> memref<1x128xf32, #tpu.memory_space<vmem>>
    %dma_start3A_493 = tpu.memref_squeeze %dma_start3A_492 : memref<1x128xf32, #tpu.memory_space<vmem>> -> memref<128xf32, #tpu.memory_space<vmem>>
    tpu.enqueue_dma source(%dma_start3A_493 : memref<128xf32, #tpu.memory_space<vmem>>) target(%dma_start3A_490 : memref<128xf32, #tpu.memory_space<hbm>>) target_semaphore(%dma_start3A_489 : memref<!tpu.dma_semaphore, #tpu.memory_space<semaphore_mem>>)
    %dma_wait3A_494 = arith.constant 0 : i32
    %dma_wait3A_495 = arith.constant 0 : i32
    %dma_wait3A_496 = arith.constant 0 : i32
    %dma_wait3A_497 = tpu.memref_slice %arg11[%dma_wait3A_494, %dma_wait3A_496] : memref<2x128xf32, #tpu.memory_space<vmem>> -> memref<1x128xf32, #tpu.memory_space<vmem>>
    %dma_wait3A_498 = tpu.memref_squeeze %dma_wait3A_497 : memref<1x128xf32, #tpu.memory_space<vmem>> -> memref<128xf32, #tpu.memory_space<vmem>>
    %dma_wait3A_499 = tpu.memref_slice %arg6[%add3A_402] : memref<16384xf32, #tpu.memory_space<hbm>> -> memref<128xf32, #tpu.memory_space<hbm>>
    %dma_wait3A_500 = tpu.memref_slice %arg18[%dma_wait3A_495] : memref<2x!tpu.dma_semaphore, #tpu.memory_space<semaphore_mem>> -> memref<1x!tpu.dma_semaphore, #tpu.memory_space<semaphore_mem>>
    %dma_wait3A_501 = tpu.memref_squeeze %dma_wait3A_500 : memref<1x!tpu.dma_semaphore, #tpu.memory_space<semaphore_mem>> -> memref<!tpu.dma_semaphore, #tpu.memory_space<semaphore_mem>>
    %dma_wait3A_502 = tpu.memref_slice %arg6[%add3A_402] : memref<16384xf32, #tpu.memory_space<hbm>> -> memref<128xf32, #tpu.memory_space<hbm>>
    %dma_wait3A_503 = arith.constant 0 : i32
    %dma_wait3A_504 = tpu.memref_slice %arg11[%dma_wait3A_494, %dma_wait3A_503] : memref<2x128xf32, #tpu.memory_space<vmem>> -> memref<1x128xf32, #tpu.memory_space<vmem>>
    %dma_wait3A_505 = tpu.memref_squeeze %dma_wait3A_504 : memref<1x128xf32, #tpu.memory_space<vmem>> -> memref<128xf32, #tpu.memory_space<vmem>>
    tpu.wait_dma2 semaphore(%dma_wait3A_501 : memref<!tpu.dma_semaphore, #tpu.memory_space<semaphore_mem>>) src(%dma_wait3A_505 : memref<128xf32, #tpu.memory_space<vmem>>) dst(%dma_wait3A_502 : memref<128xf32, #tpu.memory_space<hbm>>)
    %dma_wait3A_506 = arith.constant 1 : i32
    %dma_wait3A_507 = arith.constant 1 : i32
    %dma_wait3A_508 = arith.constant 0 : i32
    %dma_wait3A_509 = tpu.memref_slice %arg11[%dma_wait3A_506, %dma_wait3A_508] : memref<2x128xf32, #tpu.memory_space<vmem>> -> memref<1x128xf32, #tpu.memory_space<vmem>>
    %dma_wait3A_510 = tpu.memref_squeeze %dma_wait3A_509 : memref<1x128xf32, #tpu.memory_space<vmem>> -> memref<128xf32, #tpu.memory_space<vmem>>
    %dma_wait3A_511 = tpu.memref_slice %arg6[%add3A_481] : memref<16384xf32, #tpu.memory_space<hbm>> -> memref<128xf32, #tpu.memory_space<hbm>>
    %dma_wait3A_512 = tpu.memref_slice %arg18[%dma_wait3A_507] : memref<2x!tpu.dma_semaphore, #tpu.memory_space<semaphore_mem>> -> memref<1x!tpu.dma_semaphore, #tpu.memory_space<semaphore_mem>>
    %dma_wait3A_513 = tpu.memref_squeeze %dma_wait3A_512 : memref<1x!tpu.dma_semaphore, #tpu.memory_space<semaphore_mem>> -> memref<!tpu.dma_semaphore, #tpu.memory_space<semaphore_mem>>
    %dma_wait3A_514 = tpu.memref_slice %arg6[%add3A_481] : memref<16384xf32, #tpu.memory_space<hbm>> -> memref<128xf32, #tpu.memory_space<hbm>>
    %dma_wait3A_515 = arith.constant 0 : i32
    %dma_wait3A_516 = tpu.memref_slice %arg11[%dma_wait3A_506, %dma_wait3A_515] : memref<2x128xf32, #tpu.memory_space<vmem>> -> memref<1x128xf32, #tpu.memory_space<vmem>>
    %dma_wait3A_517 = tpu.memref_squeeze %dma_wait3A_516 : memref<1x128xf32, #tpu.memory_space<vmem>> -> memref<128xf32, #tpu.memory_space<vmem>>
    tpu.wait_dma2 semaphore(%dma_wait3A_513 : memref<!tpu.dma_semaphore, #tpu.memory_space<semaphore_mem>>) src(%dma_wait3A_517 : memref<128xf32, #tpu.memory_space<vmem>>) dst(%dma_wait3A_514 : memref<128xf32, #tpu.memory_space<hbm>>)
    return
  }
}

</mosaic_0001>

<sc_bundles>
// kernel: kernel.3.cloned.1.call-start
scs
__scs_entry_jumppad:
0x0: {  	(pc) =	sbr.rel $0x88, $3  }
0x1: {  	(tag) =	ssettag $0x0;
	lr =	simm.s32 $0x1  }
0x2: {  	[smem:$0x3F9C] =	sst lr;
	_ =	strace $0xD0000000  }
0x3: {  	_ = 	snop  }
0x4: {  	_ = 	snop  }
0x5: {  	_ = 	snop  }
0x6: {  	_ = 	snop  }
0x7: {  	_ = 	snop  }
__scs_overlays_trampoline_lowered:
0x8: {  	[smem:$0x3FAB] =	sst s0  }
0x9: {  	[smem:$0x3FAC] =	sst s1  }
0xa: {  	[smem:$0x3FAD] =	sst s2  }
0xb: {  	[smem:$0x3FAE] =	sst s3  }
0xc: {  	[smem:$0x3FAF] =	sst s4  }
0xd: {  	[smem:$0x3FB0] =	sst s5  }
0xe: {  	[smem:$0x3FB1] =	sst s6  }
0xf: {  	[smem:$0x3FB2] =	sst s7  }
0x10: {  	[smem:$0x3FB3] =	sst s8  }
0x11: {  	[smem:$0x3FB4] =	sst s9;
	s0 =	simm.s32 @!p0 $0x0  }
0x12: {  	s1 =	sld [smem:$0x3F9A];
	s0 =	simm.s32 @p0 $0x1  }
0x13: {  	[smem:$0x3FB5] =	sst s0;
	s0 =	simm.s32 @!p1 $0x0  }
0x14: {  	s2 =	sld [smem:$0x3F99];
	s0 =	simm.s32 @p1 $0x1  }
0x15: {  	[smem:$0x3FB6] =	sst s0;
	s0 =	simm.s32 @!p2 $0x0  }
0x16: {  	s3 =	sld [smem:$0x3FDB];
	s0 =	simm.s32 @p2 $0x1  }
0x17: {  	s4 =	simm.s32 $0x1BF5;
	[smem:$0x3FB8] =	sst s0  }
0x18: {  	s0 =	sld [smem:$0x3F9B];
	_ =	swait.ge [sflag:s4], $0x0  }
0x19: {  	s7 =	sld [smem:$0x3F9C]  }
0x1a: {  	s8 =	sadd.s32 $0xFFFFE003, lr  }
0x1b: {  	s9 =	sadd.s32 $0xFFFFFEF7, lr;
	s5 =	simm.s32 $0xFFFFFFFF;
	p2 =	slt.u32 s8, $0xFFFFF086  }
0x1c: {  	p1 =	slt.u32 s9, $0xF7A;
	s5 =	simm.s32 @!p2 $0x0  }
0x1d: {  	s5 =	simm.s32 @p1 $0x1;
	p0 =	seq.s32 s7, s2  }
0x1e: {  	s7 =	smul.u32 @!p0 $0xF7A, s2;
	p2 =	seq.s32 @!p0 s5, $0x0  }
0x1f: {  	s9 =	smul.u32 $0xF7A, s1;
	s8 =	simm.s32 @!p0 $0x1BF5;
	p2 =	por !p2, p0  }
0x20: {  	[sflag:s8] =	ssyncset.s32 @!p0 $0xFFFFF086;
	s6 =	sadd.s32 @!p0 s3, s7;
	s7 =	simm.s32 @!p0 $0x108  }
0x21: {  	s3 =	sadd.s32 s3, s9;
	s6 =	sadd.s32 @!p0 $0x88, s6;
	s7 =	simm.s32 @p2 $0x1082  }
0x22: {  	[simem:s7], [sflag:s8] =	dma.local @!p0 [hbm:s6], $0xF7A  }
0x23: {  	s9 =	sor.u32 $0xD0000000, s2;
	s6 =	simm.s32 $0x108;
	_ =	swait.ge @!p0 [sflag:s8], $0x0  }
0x24: {  	s3 =	sadd.s32 $0x88, s3;
	s6 =	simm.s32 @!p1 $0x1082;
	[sflag:s4] =	ssyncset.s32 $0xFFFFF086  }
0x25: {  	[simem:s6], [sflag:s4] =	dma.local [hbm:s3], $0xF7A  }
0x26: {  	[smem:$0x3F9C] =	sst s1;
	(tag) =	ssettag s2;
	_ =	strace s9  }
0x27: {  	s1 =	sld [smem:$0x3FAC]  }
0x28: {  	s2 =	sld [smem:$0x3FAD]  }
0x29: {  	s4 =	sld [smem:$0x3FAF]  }
0x2a: {  	p0 =	seq.s32 s5, $0x0;
	s5 =	sld [smem:$0x3FB0]  }
0x2b: {  	s6 =	sld [smem:$0x3FB1]  }
0x2c: {  	s7 =	sld [smem:$0x3FB2]  }
0x2d: {  	s3 =	simm.s32 $0x108;
	s8 =	sld [smem:$0x3FB3]  }
0x2e: {  	s3 =	simm.s32 @!p0 $0x1082;
	s9 =	sld [smem:$0x3FB4]  }
0x2f: {  	lr =	sadd.s32 s0, s3;
	s0 =	sld [smem:$0x3FAB]  }
0x30: {  	s3 =	sld [smem:$0x3FAE]  }
0x31: {  	[smem:$0x3FB7] =	sst s10  }
0x32: {  	s10 =	sld [smem:$0x3FB5];
	_ =	sdelay $0x3  }
0x33: {  	p0 =	seq.s32 s10, $0x1;
	s10 =	sld [smem:$0x3FB7];
	_ =	sdelay $0x3  }
0x34: {  	[smem:$0x3FB7] =	sst s10  }
0x35: {  	s10 =	sld [smem:$0x3FB6];
	_ =	sdelay $0x3  }
0x36: {  	p1 =	seq.s32 s10, $0x1;
	s10 =	sld [smem:$0x3FB7];
	_ =	sdelay $0x3  }
0x37: {  	[smem:$0x3FB7] =	sst s10  }
0x38: {  	s10 =	sld [smem:$0x3FB8]  }
0x39: {  	_ = 	snop;
	(pc) =	sbr.ind lr, $3  }
0x3a: {  	_ = 	snop  }
0x3b: {  	_ = 	snop  }
0x3c: {  	p2 =	seq.s32 s10, $0x1;
	s10 =	sld [smem:$0x3FB7]  }
0x3d: {  	_ =	shalt  }
0x3e: {  	_ =	shalt  }
0x3f: {  	_ =	shalt  }
0x40: {  	_ =	shalt  }
0x41: {  	_ =	shalt  }
0x42: {  	_ =	shalt  }
0x43: {  	_ =	shalt  }
0x44: {  	_ =	shalt  }
0x45: {  	_ =	shalt  }
0x46: {  	_ =	shalt  }
0x47: {  	_ =	shalt  }
0x48: {  	_ =	shalt  }
0x49: {  	_ =	shalt  }
0x4a: {  	_ =	shalt  }
0x4b: {  	_ =	shalt  }
0x4c: {  	_ =	shalt  }
0x4d: {  	_ =	shalt  }
0x4e: {  	_ =	shalt  }
0x4f: {  	_ =	shalt  }
0x50: {  	_ =	shalt  }
0x51: {  	_ =	shalt  }
0x52: {  	_ =	shalt  }
0x53: {  	_ =	shalt  }
0x54: {  	_ =	shalt  }
0x55: {  	_ =	shalt  }
0x56: {  	_ =	shalt  }
0x57: {  	_ =	shalt  }
0x58: {  	_ =	shalt  }
0x59: {  	_ =	shalt  }
0x5a: {  	_ =	shalt  }
0x5b: {  	_ =	shalt  }
0x5c: {  	_ =	shalt  }
0x5d: {  	_ =	shalt  }
0x5e: {  	_ =	shalt  }
0x5f: {  	_ =	shalt  }
0x60: {  	_ =	shalt  }
0x61: {  	_ =	shalt  }
0x62: {  	_ =	shalt  }
0x63: {  	_ =	shalt  }
0x64: {  	_ =	shalt  }
0x65: {  	_ =	shalt  }
0x66: {  	_ =	shalt  }
0x67: {  	_ =	shalt  }
0x68: {  	_ =	shalt  }
0x69: {  	_ =	shalt  }
0x6a: {  	_ =	shalt  }
0x6b: {  	_ =	shalt  }
0x6c: {  	_ =	shalt  }
0x6d: {  	_ =	shalt  }
0x6e: {  	_ =	shalt  }
0x6f: {  	_ =	shalt  }
0x70: {  	_ =	shalt  }
0x71: {  	_ =	shalt  }
0x72: {  	_ =	shalt  }
0x73: {  	_ =	shalt  }
0x74: {  	_ =	shalt  }
0x75: {  	_ =	shalt  }
0x76: {  	_ =	shalt  }
0x77: {  	_ =	shalt  }
0x78: {  	_ =	shalt  }
0x79: {  	_ =	shalt  }
0x7a: {  	_ =	shalt  }
0x7b: {  	_ =	shalt  }
0x7c: {  	_ =	shalt  }
0x7d: {  	_ =	shalt  }
0x7e: {  	_ =	shalt  }
0x7f: {  	_ =	shalt  }
0x80: {  	_ =	shalt  }
0x81: {  	_ =	shalt  }
0x82: {  	_ =	shalt  }
0x83: {  	_ =	shalt  }
0x84: {  	_ =	shalt  }
0x85: {  	_ =	shalt  }
0x86: {  	_ =	shalt  }
0x87: {  	_ =	shalt  }
.Lfunc_end0:
.L_simem_size_0:
called_computation_lowered:
.L_overlay_start_0:
0x88: {  	s2 =	sld [smem:$0x3FD9]  }
0x89: {  	s3 =	sld [smem:$0x3FFE];
	_ =	sdelay $0x1  }
0x8a: {  	s1 =	srdreg.scid  }
0x8b: {  	s0 =	sand.u32 $0x1, s1  }
0x8c: {  	s17 =	sshll.u32 s0, $0xA;
	s2 =	sadd.s32 s3, s2  }
0x8d: {  	s2 =	sadd.s32 s2, s17  }
0x8e: {  	[smem:$0x3FC3] =	sst s2  }
0x8f: {  	_ = 	snop  }
0x90: {  	s2 =	sld [smem:$0x3FC9]  }
0x91: {  	s18 =	sld [smem:$0x3FC8]  }
0x92: {  	s4 =	sld [smem:$0x3FC7]  }
0x93: {  	s5 =	sld [smem:$0x3FD0];
	(tm) =	ssettm $0x1  }
0x94: {  	s6 =	sld [smem:$0x3FFB];
	_ =	sdelay $0x3  }
0x95: {  	_ =	strace s6  }
0x96: {  	s6 =	sld [smem:$0x3FFC];
	_ =	sdelay $0x3  }
0x97: {  	_ =	strace s6  }
0x98: {  	s6 =	sld [smem:$0x3FFD];
	_ =	sdelay $0x3  }
0x99: {  	_ =	strace s6  }
0x9a: {  	_ =	strace $0x8FFFFFFF  }
0x9b: {  	s19 =	sld [smem:$0x3FDB];
	_ =	sdelay $0x1  }
0x9c: {  	s7 =	simm.s32 $_scs_section_size  }
0x9d: {  	s8 =	simm.s32 $_size__tile_overlayer_lowered;
	s9 =	simm.s32 $_tile_overlayer_lowered  }
0x9e: {  	s22 =	simm.s32 $0x1BFF;
	s21 =	sshll.u32 s9, $0x1;
	s6 =	sadd.s32 s7, s19  }
0x9f: {  	s10 =	simm.s32 $0x0;
	s20 =	sshll.u32 s8, $0x1;
	s8 =	sadd.s32 s21, s6  }
0xa0: {  	[timem:s10], [sflag:s22] =	dma.local [hbm:s8], s20  }
0xa1: {  	_ =	swait.ge [sflag:s22], s20  }
0xa2: {  	s7 =	ssub.s32 $0x0, s20;
	[sflag:s22] =	ssyncset.done $0x0  }
0xa3: {  	[sflag:s22] =	ssyncadd.s32 s7;
	_ =	sdelay $0x1  }
0xa4: {  	s23 =	simm.s32 $0x1B8B  }
0xa5: {  	_ =	swait.ge [sflag:s23], $0x1  }
0xa6: {  	[sflag:s23] =	ssyncset.done $0x0  }
0xa7: {  	s25 =	simm.s32 $0x1B8E;
	s24 =	sld [smem:$0x3FFE];
	[sflag:s23] =	ssyncadd.s32 $0xFFFFFFFF  }
0xa8: {  	s26 =	simm.s32 $execute0_lowered;
	[smem:$0x3FD2] =	sst s25  }
0xa9: {  	s8 =	sshll.u32 s26, $0x1;
	_ =	strace $0x80000046;
	[dreg:$0x1] =	wrdreg $0xFFFFFFFF  }
0xaa: {  	s28 =	simm.s32 $_size_execute0_lowered;
	s6 =	sadd.s32 s6, s8;
	[dreg:$0x0] =	wrdreg $0x0  }
0xab: {  	s8 =	sshll.u32 s28, $0x1;
	[dreg:$0x2] =	wrdreg s6  }
0xac: {  	[dreg:$0x3] =	wrdreg s8  }
0xad: {  	[dreg:$0x4] =	wrdreg $0xC0  }
0xae: {  	_ =	task [dreg:s10], $0x5FFFF  }
0xaf: {  	[dreg:$0x1] =	wrdreg $0xFFFFFFFF  }
0xb0: {  	[dreg:$0x0] =	wrdreg $0x60  }
0xb1: {  	[dreg:$0x2] =	wrdreg s2  }
0xb2: {  	[dreg:$0x3] =	wrdreg s18  }
0xb3: {  	[dreg:$0x4] =	wrdreg s4  }
0xb4: {  	[dreg:$0x5] =	wrdreg s24  }
0xb5: {  	[dreg:$0x6] =	wrdreg s5  }
0xb6: {  	[dreg:$0x7] =	wrdreg $0x1C3000  }
0xb7: {  	[dreg:$0x8] =	wrdreg $0x9  }
0xb8: {  	_ =	task.clear_ibuf [dreg:s10], $0x9FFFF;
	_ =	strace $0x90000046  }
0xb9: {  	s29 =	simm.s32 $0x9;
	_ =	strace $0x80000048  }
0xba: {  	_ =	swait.ge [sflag:s29], $0x1  }
0xbb: {  	[sflag:s29] =	ssyncadd.s32 $0xFFFFFFFF  }
0xbc: {  	_ =	strace $0x90000048  }
0xbd: {  	_ =	sfence  }
0xbe: {  	s30 =	sld [smem:$0x0];
	_ =	sdelay $0x2  }
0xbf: {  	s31 =	sshll.u32 s1, $0xD;
	s1 =	sshrl.u32 s1, $0x2  }
0xc0: {  	s3 =	sand.u32 $0x4000, s31;
	s1 =	sadd.s32 s1, s30  }
0xc1: {  	s0 =	sor.u32 s3, s0;
	s1 =	sshll.u32 s1, $0x11  }
0xc2: {  	s0 =	sor.u32 s1, s0  }
0xc3: {  	s0 =	sadd.s32 $0x8F2B, s0  }
0xc4: {  	[sflag:s0] =	ssyncadd.remote.s32 $0x1  }
0xc5: {  	_ =	sfence.sel $0xFFFF  }
0xc6: {  	[dreg:$0x0] =	wrdreg $0xFFFFFFFF;
	(pc) =	sbr.abs _section_cstart, $3  }
0xc7: {  	[dreg:$0x1] =	wrdreg $0xFFFFFFFF  }
0xc8: {  	_ =	task.clear_ibuf [dreg:s10], $0x2FFFF;
	_ =	strace $0x9FFFFFFF  }
0xc9: {  	(tm) =	ssettm $0x7FFFFFFF  }
tec
execute0_lowered:
.L_overlay_start_1:
0x0: {  	(tag) =	ssettag $0x1  }
0x1: {  	s5 =	rddreg [dreg:$0x0]  }
0x2: {  	s6 =	rddreg [dreg:$0x1]  }
0x3: {  	s3 =	rddreg [dreg:$0x2]  }
0x4: {  	s7 =	rddreg [dreg:$0x3]  }
0x5: {  	s0 =	rddreg [dreg:$0x4]  }
0x6: {  	s1 =	rddreg [dreg:$0x5]  }
0x7: {  	s2 =	simm.s32 $0x0;
	s8 =	srdreg.scid;
	s4 =	stileid.u32  }
0x8: {  	v0 =	vimm.s32 $0xEFCDAB89;
	vm0 =	vcmask $0xB08;
	s28 =	simm.s32 $0x4;
	s29 =	simm.s32 $0x6;
	s30 =	simm.s32 $0x18200  }
0x9: {  	vm1 =	vcmask $0x300;
	v1 =	vimm.s32 $0x67452301;
	v2 =	vimm.s32 $0xDCFE98BA;
	s31 =	simm.s32 $0x5;
	[smem:$0x7FF] =	sst s2;
	s8 =	sand.u32 $0x1, s8  }
0xa: {  	v3 =	vimm.s32 $0x54761032;
	vm2 =	vcmask $0x700;
	vm3 =	vcmask $0x3B38;
	s10 =	sshll.u32 s4, $0x9;
	s7 =	sadd.s32 $0x400, s7;
	p0 =	sne.s32 s4, $0x0  }
0xb: {  	v4 =	vimm.s32 $0xFEDCBA98;
	v5 =	vimm.s32 $0x76543210;
	s4 =	simm.s32 $0x18280;
	s9 =	ssub.s32 $0x2, s8;
	s8 =	sshll.u32 s8, $0xD  }
0xc: {  	v0 =	vunpack.c.l.s4.s8 v0;
	vm0 =	vmor vm1, vm0;
	vm1 =	vcmask $0x1310;
	_ =	strace $0x80000047;
	s17 =	sshrl.u32 s9, $0x1;
	s8 =	sor.u32 s10, s8  }
0xd: {  	v1 =	vunpack.c.l.s4.s8 v1;
	v2 =	vunpack.c.l.s4.s8 v2;
	v3 =	vunpack.c.l.s4.s8 v3;
	[dreg:$0x7] =	wrdreg s7;
	s7 =	ssub.s32 s9, s17;
	s18 =	sshrl.u32 s8, $0x3  }
0xe: {  	v4 =	vunpack.c.l.s4.s8 v4;
	vm0 =	vmor vm0, vm1;
	vm1 =	vcmask $0x1B18;
	s10 =	sshll.u32 s8, $0x4;
	s20 =	sor.u32 $0x80, s8;
	s14 =	sor.u32 $0x100, s8  }
0xf: {  	v0 =	vunpack.c.0.s8.s32 v0;
	vm0 =	vmor vm0, vm1;
	vm1 =	vcmask $0x2320;
	s8 =	sor.u32 $0x180, s8;
	s6 =	sadd.s32 s6, s18;
	s19 =	sadd.s32 s5, s10  }
0x10: {  	v1 =	vunpack.c.0.s8.s32 v1;
	vm0 =	vmor vm0, vm1;
	vm1 =	vcmask $0x2B28;
	s10 =	sadd.s32 s3, s10;
	s21 =	sshll.u32 s20, $0x4;
	s22 =	sshll.u32 s14, $0x4  }
0x11: {  	v4 =	vunpack.c.0.s8.s32 v4;
	vm0 =	vmor vm0, vm1;
	vm1 =	vcmask $0x3330;
	s9 =	sadd.s32 s0, s18;
	s24 =	sshll.u32 s8, $0x4;
	s25 =	sshrl.u32 s14, $0x3  }
0x12: {  	v0 =	vcombine.low v1, v0;
	v1 =	vunpack.c.0.s8.s32 v2;
	v2 =	vunpack.c.0.s8.s32 v3;
	s26 =	sshrl.u32 s8, $0x3;
	s17 =	smax.u32 s7, $0x1;
	[dreg:$0x8] =	wrdreg s6  }
0x13: {  	v3 =	vimm.s32 $0x32107654;
	s18 =	simm.s32 $0x1;
	s7 =	simm.s32 $0x0;
	[dreg:$0x9] =	wrdreg s19;
	vm0 =	vmor vm0, vm1;
	vm1 =	vcmask $0x1710  }
0x14: {  	[dreg:$0xa] =	wrdreg s10;
	s11 =	sadd.s32 s5, s21;
	s10 =	sadd.s32 s3, s21;
	v3 =	vunpack.c.l.s4.s8 v3;
	v1 =	vcombine.low v2, v1;
	v2 =	vimm.s32 $0xBA98FEDC  }
0x15: {  	[dreg:$0xd] =	wrdreg s9;
	s23 =	sadd.s32 s5, s22;
	s6 =	sshrl.u32 s20, $0x3;
	vm1 =	vmor vm2, vm1;
	vm2 =	vcmask $0x2720;
	v2 =	vunpack.c.l.s4.s8 v2  }
0x16: {  	v5 =	vunpack.c.l.s4.s8 v5;
	v4 =	vand.u32 $0xF, v4;
	s13 =	sadd.s32 s5, s24;
	s14 =	sadd.s32 s3, s24;
	s15 =	sadd.s32 s0, s25;
	vm1 =	vmor vm1, vm2  }
0x17: {  	s16 =	sadd.s32 s0, s26;
	s21 =	simm.s32 $0x80;
	[dreg:$0xb] =	wrdreg s11;
	vm2 =	vcmask $0x3730;
	v3 =	vunpack.c.0.s8.s32 v3;
	v2 =	vunpack.c.0.s8.s32 v2  }
0x18: {  	s24 =	simm.s32 $0xC200;
	s25 =	simm.s32 $0x14200;
	[dreg:$0xc] =	wrdreg s10;
	vm0 =	vmor vm0, vm3;
	vm3 =	vcmask $0xF00;
	vm1 =	vmor vm1, vm2  }
0x19: {  	s26 =	simm.s32 $0x2;
	s5 =	simm.s32 $0x8;
	[dreg:$0xe] =	wrdreg s23;
	vm2 =	vcmask $0x2F20;
	v2 =	vcombine.low v3, v2;
	v3 =	vunpack.c.0.s8.s32 v5  }
0x1a: {  	s11 =	sadd.s32 s3, s22;
	s12 =	sadd.s32 s0, s6;
	s23 =	simm.s32 $0x4200;
	v0 =	vand.u32 $0xF, v0;
	v1 =	vand.u32 $0xF, v1;
	vm2 =	vmor vm3, vm2  }
0x1b: {  	s0 =	simm.s32 $0x3;
	s3 =	simm.s32 $0x7;
	s6 =	simm.s32 $0x9;
	vm3 =	vmmov $0xff;
	v2 =	vand.u32 $0xF, v2;
	v3 =	vcombine.low v4, v3  }
.LBB2_1:
0x1c: {  	s8 =	rddreg [dreg:$0x8]  }
0x1d: {  	[tilespmem:s2], [sflag:$0x1] =	stream.linear.gather [hbm4b:s8+s2], $0x200, $0x38;
	[tilespmem:$0x1E240] =	vst v63  }
0x1e: {  	s9 =	simm.s32 @!p0 $0x1C0A;
	s10 =	rddreg [dreg:$0x7];
	s8 =	sshrl.u32 @!p0 s1, $0x3  }
0x1f: {  	[spmem:s8], [sflag:s9] =	dma.local @!p0 [hbm:s10], $0x3E80  }
0x20: {  	s8 =	simm.s32 @!p0 $0xA  }
0x21: {  	_ =	swait.ge @!p0 [sflag:s8], $0x3E80  }
0x22: {  	[sflag:s8] =	ssyncset.done @!p0 $0x0  }
0x23: {  	[sflag:s8] =	ssyncadd.s32 @!p0 $0xFFFFC180  }
0x24: {  	_ =	swait.ge [sflag:s18], $0x200  }
0x25: {  	[sflag:s18] =	ssyncset.done $0x0  }
0x26: {  	[sflag:s18] =	ssyncadd.s32 $0xFFFFFE00  }
0x27: {  	[bflag:$0x0] =	sbarrier.arrive $0xFFFF  }
0x28: {  	s22 =	simm.s32 $0x200;
	s20 =	rddreg [dreg:$0x9]  }
0x29: {  	[tilespmem:s22], [sflag:$0x2] =	stream.linear.gather [hbm4b:s20+s2], $0x4000, $0x38;
	[tilespmem:$0x1E240] =	vst v63  }
0x2a: {  	s10 =	simm.s32 $0x8200;
	s9 =	rddreg [dreg:$0xa]  }
0x2b: {  	[tilespmem:s10], [sflag:$0x4] =	stream.linear.gather [hbm4b:s9+s2], $0x4000, $0x38;
	[tilespmem:$0x1E240] =	vst v63  }
0x2c: {  	s19 =	simm.s32 $0x10200  }
0x2d: {  	[tilespmem:s19], [sflag:$0x6] =	stream.indirect.gather [spmem:s1], $0x80, s2, s21, $0xb8;
	[tilespmem:$0x1E240] =	vst v63  }
0x2e: {  	s20 =	rddreg [dreg:$0xb]  }
0x2f: {  	[tilespmem:s23], [sflag:$0x3] =	stream.linear.gather [hbm4b:s20+s2], $0x4000, $0x38;
	[tilespmem:$0x1E240] =	vst v63  }
0x30: {  	s22 =	rddreg [dreg:$0xc]  }
0x31: {  	[tilespmem:s24], [sflag:$0x5] =	stream.linear.gather [hbm4b:s22+s2], $0x4000, $0x38;
	[tilespmem:$0x1E240] =	vst v63  }
0x32: {  	_ = 	snop  }
0x33: {  	[tilespmem:s25], [sflag:$0x7] =	stream.indirect.gather [spmem:s1], $0x80, s21, s21, $0xb8;
	[tilespmem:$0x1E240] =	vst v63  }
0x34: {  	_ =	swait.ge [sflag:s26], $0x4000  }
0x35: {  	[sflag:s26] =	ssyncset.done $0x0  }
0x36: {  	[sflag:s26] =	ssyncadd.s32 $0xFFFFC000  }
0x37: {  	_ =	swait.ge [sflag:s28], $0x4000  }
0x38: {  	[sflag:s28] =	ssyncset.done $0x0  }
0x39: {  	[sflag:s28] =	ssyncadd.s32 $0xFFFFC000  }
0x3a: {  	_ =	swait.ge [sflag:s29], $0x4000  }
0x3b: {  	[sflag:s29] =	ssyncset.done $0x0  }
0x3c: {  	s8 =	simm.s32 $0x0;
	[sflag:s29] =	ssyncadd.s32 $0xFFFFC000  }
0x3d: {  	v10 =	vld [tilespmem:s8+$0x230]  }
0x3e: {  	v11 =	vld [tilespmem:s8+$0x270]  }
0x3f: {  	v12 =	vld [tilespmem:s8+$0x8230]  }
0x40: {  	v13 =	vld [tilespmem:s8+$0x8270]  }
0x41: {  	v5 =	vld [tilespmem:s8+$0x220]  }
0x42: {  	v4 =	vld [tilespmem:s8+$0x260]  }
0x43: {  	v6 =	vld [tilespmem:s8+$0x8220]  }
0x44: {  	v8 =	vld [tilespmem:s8+$0x8260]  }
0x45: {  	v14 =	vld [tilespmem:s8+$0x200]  }
0x46: {  	v15 =	vld [tilespmem:s8+$0x240]  }
0x47: {  	v18 =	vld [tilespmem:s8+$0x8200]  }
0x48: {  	v20 =	vld [tilespmem:s8+$0x8240]  }
0x49: {  	v16 =	vld [tilespmem:s8+$0x210]  }
0x4a: {  	v17 =	vld [tilespmem:s8+$0x250]  }
0x4b: {  	v19 =	vld [tilespmem:s8+$0x8210]  }
0x4c: {  	s9 =	simm.s32 $0x200;
	v21 =	vld [tilespmem:s8+$0x8250];
	v7 =	vmul.f32 v12, v10;
	v9 =	vmul.f32 v13, v11  }
.LBB2_2:
0x4d: {  	p1 =	sne.s32 s9, $0xFE00;
	v22 =	vld [tilespmem:s8+$0x10230];
	v13 =	vmul.f32 v13, v10;
	v23 =	vmul.f32 v12, v11  }
0x4e: {  	v12 =	vmul.f32 v6, v5;
	v24 =	vmul.f32 v8, v4;
	v11 =	vld [tilespmem:s8+$0x10200]  }
0x4f: {  	v10 =	vmul.f32 v18, v14;
	v26 =	vmul.f32 v20, v15;
	v25 =	vld [tilespmem:s8+$0x10240]  }
0x50: {  	v14 =	vmul.f32 v20, v14;
	v15 =	vmul.f32 v18, v15;
	v18 =	vld [tilespmem:s8+$0x10210]  }
0x51: {  	v27 =	vmul.f32 v19, v16;
	v20 =	vld [tilespmem:s8+$0x10250];
	v28 =	vmul.f32 v21, v17  }
0x52: {  	v16 =	vmul.f32 v21, v16;
	v17 =	vmul.f32 v19, v17;
	v19 =	vld [tilespmem:s8+$0x10220]  }
0x53: {  	v5 =	vmul.f32 v8, v5;
	v14 =	vsub.f32 v14, v15;
	v21 =	vadd.f32 v26, v10;
	v15 =	vld [tilespmem:s8+$0x10260]  }
0x54: {  	s19 =	sshra.s32 s9, $0x2;
	v4 =	vmul.f32 v6, v4;
	v8 =	vadd.f32 v28, v27;
	v16 =	vsub.f32 v16, v17;
	v6 =	vld [tilespmem:s8+$0x10270]  }
0x55: {  	v17 =	vmul.f32 v21, v11;
	v21 =	vadd.f32 v24, v12;
	v14 =	vmul.f32 v14, v25;
	v10 =	vld [tilespmem:s19+$0x230]  }
0x56: {  	v4 =	vsub.f32 v5, v4;
	v8 =	vmul.f32 v8, v18;
	v11 =	vld [tilespmem:s19+$0x270];
	v16 =	vmul.f32 v16, v20  }
0x57: {  	v7 =	vadd.f32 v9, v7;
	v9 =	vsub.f32 v13, v23;
	v12 =	vld [tilespmem:s19+$0x8230];
	v18 =	vmul.f32 v21, v19  }
0x58: {  	v14 =	vadd.f32 v14, v17;
	v13 =	vld [tilespmem:s19+$0x8270];
	v8 =	vadd.f32 v16, v8;
	v15 =	vmul.f32 v4, v15  }
0x59: {  	v7 =	vmul.f32 v7, v22;
	v5 =	vld [tilespmem:s19+$0x220]  }
0x5a: {  	v9 =	vmul.f32 v9, v6;
	v4 =	vld [tilespmem:s19+$0x260];
	v14 =	vadd.f32 v8, v14;
	v15 =	vadd.f32 v15, v18  }
0x5b: {  	v6 =	vld [tilespmem:s19+$0x8220]  }
0x5c: {  	v7 =	vadd.f32 v9, v7;
	v8 =	vld [tilespmem:s19+$0x8260];
	v16 =	vadd.f32 v15, v14  }
0x5d: {  	v14 =	vld [tilespmem:s19+$0x200]  }
0x5e: {  	v15 =	vld [tilespmem:s19+$0x240];
	v7 =	vadd.f32 v7, v16  }
0x5f: {  	v18 =	vld [tilespmem:s19+$0x8200]  }
.Ltmp0:
0x60: {  	v20 =	vld [tilespmem:s19+$0x8240];
	[tilespmem:s8+$0x18300] =	vst v7;
	s8 =	smov.u32 s19;
	(pc) =	sbr.rel @p1 .LBB2_2-.Ltmp0, $4  }
0x61: {  	v16 =	vld [tilespmem:s8+$0x210]  }
0x62: {  	v17 =	vld [tilespmem:s8+$0x250]  }
0x63: {  	v19 =	vld [tilespmem:s8+$0x8210]  }
0x64: {  	s9 =	sadd.s32 $0x200, s9;
	v9 =	vmul.f32 v13, v11;
	v7 =	vmul.f32 v12, v10;
	v21 =	vld [tilespmem:s8+$0x8250]  }
0x65: {  	v10 =	vmul.f32 v13, v10;
	v11 =	vmul.f32 v12, v11  }
0x66: {  	v12 =	vld [tilespmem:s8+$0x10200];
	v13 =	vmul.f32 v6, v5;
	v22 =	vmul.f32 v8, v4  }
0x67: {  	v23 =	vld [tilespmem:s8+$0x10240];
	v24 =	vmul.f32 v18, v14;
	v25 =	vmul.f32 v20, v15  }
0x68: {  	v14 =	vmul.f32 v20, v14;
	v15 =	vmul.f32 v18, v15;
	v18 =	vld [tilespmem:s8+$0x10210]  }
0x69: {  	v20 =	vld [tilespmem:s8+$0x10250];
	v26 =	vmul.f32 v19, v16;
	v27 =	vmul.f32 v21, v17  }
0x6a: {  	v14 =	vsub.f32 v14, v15;
	v15 =	vld [tilespmem:s8+$0x10260];
	v16 =	vmul.f32 v21, v16;
	v17 =	vmul.f32 v19, v17  }
0x6b: {  	v5 =	vmul.f32 v8, v5;
	v4 =	vmul.f32 v6, v4;
	v19 =	vld [tilespmem:s8+$0x10220];
	v21 =	vadd.f32 v25, v24  }
0x6c: {  	v8 =	vld [tilespmem:s8+$0x10230];
	v53 =	vadd.f32 v27, v26;
	v16 =	vsub.f32 v16, v17  }
0x6d: {  	v6 =	vld [tilespmem:s8+$0x10270];
	v4 =	vsub.f32 v5, v4;
	v14 =	vmul.f32 v14, v23;
	v12 =	vmul.f32 v21, v12  }
0x6e: {  	v13 =	vadd.f32 v22, v13;
	v17 =	vmul.f32 v53, v18;
	v16 =	vmul.f32 v16, v20  }
0x6f: {  	v7 =	vadd.f32 v9, v7;
	v9 =	vsub.f32 v10, v11;
	v4 =	vmul.f32 v4, v15  }
0x70: {  	v10 =	vadd.f32 v14, v12;
	v5 =	vmul.f32 v13, v19;
	v11 =	vadd.f32 v16, v17  }
0x71: {  	v7 =	vmul.f32 v7, v8  }
0x72: {  	v4 =	vadd.f32 v4, v5;
	v5 =	vmul.f32 v9, v6;
	v8 =	vadd.f32 v11, v10;
	_ =	sdelay $0x1  }
0x73: {  	v5 =	vadd.f32 v5, v7;
	v4 =	vadd.f32 v4, v8;
	_ =	sdelay $0x1  }
0x74: {  	v4 =	vadd.f32 v5, v4;
	_ =	sdelay $0x1  }
0x75: {  	s22 =	simm.s32 $0x18700;
	[tilespmem:s8+$0x18300] =	vst v4  }
0x76: {  	v4 =	vld [tilespmem:s22+$0xFFFFFF00]  }
0x77: {  	v5 =	vld [tilespmem:s22+$0x200]  }
0x78: {  	v6 =	vld [tilespmem:s22+$0x380]  }
0x79: {  	v7 =	vld [tilespmem:s22+$0x300]  }
0x7a: {  	v8 =	vld [tilespmem:s22+$0x280]  }
0x7b: {  	s20 =	simm.s32 $0x18F00;
	v19 =	vld [tilespmem:s22+$0xFFFFFD80]  }
0x7c: {  	v55 =	vld [tilespmem:s20+$0x180]  }
0x7d: {  	v9 =	vld [tilespmem:s22+$0x180]  }
0x7e: {  	v11 =	vld [tilespmem:s22+$0xFFFFFC80]  }
0x7f: {  	v10 =	vld [tilespmem:s22+$0x100];
	v13 =	vperm.xlane v4, v0;
	v15 =	vperm.xlane v7, v0  }
0x80: {  	v14 =	vld [tilespmem:s22+$0xFFFFFE80];
	v16 =	vperm.xlane v6, v0;
	v18 =	vperm.xlane v5, v0  }
0x81: {  	v12 =	vld [tilespmem:s22+$0xFFFFFF80];
	v21 =	vperm.xlane v19, v0;
	v57 =	vperm.xlane v55, v0  }
0x82: {  	v17 =	vld [tilespmem:s22+$0xFFFFFC00];
	v4 =	vadd.f32 v13, v4;
	v13 =	vperm.xlane v8, v0;
	v7 =	vadd.f32 v15, v7  }
0x83: {  	v6 =	vadd.f32 v16, v6;
	v5 =	vadd.f32 v18, v5;
	v18 =	vperm.xlane v11, v0  }
0x84: {  	v20 =	vld [tilespmem:s22+$0xFFFFFD00];
	v15 =	vperm.xlane v10, v0;
	v16 =	vperm.xlane v9, v0;
	v8 =	vadd.f32 v13, v8  }
0x85: {  	v6 =	vsel vm0, v7, v6;
	v7 =	vld [tilespmem:s22+$0xFFFFFE00];
	v11 =	vadd.f32 v18, v11;
	v18 =	vperm.xlane v14, v0  }
0x86: {  	v10 =	vadd.f32 v15, v10;
	v13 =	vld [tilespmem:s22+$0x0];
	v15 =	vperm.xlane v12, v0;
	v9 =	vadd.f32 v16, v9  }
0x87: {  	v5 =	vsel vm0, v5, v8;
	v8 =	vperm.xlane v17, v0;
	v14 =	vadd.f32 v18, v14  }
0x88: {  	v18 =	vperm.xlane v6, v1;
	v12 =	vadd.f32 v15, v12;
	v9 =	vsel vm0, v10, v9  }
0x89: {  	v28 =	vld [tilespmem:s20+$0xFFFFFD80];
	v22 =	vperm.xlane v5, v1;
	v8 =	vadd.f32 v8, v17;
	v17 =	vadd.f32 v21, v19  }
0x8a: {  	v19 =	vperm.xlane v20, v0;
	v21 =	vld [tilespmem:s22+$0x80];
	v6 =	vadd.f32 v18, v6;
	v12 =	vsel vm0, v4, v12  }
0x8b: {  	v15 =	vld [tilespmem:s20+$0xFFFFFF00];
	v23 =	vperm.xlane v7, v0;
	v16 =	vperm.xlane v13, v0;
	v5 =	vadd.f32 v22, v5  }
0x8c: {  	v22 =	vld [tilespmem:s20+$0x280];
	v18 =	vadd.f32 v19, v20;
	v19 =	vperm.xlane v9, v1;
	v8 =	vsel vm0, v8, v11  }
0x8d: {  	v10 =	vadd.f32 v23, v7;
	v7 =	vld [tilespmem:s20+$0x200];
	v5 =	vsel vm1, v5, v6;
	v13 =	vadd.f32 v16, v13  }
0x8e: {  	v11 =	vld [tilespmem:s20+$0x380];
	v17 =	vsel vm0, v18, v17;
	v18 =	vperm.xlane v8, v1;
	v4 =	vperm.xlane v5, v2  }
0x8f: {  	v6 =	vld [tilespmem:s20+$0x300];
	v19 =	vadd.f32 v19, v9;
	v20 =	vperm.xlane v17, v1;
	v23 =	vperm.xlane v21, v0  }
0x90: {  	v54 =	vperm.xlane v15, v0;
	v8 =	vadd.f32 v18, v8;
	v4 =	vadd.f32 v4, v5;
	v18 =	vld [tilespmem:s20+$0x100]  }
0x91: {  	v31 =	vperm.xlane v28, v0;
	v5 =	vld [tilespmem:s20+$0x0];
	v17 =	vadd.f32 v20, v17;
	v21 =	vadd.f32 v23, v21  }
0x92: {  	v10 =	vsel vm0, v10, v14;
	v23 =	vadd.f32 v54, v15;
	v15 =	vld [tilespmem:s20+$0xFFFFFC80];
	v20 =	vperm.xlane v7, v0  }
0x93: {  	v56 =	vperm.xlane v11, v0;
	v8 =	vsel vm1, v8, v17;
	v13 =	vsel vm0, v13, v21  }
0x94: {  	v16 =	vadd.f32 v20, v7;
	v7 =	vperm.xlane v6, v0;
	v17 =	vperm.xlane v8, v2  }
0x95: {  	v21 =	vld [tilespmem:s20+$0xFFFFFF80];
	v11 =	vadd.f32 v56, v11;
	v20 =	vperm.xlane v22, v0;
	v14 =	vperm.xlane v13, v1  }
0x96: {  	v58 =	vadd.f32 v7, v6;
	v6 =	vadd.f32 v17, v8;
	v8 =	vld [tilespmem:s20+$0xFFFFFE80];
	v17 =	vperm.xlane v18, v0  }
0x97: {  	v20 =	vadd.f32 v20, v22;
	v22 =	vld [tilespmem:s20+$0xFFFFFC00];
	v7 =	vperm.xlane v5, v0;
	v59 =	vperm.xlane v15, v0  }
0x98: {  	v60 =	vld [tilespmem:s20+$0xFFFFFE00];
	v13 =	vadd.f32 v14, v13;
	v29 =	vadd.f32 v17, v18;
	v17 =	vperm.xlane v10, v1  }
0x99: {  	v18 =	vperm.xlane v12, v1;
	v14 =	vadd.f32 v59, v15;
	v20 =	vsel vm0, v16, v20  }
0x9a: {  	v61 =	vperm.xlane v21, v0;
	v19 =	vsel vm1, v13, v19;
	v30 =	vperm.xlane v20, v1  }
0x9b: {  	v15 =	vld [tilespmem:s20+$0xFFFFFD00];
	v63 =	vperm.xlane v19, v2;
	v10 =	vadd.f32 v17, v10;
	v12 =	vadd.f32 v18, v12  }
0x9c: {  	v11 =	vsel vm0, v58, v11;
	v16 =	vperm.xlane v8, v0;
	v17 =	vperm.xlane v22, v0  }
0x9d: {  	v19 =	vadd.f32 v63, v19;
	v32 =	vsel vm1, v10, v12;
	v10 =	vperm.xlane v60, v0  }
0x9e: {  	v12 =	vadd.f32 v57, v55;
	v9 =	vadd.f32 v16, v8;
	v8 =	vperm.xlane v11, v1  }
0x9f: {  	v18 =	vadd.f32 v17, v22;
	v16 =	vadd.f32 v31, v28;
	v62 =	vperm.xlane v32, v2  }
0xa0: {  	v22 =	vperm.xlane v15, v0;
	v17 =	vadd.f32 v8, v11;
	v11 =	vadd.f32 v61, v21  }
0xa1: {  	s19 =	simm.s32 $0x40;
	v13 =	vadd.f32 v10, v60;
	v8 =	vsel vm0, v29, v12;
	v21 =	vadd.f32 v30, v20  }
0xa2: {  	s9 =	simm.s32 $0x80;
	s8 =	simm.s32 $0x0;
	v12 =	vld [tilespmem:s20+$0x80];
	s20 =	simm.s32 $0x19700;
	v20 =	vadd.f32 v62, v32;
	v10 =	vperm.xlane v8, v1;
	v11 =	vsel vm0, v23, v11  }
.LBB2_4:
0xa3: {  	v23 =	vld [tilespmem:s20+$0xFFFFFF00];
	p1 =	sne.s32 s9, $0x1C0;
	v14 =	vsel vm0, v18, v14;
	v15 =	vadd.f32 v22, v15;
	v17 =	vsel vm1, v21, v17;
	s10 =	smov.u32 s9;
	s9 =	sadd.s32 $0x40, s9  }
0xa4: {  	v18 =	vld [tilespmem:s20+$0x200];
	v21 =	vperm.xlane v17, v2;
	v6 =	vsel vm2, v6, v20;
	v19 =	vsel vm2, v19, v4  }
0xa5: {  	v20 =	vld [tilespmem:s20+$0x380];
	v15 =	vsel vm0, v15, v16;
	v16 =	vperm.xlane v6, v3;
	v22 =	vperm.xlane v19, v3  }
0xa6: {  	v25 =	vperm.xlane v14, v1;
	v24 =	vld [tilespmem:s20+$0x300];
	v26 =	vperm.xlane v15, v1;
	v4 =	vadd.f32 v21, v17  }
0xa7: {  	v21 =	vperm.xlane v12, v0;
	v17 =	vld [tilespmem:s20+$0x280];
	v6 =	vadd.f32 v16, v6;
	v16 =	vadd.f32 v22, v19  }
0xa8: {  	v14 =	vadd.f32 v25, v14;
	v19 =	vperm.xlane v23, v0;
	v22 =	vld [tilespmem:s20+$0x180];
	v15 =	vadd.f32 v26, v15  }
0xa9: {  	s22 =	sshra.s32 s8, $0x2;
	s8 =	smov.u32 s19;
	s19 =	smov.u32 s10;
	v21 =	vadd.f32 v21, v12;
	v25 =	vld [tilespmem:s20+$0x100];
	v26 =	vperm.xlane v18, v0;
	v6 =	vsel vm3, v6, v16  }
0xaa: {  	v7 =	vadd.f32 v7, v5;
	v19 =	vadd.f32 v19, v23;
	v14 =	vsel vm1, v14, v15;
	v5 =	vld [tilespmem:s20+$0x0];
	[tilespmem:s22+$0x18200] =	vst v6  }
0xab: {  	v15 =	vld [tilespmem:s20+$0xFFFFFC80];
	v16 =	vadd.f32 v26, v18;
	v6 =	vperm.xlane v24, v0;
	v18 =	vperm.xlane v14, v2  }
0xac: {  	v21 =	vsel vm0, v7, v21;
	v26 =	vperm.xlane v20, v0;
	v12 =	vld [tilespmem:s20+$0x80];
	v23 =	vperm.xlane v17, v0  }
0xad: {  	v27 =	vld [tilespmem:s20+$0xFFFFFF80];
	v28 =	vperm.xlane v22, v0;
	v24 =	vadd.f32 v6, v24;
	v6 =	vadd.f32 v18, v14  }
0xae: {  	v20 =	vadd.f32 v26, v20;
	v18 =	vld [tilespmem:s20+$0xFFFFFE80];
	v14 =	vperm.xlane v25, v0;
	v17 =	vadd.f32 v23, v17  }
0xaf: {  	v9 =	vsel vm0, v13, v9;
	v13 =	vperm.xlane v21, v1;
	v23 =	vld [tilespmem:s20+$0xFFFFFC00];
	v7 =	vperm.xlane v5, v0  }
0xb0: {  	v20 =	vsel vm0, v24, v20;
	v26 =	vperm.xlane v15, v0;
	v29 =	vld [tilespmem:s20+$0xFFFFFD80];
	v25 =	vadd.f32 v14, v25  }
0xb1: {  	v30 =	vperm.xlane v11, v1;
	v13 =	vadd.f32 v13, v21;
	v24 =	vperm.xlane v9, v1  }
0xb2: {  	v31 =	vsel vm0, v16, v17;
	v14 =	vadd.f32 v26, v15;
	v21 =	vld [tilespmem:s20+$0xFFFFFE00];
	v26 =	vperm.xlane v27, v0  }
0xb3: {  	v32 =	vperm.xlane v31, v1;
	v17 =	vadd.f32 v24, v9;
	v16 =	vperm.xlane v18, v0  }
0xb4: {  	v8 =	vadd.f32 v10, v8;
	v11 =	vadd.f32 v30, v11;
	v24 =	vperm.xlane v23, v0;
	v15 =	vld [tilespmem:s20+$0xFFFFFD00]  }
0xb5: {  	v30 =	vperm.xlane v20, v1;
	v10 =	vperm.xlane v29, v0;
	v9 =	vadd.f32 v16, v18  }
0xb6: {  	v18 =	vadd.f32 v24, v23;
	v23 =	vsel vm1, v17, v11;
	v24 =	vsel vm1, v13, v8  }
.Ltmp1:
0xb7: {  	v8 =	vadd.f32 v28, v22;
	v16 =	vadd.f32 v10, v29;
	v10 =	vperm.xlane v21, v0;
	(pc) =	sbr.rel @p1 .LBB2_4-.Ltmp1, $4  }
0xb8: {  	v17 =	vadd.f32 v30, v20;
	v20 =	vperm.xlane v23, v2;
	v28 =	vperm.xlane v24, v2  }
0xb9: {  	v11 =	vadd.f32 v26, v27;
	v8 =	vsel vm0, v25, v8;
	v22 =	vperm.xlane v15, v0  }
0xba: {  	v13 =	vadd.f32 v10, v21;
	v10 =	vperm.xlane v8, v1;
	v21 =	vadd.f32 v32, v31  }
0xbb: {  	s20 =	sadd.s32 $0x800, s20;
	v11 =	vsel vm0, v19, v11;
	v20 =	vadd.f32 v20, v23;
	v19 =	vadd.f32 v28, v24  }
0xbc: {  	v23 =	vperm.xlane v12, v0  }
0xbd: {  	v15 =	vadd.f32 v22, v15;
	v14 =	vsel vm0, v18, v14  }
0xbe: {  	v5 =	vadd.f32 v7, v5;
	v9 =	vsel vm0, v13, v9;
	v12 =	vadd.f32 v23, v12  }
0xbf: {  	v8 =	vadd.f32 v10, v8;
	v7 =	vsel vm0, v15, v16;
	v15 =	vperm.xlane v14, v1  }
0xc0: {  	v13 =	vperm.xlane v9, v1;
	v16 =	vperm.xlane v7, v1;
	v5 =	vsel vm0, v5, v12  }
0xc1: {  	v14 =	vadd.f32 v15, v14;
	v15 =	vperm.xlane v11, v1;
	v12 =	vperm.xlane v5, v1  }
0xc2: {  	v9 =	vadd.f32 v13, v9;
	v7 =	vadd.f32 v16, v7  }
0xc3: {  	v11 =	vadd.f32 v15, v11;
	v5 =	vadd.f32 v12, v5;
	v12 =	vsel vm1, v21, v17  }
0xc4: {  	v7 =	vsel vm1, v14, v7;
	v10 =	vperm.xlane v12, v2  }
0xc5: {  	v13 =	vperm.xlane v7, v2;
	v9 =	vsel vm1, v9, v11;
	v5 =	vsel vm1, v5, v8  }
0xc6: {  	v8 =	vperm.xlane v9, v2;
	v11 =	vperm.xlane v5, v2  }
0xc7: {  	v10 =	vadd.f32 v10, v12;
	v7 =	vadd.f32 v13, v7  }
0xc8: {  	v6 =	vsel vm2, v6, v20;
	v8 =	vadd.f32 v8, v9;
	v5 =	vadd.f32 v11, v5  }
0xc9: {  	v4 =	vsel vm2, v19, v4;
	v9 =	vperm.xlane v6, v3  }
0xca: {  	v11 =	vperm.xlane v4, v3;
	v7 =	vsel vm2, v7, v8;
	v5 =	vsel vm2, v5, v10  }
0xcb: {  	v8 =	vperm.xlane v7, v3;
	v10 =	vperm.xlane v5, v3  }
0xcc: {  	v6 =	vadd.f32 v9, v6;
	v4 =	vadd.f32 v11, v4  }
0xcd: {  	v7 =	vadd.f32 v8, v7;
	v5 =	vadd.f32 v10, v5  }
0xce: {  	s8 =	sshra.s32 s8, $0x2;
	v4 =	vsel vm3, v6, v4  }
0xcf: {  	s20 =	sshra.s32 s19, $0x2;
	[tilespmem:s8+$0x18200] =	vst v4;
	v4 =	vsel vm3, v7, v5  }
0xd0: {  	[tilespmem:s20+$0x18200] =	vst v4  }
0xd1: {  	s8 =	simm.s32 $0x0;
	s9 =	rddreg [dreg:$0xd]  }
0xd2: {  	[hbm4b:s9+s8] =	stream.linear.scatter [tilespmem:s30], [sflag:$0x8], $0x80, $0x38;
	[tilespmem:$0x1E240] =	vst v63  }
0xd3: {  	s10 =	simm.s32 $0x200;
	s22 =	rddreg [dreg:$0xe]  }
0xd4: {  	[tilespmem:s10], [sflag:$0x2] =	stream.linear.gather [hbm4b:s22+s8], $0x4000, $0x38;
	[tilespmem:$0x1E240] =	vst v63  }
0xd5: {  	s19 =	simm.s32 $0x8200  }
0xd6: {  	[tilespmem:s19], [sflag:$0x4] =	stream.linear.gather [hbm4b:s11+s8], $0x4000, $0x38;
	[tilespmem:$0x1E240] =	vst v63  }
0xd7: {  	s20 =	simm.s32 $0x10200;
	s22 =	simm.s32 $0x100  }
0xd8: {  	[tilespmem:s20], [sflag:$0x6] =	stream.indirect.gather [spmem:s1], $0x80, s22, s21, $0xb8;
	[tilespmem:$0x1E240] =	vst v63  }
0xd9: {  	_ =	swait.ge [sflag:s0], $0x4000  }
0xda: {  	[sflag:s0] =	ssyncset.done $0x0  }
0xdb: {  	[sflag:s0] =	ssyncadd.s32 $0xFFFFC000  }
0xdc: {  	_ =	swait.ge [sflag:s31], $0x4000  }
0xdd: {  	[sflag:s31] =	ssyncset.done $0x0  }
0xde: {  	[sflag:s31] =	ssyncadd.s32 $0xFFFFC000  }
0xdf: {  	_ =	swait.ge [sflag:s3], $0x4000  }
0xe0: {  	[sflag:s3] =	ssyncset.done $0x0  }
0xe1: {  	s19 =	simm.s32 $0x0;
	[sflag:s3] =	ssyncadd.s32 $0xFFFFC000  }
0xe2: {  	v10 =	vld [tilespmem:s19+$0x4230]  }
0xe3: {  	v11 =	vld [tilespmem:s19+$0x4270]  }
0xe4: {  	v12 =	vld [tilespmem:s19+$0xC230]  }
0xe5: {  	v13 =	vld [tilespmem:s19+$0xC270]  }
0xe6: {  	v5 =	vld [tilespmem:s19+$0x4220]  }
0xe7: {  	v4 =	vld [tilespmem:s19+$0x4260]  }
0xe8: {  	v6 =	vld [tilespmem:s19+$0xC220]  }
0xe9: {  	v8 =	vld [tilespmem:s19+$0xC260]  }
0xea: {  	v14 =	vld [tilespmem:s19+$0x4200]  }
0xeb: {  	v15 =	vld [tilespmem:s19+$0x4240]  }
0xec: {  	v18 =	vld [tilespmem:s19+$0xC200]  }
0xed: {  	v20 =	vld [tilespmem:s19+$0xC240]  }
0xee: {  	v16 =	vld [tilespmem:s19+$0x4210]  }
0xef: {  	v17 =	vld [tilespmem:s19+$0x4250]  }
0xf0: {  	v19 =	vld [tilespmem:s19+$0xC210]  }
0xf1: {  	s9 =	simm.s32 $0x200;
	v21 =	vld [tilespmem:s19+$0xC250];
	v7 =	vmul.f32 v12, v10;
	v9 =	vmul.f32 v13, v11  }
.LBB2_6:
0xf2: {  	p1 =	sne.s32 s9, $0xFE00;
	v22 =	vld [tilespmem:s19+$0x14230];
	v13 =	vmul.f32 v13, v10;
	v23 =	vmul.f32 v12, v11  }
0xf3: {  	v12 =	vmul.f32 v6, v5;
	v24 =	vmul.f32 v8, v4;
	v11 =	vld [tilespmem:s19+$0x14200]  }
0xf4: {  	v10 =	vmul.f32 v18, v14;
	v26 =	vmul.f32 v20, v15;
	v25 =	vld [tilespmem:s19+$0x14240]  }
0xf5: {  	v14 =	vmul.f32 v20, v14;
	v15 =	vmul.f32 v18, v15;
	v18 =	vld [tilespmem:s19+$0x14210]  }
0xf6: {  	v27 =	vmul.f32 v19, v16;
	v20 =	vld [tilespmem:s19+$0x14250];
	v28 =	vmul.f32 v21, v17  }
0xf7: {  	v16 =	vmul.f32 v21, v16;
	v17 =	vmul.f32 v19, v17;
	v19 =	vld [tilespmem:s19+$0x14220]  }
0xf8: {  	v5 =	vmul.f32 v8, v5;
	v14 =	vsub.f32 v14, v15;
	v21 =	vadd.f32 v26, v10;
	v15 =	vld [tilespmem:s19+$0x14260]  }
0xf9: {  	s10 =	sshra.s32 s9, $0x2;
	v4 =	vmul.f32 v6, v4;
	v8 =	vadd.f32 v28, v27;
	v16 =	vsub.f32 v16, v17;
	v6 =	vld [tilespmem:s19+$0x14270]  }
0xfa: {  	v17 =	vmul.f32 v21, v11;
	v21 =	vadd.f32 v24, v12;
	v14 =	vmul.f32 v14, v25;
	v10 =	vld [tilespmem:s10+$0x4230]  }
0xfb: {  	v4 =	vsub.f32 v5, v4;
	v8 =	vmul.f32 v8, v18;
	v11 =	vld [tilespmem:s10+$0x4270];
	v16 =	vmul.f32 v16, v20  }
0xfc: {  	v7 =	vadd.f32 v9, v7;
	v9 =	vsub.f32 v13, v23;
	v12 =	vld [tilespmem:s10+$0xC230];
	v18 =	vmul.f32 v21, v19  }
0xfd: {  	v14 =	vadd.f32 v14, v17;
	v13 =	vld [tilespmem:s10+$0xC270];
	v8 =	vadd.f32 v16, v8;
	v15 =	vmul.f32 v4, v15  }
0xfe: {  	v7 =	vmul.f32 v7, v22;
	v5 =	vld [tilespmem:s10+$0x4220]  }
0xff: {  	v9 =	vmul.f32 v9, v6;
	v4 =	vld [tilespmem:s10+$0x4260];
	v14 =	vadd.f32 v8, v14;
	v15 =	vadd.f32 v15, v18  }
0x100: {  	v6 =	vld [tilespmem:s10+$0xC220]  }
0x101: {  	v7 =	vadd.f32 v9, v7;
	v8 =	vld [tilespmem:s10+$0xC260];
	v16 =	vadd.f32 v15, v14  }
0x102: {  	v14 =	vld [tilespmem:s10+$0x4200]  }
0x103: {  	v15 =	vld [tilespmem:s10+$0x4240];
	v7 =	vadd.f32 v7, v16  }
0x104: {  	v18 =	vld [tilespmem:s10+$0xC200]  }
.Ltmp2:
0x105: {  	v20 =	vld [tilespmem:s10+$0xC240];
	[tilespmem:s19+$0x18300] =	vst v7;
	s19 =	smov.u32 s10;
	(pc) =	sbr.rel @p1 .LBB2_6-.Ltmp2, $4  }
0x106: {  	v16 =	vld [tilespmem:s19+$0x4210]  }
0x107: {  	v17 =	vld [tilespmem:s19+$0x4250]  }
0x108: {  	v19 =	vld [tilespmem:s19+$0xC210]  }
0x109: {  	s9 =	sadd.s32 $0x200, s9;
	v9 =	vmul.f32 v13, v11;
	v7 =	vmul.f32 v12, v10;
	v21 =	vld [tilespmem:s19+$0xC250]  }
0x10a: {  	v10 =	vmul.f32 v13, v10;
	v11 =	vmul.f32 v12, v11  }
0x10b: {  	v12 =	vld [tilespmem:s19+$0x14200];
	v13 =	vmul.f32 v6, v5;
	v22 =	vmul.f32 v8, v4  }
0x10c: {  	v23 =	vld [tilespmem:s19+$0x14240];
	v24 =	vmul.f32 v18, v14;
	v25 =	vmul.f32 v20, v15  }
0x10d: {  	v14 =	vmul.f32 v20, v14;
	v15 =	vmul.f32 v18, v15;
	v18 =	vld [tilespmem:s19+$0x14210]  }
0x10e: {  	v20 =	vld [tilespmem:s19+$0x14250];
	v26 =	vmul.f32 v19, v16;
	v27 =	vmul.f32 v21, v17  }
0x10f: {  	v14 =	vsub.f32 v14, v15;
	v15 =	vld [tilespmem:s19+$0x14260];
	v16 =	vmul.f32 v21, v16;
	v17 =	vmul.f32 v19, v17  }
0x110: {  	v5 =	vmul.f32 v8, v5;
	v4 =	vmul.f32 v6, v4;
	v19 =	vld [tilespmem:s19+$0x14220];
	v21 =	vadd.f32 v25, v24  }
0x111: {  	v8 =	vld [tilespmem:s19+$0x14230];
	v53 =	vadd.f32 v27, v26;
	v16 =	vsub.f32 v16, v17  }
0x112: {  	v6 =	vld [tilespmem:s19+$0x14270];
	v4 =	vsub.f32 v5, v4;
	v14 =	vmul.f32 v14, v23;
	v12 =	vmul.f32 v21, v12  }
0x113: {  	v13 =	vadd.f32 v22, v13;
	v17 =	vmul.f32 v53, v18;
	v16 =	vmul.f32 v16, v20  }
0x114: {  	v7 =	vadd.f32 v9, v7;
	v9 =	vsub.f32 v10, v11;
	v4 =	vmul.f32 v4, v15  }
0x115: {  	v10 =	vadd.f32 v14, v12;
	v5 =	vmul.f32 v13, v19;
	v11 =	vadd.f32 v16, v17  }
0x116: {  	v7 =	vmul.f32 v7, v8  }
0x117: {  	v4 =	vadd.f32 v4, v5;
	v5 =	vmul.f32 v9, v6;
	v8 =	vadd.f32 v11, v10;
	_ =	sdelay $0x1  }
0x118: {  	v5 =	vadd.f32 v5, v7;
	v4 =	vadd.f32 v4, v8;
	_ =	sdelay $0x1  }
0x119: {  	v4 =	vadd.f32 v5, v4;
	_ =	sdelay $0x1  }
0x11a: {  	s9 =	simm.s32 $0x18700;
	[tilespmem:s19+$0x18300] =	vst v4  }
0x11b: {  	v4 =	vld [tilespmem:s9+$0xFFFFFF00]  }
0x11c: {  	v5 =	vld [tilespmem:s9+$0x200]  }
0x11d: {  	v6 =	vld [tilespmem:s9+$0x380]  }
0x11e: {  	v7 =	vld [tilespmem:s9+$0x300]  }
0x11f: {  	v8 =	vld [tilespmem:s9+$0x280]  }
0x120: {  	s20 =	simm.s32 $0x18F00;
	v19 =	vld [tilespmem:s9+$0xFFFFFD80]  }
0x121: {  	v55 =	vld [tilespmem:s20+$0x180]  }
0x122: {  	v9 =	vld [tilespmem:s9+$0x180]  }
0x123: {  	v11 =	vld [tilespmem:s9+$0xFFFFFC80]  }
0x124: {  	v10 =	vld [tilespmem:s9+$0x100];
	v13 =	vperm.xlane v4, v0;
	v15 =	vperm.xlane v7, v0  }
0x125: {  	v14 =	vld [tilespmem:s9+$0xFFFFFE80];
	v16 =	vperm.xlane v6, v0;
	v18 =	vperm.xlane v5, v0  }
0x126: {  	v12 =	vld [tilespmem:s9+$0xFFFFFF80];
	v21 =	vperm.xlane v19, v0;
	v57 =	vperm.xlane v55, v0  }
0x127: {  	v17 =	vld [tilespmem:s9+$0xFFFFFC00];
	v4 =	vadd.f32 v13, v4;
	v13 =	vperm.xlane v8, v0;
	v7 =	vadd.f32 v15, v7  }
0x128: {  	v6 =	vadd.f32 v16, v6;
	v5 =	vadd.f32 v18, v5;
	v18 =	vperm.xlane v11, v0  }
0x129: {  	v20 =	vld [tilespmem:s9+$0xFFFFFD00];
	v15 =	vperm.xlane v10, v0;
	v16 =	vperm.xlane v9, v0;
	v8 =	vadd.f32 v13, v8  }
0x12a: {  	v6 =	vsel vm0, v7, v6;
	v7 =	vld [tilespmem:s9+$0xFFFFFE00];
	v11 =	vadd.f32 v18, v11;
	v18 =	vperm.xlane v14, v0  }
0x12b: {  	v10 =	vadd.f32 v15, v10;
	v13 =	vld [tilespmem:s9+$0x0];
	v15 =	vperm.xlane v12, v0;
	v9 =	vadd.f32 v16, v9  }
0x12c: {  	v5 =	vsel vm0, v5, v8;
	v8 =	vperm.xlane v17, v0;
	v14 =	vadd.f32 v18, v14  }
0x12d: {  	v18 =	vperm.xlane v6, v1;
	v12 =	vadd.f32 v15, v12;
	v9 =	vsel vm0, v10, v9  }
0x12e: {  	v28 =	vld [tilespmem:s20+$0xFFFFFD80];
	v22 =	vperm.xlane v5, v1;
	v8 =	vadd.f32 v8, v17;
	v17 =	vadd.f32 v21, v19  }
0x12f: {  	v19 =	vperm.xlane v20, v0;
	v21 =	vld [tilespmem:s9+$0x80];
	v6 =	vadd.f32 v18, v6;
	v12 =	vsel vm0, v4, v12  }
0x130: {  	v15 =	vld [tilespmem:s20+$0xFFFFFF00];
	v23 =	vperm.xlane v7, v0;
	v16 =	vperm.xlane v13, v0;
	v5 =	vadd.f32 v22, v5  }
0x131: {  	v22 =	vld [tilespmem:s20+$0x280];
	v18 =	vadd.f32 v19, v20;
	v19 =	vperm.xlane v9, v1;
	v8 =	vsel vm0, v8, v11  }
0x132: {  	v10 =	vadd.f32 v23, v7;
	v7 =	vld [tilespmem:s20+$0x200];
	v5 =	vsel vm1, v5, v6;
	v13 =	vadd.f32 v16, v13  }
0x133: {  	v11 =	vld [tilespmem:s20+$0x380];
	v17 =	vsel vm0, v18, v17;
	v18 =	vperm.xlane v8, v1;
	v4 =	vperm.xlane v5, v2  }
0x134: {  	v6 =	vld [tilespmem:s20+$0x300];
	v19 =	vadd.f32 v19, v9;
	v20 =	vperm.xlane v17, v1;
	v23 =	vperm.xlane v21, v0  }
0x135: {  	v54 =	vperm.xlane v15, v0;
	v8 =	vadd.f32 v18, v8;
	v4 =	vadd.f32 v4, v5;
	v18 =	vld [tilespmem:s20+$0x100]  }
0x136: {  	v31 =	vperm.xlane v28, v0;
	v5 =	vld [tilespmem:s20+$0x0];
	v17 =	vadd.f32 v20, v17;
	v21 =	vadd.f32 v23, v21  }
0x137: {  	v10 =	vsel vm0, v10, v14;
	v23 =	vadd.f32 v54, v15;
	v15 =	vld [tilespmem:s20+$0xFFFFFC80];
	v20 =	vperm.xlane v7, v0  }
0x138: {  	v56 =	vperm.xlane v11, v0;
	v8 =	vsel vm1, v8, v17;
	v13 =	vsel vm0, v13, v21  }
0x139: {  	v16 =	vadd.f32 v20, v7;
	v7 =	vperm.xlane v6, v0;
	v17 =	vperm.xlane v8, v2  }
0x13a: {  	v21 =	vld [tilespmem:s20+$0xFFFFFF80];
	v11 =	vadd.f32 v56, v11;
	v20 =	vperm.xlane v22, v0;
	v14 =	vperm.xlane v13, v1  }
0x13b: {  	v58 =	vadd.f32 v7, v6;
	v6 =	vadd.f32 v17, v8;
	v8 =	vld [tilespmem:s20+$0xFFFFFE80];
	v17 =	vperm.xlane v18, v0  }
0x13c: {  	v20 =	vadd.f32 v20, v22;
	v22 =	vld [tilespmem:s20+$0xFFFFFC00];
	v7 =	vperm.xlane v5, v0;
	v59 =	vperm.xlane v15, v0  }
0x13d: {  	v60 =	vld [tilespmem:s20+$0xFFFFFE00];
	v13 =	vadd.f32 v14, v13;
	v29 =	vadd.f32 v17, v18;
	v17 =	vperm.xlane v10, v1  }
0x13e: {  	v18 =	vperm.xlane v12, v1;
	v14 =	vadd.f32 v59, v15;
	v20 =	vsel vm0, v16, v20  }
0x13f: {  	v61 =	vperm.xlane v21, v0;
	v19 =	vsel vm1, v13, v19;
	v30 =	vperm.xlane v20, v1  }
0x140: {  	v15 =	vld [tilespmem:s20+$0xFFFFFD00];
	v63 =	vperm.xlane v19, v2;
	v10 =	vadd.f32 v17, v10;
	v12 =	vadd.f32 v18, v12  }
0x141: {  	v11 =	vsel vm0, v58, v11;
	v16 =	vperm.xlane v8, v0;
	v17 =	vperm.xlane v22, v0  }
0x142: {  	v19 =	vadd.f32 v63, v19;
	v32 =	vsel vm1, v10, v12;
	v10 =	vperm.xlane v60, v0  }
0x143: {  	v12 =	vadd.f32 v57, v55;
	v9 =	vadd.f32 v16, v8;
	v8 =	vperm.xlane v11, v1  }
0x144: {  	v18 =	vadd.f32 v17, v22;
	v16 =	vadd.f32 v31, v28;
	v62 =	vperm.xlane v32, v2  }
0x145: {  	v22 =	vperm.xlane v15, v0;
	v17 =	vadd.f32 v8, v11;
	v11 =	vadd.f32 v61, v21  }
0x146: {  	v13 =	vadd.f32 v10, v60;
	v8 =	vsel vm0, v29, v12;
	v21 =	vadd.f32 v30, v20  }
0x147: {  	s19 =	simm.s32 $0x40;
	s9 =	simm.s32 $0x80;
	v12 =	vld [tilespmem:s20+$0x80];
	s20 =	simm.s32 $0x19700;
	v20 =	vadd.f32 v62, v32;
	v10 =	vperm.xlane v8, v1;
	v11 =	vsel vm0, v23, v11  }
.LBB2_8:
0x148: {  	v23 =	vld [tilespmem:s20+$0xFFFFFF00];
	p1 =	sne.s32 s9, $0x1C0;
	v14 =	vsel vm0, v18, v14;
	v15 =	vadd.f32 v22, v15;
	v17 =	vsel vm1, v21, v17;
	s10 =	smov.u32 s9;
	s9 =	sadd.s32 $0x40, s9  }
0x149: {  	v18 =	vld [tilespmem:s20+$0x200];
	v21 =	vperm.xlane v17, v2;
	v6 =	vsel vm2, v6, v20;
	v19 =	vsel vm2, v19, v4  }
0x14a: {  	v20 =	vld [tilespmem:s20+$0x380];
	v15 =	vsel vm0, v15, v16;
	v16 =	vperm.xlane v6, v3;
	v22 =	vperm.xlane v19, v3  }
0x14b: {  	v25 =	vperm.xlane v14, v1;
	v24 =	vld [tilespmem:s20+$0x300];
	v26 =	vperm.xlane v15, v1;
	v4 =	vadd.f32 v21, v17  }
0x14c: {  	v21 =	vperm.xlane v12, v0;
	v17 =	vld [tilespmem:s20+$0x280];
	v6 =	vadd.f32 v16, v6;
	v16 =	vadd.f32 v22, v19  }
0x14d: {  	v14 =	vadd.f32 v25, v14;
	v19 =	vperm.xlane v23, v0;
	v22 =	vld [tilespmem:s20+$0x180];
	v15 =	vadd.f32 v26, v15  }
0x14e: {  	s22 =	sshra.s32 s8, $0x2;
	s8 =	smov.u32 s19;
	s19 =	smov.u32 s10;
	v21 =	vadd.f32 v21, v12;
	v25 =	vld [tilespmem:s20+$0x100];
	v26 =	vperm.xlane v18, v0;
	v6 =	vsel vm3, v6, v16  }
0x14f: {  	v7 =	vadd.f32 v7, v5;
	v19 =	vadd.f32 v19, v23;
	v14 =	vsel vm1, v14, v15;
	v5 =	vld [tilespmem:s20+$0x0];
	[tilespmem:s22+$0x18280] =	vst v6  }
0x150: {  	v15 =	vld [tilespmem:s20+$0xFFFFFC80];
	v16 =	vadd.f32 v26, v18;
	v6 =	vperm.xlane v24, v0;
	v18 =	vperm.xlane v14, v2  }
0x151: {  	v21 =	vsel vm0, v7, v21;
	v26 =	vperm.xlane v20, v0;
	v12 =	vld [tilespmem:s20+$0x80];
	v23 =	vperm.xlane v17, v0  }
0x152: {  	v27 =	vld [tilespmem:s20+$0xFFFFFF80];
	v28 =	vperm.xlane v22, v0;
	v24 =	vadd.f32 v6, v24;
	v6 =	vadd.f32 v18, v14  }
0x153: {  	v20 =	vadd.f32 v26, v20;
	v18 =	vld [tilespmem:s20+$0xFFFFFE80];
	v14 =	vperm.xlane v25, v0;
	v17 =	vadd.f32 v23, v17  }
0x154: {  	v9 =	vsel vm0, v13, v9;
	v13 =	vperm.xlane v21, v1;
	v23 =	vld [tilespmem:s20+$0xFFFFFC00];
	v7 =	vperm.xlane v5, v0  }
0x155: {  	v20 =	vsel vm0, v24, v20;
	v26 =	vperm.xlane v15, v0;
	v29 =	vld [tilespmem:s20+$0xFFFFFD80];
	v25 =	vadd.f32 v14, v25  }
0x156: {  	v30 =	vperm.xlane v11, v1;
	v13 =	vadd.f32 v13, v21;
	v24 =	vperm.xlane v9, v1  }
0x157: {  	v31 =	vsel vm0, v16, v17;
	v14 =	vadd.f32 v26, v15;
	v21 =	vld [tilespmem:s20+$0xFFFFFE00];
	v26 =	vperm.xlane v27, v0  }
0x158: {  	v32 =	vperm.xlane v31, v1;
	v17 =	vadd.f32 v24, v9;
	v16 =	vperm.xlane v18, v0  }
0x159: {  	v8 =	vadd.f32 v10, v8;
	v11 =	vadd.f32 v30, v11;
	v24 =	vperm.xlane v23, v0;
	v15 =	vld [tilespmem:s20+$0xFFFFFD00]  }
0x15a: {  	v30 =	vperm.xlane v20, v1;
	v10 =	vperm.xlane v29, v0;
	v9 =	vadd.f32 v16, v18  }
0x15b: {  	v18 =	vadd.f32 v24, v23;
	v23 =	vsel vm1, v17, v11;
	v24 =	vsel vm1, v13, v8  }
.Ltmp3:
0x15c: {  	v8 =	vadd.f32 v28, v22;
	v16 =	vadd.f32 v10, v29;
	v10 =	vperm.xlane v21, v0;
	(pc) =	sbr.rel @p1 .LBB2_8-.Ltmp3, $4  }
0x15d: {  	v17 =	vadd.f32 v30, v20;
	v20 =	vperm.xlane v23, v2;
	v28 =	vperm.xlane v24, v2  }
0x15e: {  	v11 =	vadd.f32 v26, v27;
	v8 =	vsel vm0, v25, v8;
	v22 =	vperm.xlane v15, v0  }
0x15f: {  	v13 =	vadd.f32 v10, v21;
	v10 =	vperm.xlane v8, v1;
	v21 =	vadd.f32 v32, v31  }
0x160: {  	s20 =	sadd.s32 $0x800, s20;
	v11 =	vsel vm0, v19, v11;
	v20 =	vadd.f32 v20, v23;
	v19 =	vadd.f32 v28, v24  }
0x161: {  	v23 =	vperm.xlane v12, v0  }
0x162: {  	v15 =	vadd.f32 v22, v15;
	v14 =	vsel vm0, v18, v14  }
0x163: {  	v5 =	vadd.f32 v7, v5;
	v9 =	vsel vm0, v13, v9;
	v12 =	vadd.f32 v23, v12  }
0x164: {  	v8 =	vadd.f32 v10, v8;
	v7 =	vsel vm0, v15, v16;
	v15 =	vperm.xlane v14, v1  }
0x165: {  	v13 =	vperm.xlane v9, v1;
	v16 =	vperm.xlane v7, v1;
	v5 =	vsel vm0, v5, v12  }
0x166: {  	v14 =	vadd.f32 v15, v14;
	v15 =	vperm.xlane v11, v1;
	v12 =	vperm.xlane v5, v1  }
0x167: {  	v9 =	vadd.f32 v13, v9;
	v7 =	vadd.f32 v16, v7  }
0x168: {  	v11 =	vadd.f32 v15, v11;
	v5 =	vadd.f32 v12, v5;
	v12 =	vsel vm1, v21, v17  }
0x169: {  	v7 =	vsel vm1, v14, v7;
	v10 =	vperm.xlane v12, v2  }
0x16a: {  	v13 =	vperm.xlane v7, v2;
	v9 =	vsel vm1, v9, v11;
	v5 =	vsel vm1, v5, v8  }
0x16b: {  	v8 =	vperm.xlane v9, v2;
	v11 =	vperm.xlane v5, v2  }
0x16c: {  	v10 =	vadd.f32 v10, v12;
	v7 =	vadd.f32 v13, v7  }
0x16d: {  	v6 =	vsel vm2, v6, v20;
	v8 =	vadd.f32 v8, v9;
	v5 =	vadd.f32 v11, v5  }
0x16e: {  	v4 =	vsel vm2, v19, v4;
	v9 =	vperm.xlane v6, v3  }
0x16f: {  	v11 =	vperm.xlane v4, v3;
	v7 =	vsel vm2, v7, v8;
	v5 =	vsel vm2, v5, v10  }
0x170: {  	v8 =	vperm.xlane v7, v3;
	v10 =	vperm.xlane v5, v3  }
0x171: {  	v6 =	vadd.f32 v9, v6;
	v4 =	vadd.f32 v11, v4  }
0x172: {  	v7 =	vadd.f32 v8, v7;
	v5 =	vadd.f32 v10, v5  }
0x173: {  	s8 =	sshra.s32 s8, $0x2;
	v4 =	vsel vm3, v6, v4  }
0x174: {  	s22 =	sshra.s32 s19, $0x2;
	[tilespmem:s8+$0x18280] =	vst v4;
	v4 =	vsel vm3, v7, v5  }
0x175: {  	s8 =	simm.s32 $0x0;
	[tilespmem:s22+$0x18280] =	vst v4  }
0x176: {  	[hbm4b:s12+s8] =	stream.linear.scatter [tilespmem:s4], [sflag:$0x9], $0x80, $0x38;
	[tilespmem:$0x1E240] =	vst v63  }
0x177: {  	_ = 	snop  }
0x178: {  	[tilespmem:s23], [sflag:$0x3] =	stream.linear.gather [hbm4b:s13+s8], $0x4000, $0x38;
	[tilespmem:$0x1E240] =	vst v63  }
0x179: {  	_ = 	snop  }
0x17a: {  	[tilespmem:s24], [sflag:$0x5] =	stream.linear.gather [hbm4b:s14+s8], $0x4000, $0x38;
	[tilespmem:$0x1E240] =	vst v63  }
0x17b: {  	s9 =	simm.s32 $0x180  }
0x17c: {  	[tilespmem:s25], [sflag:$0x7] =	stream.indirect.gather [spmem:s1], $0x80, s9, s21, $0xb8;
	[tilespmem:$0x1E240] =	vst v63  }
0x17d: {  	_ =	swait.ge [sflag:s26], $0x4000  }
0x17e: {  	[sflag:s26] =	ssyncset.done $0x0  }
0x17f: {  	[sflag:s26] =	ssyncadd.s32 $0xFFFFC000  }
0x180: {  	_ =	swait.ge [sflag:s28], $0x4000  }
0x181: {  	[sflag:s28] =	ssyncset.done $0x0  }
0x182: {  	[sflag:s28] =	ssyncadd.s32 $0xFFFFC000  }
0x183: {  	_ =	swait.ge [sflag:s29], $0x4000  }
0x184: {  	[sflag:s29] =	ssyncset.done $0x0  }
0x185: {  	[sflag:s29] =	ssyncadd.s32 $0xFFFFC000  }
0x186: {  	_ =	swait.ge [sflag:s5], $0x80  }
0x187: {  	[sflag:s5] =	ssyncset.done $0x0  }
0x188: {  	s19 =	simm.s32 $0x0;
	[sflag:s5] =	ssyncadd.s32 $0xFFFFFF80  }
0x189: {  	v10 =	vld [tilespmem:s19+$0x230]  }
0x18a: {  	v11 =	vld [tilespmem:s19+$0x270]  }
0x18b: {  	v12 =	vld [tilespmem:s19+$0x8230]  }
0x18c: {  	v13 =	vld [tilespmem:s19+$0x8270]  }
0x18d: {  	v5 =	vld [tilespmem:s19+$0x220]  }
0x18e: {  	v4 =	vld [tilespmem:s19+$0x260]  }
0x18f: {  	v6 =	vld [tilespmem:s19+$0x8220]  }
0x190: {  	v8 =	vld [tilespmem:s19+$0x8260]  }
0x191: {  	v14 =	vld [tilespmem:s19+$0x200]  }
0x192: {  	v15 =	vld [tilespmem:s19+$0x240]  }
0x193: {  	v18 =	vld [tilespmem:s19+$0x8200]  }
0x194: {  	v20 =	vld [tilespmem:s19+$0x8240]  }
0x195: {  	v16 =	vld [tilespmem:s19+$0x210]  }
0x196: {  	v17 =	vld [tilespmem:s19+$0x250]  }
0x197: {  	v19 =	vld [tilespmem:s19+$0x8210]  }
0x198: {  	s9 =	simm.s32 $0x200;
	v21 =	vld [tilespmem:s19+$0x8250];
	v7 =	vmul.f32 v12, v10;
	v9 =	vmul.f32 v13, v11  }
.LBB2_10:
0x199: {  	p1 =	sne.s32 s9, $0xFE00;
	v22 =	vld [tilespmem:s19+$0x10230];
	v13 =	vmul.f32 v13, v10;
	v23 =	vmul.f32 v12, v11  }
0x19a: {  	v12 =	vmul.f32 v6, v5;
	v24 =	vmul.f32 v8, v4;
	v11 =	vld [tilespmem:s19+$0x10200]  }
0x19b: {  	v10 =	vmul.f32 v18, v14;
	v26 =	vmul.f32 v20, v15;
	v25 =	vld [tilespmem:s19+$0x10240]  }
0x19c: {  	v14 =	vmul.f32 v20, v14;
	v15 =	vmul.f32 v18, v15;
	v18 =	vld [tilespmem:s19+$0x10210]  }
0x19d: {  	v27 =	vmul.f32 v19, v16;
	v20 =	vld [tilespmem:s19+$0x10250];
	v28 =	vmul.f32 v21, v17  }
0x19e: {  	v16 =	vmul.f32 v21, v16;
	v17 =	vmul.f32 v19, v17;
	v19 =	vld [tilespmem:s19+$0x10220]  }
0x19f: {  	v5 =	vmul.f32 v8, v5;
	v14 =	vsub.f32 v14, v15;
	v21 =	vadd.f32 v26, v10;
	v15 =	vld [tilespmem:s19+$0x10260]  }
0x1a0: {  	s10 =	sshra.s32 s9, $0x2;
	v4 =	vmul.f32 v6, v4;
	v8 =	vadd.f32 v28, v27;
	v16 =	vsub.f32 v16, v17;
	v6 =	vld [tilespmem:s19+$0x10270]  }
0x1a1: {  	v17 =	vmul.f32 v21, v11;
	v21 =	vadd.f32 v24, v12;
	v14 =	vmul.f32 v14, v25;
	v10 =	vld [tilespmem:s10+$0x230]  }
0x1a2: {  	v4 =	vsub.f32 v5, v4;
	v8 =	vmul.f32 v8, v18;
	v11 =	vld [tilespmem:s10+$0x270];
	v16 =	vmul.f32 v16, v20  }
0x1a3: {  	v7 =	vadd.f32 v9, v7;
	v9 =	vsub.f32 v13, v23;
	v12 =	vld [tilespmem:s10+$0x8230];
	v18 =	vmul.f32 v21, v19  }
0x1a4: {  	v14 =	vadd.f32 v14, v17;
	v13 =	vld [tilespmem:s10+$0x8270];
	v8 =	vadd.f32 v16, v8;
	v15 =	vmul.f32 v4, v15  }
0x1a5: {  	v7 =	vmul.f32 v7, v22;
	v5 =	vld [tilespmem:s10+$0x220]  }
0x1a6: {  	v9 =	vmul.f32 v9, v6;
	v4 =	vld [tilespmem:s10+$0x260];
	v14 =	vadd.f32 v8, v14;
	v15 =	vadd.f32 v15, v18  }
0x1a7: {  	v6 =	vld [tilespmem:s10+$0x8220]  }
0x1a8: {  	v7 =	vadd.f32 v9, v7;
	v8 =	vld [tilespmem:s10+$0x8260];
	v16 =	vadd.f32 v15, v14  }
0x1a9: {  	v14 =	vld [tilespmem:s10+$0x200]  }
0x1aa: {  	v15 =	vld [tilespmem:s10+$0x240];
	v7 =	vadd.f32 v7, v16  }
0x1ab: {  	v18 =	vld [tilespmem:s10+$0x8200]  }
.Ltmp4:
0x1ac: {  	v20 =	vld [tilespmem:s10+$0x8240];
	[tilespmem:s19+$0x18300] =	vst v7;
	s19 =	smov.u32 s10;
	(pc) =	sbr.rel @p1 .LBB2_10-.Ltmp4, $4  }
0x1ad: {  	v16 =	vld [tilespmem:s19+$0x210]  }
0x1ae: {  	v17 =	vld [tilespmem:s19+$0x250]  }
0x1af: {  	v19 =	vld [tilespmem:s19+$0x8210]  }
0x1b0: {  	s9 =	sadd.s32 $0x200, s9;
	v9 =	vmul.f32 v13, v11;
	v7 =	vmul.f32 v12, v10;
	v21 =	vld [tilespmem:s19+$0x8250]  }
0x1b1: {  	v10 =	vmul.f32 v13, v10;
	v11 =	vmul.f32 v12, v11  }
0x1b2: {  	v12 =	vld [tilespmem:s19+$0x10200];
	v13 =	vmul.f32 v6, v5;
	v22 =	vmul.f32 v8, v4  }
0x1b3: {  	v23 =	vld [tilespmem:s19+$0x10240];
	v24 =	vmul.f32 v18, v14;
	v25 =	vmul.f32 v20, v15  }
0x1b4: {  	v14 =	vmul.f32 v20, v14;
	v15 =	vmul.f32 v18, v15;
	v18 =	vld [tilespmem:s19+$0x10210]  }
0x1b5: {  	v20 =	vld [tilespmem:s19+$0x10250];
	v26 =	vmul.f32 v19, v16;
	v27 =	vmul.f32 v21, v17  }
0x1b6: {  	v14 =	vsub.f32 v14, v15;
	v15 =	vld [tilespmem:s19+$0x10260];
	v16 =	vmul.f32 v21, v16;
	v17 =	vmul.f32 v19, v17  }
0x1b7: {  	v5 =	vmul.f32 v8, v5;
	v4 =	vmul.f32 v6, v4;
	v19 =	vld [tilespmem:s19+$0x10220];
	v21 =	vadd.f32 v25, v24  }
0x1b8: {  	v8 =	vld [tilespmem:s19+$0x10230];
	v53 =	vadd.f32 v27, v26;
	v16 =	vsub.f32 v16, v17  }
0x1b9: {  	v6 =	vld [tilespmem:s19+$0x10270];
	v4 =	vsub.f32 v5, v4;
	v14 =	vmul.f32 v14, v23;
	v12 =	vmul.f32 v21, v12  }
0x1ba: {  	v13 =	vadd.f32 v22, v13;
	v17 =	vmul.f32 v53, v18;
	v16 =	vmul.f32 v16, v20  }
0x1bb: {  	v7 =	vadd.f32 v9, v7;
	v9 =	vsub.f32 v10, v11;
	v4 =	vmul.f32 v4, v15  }
0x1bc: {  	v10 =	vadd.f32 v14, v12;
	v5 =	vmul.f32 v13, v19;
	v11 =	vadd.f32 v16, v17  }
0x1bd: {  	v7 =	vmul.f32 v7, v8  }
0x1be: {  	v4 =	vadd.f32 v4, v5;
	v5 =	vmul.f32 v9, v6;
	v8 =	vadd.f32 v11, v10;
	_ =	sdelay $0x1  }
0x1bf: {  	v5 =	vadd.f32 v5, v7;
	v4 =	vadd.f32 v4, v8;
	_ =	sdelay $0x1  }
0x1c0: {  	v4 =	vadd.f32 v5, v4;
	_ =	sdelay $0x1  }
0x1c1: {  	s9 =	simm.s32 $0x18700;
	[tilespmem:s19+$0x18300] =	vst v4  }
0x1c2: {  	v4 =	vld [tilespmem:s9+$0xFFFFFF00]  }
0x1c3: {  	v5 =	vld [tilespmem:s9+$0x200]  }
0x1c4: {  	v6 =	vld [tilespmem:s9+$0x380]  }
0x1c5: {  	v7 =	vld [tilespmem:s9+$0x300]  }
0x1c6: {  	v8 =	vld [tilespmem:s9+$0x280]  }
0x1c7: {  	s20 =	simm.s32 $0x18F00;
	v19 =	vld [tilespmem:s9+$0xFFFFFD80]  }
0x1c8: {  	v55 =	vld [tilespmem:s20+$0x180]  }
0x1c9: {  	v9 =	vld [tilespmem:s9+$0x180]  }
0x1ca: {  	v11 =	vld [tilespmem:s9+$0xFFFFFC80]  }
0x1cb: {  	v10 =	vld [tilespmem:s9+$0x100];
	v13 =	vperm.xlane v4, v0;
	v15 =	vperm.xlane v7, v0  }
0x1cc: {  	v14 =	vld [tilespmem:s9+$0xFFFFFE80];
	v16 =	vperm.xlane v6, v0;
	v18 =	vperm.xlane v5, v0  }
0x1cd: {  	v12 =	vld [tilespmem:s9+$0xFFFFFF80];
	v21 =	vperm.xlane v19, v0;
	v57 =	vperm.xlane v55, v0  }
0x1ce: {  	v17 =	vld [tilespmem:s9+$0xFFFFFC00];
	v4 =	vadd.f32 v13, v4;
	v13 =	vperm.xlane v8, v0;
	v7 =	vadd.f32 v15, v7  }
0x1cf: {  	v6 =	vadd.f32 v16, v6;
	v5 =	vadd.f32 v18, v5;
	v18 =	vperm.xlane v11, v0  }
0x1d0: {  	v20 =	vld [tilespmem:s9+$0xFFFFFD00];
	v15 =	vperm.xlane v10, v0;
	v16 =	vperm.xlane v9, v0;
	v8 =	vadd.f32 v13, v8  }
0x1d1: {  	v6 =	vsel vm0, v7, v6;
	v7 =	vld [tilespmem:s9+$0xFFFFFE00];
	v11 =	vadd.f32 v18, v11;
	v18 =	vperm.xlane v14, v0  }
0x1d2: {  	v10 =	vadd.f32 v15, v10;
	v13 =	vld [tilespmem:s9+$0x0];
	v15 =	vperm.xlane v12, v0;
	v9 =	vadd.f32 v16, v9  }
0x1d3: {  	v5 =	vsel vm0, v5, v8;
	v8 =	vperm.xlane v17, v0;
	v14 =	vadd.f32 v18, v14  }
0x1d4: {  	v18 =	vperm.xlane v6, v1;
	v12 =	vadd.f32 v15, v12;
	v9 =	vsel vm0, v10, v9  }
0x1d5: {  	v28 =	vld [tilespmem:s20+$0xFFFFFD80];
	v22 =	vperm.xlane v5, v1;
	v8 =	vadd.f32 v8, v17;
	v17 =	vadd.f32 v21, v19  }
0x1d6: {  	v19 =	vperm.xlane v20, v0;
	v21 =	vld [tilespmem:s9+$0x80];
	v6 =	vadd.f32 v18, v6;
	v12 =	vsel vm0, v4, v12  }
0x1d7: {  	v15 =	vld [tilespmem:s20+$0xFFFFFF00];
	v23 =	vperm.xlane v7, v0;
	v16 =	vperm.xlane v13, v0;
	v5 =	vadd.f32 v22, v5  }
0x1d8: {  	v22 =	vld [tilespmem:s20+$0x280];
	v18 =	vadd.f32 v19, v20;
	v19 =	vperm.xlane v9, v1;
	v8 =	vsel vm0, v8, v11  }
0x1d9: {  	v10 =	vadd.f32 v23, v7;
	v7 =	vld [tilespmem:s20+$0x200];
	v5 =	vsel vm1, v5, v6;
	v13 =	vadd.f32 v16, v13  }
0x1da: {  	v11 =	vld [tilespmem:s20+$0x380];
	v17 =	vsel vm0, v18, v17;
	v18 =	vperm.xlane v8, v1;
	v4 =	vperm.xlane v5, v2  }
0x1db: {  	v6 =	vld [tilespmem:s20+$0x300];
	v19 =	vadd.f32 v19, v9;
	v20 =	vperm.xlane v17, v1;
	v23 =	vperm.xlane v21, v0  }
0x1dc: {  	v54 =	vperm.xlane v15, v0;
	v8 =	vadd.f32 v18, v8;
	v4 =	vadd.f32 v4, v5;
	v18 =	vld [tilespmem:s20+$0x100]  }
0x1dd: {  	v31 =	vperm.xlane v28, v0;
	v5 =	vld [tilespmem:s20+$0x0];
	v17 =	vadd.f32 v20, v17;
	v21 =	vadd.f32 v23, v21  }
0x1de: {  	v10 =	vsel vm0, v10, v14;
	v23 =	vadd.f32 v54, v15;
	v15 =	vld [tilespmem:s20+$0xFFFFFC80];
	v20 =	vperm.xlane v7, v0  }
0x1df: {  	v56 =	vperm.xlane v11, v0;
	v8 =	vsel vm1, v8, v17;
	v13 =	vsel vm0, v13, v21  }
0x1e0: {  	v16 =	vadd.f32 v20, v7;
	v7 =	vperm.xlane v6, v0;
	v17 =	vperm.xlane v8, v2  }
0x1e1: {  	v21 =	vld [tilespmem:s20+$0xFFFFFF80];
	v11 =	vadd.f32 v56, v11;
	v20 =	vperm.xlane v22, v0;
	v14 =	vperm.xlane v13, v1  }
0x1e2: {  	v58 =	vadd.f32 v7, v6;
	v6 =	vadd.f32 v17, v8;
	v8 =	vld [tilespmem:s20+$0xFFFFFE80];
	v17 =	vperm.xlane v18, v0  }
0x1e3: {  	v20 =	vadd.f32 v20, v22;
	v22 =	vld [tilespmem:s20+$0xFFFFFC00];
	v7 =	vperm.xlane v5, v0;
	v59 =	vperm.xlane v15, v0  }
0x1e4: {  	v60 =	vld [tilespmem:s20+$0xFFFFFE00];
	v13 =	vadd.f32 v14, v13;
	v29 =	vadd.f32 v17, v18;
	v17 =	vperm.xlane v10, v1  }
0x1e5: {  	v18 =	vperm.xlane v12, v1;
	v14 =	vadd.f32 v59, v15;
	v20 =	vsel vm0, v16, v20  }
0x1e6: {  	v61 =	vperm.xlane v21, v0;
	v19 =	vsel vm1, v13, v19;
	v30 =	vperm.xlane v20, v1  }
0x1e7: {  	v15 =	vld [tilespmem:s20+$0xFFFFFD00];
	v63 =	vperm.xlane v19, v2;
	v10 =	vadd.f32 v17, v10;
	v12 =	vadd.f32 v18, v12  }
0x1e8: {  	v11 =	vsel vm0, v58, v11;
	v16 =	vperm.xlane v8, v0;
	v17 =	vperm.xlane v22, v0  }
0x1e9: {  	v19 =	vadd.f32 v63, v19;
	v32 =	vsel vm1, v10, v12;
	v10 =	vperm.xlane v60, v0  }
0x1ea: {  	v12 =	vadd.f32 v57, v55;
	v9 =	vadd.f32 v16, v8;
	v8 =	vperm.xlane v11, v1  }
0x1eb: {  	v18 =	vadd.f32 v17, v22;
	v16 =	vadd.f32 v31, v28;
	v62 =	vperm.xlane v32, v2  }
0x1ec: {  	v22 =	vperm.xlane v15, v0;
	v17 =	vadd.f32 v8, v11;
	v11 =	vadd.f32 v61, v21  }
0x1ed: {  	v13 =	vadd.f32 v10, v60;
	v8 =	vsel vm0, v29, v12;
	v21 =	vadd.f32 v30, v20  }
0x1ee: {  	s19 =	simm.s32 $0x40;
	s9 =	simm.s32 $0x80;
	v12 =	vld [tilespmem:s20+$0x80];
	s20 =	simm.s32 $0x19700;
	v20 =	vadd.f32 v62, v32;
	v10 =	vperm.xlane v8, v1;
	v11 =	vsel vm0, v23, v11  }
.LBB2_12:
0x1ef: {  	v23 =	vld [tilespmem:s20+$0xFFFFFF00];
	p1 =	sne.s32 s9, $0x1C0;
	v14 =	vsel vm0, v18, v14;
	v15 =	vadd.f32 v22, v15;
	v17 =	vsel vm1, v21, v17;
	s10 =	smov.u32 s9;
	s9 =	sadd.s32 $0x40, s9  }
0x1f0: {  	v18 =	vld [tilespmem:s20+$0x200];
	v21 =	vperm.xlane v17, v2;
	v6 =	vsel vm2, v6, v20;
	v19 =	vsel vm2, v19, v4  }
0x1f1: {  	v20 =	vld [tilespmem:s20+$0x380];
	v15 =	vsel vm0, v15, v16;
	v16 =	vperm.xlane v6, v3;
	v22 =	vperm.xlane v19, v3  }
0x1f2: {  	v25 =	vperm.xlane v14, v1;
	v24 =	vld [tilespmem:s20+$0x300];
	v26 =	vperm.xlane v15, v1;
	v4 =	vadd.f32 v21, v17  }
0x1f3: {  	v21 =	vperm.xlane v12, v0;
	v17 =	vld [tilespmem:s20+$0x280];
	v6 =	vadd.f32 v16, v6;
	v16 =	vadd.f32 v22, v19  }
0x1f4: {  	v14 =	vadd.f32 v25, v14;
	v19 =	vperm.xlane v23, v0;
	v22 =	vld [tilespmem:s20+$0x180];
	v15 =	vadd.f32 v26, v15  }
0x1f5: {  	s22 =	sshra.s32 s8, $0x2;
	s8 =	smov.u32 s19;
	s19 =	smov.u32 s10;
	v21 =	vadd.f32 v21, v12;
	v25 =	vld [tilespmem:s20+$0x100];
	v26 =	vperm.xlane v18, v0;
	v6 =	vsel vm3, v6, v16  }
0x1f6: {  	v7 =	vadd.f32 v7, v5;
	v19 =	vadd.f32 v19, v23;
	v14 =	vsel vm1, v14, v15;
	v5 =	vld [tilespmem:s20+$0x0];
	[tilespmem:s22+$0x18200] =	vst v6  }
0x1f7: {  	v15 =	vld [tilespmem:s20+$0xFFFFFC80];
	v16 =	vadd.f32 v26, v18;
	v6 =	vperm.xlane v24, v0;
	v18 =	vperm.xlane v14, v2  }
0x1f8: {  	v21 =	vsel vm0, v7, v21;
	v26 =	vperm.xlane v20, v0;
	v12 =	vld [tilespmem:s20+$0x80];
	v23 =	vperm.xlane v17, v0  }
0x1f9: {  	v27 =	vld [tilespmem:s20+$0xFFFFFF80];
	v28 =	vperm.xlane v22, v0;
	v24 =	vadd.f32 v6, v24;
	v6 =	vadd.f32 v18, v14  }
0x1fa: {  	v20 =	vadd.f32 v26, v20;
	v18 =	vld [tilespmem:s20+$0xFFFFFE80];
	v14 =	vperm.xlane v25, v0;
	v17 =	vadd.f32 v23, v17  }
0x1fb: {  	v9 =	vsel vm0, v13, v9;
	v13 =	vperm.xlane v21, v1;
	v23 =	vld [tilespmem:s20+$0xFFFFFC00];
	v7 =	vperm.xlane v5, v0  }
0x1fc: {  	v20 =	vsel vm0, v24, v20;
	v26 =	vperm.xlane v15, v0;
	v29 =	vld [tilespmem:s20+$0xFFFFFD80];
	v25 =	vadd.f32 v14, v25  }
0x1fd: {  	v30 =	vperm.xlane v11, v1;
	v13 =	vadd.f32 v13, v21;
	v24 =	vperm.xlane v9, v1  }
0x1fe: {  	v31 =	vsel vm0, v16, v17;
	v14 =	vadd.f32 v26, v15;
	v21 =	vld [tilespmem:s20+$0xFFFFFE00];
	v26 =	vperm.xlane v27, v0  }
0x1ff: {  	v32 =	vperm.xlane v31, v1;
	v17 =	vadd.f32 v24, v9;
	v16 =	vperm.xlane v18, v0  }
0x200: {  	v8 =	vadd.f32 v10, v8;
	v11 =	vadd.f32 v30, v11;
	v24 =	vperm.xlane v23, v0;
	v15 =	vld [tilespmem:s20+$0xFFFFFD00]  }
0x201: {  	v30 =	vperm.xlane v20, v1;
	v10 =	vperm.xlane v29, v0;
	v9 =	vadd.f32 v16, v18  }
0x202: {  	v18 =	vadd.f32 v24, v23;
	v23 =	vsel vm1, v17, v11;
	v24 =	vsel vm1, v13, v8  }
.Ltmp5:
0x203: {  	v8 =	vadd.f32 v28, v22;
	v16 =	vadd.f32 v10, v29;
	v10 =	vperm.xlane v21, v0;
	(pc) =	sbr.rel @p1 .LBB2_12-.Ltmp5, $4  }
0x204: {  	v17 =	vadd.f32 v30, v20;
	v20 =	vperm.xlane v23, v2;
	v28 =	vperm.xlane v24, v2  }
0x205: {  	v11 =	vadd.f32 v26, v27;
	v8 =	vsel vm0, v25, v8;
	v22 =	vperm.xlane v15, v0  }
0x206: {  	v13 =	vadd.f32 v10, v21;
	v10 =	vperm.xlane v8, v1;
	v21 =	vadd.f32 v32, v31  }
0x207: {  	s20 =	sadd.s32 $0x800, s20;
	v11 =	vsel vm0, v19, v11;
	v20 =	vadd.f32 v20, v23;
	v19 =	vadd.f32 v28, v24  }
0x208: {  	v23 =	vperm.xlane v12, v0  }
0x209: {  	v15 =	vadd.f32 v22, v15;
	v14 =	vsel vm0, v18, v14  }
0x20a: {  	v5 =	vadd.f32 v7, v5;
	v9 =	vsel vm0, v13, v9;
	v12 =	vadd.f32 v23, v12  }
0x20b: {  	v8 =	vadd.f32 v10, v8;
	v7 =	vsel vm0, v15, v16;
	v15 =	vperm.xlane v14, v1  }
0x20c: {  	v13 =	vperm.xlane v9, v1;
	v16 =	vperm.xlane v7, v1;
	v5 =	vsel vm0, v5, v12  }
0x20d: {  	v14 =	vadd.f32 v15, v14;
	v15 =	vperm.xlane v11, v1;
	v12 =	vperm.xlane v5, v1  }
0x20e: {  	v9 =	vadd.f32 v13, v9;
	v7 =	vadd.f32 v16, v7  }
0x20f: {  	v11 =	vadd.f32 v15, v11;
	v5 =	vadd.f32 v12, v5;
	v12 =	vsel vm1, v21, v17  }
0x210: {  	v7 =	vsel vm1, v14, v7;
	v10 =	vperm.xlane v12, v2  }
0x211: {  	v13 =	vperm.xlane v7, v2;
	v9 =	vsel vm1, v9, v11;
	v5 =	vsel vm1, v5, v8  }
0x212: {  	v8 =	vperm.xlane v9, v2;
	v11 =	vperm.xlane v5, v2  }
0x213: {  	v10 =	vadd.f32 v10, v12;
	v7 =	vadd.f32 v13, v7  }
0x214: {  	v6 =	vsel vm2, v6, v20;
	v8 =	vadd.f32 v8, v9;
	v5 =	vadd.f32 v11, v5  }
0x215: {  	v4 =	vsel vm2, v19, v4;
	v9 =	vperm.xlane v6, v3  }
0x216: {  	v11 =	vperm.xlane v4, v3;
	v7 =	vsel vm2, v7, v8;
	v5 =	vsel vm2, v5, v10  }
0x217: {  	v8 =	vperm.xlane v7, v3;
	v10 =	vperm.xlane v5, v3  }
0x218: {  	v6 =	vadd.f32 v9, v6;
	v4 =	vadd.f32 v11, v4  }
0x219: {  	v7 =	vadd.f32 v8, v7;
	v5 =	vadd.f32 v10, v5  }
0x21a: {  	s8 =	sshra.s32 s8, $0x2;
	v4 =	vsel vm3, v6, v4  }
0x21b: {  	s22 =	sshra.s32 s19, $0x2;
	[tilespmem:s8+$0x18200] =	vst v4;
	v4 =	vsel vm3, v7, v5  }
0x21c: {  	s8 =	simm.s32 $0x0;
	[tilespmem:s22+$0x18200] =	vst v4  }
0x21d: {  	[hbm4b:s15+s8] =	stream.linear.scatter [tilespmem:s30], [sflag:$0x8], $0x80, $0x38;
	[tilespmem:$0x1E240] =	vst v63  }
0x21e: {  	_ =	swait.ge [sflag:s0], $0x4000  }
0x21f: {  	[sflag:s0] =	ssyncset.done $0x0  }
0x220: {  	[sflag:s0] =	ssyncadd.s32 $0xFFFFC000  }
0x221: {  	_ =	swait.ge [sflag:s31], $0x4000  }
0x222: {  	[sflag:s31] =	ssyncset.done $0x0  }
0x223: {  	[sflag:s31] =	ssyncadd.s32 $0xFFFFC000  }
0x224: {  	_ =	swait.ge [sflag:s3], $0x4000  }
0x225: {  	[sflag:s3] =	ssyncset.done $0x0  }
0x226: {  	[sflag:s3] =	ssyncadd.s32 $0xFFFFC000  }
0x227: {  	_ =	swait.ge [sflag:s6], $0x80  }
0x228: {  	[sflag:s6] =	ssyncset.done $0x0  }
0x229: {  	s19 =	simm.s32 $0x0;
	[sflag:s6] =	ssyncadd.s32 $0xFFFFFF80  }
0x22a: {  	v10 =	vld [tilespmem:s19+$0x4230]  }
0x22b: {  	v11 =	vld [tilespmem:s19+$0x4270]  }
0x22c: {  	v12 =	vld [tilespmem:s19+$0xC230]  }
0x22d: {  	v13 =	vld [tilespmem:s19+$0xC270]  }
0x22e: {  	v5 =	vld [tilespmem:s19+$0x4220]  }
0x22f: {  	v4 =	vld [tilespmem:s19+$0x4260]  }
0x230: {  	v6 =	vld [tilespmem:s19+$0xC220]  }
0x231: {  	v8 =	vld [tilespmem:s19+$0xC260]  }
0x232: {  	v14 =	vld [tilespmem:s19+$0x4200]  }
0x233: {  	v15 =	vld [tilespmem:s19+$0x4240]  }
0x234: {  	v18 =	vld [tilespmem:s19+$0xC200]  }
0x235: {  	v20 =	vld [tilespmem:s19+$0xC240]  }
0x236: {  	v16 =	vld [tilespmem:s19+$0x4210]  }
0x237: {  	v17 =	vld [tilespmem:s19+$0x4250]  }
0x238: {  	v19 =	vld [tilespmem:s19+$0xC210]  }
0x239: {  	s9 =	simm.s32 $0x200;
	v21 =	vld [tilespmem:s19+$0xC250];
	v7 =	vmul.f32 v12, v10;
	v9 =	vmul.f32 v13, v11  }
.LBB2_14:
0x23a: {  	p1 =	sne.s32 s9, $0xFE00;
	v22 =	vld [tilespmem:s19+$0x14230];
	v13 =	vmul.f32 v13, v10;
	v23 =	vmul.f32 v12, v11  }
0x23b: {  	v12 =	vmul.f32 v6, v5;
	v24 =	vmul.f32 v8, v4;
	v11 =	vld [tilespmem:s19+$0x14200]  }
0x23c: {  	v10 =	vmul.f32 v18, v14;
	v26 =	vmul.f32 v20, v15;
	v25 =	vld [tilespmem:s19+$0x14240]  }
0x23d: {  	v14 =	vmul.f32 v20, v14;
	v15 =	vmul.f32 v18, v15;
	v18 =	vld [tilespmem:s19+$0x14210]  }
0x23e: {  	v27 =	vmul.f32 v19, v16;
	v20 =	vld [tilespmem:s19+$0x14250];
	v28 =	vmul.f32 v21, v17  }
0x23f: {  	v16 =	vmul.f32 v21, v16;
	v17 =	vmul.f32 v19, v17;
	v19 =	vld [tilespmem:s19+$0x14220]  }
0x240: {  	v5 =	vmul.f32 v8, v5;
	v14 =	vsub.f32 v14, v15;
	v21 =	vadd.f32 v26, v10;
	v15 =	vld [tilespmem:s19+$0x14260]  }
0x241: {  	s10 =	sshra.s32 s9, $0x2;
	v4 =	vmul.f32 v6, v4;
	v8 =	vadd.f32 v28, v27;
	v16 =	vsub.f32 v16, v17;
	v6 =	vld [tilespmem:s19+$0x14270]  }
0x242: {  	v17 =	vmul.f32 v21, v11;
	v21 =	vadd.f32 v24, v12;
	v14 =	vmul.f32 v14, v25;
	v10 =	vld [tilespmem:s10+$0x4230]  }
0x243: {  	v4 =	vsub.f32 v5, v4;
	v8 =	vmul.f32 v8, v18;
	v11 =	vld [tilespmem:s10+$0x4270];
	v16 =	vmul.f32 v16, v20  }
0x244: {  	v7 =	vadd.f32 v9, v7;
	v9 =	vsub.f32 v13, v23;
	v12 =	vld [tilespmem:s10+$0xC230];
	v18 =	vmul.f32 v21, v19  }
0x245: {  	v14 =	vadd.f32 v14, v17;
	v13 =	vld [tilespmem:s10+$0xC270];
	v8 =	vadd.f32 v16, v8;
	v15 =	vmul.f32 v4, v15  }
0x246: {  	v7 =	vmul.f32 v7, v22;
	v5 =	vld [tilespmem:s10+$0x4220]  }
0x247: {  	v9 =	vmul.f32 v9, v6;
	v4 =	vld [tilespmem:s10+$0x4260];
	v14 =	vadd.f32 v8, v14;
	v15 =	vadd.f32 v15, v18  }
0x248: {  	v6 =	vld [tilespmem:s10+$0xC220]  }
0x249: {  	v7 =	vadd.f32 v9, v7;
	v8 =	vld [tilespmem:s10+$0xC260];
	v16 =	vadd.f32 v15, v14  }
0x24a: {  	v14 =	vld [tilespmem:s10+$0x4200]  }
0x24b: {  	v15 =	vld [tilespmem:s10+$0x4240];
	v7 =	vadd.f32 v7, v16  }
0x24c: {  	v18 =	vld [tilespmem:s10+$0xC200]  }
.Ltmp6:
0x24d: {  	v20 =	vld [tilespmem:s10+$0xC240];
	[tilespmem:s19+$0x18300] =	vst v7;
	s19 =	smov.u32 s10;
	(pc) =	sbr.rel @p1 .LBB2_14-.Ltmp6, $4  }
0x24e: {  	v16 =	vld [tilespmem:s19+$0x4210]  }
0x24f: {  	v17 =	vld [tilespmem:s19+$0x4250]  }
0x250: {  	v19 =	vld [tilespmem:s19+$0xC210]  }
0x251: {  	s9 =	sadd.s32 $0x200, s9;
	v9 =	vmul.f32 v13, v11;
	v7 =	vmul.f32 v12, v10;
	v21 =	vld [tilespmem:s19+$0xC250]  }
0x252: {  	v10 =	vmul.f32 v13, v10;
	v11 =	vmul.f32 v12, v11  }
0x253: {  	v12 =	vld [tilespmem:s19+$0x14200];
	v13 =	vmul.f32 v6, v5;
	v22 =	vmul.f32 v8, v4  }
0x254: {  	v23 =	vld [tilespmem:s19+$0x14240];
	v24 =	vmul.f32 v18, v14;
	v25 =	vmul.f32 v20, v15  }
0x255: {  	v14 =	vmul.f32 v20, v14;
	v15 =	vmul.f32 v18, v15;
	v18 =	vld [tilespmem:s19+$0x14210]  }
0x256: {  	v20 =	vld [tilespmem:s19+$0x14250];
	v26 =	vmul.f32 v19, v16;
	v27 =	vmul.f32 v21, v17  }
0x257: {  	v14 =	vsub.f32 v14, v15;
	v15 =	vld [tilespmem:s19+$0x14260];
	v16 =	vmul.f32 v21, v16;
	v17 =	vmul.f32 v19, v17  }
0x258: {  	v5 =	vmul.f32 v8, v5;
	v4 =	vmul.f32 v6, v4;
	v19 =	vld [tilespmem:s19+$0x14220];
	v21 =	vadd.f32 v25, v24  }
0x259: {  	v8 =	vld [tilespmem:s19+$0x14230];
	v53 =	vadd.f32 v27, v26;
	v16 =	vsub.f32 v16, v17  }
0x25a: {  	v6 =	vld [tilespmem:s19+$0x14270];
	v4 =	vsub.f32 v5, v4;
	v14 =	vmul.f32 v14, v23;
	v12 =	vmul.f32 v21, v12  }
0x25b: {  	v13 =	vadd.f32 v22, v13;
	v17 =	vmul.f32 v53, v18;
	v16 =	vmul.f32 v16, v20  }
0x25c: {  	v7 =	vadd.f32 v9, v7;
	v9 =	vsub.f32 v10, v11;
	v4 =	vmul.f32 v4, v15  }
0x25d: {  	v10 =	vadd.f32 v14, v12;
	v5 =	vmul.f32 v13, v19;
	v11 =	vadd.f32 v16, v17  }
0x25e: {  	v7 =	vmul.f32 v7, v8  }
0x25f: {  	v4 =	vadd.f32 v4, v5;
	v5 =	vmul.f32 v9, v6;
	v8 =	vadd.f32 v11, v10;
	_ =	sdelay $0x1  }
0x260: {  	v5 =	vadd.f32 v5, v7;
	v4 =	vadd.f32 v4, v8;
	_ =	sdelay $0x1  }
0x261: {  	v4 =	vadd.f32 v5, v4;
	_ =	sdelay $0x1  }
0x262: {  	s9 =	simm.s32 $0x18700;
	[tilespmem:s19+$0x18300] =	vst v4  }
0x263: {  	v4 =	vld [tilespmem:s9+$0xFFFFFF00]  }
0x264: {  	v5 =	vld [tilespmem:s9+$0x200]  }
0x265: {  	v6 =	vld [tilespmem:s9+$0x380]  }
0x266: {  	v7 =	vld [tilespmem:s9+$0x300]  }
0x267: {  	v8 =	vld [tilespmem:s9+$0x280]  }
0x268: {  	s20 =	simm.s32 $0x18F00;
	v19 =	vld [tilespmem:s9+$0xFFFFFD80]  }
0x269: {  	v55 =	vld [tilespmem:s20+$0x180]  }
0x26a: {  	v9 =	vld [tilespmem:s9+$0x180]  }
0x26b: {  	v11 =	vld [tilespmem:s9+$0xFFFFFC80]  }
0x26c: {  	v10 =	vld [tilespmem:s9+$0x100];
	v13 =	vperm.xlane v4, v0;
	v15 =	vperm.xlane v7, v0  }
0x26d: {  	v14 =	vld [tilespmem:s9+$0xFFFFFE80];
	v16 =	vperm.xlane v6, v0;
	v18 =	vperm.xlane v5, v0  }
0x26e: {  	v12 =	vld [tilespmem:s9+$0xFFFFFF80];
	v21 =	vperm.xlane v19, v0;
	v57 =	vperm.xlane v55, v0  }
0x26f: {  	v17 =	vld [tilespmem:s9+$0xFFFFFC00];
	v4 =	vadd.f32 v13, v4;
	v13 =	vperm.xlane v8, v0;
	v7 =	vadd.f32 v15, v7  }
0x270: {  	v6 =	vadd.f32 v16, v6;
	v5 =	vadd.f32 v18, v5;
	v18 =	vperm.xlane v11, v0  }
0x271: {  	v20 =	vld [tilespmem:s9+$0xFFFFFD00];
	v15 =	vperm.xlane v10, v0;
	v16 =	vperm.xlane v9, v0;
	v8 =	vadd.f32 v13, v8  }
0x272: {  	v6 =	vsel vm0, v7, v6;
	v7 =	vld [tilespmem:s9+$0xFFFFFE00];
	v11 =	vadd.f32 v18, v11;
	v18 =	vperm.xlane v14, v0  }
0x273: {  	v10 =	vadd.f32 v15, v10;
	v13 =	vld [tilespmem:s9+$0x0];
	v15 =	vperm.xlane v12, v0;
	v9 =	vadd.f32 v16, v9  }
0x274: {  	v5 =	vsel vm0, v5, v8;
	v8 =	vperm.xlane v17, v0;
	v14 =	vadd.f32 v18, v14  }
0x275: {  	v18 =	vperm.xlane v6, v1;
	v12 =	vadd.f32 v15, v12;
	v9 =	vsel vm0, v10, v9  }
0x276: {  	v28 =	vld [tilespmem:s20+$0xFFFFFD80];
	v22 =	vperm.xlane v5, v1;
	v8 =	vadd.f32 v8, v17;
	v17 =	vadd.f32 v21, v19  }
0x277: {  	v19 =	vperm.xlane v20, v0;
	v21 =	vld [tilespmem:s9+$0x80];
	v6 =	vadd.f32 v18, v6;
	v12 =	vsel vm0, v4, v12  }
0x278: {  	v15 =	vld [tilespmem:s20+$0xFFFFFF00];
	v23 =	vperm.xlane v7, v0;
	v16 =	vperm.xlane v13, v0;
	v5 =	vadd.f32 v22, v5  }
0x279: {  	v22 =	vld [tilespmem:s20+$0x280];
	v18 =	vadd.f32 v19, v20;
	v19 =	vperm.xlane v9, v1;
	v8 =	vsel vm0, v8, v11  }
0x27a: {  	v10 =	vadd.f32 v23, v7;
	v7 =	vld [tilespmem:s20+$0x200];
	v5 =	vsel vm1, v5, v6;
	v13 =	vadd.f32 v16, v13  }
0x27b: {  	v11 =	vld [tilespmem:s20+$0x380];
	v17 =	vsel vm0, v18, v17;
	v18 =	vperm.xlane v8, v1;
	v4 =	vperm.xlane v5, v2  }
0x27c: {  	v6 =	vld [tilespmem:s20+$0x300];
	v19 =	vadd.f32 v19, v9;
	v20 =	vperm.xlane v17, v1;
	v23 =	vperm.xlane v21, v0  }
0x27d: {  	v54 =	vperm.xlane v15, v0;
	v8 =	vadd.f32 v18, v8;
	v4 =	vadd.f32 v4, v5;
	v18 =	vld [tilespmem:s20+$0x100]  }
0x27e: {  	v31 =	vperm.xlane v28, v0;
	v5 =	vld [tilespmem:s20+$0x0];
	v17 =	vadd.f32 v20, v17;
	v21 =	vadd.f32 v23, v21  }
0x27f: {  	v10 =	vsel vm0, v10, v14;
	v23 =	vadd.f32 v54, v15;
	v15 =	vld [tilespmem:s20+$0xFFFFFC80];
	v20 =	vperm.xlane v7, v0  }
0x280: {  	v56 =	vperm.xlane v11, v0;
	v8 =	vsel vm1, v8, v17;
	v13 =	vsel vm0, v13, v21  }
0x281: {  	v16 =	vadd.f32 v20, v7;
	v7 =	vperm.xlane v6, v0;
	v17 =	vperm.xlane v8, v2  }
0x282: {  	v21 =	vld [tilespmem:s20+$0xFFFFFF80];
	v11 =	vadd.f32 v56, v11;
	v20 =	vperm.xlane v22, v0;
	v14 =	vperm.xlane v13, v1  }
0x283: {  	v58 =	vadd.f32 v7, v6;
	v6 =	vadd.f32 v17, v8;
	v8 =	vld [tilespmem:s20+$0xFFFFFE80];
	v17 =	vperm.xlane v18, v0  }
0x284: {  	v20 =	vadd.f32 v20, v22;
	v22 =	vld [tilespmem:s20+$0xFFFFFC00];
	v7 =	vperm.xlane v5, v0;
	v59 =	vperm.xlane v15, v0  }
0x285: {  	v60 =	vld [tilespmem:s20+$0xFFFFFE00];
	v13 =	vadd.f32 v14, v13;
	v29 =	vadd.f32 v17, v18;
	v17 =	vperm.xlane v10, v1  }
0x286: {  	v18 =	vperm.xlane v12, v1;
	v14 =	vadd.f32 v59, v15;
	v20 =	vsel vm0, v16, v20  }
0x287: {  	v61 =	vperm.xlane v21, v0;
	v19 =	vsel vm1, v13, v19;
	v30 =	vperm.xlane v20, v1  }
0x288: {  	v15 =	vld [tilespmem:s20+$0xFFFFFD00];
	v63 =	vperm.xlane v19, v2;
	v10 =	vadd.f32 v17, v10;
	v12 =	vadd.f32 v18, v12  }
0x289: {  	v11 =	vsel vm0, v58, v11;
	v16 =	vperm.xlane v8, v0;
	v17 =	vperm.xlane v22, v0  }
0x28a: {  	v19 =	vadd.f32 v63, v19;
	v32 =	vsel vm1, v10, v12;
	v10 =	vperm.xlane v60, v0  }
0x28b: {  	v12 =	vadd.f32 v57, v55;
	v9 =	vadd.f32 v16, v8;
	v8 =	vperm.xlane v11, v1  }
0x28c: {  	v18 =	vadd.f32 v17, v22;
	v16 =	vadd.f32 v31, v28;
	v62 =	vperm.xlane v32, v2  }
0x28d: {  	v22 =	vperm.xlane v15, v0;
	v17 =	vadd.f32 v8, v11;
	v11 =	vadd.f32 v61, v21  }
0x28e: {  	v13 =	vadd.f32 v10, v60;
	v8 =	vsel vm0, v29, v12;
	v21 =	vadd.f32 v30, v20  }
0x28f: {  	s19 =	simm.s32 $0x40;
	s9 =	simm.s32 $0x80;
	v12 =	vld [tilespmem:s20+$0x80];
	s20 =	simm.s32 $0x19700;
	v20 =	vadd.f32 v62, v32;
	v10 =	vperm.xlane v8, v1;
	v11 =	vsel vm0, v23, v11  }
.LBB2_16:
0x290: {  	v23 =	vld [tilespmem:s20+$0xFFFFFF00];
	p1 =	sne.s32 s9, $0x1C0;
	v14 =	vsel vm0, v18, v14;
	v15 =	vadd.f32 v22, v15;
	v17 =	vsel vm1, v21, v17;
	s10 =	smov.u32 s9;
	s9 =	sadd.s32 $0x40, s9  }
0x291: {  	v18 =	vld [tilespmem:s20+$0x200];
	v21 =	vperm.xlane v17, v2;
	v6 =	vsel vm2, v6, v20;
	v19 =	vsel vm2, v19, v4  }
0x292: {  	v20 =	vld [tilespmem:s20+$0x380];
	v15 =	vsel vm0, v15, v16;
	v16 =	vperm.xlane v6, v3;
	v22 =	vperm.xlane v19, v3  }
0x293: {  	v25 =	vperm.xlane v14, v1;
	v24 =	vld [tilespmem:s20+$0x300];
	v26 =	vperm.xlane v15, v1;
	v4 =	vadd.f32 v21, v17  }
0x294: {  	v21 =	vperm.xlane v12, v0;
	v17 =	vld [tilespmem:s20+$0x280];
	v6 =	vadd.f32 v16, v6;
	v16 =	vadd.f32 v22, v19  }
0x295: {  	v14 =	vadd.f32 v25, v14;
	v19 =	vperm.xlane v23, v0;
	v22 =	vld [tilespmem:s20+$0x180];
	v15 =	vadd.f32 v26, v15  }
0x296: {  	s22 =	sshra.s32 s8, $0x2;
	s8 =	smov.u32 s19;
	s19 =	smov.u32 s10;
	v21 =	vadd.f32 v21, v12;
	v25 =	vld [tilespmem:s20+$0x100];
	v26 =	vperm.xlane v18, v0;
	v6 =	vsel vm3, v6, v16  }
0x297: {  	v7 =	vadd.f32 v7, v5;
	v19 =	vadd.f32 v19, v23;
	v14 =	vsel vm1, v14, v15;
	v5 =	vld [tilespmem:s20+$0x0];
	[tilespmem:s22+$0x18280] =	vst v6  }
0x298: {  	v15 =	vld [tilespmem:s20+$0xFFFFFC80];
	v16 =	vadd.f32 v26, v18;
	v6 =	vperm.xlane v24, v0;
	v18 =	vperm.xlane v14, v2  }
0x299: {  	v21 =	vsel vm0, v7, v21;
	v26 =	vperm.xlane v20, v0;
	v12 =	vld [tilespmem:s20+$0x80];
	v23 =	vperm.xlane v17, v0  }
0x29a: {  	v27 =	vld [tilespmem:s20+$0xFFFFFF80];
	v28 =	vperm.xlane v22, v0;
	v24 =	vadd.f32 v6, v24;
	v6 =	vadd.f32 v18, v14  }
0x29b: {  	v20 =	vadd.f32 v26, v20;
	v18 =	vld [tilespmem:s20+$0xFFFFFE80];
	v14 =	vperm.xlane v25, v0;
	v17 =	vadd.f32 v23, v17  }
0x29c: {  	v9 =	vsel vm0, v13, v9;
	v13 =	vperm.xlane v21, v1;
	v23 =	vld [tilespmem:s20+$0xFFFFFC00];
	v7 =	vperm.xlane v5, v0  }
0x29d: {  	v20 =	vsel vm0, v24, v20;
	v26 =	vperm.xlane v15, v0;
	v29 =	vld [tilespmem:s20+$0xFFFFFD80];
	v25 =	vadd.f32 v14, v25  }
0x29e: {  	v30 =	vperm.xlane v11, v1;
	v13 =	vadd.f32 v13, v21;
	v24 =	vperm.xlane v9, v1  }
0x29f: {  	v31 =	vsel vm0, v16, v17;
	v14 =	vadd.f32 v26, v15;
	v21 =	vld [tilespmem:s20+$0xFFFFFE00];
	v26 =	vperm.xlane v27, v0  }
0x2a0: {  	v32 =	vperm.xlane v31, v1;
	v17 =	vadd.f32 v24, v9;
	v16 =	vperm.xlane v18, v0  }
0x2a1: {  	v8 =	vadd.f32 v10, v8;
	v11 =	vadd.f32 v30, v11;
	v24 =	vperm.xlane v23, v0;
	v15 =	vld [tilespmem:s20+$0xFFFFFD00]  }
0x2a2: {  	v30 =	vperm.xlane v20, v1;
	v10 =	vperm.xlane v29, v0;
	v9 =	vadd.f32 v16, v18  }
0x2a3: {  	v18 =	vadd.f32 v24, v23;
	v23 =	vsel vm1, v17, v11;
	v24 =	vsel vm1, v13, v8  }
.Ltmp7:
0x2a4: {  	v8 =	vadd.f32 v28, v22;
	v16 =	vadd.f32 v10, v29;
	v10 =	vperm.xlane v21, v0;
	(pc) =	sbr.rel @p1 .LBB2_16-.Ltmp7, $4  }
0x2a5: {  	v17 =	vadd.f32 v30, v20;
	v20 =	vperm.xlane v23, v2;
	v28 =	vperm.xlane v24, v2  }
0x2a6: {  	v11 =	vadd.f32 v26, v27;
	v8 =	vsel vm0, v25, v8;
	v22 =	vperm.xlane v15, v0  }
0x2a7: {  	v13 =	vadd.f32 v10, v21;
	v10 =	vperm.xlane v8, v1;
	v21 =	vadd.f32 v32, v31  }
0x2a8: {  	s20 =	sadd.s32 $0x800, s20;
	v11 =	vsel vm0, v19, v11;
	v20 =	vadd.f32 v20, v23;
	v19 =	vadd.f32 v28, v24  }
0x2a9: {  	v23 =	vperm.xlane v12, v0  }
0x2aa: {  	v15 =	vadd.f32 v22, v15;
	v14 =	vsel vm0, v18, v14  }
0x2ab: {  	v5 =	vadd.f32 v7, v5;
	v9 =	vsel vm0, v13, v9;
	v12 =	vadd.f32 v23, v12  }
0x2ac: {  	v56 =	vperm.xlane v11, v1;
	v8 =	vadd.f32 v10, v8;
	v55 =	vperm.xlane v14, v1  }
0x2ad: {  	v13 =	vperm.xlane v9, v1;
	v54 =	vsel vm0, v15, v16;
	v5 =	vsel vm0, v5, v12  }
0x2ae: {  	v11 =	vadd.f32 v56, v11;
	v16 =	vperm.xlane v54, v1;
	v12 =	vperm.xlane v5, v1  }
0x2af: {  	v14 =	vadd.f32 v55, v14;
	v9 =	vadd.f32 v13, v9  }
0x2b0: {  	v57 =	vsel vm1, v21, v17;
	v7 =	vadd.f32 v16, v54;
	v5 =	vadd.f32 v12, v5  }
0x2b1: {  	v58 =	vperm.xlane v57, v2;
	v9 =	vsel vm1, v9, v11  }
0x2b2: {  	v60 =	vperm.xlane v9, v2;
	v7 =	vsel vm1, v14, v7;
	v5 =	vsel vm1, v5, v8  }
0x2b3: {  	v59 =	vperm.xlane v7, v2;
	v61 =	vperm.xlane v5, v2  }
0x2b4: {  	v10 =	vadd.f32 v58, v57;
	v8 =	vadd.f32 v60, v9  }
0x2b5: {  	v6 =	vsel vm2, v6, v20;
	v7 =	vadd.f32 v59, v7;
	v5 =	vadd.f32 v61, v5  }
0x2b6: {  	v4 =	vsel vm2, v19, v4;
	v62 =	vperm.xlane v6, v3  }
0x2b7: {  	v63 =	vperm.xlane v4, v3;
	v7 =	vsel vm2, v7, v8;
	v5 =	vsel vm2, v5, v10  }
0x2b8: {  	v8 =	vperm.xlane v7, v3;
	v10 =	vperm.xlane v5, v3  }
0x2b9: {  	v6 =	vadd.f32 v62, v6;
	v4 =	vadd.f32 v63, v4  }
0x2ba: {  	v7 =	vadd.f32 v8, v7;
	v5 =	vadd.f32 v10, v5  }
0x2bb: {  	s8 =	sshra.s32 s8, $0x2;
	v4 =	vsel vm3, v6, v4  }
0x2bc: {  	s22 =	sshra.s32 s19, $0x2;
	[tilespmem:s8+$0x18280] =	vst v4;
	v4 =	vsel vm3, v7, v5  }
0x2bd: {  	s7 =	sadd.s32 $0x1, s7;
	[tilespmem:s22+$0x18280] =	vst v4  }
0x2be: {  	[hbm4b:s16+s2] =	stream.linear.scatter [tilespmem:s4], [sflag:$0x9], $0x80, $0x38;
	[tilespmem:$0x1E240] =	vst v63  }
0x2bf: {  	p1 =	sne.s32 s7, s17;
	_ =	swait.ge [sflag:s5], $0x80  }
.Ltmp8:
0x2c0: {  	[sflag:s5] =	ssyncset.done $0x0;
	(pc) =	sbr.rel @p1 .LBB2_1-.Ltmp8, $4  }
0x2c1: {  	[sflag:s5] =	ssyncadd.s32 $0xFFFFFF80  }
0x2c2: {  	_ =	swait.ge [sflag:s6], $0x80  }
0x2c3: {  	[sflag:s6] =	ssyncset.done $0x0  }
0x2c4: {  	[sflag:s6] =	ssyncadd.s32 $0xFFFFFF80  }
0x2c5: {  	_ =	sfence.sel $0x180000  }
0x2c6: {  	[bflag:$0x0] =	sbarrier.arrive $0xFFFF  }
0x2c7: {  	_ =	strace $0x90000047  }
0x2c8: {  	[bflag:$0x2] =	sbarrier.arrive $0xFFFF  }
0x2c9: {  	s0 =	rddreg [dreg:$0x6]  }
0x2ca: {  	s0 =	sadd.s32 @!p0 $0x100000, s0  }
0x2cb: {  	[sflag:s0] =	ssyncadd.tile.s32 @!p0 $0x1;
	_ =	shalt  }
.Lfunc_end2:
_tile_overlayer_lowered:
.L_overlay_start_2:
0x2cc: {  	(tag) =	ssettag $0x2  }
0x2cd: {  	s0 =	rddreg [dreg:$0x0];
	s2 =	stileid.u32  }
0x2ce: {  	s1 =	rddreg [dreg:$0x1];
	p0 =	sne.s32 s2, $0x0  }
0x2cf: {  	s3 =	rddreg [dreg:$0x2];
	[bflag:$0x3] =	sbarrier.arrive $0xFFFF;
	s2 =	simm.s32 @!p0 $0x1C0B  }
0x2d0: {  	[timem:s3], [sflag:s2] =	dma.local @!p0 [hbm:s0], s1  }
0x2d1: {  	s0 =	simm.s32 @!p0 $0xB  }
0x2d2: {  	_ =	swait.ge @!p0 [sflag:s0], s1  }
0x2d3: {  	s1 =	ssub.s32 @!p0 $0x0, s1;
	[sflag:s0] =	ssyncset.done @!p0 $0x0  }
0x2d4: {  	[sflag:s0] =	ssyncadd.s32 @!p0 s1  }
0x2d5: {  	[bflag:$0x3] =	sbarrier.arrive $0xFFFF  }
0x2d6: {  	_ =	shalt  }

</sc_bundles>
